<compile_context>
chip_gen: v7x
topology: tpu7x:2x2x1
jax: 0.10.2.dev20260603
libtpu: 0.0.44.dev20260713+nightly
codegen_flags: <defaults>
</compile_context>

<pallas_src>
import functools

import jax
import jax.numpy as jnp
from jax import lax
from jax.experimental import pallas as pl
from jax.experimental.pallas import tpu as pltpu
from jax.experimental.pallas import tpu_sc as plsc

V = 100000
EMB = 128
HID = 256
B = 32
L = 400
TM1 = 7
R = B * TM1

NC = 2
NS = 16
NW = NC * NS

VT = 4096
NVT = (V + VT - 1) // VT




def _sc_gather(table, idx):
    n = idx.shape[0]
    d = table.shape[1]
    b_per_w = n // NW
    mesh = plsc.VectorSubcoreMesh(core_axis_name="c", subcore_axis_name="s")

    @functools.partial(
        pl.kernel,
        mesh=mesh,
        out_type=jax.ShapeDtypeStruct((n, d), jnp.float32),
        scratch_types=[
            pltpu.VMEM((b_per_w,), jnp.int32),
            pltpu.VMEM((b_per_w, d), jnp.float32),
            pltpu.SemaphoreType.DMA,
        ],
    )
    def k(table_hbm, idx_hbm, out_hbm, idx_v, rows_v, sem):
        wid = lax.axis_index("s") * NC + lax.axis_index("c")
        base = wid * b_per_w
        pltpu.sync_copy(idx_hbm.at[pl.ds(base, b_per_w)], idx_v)
        pltpu.async_copy(table_hbm.at[idx_v], rows_v, sem).wait()
        pltpu.sync_copy(rows_v, out_hbm.at[pl.ds(base, b_per_w)])

    return k(table, idx)




def _sc_copy_scatter(inputs_idx, pc_rows):
    mesh = plsc.VectorSubcoreMesh(core_axis_name="c", subcore_axis_name="s")

    @functools.partial(
        pl.kernel,
        mesh=mesh,
        out_type=jax.ShapeDtypeStruct((R, V), jnp.float32),
        compiler_params=pltpu.CompilerParams(needs_layout_passes=False),
        scratch_types=[
            pltpu.VMEM((L,), jnp.int32),
            pltpu.VMEM((L,), jnp.float32),
            pltpu.VMEM((V,), jnp.float32),
        ],
    )
    def k(idx_hbm, pc_hbm, out_hbm, idx_v, val_v, buf_v):
        w = lax.axis_index("s") * NC + lax.axis_index("c")
        pltpu.sync_copy(idx_hbm.at[w], idx_v)

        def zero_body(i, _):
            buf_v[pl.ds(i * 16, 16)] = jnp.zeros((16,), jnp.float32)
            return 0

        lax.fori_loop(0, V // 16, zero_body, 0)

        zeros16 = jnp.zeros((16,), jnp.float32)
        for t in range(TM1):
            r = t * B + w
            pltpu.sync_copy(pc_hbm.at[r], val_v)

            def add_body(j, _):
                iv = idx_v[pl.ds(j * 16, 16)]
                vv = val_v[pl.ds(j * 16, 16)]
                plsc.addupdate_scatter(buf_v, [iv], vv)
                return 0

            lax.fori_loop(0, L // 16, add_body, 0)
            pltpu.sync_copy(buf_v, out_hbm.at[r])
            if t < TM1 - 1:
                def clr_body(j, _):
                    iv = idx_v[pl.ds(j * 16, 16)]
                    plsc.store_scatter(buf_v, [iv], zeros16)
                    return 0

                lax.fori_loop(0, L // 16, clr_body, 0)

    return k(inputs_idx, pc_rows)




def _lstm_gates(x, h, c, wihT, whhT, bias):
    g = (jnp.dot(x.astype(jnp.bfloat16), wihT,
                 preferred_element_type=jnp.float32)
         + jnp.dot(h.astype(jnp.bfloat16), whhT,
                   preferred_element_type=jnp.float32) + bias)
    i = jax.nn.sigmoid(g[:, :HID])
    f = jax.nn.sigmoid(g[:, HID:2 * HID])
    gg = jnp.tanh(g[:, 2 * HID:3 * HID])
    o = jax.nn.sigmoid(g[:, 3 * HID:])
    c2 = f * c + i * gg
    h2 = o * jnp.tanh(c2)
    return h2, c2


def _cell_from_gates(g, c):
    i = jax.nn.sigmoid(g[:, :HID])
    f = jax.nn.sigmoid(g[:, HID:2 * HID])
    gg = jnp.tanh(g[:, 2 * HID:3 * HID])
    o = jax.nn.sigmoid(g[:, 3 * HID:])
    c2 = f * c + i * gg
    h2 = o * jnp.tanh(c2)
    return h2, c2


KSTEP = 25
NITER = L // KSTEP


def _enc_body(embf, embb, wihf, whhf, bf, wihb, whhb, bb, hf_out, hb_out,
              hf_s, cf_s, hb_s, cb_s):
    it = pl.program_id(0)

    @pl.when(it == 0)
    def _():
        z = jnp.zeros((B, HID), jnp.float32)
        hf_s[...] = z
        cf_s[...] = z
        hb_s[...] = z
        cb_s[...] = z

    xg_f = (jnp.dot(embf[...].reshape(KSTEP * B, EMB).astype(jnp.bfloat16),
                    wihf[...], preferred_element_type=jnp.float32) + bf[...])
    xg_b = (jnp.dot(embb[...].reshape(KSTEP * B, EMB).astype(jnp.bfloat16),
                    wihb[...], preferred_element_type=jnp.float32) + bb[...])

    hfv, cfv = hf_s[...], cf_s[...]
    hbv, cbv = hb_s[...], cb_s[...]
    hfs, hbs = [], []
    for k in range(KSTEP):
        gf = xg_f[k * B:(k + 1) * B] + jnp.dot(
            hfv.astype(jnp.bfloat16), whhf[...],
            preferred_element_type=jnp.float32)
        hfv, cfv = _cell_from_gates(gf, cfv)
        hfs.append(hfv.astype(jnp.bfloat16))
        kb = KSTEP - 1 - k
        gb = xg_b[kb * B:(kb + 1) * B] + jnp.dot(
            hbv.astype(jnp.bfloat16), whhb[...],
            preferred_element_type=jnp.float32)
        hbv, cbv = _cell_from_gates(gb, cbv)
        hbs.append(hbv.astype(jnp.bfloat16))
    hf_s[...], cf_s[...] = hfv, cfv
    hb_s[...], cb_s[...] = hbv, cbv
    hf_out[...] = jnp.stack(hfs, axis=0)
    hb_out[...] = jnp.stack(hbs[::-1], axis=0)


def _encoder(emb_enc, wihf, whhf, bf, wihb, whhb, bb):
    H4 = 4 * HID
    full = lambda shape: pl.BlockSpec(shape, lambda t: (0,) * len(shape))
    return pl.pallas_call(
        _enc_body,
        grid=(NITER,),
        in_specs=[
            pl.BlockSpec((KSTEP, B, EMB), lambda t: (t, 0, 0)),
            pl.BlockSpec((KSTEP, B, EMB), lambda t: (NITER - 1 - t, 0, 0)),
            full((EMB, H4)), full((HID, H4)), full((1, H4)),
            full((EMB, H4)), full((HID, H4)), full((1, H4)),
        ],
        out_specs=[
            pl.BlockSpec((KSTEP, B, HID), lambda t: (t, 0, 0)),
            pl.BlockSpec((KSTEP, B, HID), lambda t: (NITER - 1 - t, 0, 0)),
        ],
        out_shape=[
            jax.ShapeDtypeStruct((L, B, HID), jnp.bfloat16),
            jax.ShapeDtypeStruct((L, B, HID), jnp.bfloat16),
        ],
        scratch_shapes=[pltpu.VMEM((B, HID), jnp.float32)] * 4,
    )(emb_enc, emb_enc, wihf, whhf, bf, wihb, whhb, bb)




def _dec_body(hf, hb, emb_dec, wih, whh, bdec, v_w, wh_w_mat, wh_b_vec,
              ws_mat, ws_b_vec, v_b, pm, v1wT, v1b, whw, wsw, wxw, pgb,
              pc_out, hid1_out, pg_out, cov_out):
    h = jnp.zeros((B, HID), jnp.float32)
    c = jnp.zeros((B, HID), jnp.float32)
    h2s = []
    for t in range(TM1):
        h, c = _lstm_gates(emb_dec[t], h, c, wih[...], whh[...], bdec[...])
        h2s.append(h)
    h2_all = jnp.stack(h2s, axis=0)

    w_enc = jnp.dot(v_w[...], wh_w_mat[...],
                    preferred_element_type=jnp.float32)[0]
    c_enc = jnp.sum(wh_b_vec[...] * v_w[...]) + v_b[0, 0]
    ws_w = jnp.dot(v_w[...], ws_mat[...],
                   preferred_element_type=jnp.float32)[0]
    ws_c = jnp.sum(ws_b_vec[...] * v_w[...])
    hfr = hf[...].reshape(L * B, HID)
    hbr = hb[...].reshape(L * B, HID)
    enc_dot = (jnp.sum(hfr * w_enc[None, :HID], axis=1)
               + jnp.sum(hbr * w_enc[None, HID:], axis=1))
    enc_dot = enc_dot.reshape(L, B).T + c_enc
    ws_dot = jnp.sum(h2_all * ws_w[None, None, :], axis=2) + ws_c
    eo = jnp.dot(ws_dot, pm[...],
                 preferred_element_type=jnp.float32)
    par_b = (lax.broadcasted_iota(jnp.int32, (1, B, 1), 1) % 2) == 0
    ws_sel = jnp.where(par_b, eo[:, None, :L], eo[:, None, L:])
    a = enc_dot[None, :, :] + ws_sel
    a = a - jnp.max(a, axis=2, keepdims=True)
    e = jnp.exp(a)
    attn = e / jnp.sum(e, axis=2, keepdims=True)

    cov = jnp.zeros((B, L), jnp.float32)
    loss = jnp.float32(0.0)
    for t in range(TM1):
        at = attn[t]
        loss = loss + jnp.sum(jnp.minimum(at, cov))
        cov = cov + at
    cov_out[0, 0] = loss

    attn2d = attn.reshape(R, L).astype(jnp.bfloat16)
    yf = jnp.dot(attn2d, hf[...].reshape(L, B * HID),
                 preferred_element_type=jnp.float32).reshape(TM1, B, B, HID)
    yb = jnp.dot(attn2d, hb[...].reshape(L, B * HID),
                 preferred_element_type=jnp.float32).reshape(TM1, B, B, HID)
    ctxf = jnp.stack([yf[:, b, b, :] for b in range(B)], axis=1)
    ctxb = jnp.stack([yb[:, b, b, :] for b in range(B)], axis=1)

    cat = jnp.concatenate([h2_all, ctxf, ctxb], axis=2)
    hid1 = (jnp.dot(cat.reshape(R, 3 * HID).astype(jnp.bfloat16), v1wT[...],
                    preferred_element_type=jnp.float32) + v1b[...])
    hid1_out[...] = hid1

    xall = jnp.stack([emb_dec[t] for t in range(TM1)], axis=0)
    whw_v, wsw_v, wxw_v = whw[...], wsw[...], wxw[...]
    pg_lin = (jnp.sum(ctxf * whw_v[None, None, :HID], axis=2)
              + jnp.sum(ctxb * whw_v[None, None, HID:], axis=2)
              + jnp.sum(h2_all * wsw_v[None, None, :], axis=2)
              + jnp.sum(xall * wxw_v[None, None, :], axis=2) + pgb[0, 0])
    pg = jax.nn.sigmoid(pg_lin)
    pg_out[...] = pg
    pc_out[...] = (1.0 - pg)[:, :, None] * attn


def _decoder(hf, hb, emb_dec, wih, whh, bdec, v_w, wh_w_mat, wh_b_vec,
             ws_mat, ws_b_vec, v_b, pm, v1wT, v1b, whw, wsw, wxw, pgb):
    H4 = 4 * HID
    specs = [pl.BlockSpec(x.shape, lambda *_, n=x.ndim: (0,) * n) for x in
             (hf, hb, emb_dec, wih, whh, bdec, v_w, wh_w_mat, wh_b_vec,
              ws_mat, ws_b_vec, v_b, pm, v1wT, v1b, whw, wsw, wxw, pgb)]
    return pl.pallas_call(
        _dec_body,
        grid=(1,),
        in_specs=specs,
        out_specs=[
            pl.BlockSpec((TM1, B, L), lambda *_: (0, 0, 0)),
            pl.BlockSpec((R, 3 * HID), lambda *_: (0, 0)),
            pl.BlockSpec((TM1, B), lambda *_: (0, 0)),
            pl.BlockSpec((1, 1), lambda *_: (0, 0),
                         memory_space=pltpu.SMEM),
        ],
        out_shape=[
            jax.ShapeDtypeStruct((TM1, B, L), jnp.float32),
            jax.ShapeDtypeStruct((R, 3 * HID), jnp.float32),
            jax.ShapeDtypeStruct((TM1, B), jnp.float32),
            jax.ShapeDtypeStruct((1, 1), jnp.float32),
        ],
    )(hf, hb, emb_dec, wih, whh, bdec, v_w, wh_w_mat, wh_b_vec, ws_mat,
      ws_b_vec, v_b, pm, v1wT, v1b, whw, wsw, wxw, pgb)




def _logits_body(hid1, v2, v2b, lg_out, m_out, s_out, m_s, s_s):
    i = pl.program_id(0)

    @pl.when(i == 0)
    def _():
        m_s[...] = jnp.full((R, 1), -1e30, jnp.float32)
        s_s[...] = jnp.zeros((R, 1), jnp.float32)

    lg = lax.dot_general(hid1[...], v2[...], (((1,), (1,)), ((), ())),
                         preferred_element_type=jnp.float32) + v2b[...][None, :]
    lg_out[...] = lg.astype(jnp.bfloat16)
    col = lax.broadcasted_iota(jnp.int32, (R, VT), 1) + i * VT
    lgm = jnp.where(col < V, lg, -1e30)
    tile_m = jnp.max(lgm, axis=1, keepdims=True)
    new_m = jnp.maximum(m_s[...], tile_m)
    s_s[...] = (s_s[...] * jnp.exp(m_s[...] - new_m)
                + jnp.sum(jnp.exp(lgm - new_m), axis=1, keepdims=True))
    m_s[...] = new_m
    m_out[...] = new_m
    s_out[...] = s_s[...]


def _logits(hid1, v2w, v2b):
    return pl.pallas_call(
        _logits_body,
        grid=(NVT,),
        in_specs=[
            pl.BlockSpec((R, 3 * HID), lambda i: (0, 0)),
            pl.BlockSpec((VT, 3 * HID), lambda i: (i, 0)),
            pl.BlockSpec((VT,), lambda i: (i,)),
        ],
        out_specs=[
            pl.BlockSpec((R, VT), lambda i: (0, i)),
            pl.BlockSpec((R, 1), lambda i: (0, 0)),
            pl.BlockSpec((R, 1), lambda i: (0, 0)),
        ],
        out_shape=[
            jax.ShapeDtypeStruct((R, V), jnp.bfloat16),
            jax.ShapeDtypeStruct((R, 1), jnp.float32),
            jax.ShapeDtypeStruct((R, 1), jnp.float32),
        ],
        scratch_shapes=[pltpu.VMEM((R, 1), jnp.float32)] * 2,
    )(hid1, v2w, v2b)




def _combine_body(lg, cp, m, s, pg, out):
    pv = jnp.exp(lg[...].astype(jnp.float32) - m[...]) / s[...]
    out[...] = pg[...] * pv + cp[...] + jnp.float32(1.0 / V)


def _combine(logits, copy, m, s, pg):
    return pl.pallas_call(
        _combine_body,
        grid=(NVT,),
        in_specs=[
            pl.BlockSpec((R, VT), lambda i: (0, i)),
            pl.BlockSpec((R, VT), lambda i: (0, i)),
            pl.BlockSpec((R, 1), lambda i: (0, 0)),
            pl.BlockSpec((R, 1), lambda i: (0, 0)),
            pl.BlockSpec((R, 1), lambda i: (0, 0)),
        ],
        out_specs=pl.BlockSpec((R, VT), lambda i: (0, i)),
        out_shape=jax.ShapeDtypeStruct((R, V), jnp.float32),
    )(logits, copy, m, s, pg)




def _perm_matrix():
    import numpy as np
    lidx = np.arange(L)
    pm = np.zeros((B, 2 * L), np.float32)
    for par in range(2):
        pm[(16 * par + lidx) % 32, par * L + lidx] = 1.0
    return jnp.asarray(pm)


def kernel(inputs, target, params):
    p = params
    idx_enc = jnp.minimum(inputs, V - 1).T.reshape(-1)
    idx_dec = target[:, :TM1].T.reshape(-1)
    pad = (-(idx_enc.shape[0] + idx_dec.shape[0])) % (8 * NW)
    idx_all = jnp.concatenate(
        [idx_enc, idx_dec, jnp.zeros((pad,), jnp.int32)])
    emb_all = _sc_gather(p['embed_W'], idx_all)
    emb_enc = emb_all[:L * B].reshape(L, B, EMB)
    emb_dec = emb_all[L * B:L * B + TM1 * B].reshape(TM1, B, EMB)

    bf16 = jnp.bfloat16
    hf, hb = _encoder(
        emb_enc,
        p['enc_f_Wih'].T.astype(bf16), p['enc_f_Whh'].T.astype(bf16),
        (p['enc_f_bih'] + p['enc_f_bhh']).reshape(1, -1),
        p['enc_b_Wih'].T.astype(bf16), p['enc_b_Whh'].T.astype(bf16),
        (p['enc_b_bih'] + p['enc_b_bhh']).reshape(1, -1))

    pgb = (p['wh_b'][0] + p['ws_b'][0] + p['wx_b'][0]).reshape(1, 1)
    pc_attn, hid1, pg, cov = _decoder(
        hf, hb, emb_dec,
        p['dec_Wih'].T.astype(bf16), p['dec_Whh'].T.astype(bf16),
        (p['dec_bih'] + p['dec_bhh']).reshape(1, -1),
        p['v_W'], p['Wh_W'], p['Wh_b'].reshape(1, -1),
        p['Ws_W'], p['Ws_b'].reshape(1, -1), p['v_b'].reshape(1, 1),
        _perm_matrix(), p['V1_W'].T.astype(bf16),
        p['V1_b'].reshape(1, -1),
        p['wh_W'][0], p['ws_W'][0], p['wx_W'][0], pgb)

    copy = _sc_copy_scatter(inputs, pc_attn.reshape(R, L))
    logits, m, s = _logits(hid1, p['V2_W'], p['V2_b'])
    p_w = _combine(logits, copy, m, s, pg.reshape(R, 1))
    return jnp.transpose(p_w.reshape(TM1, B, V), (1, 0, 2)), cov.reshape(())

# --- scband reference (transcript-rebuilt; emitter-appended) ---
"""Pipeline reference for scband-model-87016037417183 (READ-ONLY COPY).

The authoritative reference and input builder live on the scoring server;
editing this copy changes nothing except your own understanding.
"""

import jax, jax.numpy as jnp
import numpy as np

VOCAB = 100000
EMB = 128
HID = 256
B = 32
L = 400
T = 8


def _lstm_cell(x, h, c, Wih, Whh, bih, bhh):
    g = x @ Wih.T + bih + h @ Whh.T + bhh
    i, f, gg, o = jnp.split(g, 4, axis=-1)
    i = jax.nn.sigmoid(i)
    f = jax.nn.sigmoid(f)
    gg = jnp.tanh(gg)
    o = jax.nn.sigmoid(o)
    c2 = f * c + i * gg
    h2 = o * jnp.tanh(c2)
    return h2, c2


def _run_lstm(xs, Wih, Whh, bih, bhh):
    Bsz = xs.shape[0]
    H = Whh.shape[1]
    def step(carry, x):
        h, c = carry
        h2, c2 = _lstm_cell(x, h, c, Wih, Whh, bih, bhh)
        return (h2, c2), h2
    init = (jnp.zeros((Bsz, H), jnp.float32), jnp.zeros((Bsz, H), jnp.float32))
    _, hs = jax.lax.scan(step, init, jnp.swapaxes(xs, 0, 1))
    return jnp.swapaxes(hs, 0, 1)


def setup_inputs(seed: int = 0) -> dict:
    key = jax.random.key(seed)
    ks = jax.random.split(key, 40)
    def p(k, shape):
        return jax.random.normal(k, shape, dtype=jnp.float32) * 0.05
    params = {
        'embed_W': p(ks[0], (VOCAB, EMB)),
        'enc_f_Wih': p(ks[1], (4 * HID, EMB)), 'enc_f_Whh': p(ks[2], (4 * HID, HID)),
        'enc_f_bih': p(ks[3], (4 * HID,)), 'enc_f_bhh': p(ks[4], (4 * HID,)),
        'enc_b_Wih': p(ks[5], (4 * HID, EMB)), 'enc_b_Whh': p(ks[6], (4 * HID, HID)),
        'enc_b_bih': p(ks[7], (4 * HID,)), 'enc_b_bhh': p(ks[8], (4 * HID,)),
        'dec_Wih': p(ks[9], (4 * HID, EMB)), 'dec_Whh': p(ks[10], (4 * HID, HID)),
        'dec_bih': p(ks[11], (4 * HID,)), 'dec_bhh': p(ks[12], (4 * HID,)),
        'Wh_W': p(ks[13], (HID, 2 * HID)), 'Wh_b': p(ks[14], (HID,)),
        'Ws_W': p(ks[15], (HID, HID)), 'Ws_b': p(ks[16], (HID,)),
        'v_W': p(ks[17], (1, HID)), 'v_b': p(ks[18], (1,)),
        'wh_W': p(ks[19], (1, 2 * HID)), 'wh_b': p(ks[20], (1,)),
        'ws_W': p(ks[21], (1, HID)), 'ws_b': p(ks[22], (1,)),
        'wx_W': p(ks[23], (1, EMB)), 'wx_b': p(ks[24], (1,)),
        'V1_W': p(ks[25], (3 * HID, 3 * HID)), 'V1_b': p(ks[26], (3 * HID,)),
        'V2_W': p(ks[27], (VOCAB, 3 * HID)), 'V2_b': p(ks[28], (VOCAB,)),
    }
    inputs = jax.random.randint(ks[30], (B, L), 0, VOCAB, dtype=jnp.int32)
    target = jax.random.randint(ks[31], (B, T), 0, VOCAB, dtype=jnp.int32)
    return {'inputs': inputs, 'target': target, 'params': params}


def _forward(params, inputs, target):
    V = params['embed_W'].shape[0]
    Bsz, Lin = inputs.shape
    Ttot = target.shape[1]
    H = params['Ws_W'].shape[0]
    unked = jnp.minimum(inputs, V - 1)
    emb_in = params['embed_W'][unked]
    fwd = _run_lstm(emb_in, params['enc_f_Wih'], params['enc_f_Whh'], params['enc_f_bih'], params['enc_f_bhh'])
    bwd = _run_lstm(emb_in[:, ::-1, :], params['enc_b_Wih'], params['enc_b_Whh'], params['enc_b_bih'], params['enc_b_bhh'])[:, ::-1, :]
    encoded = jnp.concatenate([fwd, bwd], axis=-1)
    flat_enc = encoded.reshape(-1, 2 * H)
    enc_proj = flat_enc @ params['Wh_W'].T + params['Wh_b']
    def step(carry, tok):
        h, c, coverage, cov_loss = carry
        x = params['embed_W'][tok]
        h2, c2 = _lstm_cell(x, h, c, params['dec_Wih'], params['dec_Whh'], params['dec_bih'], params['dec_bhh'])
        ws_state = h2 @ params['Ws_W'].T + params['Ws_b']
        # reproduce the original .repeat(input_len, 1) tiling exactly
        attn1 = enc_proj + jnp.tile(ws_state, (Lin, 1))
        attn2 = attn1 @ params['v_W'].T + params['v_b']
        attn = jax.nn.softmax(attn2.reshape(Bsz, Lin), axis=1)
        context = jnp.einsum('bl,blh->bh', attn, encoded)
        cov_loss2 = cov_loss + jnp.sum(jnp.minimum(attn, coverage))
        coverage2 = coverage + attn
        cat = jnp.concatenate([h2, context], axis=1)
        hid1 = cat @ params['V1_W'].T + params['V1_b']
        logits = hid1 @ params['V2_W'].T + params['V2_b']
        p_vocab = jax.nn.softmax(logits, axis=1)
        p_gen = jax.nn.sigmoid(context @ params['wh_W'].T + params['wh_b'] + h2 @ params['ws_W'].T + params['ws_b'] + x @ params['wx_W'].T + params['wx_b'])
        p_copy = 1.0 - p_gen
        copy_dist = jnp.zeros((Bsz, V), dtype=p_vocab.dtype).at[jnp.arange(Bsz)[:, None], inputs].add(attn)
        p_w = p_gen * p_vocab + p_copy * copy_dist + 1.0 / V
        return (h2, c2, coverage2, cov_loss2), p_w
    init = (jnp.zeros((Bsz, H), jnp.float32), jnp.zeros((Bsz, H), jnp.float32), jnp.zeros((Bsz, Lin), jnp.float32), jnp.float32(0.0))
    toks = jnp.swapaxes(target[:, :Ttot - 1], 0, 1)
    carry_f, outs = jax.lax.scan(step, init, toks)
    out_list = jnp.swapaxes(outs, 0, 1)
    return out_list, carry_f[3]


def reference(inputs, target, params):
    return _forward(params, inputs, target)

if __name__ == "__main__":
    import jax
    _d = setup_inputs()
    print(jax.jit(kernel)(*tuple(_d.values())))

</pallas_src>

<mosaic_0001>
#map = affine_map<(d0, d1) -> (0, 0)>
#map1 = affine_map<(d0, d1) -> (0)>
module attributes {stable_mosaic.version = 14 : i64} {
  func.func @k(%arg0: i32, %arg1: i32, %arg2: memref<100000x128xf32, #tpu.memory_space<hbm>>, %arg3: memref<13056xi32, #tpu.memory_space<hbm>>, %arg4: memref<13056x128xf32, #tpu.memory_space<hbm>>, %arg5: memref<408xi32, #tpu.memory_space<vmem>>, %arg6: memref<408x128xf32, #tpu.memory_space<vmem>>, %arg7: memref<!tpu.dma_semaphore, #tpu.memory_space<semaphore_mem>>) attributes {dimension_semantics = [#tpu.dimension_semantics<core_parallel>, #tpu.dimension_semantics<subcore_parallel>], iteration_bounds = array<i64: 2, 16>, scalar_prefetch = 0 : i64, scratch_operands = 3 : i64, tpu.core_type = #tpu.core_type<sc_vector_subcore>, window_params = [{transform_indices = #map}, {transform_indices = #map1}, {transform_indices = #map}]} {
    %mul3A = arith.constant 2 : i32
    %mul3A_0 = arith.muli %arg1, %mul3A : i32
    %add3A = arith.addi %mul3A_0, %arg0 : i32
    %mul3A_1 = arith.constant 408 : i32
    %mul3A_2 = arith.muli %add3A, %mul3A_1 : i32
    "tpu.region"() ({
      %run_scoped3A = tpu.sem_alloc : memref<!tpu.dma_semaphore, #tpu.memory_space<semaphore_mem>>
      %dma_start3A_7 = tpu.memref_slice %arg3[%mul3A_2] : memref<13056xi32, #tpu.memory_space<hbm>> -> memref<408xi32, #tpu.memory_space<hbm>>
      %dma_start3A_8 = tpu.memref_slice %arg3[%mul3A_2] : memref<13056xi32, #tpu.memory_space<hbm>> -> memref<408xi32, #tpu.memory_space<hbm>>
      tpu.enqueue_dma source(%dma_start3A_8 : memref<408xi32, #tpu.memory_space<hbm>>) target(%arg5 : memref<408xi32, #tpu.memory_space<vmem>>) target_semaphore(%run_scoped3A : memref<!tpu.dma_semaphore, #tpu.memory_space<semaphore_mem>>)
      %dma_wait3A_9 = tpu.memref_slice %arg3[%mul3A_2] : memref<13056xi32, #tpu.memory_space<hbm>> -> memref<408xi32, #tpu.memory_space<hbm>>
      %dma_wait3A_10 = tpu.memref_slice %arg3[%mul3A_2] : memref<13056xi32, #tpu.memory_space<hbm>> -> memref<408xi32, #tpu.memory_space<hbm>>
      tpu.wait_dma2 semaphore(%run_scoped3A : memref<!tpu.dma_semaphore, #tpu.memory_space<semaphore_mem>>) src(%dma_wait3A_10 : memref<408xi32, #tpu.memory_space<hbm>>) dst(%arg5 : memref<408xi32, #tpu.memory_space<vmem>>)
      tpu.yield
    }) : () -> ()
    %dma_start3A = arith.constant 0 : i32
    %dma_start3A_3 = arith.constant 0 : i32
    %dma_start3A_4 = tpu.memref_slice %arg2[%dma_start3A, %dma_start3A_3] : memref<100000x128xf32, #tpu.memory_space<hbm>> -> memref<100000x128xf32, #tpu.memory_space<hbm>>
    tpu.enqueue_indirect_dma source(%dma_start3A_4 : memref<100000x128xf32, #tpu.memory_space<hbm>>) target(%arg6 : memref<408x128xf32, #tpu.memory_space<vmem>>) offsets(%arg5 : memref<408xi32, #tpu.memory_space<vmem>>) semaphore(%arg7 : memref<!tpu.dma_semaphore, #tpu.memory_space<semaphore_mem>>)
    %dma_wait3A = arith.constant 0 : i32
    %dma_wait3A_5 = arith.constant 0 : i32
    %dma_wait3A_6 = tpu.memref_slice %arg2[%dma_wait3A, %dma_wait3A_5] : memref<100000x128xf32, #tpu.memory_space<hbm>> -> memref<100000x128xf32, #tpu.memory_space<hbm>>
    tpu.wait_indirect_dma semaphore(%arg7 : memref<!tpu.dma_semaphore, #tpu.memory_space<semaphore_mem>>) src(%dma_wait3A_6 : memref<100000x128xf32, #tpu.memory_space<hbm>>) dst(%arg6 : memref<408x128xf32, #tpu.memory_space<vmem>>)
    "tpu.region"() ({
      %run_scoped3A = tpu.sem_alloc : memref<!tpu.dma_semaphore, #tpu.memory_space<semaphore_mem>>
      %dma_start3A_7 = arith.constant 0 : i32
      %dma_start3A_8 = tpu.memref_slice %arg4[%mul3A_2, %dma_start3A_7] : memref<13056x128xf32, #tpu.memory_space<hbm>> -> memref<408x128xf32, #tpu.memory_space<hbm>>
      %dma_start3A_9 = arith.constant 0 : i32
      %dma_start3A_10 = tpu.memref_slice %arg4[%mul3A_2, %dma_start3A_9] : memref<13056x128xf32, #tpu.memory_space<hbm>> -> memref<408x128xf32, #tpu.memory_space<hbm>>
      tpu.enqueue_dma source(%arg6 : memref<408x128xf32, #tpu.memory_space<vmem>>) target(%dma_start3A_10 : memref<408x128xf32, #tpu.memory_space<hbm>>) target_semaphore(%run_scoped3A : memref<!tpu.dma_semaphore, #tpu.memory_space<semaphore_mem>>)
      %dma_wait3A_11 = arith.constant 0 : i32
      %dma_wait3A_12 = tpu.memref_slice %arg4[%mul3A_2, %dma_wait3A_11] : memref<13056x128xf32, #tpu.memory_space<hbm>> -> memref<408x128xf32, #tpu.memory_space<hbm>>
      %dma_wait3A_13 = arith.constant 0 : i32
      %dma_wait3A_14 = tpu.memref_slice %arg4[%mul3A_2, %dma_wait3A_13] : memref<13056x128xf32, #tpu.memory_space<hbm>> -> memref<408x128xf32, #tpu.memory_space<hbm>>
      tpu.wait_dma2 semaphore(%run_scoped3A : memref<!tpu.dma_semaphore, #tpu.memory_space<semaphore_mem>>) src(%arg6 : memref<408x128xf32, #tpu.memory_space<vmem>>) dst(%dma_wait3A_14 : memref<408x128xf32, #tpu.memory_space<hbm>>)
      tpu.yield
    }) : () -> ()
    return
  }
}

#map = affine_map<(d0, d1) -> (0, 0)>
module attributes {stable_mosaic.version = 14 : i64} {
  func.func @k(%arg0: i32, %arg1: i32, %arg2: memref<32x400xi32, #tpu.memory_space<hbm>>, %arg3: memref<224x400xf32, #tpu.memory_space<hbm>>, %arg4: memref<224x100000xf32, #tpu.memory_space<hbm>>, %arg5: memref<400xi32, #tpu.memory_space<vmem>>, %arg6: memref<400xf32, #tpu.memory_space<vmem>>, %arg7: memref<100000xf32, #tpu.memory_space<vmem>>) attributes {dimension_semantics = [#tpu.dimension_semantics<core_parallel>, #tpu.dimension_semantics<subcore_parallel>], iteration_bounds = array<i64: 2, 16>, scalar_prefetch = 0 : i64, scratch_operands = 3 : i64, tpu.core_type = #tpu.core_type<sc_vector_subcore>, window_params = [{transform_indices = #map}, {transform_indices = #map}, {transform_indices = #map}]} {
    %mul3A = arith.constant 2 : i32
    %mul3A_0 = arith.muli %arg1, %mul3A : i32
    %add3A = arith.addi %mul3A_0, %arg0 : i32
    "tpu.region"() ({
      %run_scoped3A = tpu.sem_alloc : memref<!tpu.dma_semaphore, #tpu.memory_space<semaphore_mem>>
      %dma_start3A = arith.constant 0 : i32
      %dma_start3A_113 = tpu.memref_slice %arg2[%add3A, %dma_start3A] : memref<32x400xi32, #tpu.memory_space<hbm>> -> memref<1x400xi32, #tpu.memory_space<hbm>>
      %dma_start3A_114 = tpu.memref_squeeze %dma_start3A_113 : memref<1x400xi32, #tpu.memory_space<hbm>> -> memref<400xi32, #tpu.memory_space<hbm>>
      %dma_start3A_115 = arith.constant 0 : i32
      %dma_start3A_116 = tpu.memref_slice %arg2[%add3A, %dma_start3A_115] : memref<32x400xi32, #tpu.memory_space<hbm>> -> memref<1x400xi32, #tpu.memory_space<hbm>>
      %dma_start3A_117 = tpu.memref_squeeze %dma_start3A_116 : memref<1x400xi32, #tpu.memory_space<hbm>> -> memref<400xi32, #tpu.memory_space<hbm>>
      tpu.enqueue_dma source(%dma_start3A_117 : memref<400xi32, #tpu.memory_space<hbm>>) target(%arg5 : memref<400xi32, #tpu.memory_space<vmem>>) target_semaphore(%run_scoped3A : memref<!tpu.dma_semaphore, #tpu.memory_space<semaphore_mem>>)
      %dma_wait3A = arith.constant 0 : i32
      %dma_wait3A_118 = tpu.memref_slice %arg2[%add3A, %dma_wait3A] : memref<32x400xi32, #tpu.memory_space<hbm>> -> memref<1x400xi32, #tpu.memory_space<hbm>>
      %dma_wait3A_119 = tpu.memref_squeeze %dma_wait3A_118 : memref<1x400xi32, #tpu.memory_space<hbm>> -> memref<400xi32, #tpu.memory_space<hbm>>
      %dma_wait3A_120 = arith.constant 0 : i32
      %dma_wait3A_121 = tpu.memref_slice %arg2[%add3A, %dma_wait3A_120] : memref<32x400xi32, #tpu.memory_space<hbm>> -> memref<1x400xi32, #tpu.memory_space<hbm>>
      %dma_wait3A_122 = tpu.memref_squeeze %dma_wait3A_121 : memref<1x400xi32, #tpu.memory_space<hbm>> -> memref<400xi32, #tpu.memory_space<hbm>>
      tpu.wait_dma2 semaphore(%run_scoped3A : memref<!tpu.dma_semaphore, #tpu.memory_space<semaphore_mem>>) src(%dma_wait3A_122 : memref<400xi32, #tpu.memory_space<hbm>>) dst(%arg5 : memref<400xi32, #tpu.memory_space<vmem>>)
      tpu.yield
    }) : () -> ()
    %scan3A = arith.constant 0 : i32
    %scan3A_1 = arith.constant 0 : i32
    %scan3A_2 = arith.constant 6250 : i32
    %scan3A_3 = arith.addi %scan3A_1, %scan3A_2 : i32
    %scan3A_4 = arith.constant 1 : i32
    %scan3A_5 = scf.for %scan3A_113 = %scan3A_1 to %scan3A_3 step %scan3A_4 iter_args(%scan3A_114 = %scan3A) -> (i32)  : i32 {
      %broadcast_in_dim3A_115 = arith.constant 0.000000e+00 : f32
      %broadcast_in_dim3A_116 = vector.broadcast %broadcast_in_dim3A_115 : f32 to vector<16xf32>
      %mul3A_117 = arith.constant 16 : i32
      %mul3A_118 = arith.muli %scan3A_113, %mul3A_117 : i32
      %swap3A = arith.index_cast %mul3A_118 : i32 to index
      %swap3A_119 = tpu.vector_load %arg7[%swap3A] {strides = array<i32>} : memref<100000xf32, #tpu.memory_space<vmem>>, vector<16xf32>,
      tpu.vector_store %arg7[%swap3A], %broadcast_in_dim3A_116 {strides = array<i32>} : memref<100000xf32, #tpu.memory_space<vmem>>, vector<16xf32>,
      %scan3A_120 = arith.constant 0 : i32
      scf.yield %scan3A_120 : i32
    }
    %scan3A_6 = arith.constant 6250 : i32
    %broadcast_in_dim3A = arith.constant 0.000000e+00 : f32
    %broadcast_in_dim3A_7 = vector.broadcast %broadcast_in_dim3A : f32 to vector<16xf32>
    %add3A_8 = arith.constant 0 : i32
    %add3A_9 = arith.addi %add3A_8, %add3A : i32
    "tpu.region"() ({
      %run_scoped3A = tpu.sem_alloc : memref<!tpu.dma_semaphore, #tpu.memory_space<semaphore_mem>>
      %dma_start3A = arith.constant 0 : i32
      %dma_start3A_113 = tpu.memref_slice %arg3[%add3A_9, %dma_start3A] : memref<224x400xf32, #tpu.memory_space<hbm>> -> memref<1x400xf32, #tpu.memory_space<hbm>>
      %dma_start3A_114 = tpu.memref_squeeze %dma_start3A_113 : memref<1x400xf32, #tpu.memory_space<hbm>> -> memref<400xf32, #tpu.memory_space<hbm>>
      %dma_start3A_115 = arith.constant 0 : i32
      %dma_start3A_116 = tpu.memref_slice %arg3[%add3A_9, %dma_start3A_115] : memref<224x400xf32, #tpu.memory_space<hbm>> -> memref<1x400xf32, #tpu.memory_space<hbm>>
      %dma_start3A_117 = tpu.memref_squeeze %dma_start3A_116 : memref<1x400xf32, #tpu.memory_space<hbm>> -> memref<400xf32, #tpu.memory_space<hbm>>
      tpu.enqueue_dma source(%dma_start3A_117 : memref<400xf32, #tpu.memory_space<hbm>>) target(%arg6 : memref<400xf32, #tpu.memory_space<vmem>>) target_semaphore(%run_scoped3A : memref<!tpu.dma_semaphore, #tpu.memory_space<semaphore_mem>>)
      %dma_wait3A = arith.constant 0 : i32
      %dma_wait3A_118 = tpu.memref_slice %arg3[%add3A_9, %dma_wait3A] : memref<224x400xf32, #tpu.memory_space<hbm>> -> memref<1x400xf32, #tpu.memory_space<hbm>>
      %dma_wait3A_119 = tpu.memref_squeeze %dma_wait3A_118 : memref<1x400xf32, #tpu.memory_space<hbm>> -> memref<400xf32, #tpu.memory_space<hbm>>
      %dma_wait3A_120 = arith.constant 0 : i32
      %dma_wait3A_121 = tpu.memref_slice %arg3[%add3A_9, %dma_wait3A_120] : memref<224x400xf32, #tpu.memory_space<hbm>> -> memref<1x400xf32, #tpu.memory_space<hbm>>
      %dma_wait3A_122 = tpu.memref_squeeze %dma_wait3A_121 : memref<1x400xf32, #tpu.memory_space<hbm>> -> memref<400xf32, #tpu.memory_space<hbm>>
      tpu.wait_dma2 semaphore(%run_scoped3A : memref<!tpu.dma_semaphore, #tpu.memory_space<semaphore_mem>>) src(%dma_wait3A_122 : memref<400xf32, #tpu.memory_space<hbm>>) dst(%arg6 : memref<400xf32, #tpu.memory_space<vmem>>)
      tpu.yield
    }) : () -> ()
    %scan3A_10 = arith.constant 0 : i32
    %scan3A_11 = arith.constant 0 : i32
    %scan3A_12 = arith.constant 25 : i32
    %scan3A_13 = arith.addi %scan3A_11, %scan3A_12 : i32
    %scan3A_14 = arith.constant 1 : i32
    %scan3A_15 = scf.for %scan3A_113 = %scan3A_11 to %scan3A_13 step %scan3A_14 iter_args(%scan3A_114 = %scan3A_10) -> (i32)  : i32 {
      %mul3A_115 = arith.constant 16 : i32
      %mul3A_116 = arith.muli %scan3A_113, %mul3A_115 : i32
      %get3A = arith.index_cast %mul3A_116 : i32 to index
      %get3A_117 = tpu.vector_load %arg5[%get3A] {strides = array<i32>} : memref<400xi32, #tpu.memory_space<vmem>>, vector<16xi32>,
      %mul3A_118 = arith.constant 16 : i32
      %mul3A_119 = arith.muli %scan3A_113, %mul3A_118 : i32
      %get3A_120 = arith.index_cast %mul3A_119 : i32 to index
      %get3A_121 = tpu.vector_load %arg6[%get3A_120] {strides = array<i32>} : memref<400xf32, #tpu.memory_space<vmem>>, vector<16xf32>,
      tpu.vector_store_idx %arg7[%get3A_117], %get3A_121 {add = true} : memref<100000xf32, #tpu.memory_space<vmem>>[vector<16xi32>], vector<16xf32>,
      %scan3A_122 = arith.constant 0 : i32
      scf.yield %scan3A_122 : i32
    }
    %scan3A_16 = arith.constant 25 : i32
    "tpu.region"() ({
      %run_scoped3A = tpu.sem_alloc : memref<!tpu.dma_semaphore, #tpu.memory_space<semaphore_mem>>
      %dma_start3A = arith.constant 0 : i32
      %dma_start3A_113 = tpu.memref_slice %arg4[%add3A_9, %dma_start3A] : memref<224x100000xf32, #tpu.memory_space<hbm>> -> memref<1x100000xf32, #tpu.memory_space<hbm>>
      %dma_start3A_114 = tpu.memref_squeeze %dma_start3A_113 : memref<1x100000xf32, #tpu.memory_space<hbm>> -> memref<100000xf32, #tpu.memory_space<hbm>>
      %dma_start3A_115 = arith.constant 0 : i32
      %dma_start3A_116 = tpu.memref_slice %arg4[%add3A_9, %dma_start3A_115] : memref<224x100000xf32, #tpu.memory_space<hbm>> -> memref<1x100000xf32, #tpu.memory_space<hbm>>
      %dma_start3A_117 = tpu.memref_squeeze %dma_start3A_116 : memref<1x100000xf32, #tpu.memory_space<hbm>> -> memref<100000xf32, #tpu.memory_space<hbm>>
      tpu.enqueue_dma source(%arg7 : memref<100000xf32, #tpu.memory_space<vmem>>) target(%dma_start3A_117 : memref<100000xf32, #tpu.memory_space<hbm>>) target_semaphore(%run_scoped3A : memref<!tpu.dma_semaphore, #tpu.memory_space<semaphore_mem>>)
      %dma_wait3A = arith.constant 0 : i32
      %dma_wait3A_118 = tpu.memref_slice %arg4[%add3A_9, %dma_wait3A] : memref<224x100000xf32, #tpu.memory_space<hbm>> -> memref<1x100000xf32, #tpu.memory_space<hbm>>
      %dma_wait3A_119 = tpu.memref_squeeze %dma_wait3A_118 : memref<1x100000xf32, #tpu.memory_space<hbm>> -> memref<100000xf32, #tpu.memory_space<hbm>>
      %dma_wait3A_120 = arith.constant 0 : i32
      %dma_wait3A_121 = tpu.memref_slice %arg4[%add3A_9, %dma_wait3A_120] : memref<224x100000xf32, #tpu.memory_space<hbm>> -> memref<1x100000xf32, #tpu.memory_space<hbm>>
      %dma_wait3A_122 = tpu.memref_squeeze %dma_wait3A_121 : memref<1x100000xf32, #tpu.memory_space<hbm>> -> memref<100000xf32, #tpu.memory_space<hbm>>
      tpu.wait_dma2 semaphore(%run_scoped3A : memref<!tpu.dma_semaphore, #tpu.memory_space<semaphore_mem>>) src(%arg7 : memref<100000xf32, #tpu.memory_space<vmem>>) dst(%dma_wait3A_122 : memref<100000xf32, #tpu.memory_space<hbm>>)
      tpu.yield
    }) : () -> ()
    %scan3A_17 = arith.constant 0 : i32
    %scan3A_18 = arith.constant 0 : i32
    %scan3A_19 = arith.constant 25 : i32
    %scan3A_20 = arith.addi %scan3A_18, %scan3A_19 : i32
    %scan3A_21 = arith.constant 1 : i32
    %scan3A_22 = scf.for %scan3A_113 = %scan3A_18 to %scan3A_20 step %scan3A_21 iter_args(%scan3A_114 = %scan3A_17) -> (i32)  : i32 {
      %mul3A_115 = arith.constant 16 : i32
      %mul3A_116 = arith.muli %scan3A_113, %mul3A_115 : i32
      %get3A = arith.index_cast %mul3A_116 : i32 to index
      %get3A_117 = tpu.vector_load %arg5[%get3A] {strides = array<i32>} : memref<400xi32, #tpu.memory_space<vmem>>, vector<16xi32>,
      tpu.vector_store_idx %arg7[%get3A_117], %broadcast_in_dim3A_7 : memref<100000xf32, #tpu.memory_space<vmem>>[vector<16xi32>], vector<16xf32>,
      %scan3A_118 = arith.constant 0 : i32
      scf.yield %scan3A_118 : i32
    }
    %scan3A_23 = arith.constant 25 : i32
    %add3A_24 = arith.constant 32 : i32
    %add3A_25 = arith.addi %add3A_24, %add3A : i32
    "tpu.region"() ({
      %run_scoped3A = tpu.sem_alloc : memref<!tpu.dma_semaphore, #tpu.memory_space<semaphore_mem>>
      %dma_start3A = arith.constant 0 : i32
      %dma_start3A_113 = tpu.memref_slice %arg3[%add3A_25, %dma_start3A] : memref<224x400xf32, #tpu.memory_space<hbm>> -> memref<1x400xf32, #tpu.memory_space<hbm>>
      %dma_start3A_114 = tpu.memref_squeeze %dma_start3A_113 : memref<1x400xf32, #tpu.memory_space<hbm>> -> memref<400xf32, #tpu.memory_space<hbm>>
      %dma_start3A_115 = arith.constant 0 : i32
      %dma_start3A_116 = tpu.memref_slice %arg3[%add3A_25, %dma_start3A_115] : memref<224x400xf32, #tpu.memory_space<hbm>> -> memref<1x400xf32, #tpu.memory_space<hbm>>
      %dma_start3A_117 = tpu.memref_squeeze %dma_start3A_116 : memref<1x400xf32, #tpu.memory_space<hbm>> -> memref<400xf32, #tpu.memory_space<hbm>>
      tpu.enqueue_dma source(%dma_start3A_117 : memref<400xf32, #tpu.memory_space<hbm>>) target(%arg6 : memref<400xf32, #tpu.memory_space<vmem>>) target_semaphore(%run_scoped3A : memref<!tpu.dma_semaphore, #tpu.memory_space<semaphore_mem>>)
      %dma_wait3A = arith.constant 0 : i32
      %dma_wait3A_118 = tpu.memref_slice %arg3[%add3A_25, %dma_wait3A] : memref<224x400xf32, #tpu.memory_space<hbm>> -> memref<1x400xf32, #tpu.memory_space<hbm>>
      %dma_wait3A_119 = tpu.memref_squeeze %dma_wait3A_118 : memref<1x400xf32, #tpu.memory_space<hbm>> -> memref<400xf32, #tpu.memory_space<hbm>>
      %dma_wait3A_120 = arith.constant 0 : i32
      %dma_wait3A_121 = tpu.memref_slice %arg3[%add3A_25, %dma_wait3A_120] : memref<224x400xf32, #tpu.memory_space<hbm>> -> memref<1x400xf32, #tpu.memory_space<hbm>>
      %dma_wait3A_122 = tpu.memref_squeeze %dma_wait3A_121 : memref<1x400xf32, #tpu.memory_space<hbm>> -> memref<400xf32, #tpu.memory_space<hbm>>
      tpu.wait_dma2 semaphore(%run_scoped3A : memref<!tpu.dma_semaphore, #tpu.memory_space<semaphore_mem>>) src(%dma_wait3A_122 : memref<400xf32, #tpu.memory_space<hbm>>) dst(%arg6 : memref<400xf32, #tpu.memory_space<vmem>>)
      tpu.yield
    }) : () -> ()
    %scan3A_26 = arith.constant 0 : i32
    %scan3A_27 = arith.constant 0 : i32
    %scan3A_28 = arith.constant 25 : i32
    %scan3A_29 = arith.addi %scan3A_27, %scan3A_28 : i32
    %scan3A_30 = arith.constant 1 : i32
    %scan3A_31 = scf.for %scan3A_113 = %scan3A_27 to %scan3A_29 step %scan3A_30 iter_args(%scan3A_114 = %scan3A_26) -> (i32)  : i32 {
      %mul3A_115 = arith.constant 16 : i32
      %mul3A_116 = arith.muli %scan3A_113, %mul3A_115 : i32
      %get3A = arith.index_cast %mul3A_116 : i32 to index
      %get3A_117 = tpu.vector_load %arg5[%get3A] {strides = array<i32>} : memref<400xi32, #tpu.memory_space<vmem>>, vector<16xi32>,
      %mul3A_118 = arith.constant 16 : i32
      %mul3A_119 = arith.muli %scan3A_113, %mul3A_118 : i32
      %get3A_120 = arith.index_cast %mul3A_119 : i32 to index
      %get3A_121 = tpu.vector_load %arg6[%get3A_120] {strides = array<i32>} : memref<400xf32, #tpu.memory_space<vmem>>, vector<16xf32>,
      tpu.vector_store_idx %arg7[%get3A_117], %get3A_121 {add = true} : memref<100000xf32, #tpu.memory_space<vmem>>[vector<16xi32>], vector<16xf32>,
      %scan3A_122 = arith.constant 0 : i32
      scf.yield %scan3A_122 : i32
    }
    %scan3A_32 = arith.constant 25 : i32
    "tpu.region"() ({
      %run_scoped3A = tpu.sem_alloc : memref<!tpu.dma_semaphore, #tpu.memory_space<semaphore_mem>>
      %dma_start3A = arith.constant 0 : i32
      %dma_start3A_113 = tpu.memref_slice %arg4[%add3A_25, %dma_start3A] : memref<224x100000xf32, #tpu.memory_space<hbm>> -> memref<1x100000xf32, #tpu.memory_space<hbm>>
      %dma_start3A_114 = tpu.memref_squeeze %dma_start3A_113 : memref<1x100000xf32, #tpu.memory_space<hbm>> -> memref<100000xf32, #tpu.memory_space<hbm>>
      %dma_start3A_115 = arith.constant 0 : i32
      %dma_start3A_116 = tpu.memref_slice %arg4[%add3A_25, %dma_start3A_115] : memref<224x100000xf32, #tpu.memory_space<hbm>> -> memref<1x100000xf32, #tpu.memory_space<hbm>>
      %dma_start3A_117 = tpu.memref_squeeze %dma_start3A_116 : memref<1x100000xf32, #tpu.memory_space<hbm>> -> memref<100000xf32, #tpu.memory_space<hbm>>
      tpu.enqueue_dma source(%arg7 : memref<100000xf32, #tpu.memory_space<vmem>>) target(%dma_start3A_117 : memref<100000xf32, #tpu.memory_space<hbm>>) target_semaphore(%run_scoped3A : memref<!tpu.dma_semaphore, #tpu.memory_space<semaphore_mem>>)
      %dma_wait3A = arith.constant 0 : i32
      %dma_wait3A_118 = tpu.memref_slice %arg4[%add3A_25, %dma_wait3A] : memref<224x100000xf32, #tpu.memory_space<hbm>> -> memref<1x100000xf32, #tpu.memory_space<hbm>>
      %dma_wait3A_119 = tpu.memref_squeeze %dma_wait3A_118 : memref<1x100000xf32, #tpu.memory_space<hbm>> -> memref<100000xf32, #tpu.memory_space<hbm>>
      %dma_wait3A_120 = arith.constant 0 : i32
      %dma_wait3A_121 = tpu.memref_slice %arg4[%add3A_25, %dma_wait3A_120] : memref<224x100000xf32, #tpu.memory_space<hbm>> -> memref<1x100000xf32, #tpu.memory_space<hbm>>
      %dma_wait3A_122 = tpu.memref_squeeze %dma_wait3A_121 : memref<1x100000xf32, #tpu.memory_space<hbm>> -> memref<100000xf32, #tpu.memory_space<hbm>>
      tpu.wait_dma2 semaphore(%run_scoped3A : memref<!tpu.dma_semaphore, #tpu.memory_space<semaphore_mem>>) src(%arg7 : memref<100000xf32, #tpu.memory_space<vmem>>) dst(%dma_wait3A_122 : memref<100000xf32, #tpu.memory_space<hbm>>)
      tpu.yield
    }) : () -> ()
    %scan3A_33 = arith.constant 0 : i32
    %scan3A_34 = arith.constant 0 : i32
    %scan3A_35 = arith.constant 25 : i32
    %scan3A_36 = arith.addi %scan3A_34, %scan3A_35 : i32
    %scan3A_37 = arith.constant 1 : i32
    %scan3A_38 = scf.for %scan3A_113 = %scan3A_34 to %scan3A_36 step %scan3A_37 iter_args(%scan3A_114 = %scan3A_33) -> (i32)  : i32 {
      %mul3A_115 = arith.constant 16 : i32
      %mul3A_116 = arith.muli %scan3A_113, %mul3A_115 : i32
      %get3A = arith.index_cast %mul3A_116 : i32 to index
      %get3A_117 = tpu.vector_load %arg5[%get3A] {strides = array<i32>} : memref<400xi32, #tpu.memory_space<vmem>>, vector<16xi32>,
      tpu.vector_store_idx %arg7[%get3A_117], %broadcast_in_dim3A_7 : memref<100000xf32, #tpu.memory_space<vmem>>[vector<16xi32>], vector<16xf32>,
      %scan3A_118 = arith.constant 0 : i32
      scf.yield %scan3A_118 : i32
    }
    %scan3A_39 = arith.constant 25 : i32
    %add3A_40 = arith.constant 64 : i32
    %add3A_41 = arith.addi %add3A_40, %add3A : i32
    "tpu.region"() ({
      %run_scoped3A = tpu.sem_alloc : memref<!tpu.dma_semaphore, #tpu.memory_space<semaphore_mem>>
      %dma_start3A = arith.constant 0 : i32
      %dma_start3A_113 = tpu.memref_slice %arg3[%add3A_41, %dma_start3A] : memref<224x400xf32, #tpu.memory_space<hbm>> -> memref<1x400xf32, #tpu.memory_space<hbm>>
      %dma_start3A_114 = tpu.memref_squeeze %dma_start3A_113 : memref<1x400xf32, #tpu.memory_space<hbm>> -> memref<400xf32, #tpu.memory_space<hbm>>
      %dma_start3A_115 = arith.constant 0 : i32
      %dma_start3A_116 = tpu.memref_slice %arg3[%add3A_41, %dma_start3A_115] : memref<224x400xf32, #tpu.memory_space<hbm>> -> memref<1x400xf32, #tpu.memory_space<hbm>>
      %dma_start3A_117 = tpu.memref_squeeze %dma_start3A_116 : memref<1x400xf32, #tpu.memory_space<hbm>> -> memref<400xf32, #tpu.memory_space<hbm>>
      tpu.enqueue_dma source(%dma_start3A_117 : memref<400xf32, #tpu.memory_space<hbm>>) target(%arg6 : memref<400xf32, #tpu.memory_space<vmem>>) target_semaphore(%run_scoped3A : memref<!tpu.dma_semaphore, #tpu.memory_space<semaphore_mem>>)
      %dma_wait3A = arith.constant 0 : i32
      %dma_wait3A_118 = tpu.memref_slice %arg3[%add3A_41, %dma_wait3A] : memref<224x400xf32, #tpu.memory_space<hbm>> -> memref<1x400xf32, #tpu.memory_space<hbm>>
      %dma_wait3A_119 = tpu.memref_squeeze %dma_wait3A_118 : memref<1x400xf32, #tpu.memory_space<hbm>> -> memref<400xf32, #tpu.memory_space<hbm>>
      %dma_wait3A_120 = arith.constant 0 : i32
      %dma_wait3A_121 = tpu.memref_slice %arg3[%add3A_41, %dma_wait3A_120] : memref<224x400xf32, #tpu.memory_space<hbm>> -> memref<1x400xf32, #tpu.memory_space<hbm>>
      %dma_wait3A_122 = tpu.memref_squeeze %dma_wait3A_121 : memref<1x400xf32, #tpu.memory_space<hbm>> -> memref<400xf32, #tpu.memory_space<hbm>>
      tpu.wait_dma2 semaphore(%run_scoped3A : memref<!tpu.dma_semaphore, #tpu.memory_space<semaphore_mem>>) src(%dma_wait3A_122 : memref<400xf32, #tpu.memory_space<hbm>>) dst(%arg6 : memref<400xf32, #tpu.memory_space<vmem>>)
      tpu.yield
    }) : () -> ()
    %scan3A_42 = arith.constant 0 : i32
    %scan3A_43 = arith.constant 0 : i32
    %scan3A_44 = arith.constant 25 : i32
    %scan3A_45 = arith.addi %scan3A_43, %scan3A_44 : i32
    %scan3A_46 = arith.constant 1 : i32
    %scan3A_47 = scf.for %scan3A_113 = %scan3A_43 to %scan3A_45 step %scan3A_46 iter_args(%scan3A_114 = %scan3A_42) -> (i32)  : i32 {
      %mul3A_115 = arith.constant 16 : i32
      %mul3A_116 = arith.muli %scan3A_113, %mul3A_115 : i32
      %get3A = arith.index_cast %mul3A_116 : i32 to index
      %get3A_117 = tpu.vector_load %arg5[%get3A] {strides = array<i32>} : memref<400xi32, #tpu.memory_space<vmem>>, vector<16xi32>,
      %mul3A_118 = arith.constant 16 : i32
      %mul3A_119 = arith.muli %scan3A_113, %mul3A_118 : i32
      %get3A_120 = arith.index_cast %mul3A_119 : i32 to index
      %get3A_121 = tpu.vector_load %arg6[%get3A_120] {strides = array<i32>} : memref<400xf32, #tpu.memory_space<vmem>>, vector<16xf32>,
      tpu.vector_store_idx %arg7[%get3A_117], %get3A_121 {add = true} : memref<100000xf32, #tpu.memory_space<vmem>>[vector<16xi32>], vector<16xf32>,
      %scan3A_122 = arith.constant 0 : i32
      scf.yield %scan3A_122 : i32
    }
    %scan3A_48 = arith.constant 25 : i32
    "tpu.region"() ({
      %run_scoped3A = tpu.sem_alloc : memref<!tpu.dma_semaphore, #tpu.memory_space<semaphore_mem>>
      %dma_start3A = arith.constant 0 : i32
      %dma_start3A_113 = tpu.memref_slice %arg4[%add3A_41, %dma_start3A] : memref<224x100000xf32, #tpu.memory_space<hbm>> -> memref<1x100000xf32, #tpu.memory_space<hbm>>
      %dma_start3A_114 = tpu.memref_squeeze %dma_start3A_113 : memref<1x100000xf32, #tpu.memory_space<hbm>> -> memref<100000xf32, #tpu.memory_space<hbm>>
      %dma_start3A_115 = arith.constant 0 : i32
      %dma_start3A_116 = tpu.memref_slice %arg4[%add3A_41, %dma_start3A_115] : memref<224x100000xf32, #tpu.memory_space<hbm>> -> memref<1x100000xf32, #tpu.memory_space<hbm>>
      %dma_start3A_117 = tpu.memref_squeeze %dma_start3A_116 : memref<1x100000xf32, #tpu.memory_space<hbm>> -> memref<100000xf32, #tpu.memory_space<hbm>>
      tpu.enqueue_dma source(%arg7 : memref<100000xf32, #tpu.memory_space<vmem>>) target(%dma_start3A_117 : memref<100000xf32, #tpu.memory_space<hbm>>) target_semaphore(%run_scoped3A : memref<!tpu.dma_semaphore, #tpu.memory_space<semaphore_mem>>)
      %dma_wait3A = arith.constant 0 : i32
      %dma_wait3A_118 = tpu.memref_slice %arg4[%add3A_41, %dma_wait3A] : memref<224x100000xf32, #tpu.memory_space<hbm>> -> memref<1x100000xf32, #tpu.memory_space<hbm>>
      %dma_wait3A_119 = tpu.memref_squeeze %dma_wait3A_118 : memref<1x100000xf32, #tpu.memory_space<hbm>> -> memref<100000xf32, #tpu.memory_space<hbm>>
      %dma_wait3A_120 = arith.constant 0 : i32
      %dma_wait3A_121 = tpu.memref_slice %arg4[%add3A_41, %dma_wait3A_120] : memref<224x100000xf32, #tpu.memory_space<hbm>> -> memref<1x100000xf32, #tpu.memory_space<hbm>>
      %dma_wait3A_122 = tpu.memref_squeeze %dma_wait3A_121 : memref<1x100000xf32, #tpu.memory_space<hbm>> -> memref<100000xf32, #tpu.memory_space<hbm>>
      tpu.wait_dma2 semaphore(%run_scoped3A : memref<!tpu.dma_semaphore, #tpu.memory_space<semaphore_mem>>) src(%arg7 : memref<100000xf32, #tpu.memory_space<vmem>>) dst(%dma_wait3A_122 : memref<100000xf32, #tpu.memory_space<hbm>>)
      tpu.yield
    }) : () -> ()
    %scan3A_49 = arith.constant 0 : i32
    %scan3A_50 = arith.constant 0 : i32
    %scan3A_51 = arith.constant 25 : i32
    %scan3A_52 = arith.addi %scan3A_50, %scan3A_51 : i32
    %scan3A_53 = arith.constant 1 : i32
    %scan3A_54 = scf.for %scan3A_113 = %scan3A_50 to %scan3A_52 step %scan3A_53 iter_args(%scan3A_114 = %scan3A_49) -> (i32)  : i32 {
      %mul3A_115 = arith.constant 16 : i32
      %mul3A_116 = arith.muli %scan3A_113, %mul3A_115 : i32
      %get3A = arith.index_cast %mul3A_116 : i32 to index
      %get3A_117 = tpu.vector_load %arg5[%get3A] {strides = array<i32>} : memref<400xi32, #tpu.memory_space<vmem>>, vector<16xi32>,
      tpu.vector_store_idx %arg7[%get3A_117], %broadcast_in_dim3A_7 : memref<100000xf32, #tpu.memory_space<vmem>>[vector<16xi32>], vector<16xf32>,
      %scan3A_118 = arith.constant 0 : i32
      scf.yield %scan3A_118 : i32
    }
    %scan3A_55 = arith.constant 25 : i32
    %add3A_56 = arith.constant 96 : i32
    %add3A_57 = arith.addi %add3A_56, %add3A : i32
    "tpu.region"() ({
      %run_scoped3A = tpu.sem_alloc : memref<!tpu.dma_semaphore, #tpu.memory_space<semaphore_mem>>
      %dma_start3A = arith.constant 0 : i32
      %dma_start3A_113 = tpu.memref_slice %arg3[%add3A_57, %dma_start3A] : memref<224x400xf32, #tpu.memory_space<hbm>> -> memref<1x400xf32, #tpu.memory_space<hbm>>
      %dma_start3A_114 = tpu.memref_squeeze %dma_start3A_113 : memref<1x400xf32, #tpu.memory_space<hbm>> -> memref<400xf32, #tpu.memory_space<hbm>>
      %dma_start3A_115 = arith.constant 0 : i32
      %dma_start3A_116 = tpu.memref_slice %arg3[%add3A_57, %dma_start3A_115] : memref<224x400xf32, #tpu.memory_space<hbm>> -> memref<1x400xf32, #tpu.memory_space<hbm>>
      %dma_start3A_117 = tpu.memref_squeeze %dma_start3A_116 : memref<1x400xf32, #tpu.memory_space<hbm>> -> memref<400xf32, #tpu.memory_space<hbm>>
      tpu.enqueue_dma source(%dma_start3A_117 : memref<400xf32, #tpu.memory_space<hbm>>) target(%arg6 : memref<400xf32, #tpu.memory_space<vmem>>) target_semaphore(%run_scoped3A : memref<!tpu.dma_semaphore, #tpu.memory_space<semaphore_mem>>)
      %dma_wait3A = arith.constant 0 : i32
      %dma_wait3A_118 = tpu.memref_slice %arg3[%add3A_57, %dma_wait3A] : memref<224x400xf32, #tpu.memory_space<hbm>> -> memref<1x400xf32, #tpu.memory_space<hbm>>
      %dma_wait3A_119 = tpu.memref_squeeze %dma_wait3A_118 : memref<1x400xf32, #tpu.memory_space<hbm>> -> memref<400xf32, #tpu.memory_space<hbm>>
      %dma_wait3A_120 = arith.constant 0 : i32
      %dma_wait3A_121 = tpu.memref_slice %arg3[%add3A_57, %dma_wait3A_120] : memref<224x400xf32, #tpu.memory_space<hbm>> -> memref<1x400xf32, #tpu.memory_space<hbm>>
      %dma_wait3A_122 = tpu.memref_squeeze %dma_wait3A_121 : memref<1x400xf32, #tpu.memory_space<hbm>> -> memref<400xf32, #tpu.memory_space<hbm>>
      tpu.wait_dma2 semaphore(%run_scoped3A : memref<!tpu.dma_semaphore, #tpu.memory_space<semaphore_mem>>) src(%dma_wait3A_122 : memref<400xf32, #tpu.memory_space<hbm>>) dst(%arg6 : memref<400xf32, #tpu.memory_space<vmem>>)
      tpu.yield
    }) : () -> ()
    %scan3A_58 = arith.constant 0 : i32
    %scan3A_59 = arith.constant 0 : i32
    %scan3A_60 = arith.constant 25 : i32
    %scan3A_61 = arith.addi %scan3A_59, %scan3A_60 : i32
    %scan3A_62 = arith.constant 1 : i32
    %scan3A_63 = scf.for %scan3A_113 = %scan3A_59 to %scan3A_61 step %scan3A_62 iter_args(%scan3A_114 = %scan3A_58) -> (i32)  : i32 {
      %mul3A_115 = arith.constant 16 : i32
      %mul3A_116 = arith.muli %scan3A_113, %mul3A_115 : i32
      %get3A = arith.index_cast %mul3A_116 : i32 to index
      %get3A_117 = tpu.vector_load %arg5[%get3A] {strides = array<i32>} : memref<400xi32, #tpu.memory_space<vmem>>, vector<16xi32>,
      %mul3A_118 = arith.constant 16 : i32
      %mul3A_119 = arith.muli %scan3A_113, %mul3A_118 : i32
      %get3A_120 = arith.index_cast %mul3A_119 : i32 to index
      %get3A_121 = tpu.vector_load %arg6[%get3A_120] {strides = array<i32>} : memref<400xf32, #tpu.memory_space<vmem>>, vector<16xf32>,
      tpu.vector_store_idx %arg7[%get3A_117], %get3A_121 {add = true} : memref<100000xf32, #tpu.memory_space<vmem>>[vector<16xi32>], vector<16xf32>,
      %scan3A_122 = arith.constant 0 : i32
      scf.yield %scan3A_122 : i32
    }
    %scan3A_64 = arith.constant 25 : i32
    "tpu.region"() ({
      %run_scoped3A = tpu.sem_alloc : memref<!tpu.dma_semaphore, #tpu.memory_space<semaphore_mem>>
      %dma_start3A = arith.constant 0 : i32
      %dma_start3A_113 = tpu.memref_slice %arg4[%add3A_57, %dma_start3A] : memref<224x100000xf32, #tpu.memory_space<hbm>> -> memref<1x100000xf32, #tpu.memory_space<hbm>>
      %dma_start3A_114 = tpu.memref_squeeze %dma_start3A_113 : memref<1x100000xf32, #tpu.memory_space<hbm>> -> memref<100000xf32, #tpu.memory_space<hbm>>
      %dma_start3A_115 = arith.constant 0 : i32
      %dma_start3A_116 = tpu.memref_slice %arg4[%add3A_57, %dma_start3A_115] : memref<224x100000xf32, #tpu.memory_space<hbm>> -> memref<1x100000xf32, #tpu.memory_space<hbm>>
      %dma_start3A_117 = tpu.memref_squeeze %dma_start3A_116 : memref<1x100000xf32, #tpu.memory_space<hbm>> -> memref<100000xf32, #tpu.memory_space<hbm>>
      tpu.enqueue_dma source(%arg7 : memref<100000xf32, #tpu.memory_space<vmem>>) target(%dma_start3A_117 : memref<100000xf32, #tpu.memory_space<hbm>>) target_semaphore(%run_scoped3A : memref<!tpu.dma_semaphore, #tpu.memory_space<semaphore_mem>>)
      %dma_wait3A = arith.constant 0 : i32
      %dma_wait3A_118 = tpu.memref_slice %arg4[%add3A_57, %dma_wait3A] : memref<224x100000xf32, #tpu.memory_space<hbm>> -> memref<1x100000xf32, #tpu.memory_space<hbm>>
      %dma_wait3A_119 = tpu.memref_squeeze %dma_wait3A_118 : memref<1x100000xf32, #tpu.memory_space<hbm>> -> memref<100000xf32, #tpu.memory_space<hbm>>
      %dma_wait3A_120 = arith.constant 0 : i32
      %dma_wait3A_121 = tpu.memref_slice %arg4[%add3A_57, %dma_wait3A_120] : memref<224x100000xf32, #tpu.memory_space<hbm>> -> memref<1x100000xf32, #tpu.memory_space<hbm>>
      %dma_wait3A_122 = tpu.memref_squeeze %dma_wait3A_121 : memref<1x100000xf32, #tpu.memory_space<hbm>> -> memref<100000xf32, #tpu.memory_space<hbm>>
      tpu.wait_dma2 semaphore(%run_scoped3A : memref<!tpu.dma_semaphore, #tpu.memory_space<semaphore_mem>>) src(%arg7 : memref<100000xf32, #tpu.memory_space<vmem>>) dst(%dma_wait3A_122 : memref<100000xf32, #tpu.memory_space<hbm>>)
      tpu.yield
    }) : () -> ()
    %scan3A_65 = arith.constant 0 : i32
    %scan3A_66 = arith.constant 0 : i32
    %scan3A_67 = arith.constant 25 : i32
    %scan3A_68 = arith.addi %scan3A_66, %scan3A_67 : i32
    %scan3A_69 = arith.constant 1 : i32
    %scan3A_70 = scf.for %scan3A_113 = %scan3A_66 to %scan3A_68 step %scan3A_69 iter_args(%scan3A_114 = %scan3A_65) -> (i32)  : i32 {
      %mul3A_115 = arith.constant 16 : i32
      %mul3A_116 = arith.muli %scan3A_113, %mul3A_115 : i32
      %get3A = arith.index_cast %mul3A_116 : i32 to index
      %get3A_117 = tpu.vector_load %arg5[%get3A] {strides = array<i32>} : memref<400xi32, #tpu.memory_space<vmem>>, vector<16xi32>,
      tpu.vector_store_idx %arg7[%get3A_117], %broadcast_in_dim3A_7 : memref<100000xf32, #tpu.memory_space<vmem>>[vector<16xi32>], vector<16xf32>,
      %scan3A_118 = arith.constant 0 : i32
      scf.yield %scan3A_118 : i32
    }
    %scan3A_71 = arith.constant 25 : i32
    %add3A_72 = arith.constant 128 : i32
    %add3A_73 = arith.addi %add3A_72, %add3A : i32
    "tpu.region"() ({
      %run_scoped3A = tpu.sem_alloc : memref<!tpu.dma_semaphore, #tpu.memory_space<semaphore_mem>>
      %dma_start3A = arith.constant 0 : i32
      %dma_start3A_113 = tpu.memref_slice %arg3[%add3A_73, %dma_start3A] : memref<224x400xf32, #tpu.memory_space<hbm>> -> memref<1x400xf32, #tpu.memory_space<hbm>>
      %dma_start3A_114 = tpu.memref_squeeze %dma_start3A_113 : memref<1x400xf32, #tpu.memory_space<hbm>> -> memref<400xf32, #tpu.memory_space<hbm>>
      %dma_start3A_115 = arith.constant 0 : i32
      %dma_start3A_116 = tpu.memref_slice %arg3[%add3A_73, %dma_start3A_115] : memref<224x400xf32, #tpu.memory_space<hbm>> -> memref<1x400xf32, #tpu.memory_space<hbm>>
      %dma_start3A_117 = tpu.memref_squeeze %dma_start3A_116 : memref<1x400xf32, #tpu.memory_space<hbm>> -> memref<400xf32, #tpu.memory_space<hbm>>
      tpu.enqueue_dma source(%dma_start3A_117 : memref<400xf32, #tpu.memory_space<hbm>>) target(%arg6 : memref<400xf32, #tpu.memory_space<vmem>>) target_semaphore(%run_scoped3A : memref<!tpu.dma_semaphore, #tpu.memory_space<semaphore_mem>>)
      %dma_wait3A = arith.constant 0 : i32
      %dma_wait3A_118 = tpu.memref_slice %arg3[%add3A_73, %dma_wait3A] : memref<224x400xf32, #tpu.memory_space<hbm>> -> memref<1x400xf32, #tpu.memory_space<hbm>>
      %dma_wait3A_119 = tpu.memref_squeeze %dma_wait3A_118 : memref<1x400xf32, #tpu.memory_space<hbm>> -> memref<400xf32, #tpu.memory_space<hbm>>
      %dma_wait3A_120 = arith.constant 0 : i32
      %dma_wait3A_121 = tpu.memref_slice %arg3[%add3A_73, %dma_wait3A_120] : memref<224x400xf32, #tpu.memory_space<hbm>> -> memref<1x400xf32, #tpu.memory_space<hbm>>
      %dma_wait3A_122 = tpu.memref_squeeze %dma_wait3A_121 : memref<1x400xf32, #tpu.memory_space<hbm>> -> memref<400xf32, #tpu.memory_space<hbm>>
      tpu.wait_dma2 semaphore(%run_scoped3A : memref<!tpu.dma_semaphore, #tpu.memory_space<semaphore_mem>>) src(%dma_wait3A_122 : memref<400xf32, #tpu.memory_space<hbm>>) dst(%arg6 : memref<400xf32, #tpu.memory_space<vmem>>)
      tpu.yield
    }) : () -> ()
    %scan3A_74 = arith.constant 0 : i32
    %scan3A_75 = arith.constant 0 : i32
    %scan3A_76 = arith.constant 25 : i32
    %scan3A_77 = arith.addi %scan3A_75, %scan3A_76 : i32
    %scan3A_78 = arith.constant 1 : i32
    %scan3A_79 = scf.for %scan3A_113 = %scan3A_75 to %scan3A_77 step %scan3A_78 iter_args(%scan3A_114 = %scan3A_74) -> (i32)  : i32 {
      %mul3A_115 = arith.constant 16 : i32
      %mul3A_116 = arith.muli %scan3A_113, %mul3A_115 : i32
      %get3A = arith.index_cast %mul3A_116 : i32 to index
      %get3A_117 = tpu.vector_load %arg5[%get3A] {strides = array<i32>} : memref<400xi32, #tpu.memory_space<vmem>>, vector<16xi32>,
      %mul3A_118 = arith.constant 16 : i32
      %mul3A_119 = arith.muli %scan3A_113, %mul3A_118 : i32
      %get3A_120 = arith.index_cast %mul3A_119 : i32 to index
      %get3A_121 = tpu.vector_load %arg6[%get3A_120] {strides = array<i32>} : memref<400xf32, #tpu.memory_space<vmem>>, vector<16xf32>,
      tpu.vector_store_idx %arg7[%get3A_117], %get3A_121 {add = true} : memref<100000xf32, #tpu.memory_space<vmem>>[vector<16xi32>], vector<16xf32>,
      %scan3A_122 = arith.constant 0 : i32
      scf.yield %scan3A_122 : i32
    }
    %scan3A_80 = arith.constant 25 : i32
    "tpu.region"() ({
      %run_scoped3A = tpu.sem_alloc : memref<!tpu.dma_semaphore, #tpu.memory_space<semaphore_mem>>
      %dma_start3A = arith.constant 0 : i32
      %dma_start3A_113 = tpu.memref_slice %arg4[%add3A_73, %dma_start3A] : memref<224x100000xf32, #tpu.memory_space<hbm>> -> memref<1x100000xf32, #tpu.memory_space<hbm>>
      %dma_start3A_114 = tpu.memref_squeeze %dma_start3A_113 : memref<1x100000xf32, #tpu.memory_space<hbm>> -> memref<100000xf32, #tpu.memory_space<hbm>>
      %dma_start3A_115 = arith.constant 0 : i32
      %dma_start3A_116 = tpu.memref_slice %arg4[%add3A_73, %dma_start3A_115] : memref<224x100000xf32, #tpu.memory_space<hbm>> -> memref<1x100000xf32, #tpu.memory_space<hbm>>
      %dma_start3A_117 = tpu.memref_squeeze %dma_start3A_116 : memref<1x100000xf32, #tpu.memory_space<hbm>> -> memref<100000xf32, #tpu.memory_space<hbm>>
      tpu.enqueue_dma source(%arg7 : memref<100000xf32, #tpu.memory_space<vmem>>) target(%dma_start3A_117 : memref<100000xf32, #tpu.memory_space<hbm>>) target_semaphore(%run_scoped3A : memref<!tpu.dma_semaphore, #tpu.memory_space<semaphore_mem>>)
      %dma_wait3A = arith.constant 0 : i32
      %dma_wait3A_118 = tpu.memref_slice %arg4[%add3A_73, %dma_wait3A] : memref<224x100000xf32, #tpu.memory_space<hbm>> -> memref<1x100000xf32, #tpu.memory_space<hbm>>
      %dma_wait3A_119 = tpu.memref_squeeze %dma_wait3A_118 : memref<1x100000xf32, #tpu.memory_space<hbm>> -> memref<100000xf32, #tpu.memory_space<hbm>>
      %dma_wait3A_120 = arith.constant 0 : i32
      %dma_wait3A_121 = tpu.memref_slice %arg4[%add3A_73, %dma_wait3A_120] : memref<224x100000xf32, #tpu.memory_space<hbm>> -> memref<1x100000xf32, #tpu.memory_space<hbm>>
      %dma_wait3A_122 = tpu.memref_squeeze %dma_wait3A_121 : memref<1x100000xf32, #tpu.memory_space<hbm>> -> memref<100000xf32, #tpu.memory_space<hbm>>
      tpu.wait_dma2 semaphore(%run_scoped3A : memref<!tpu.dma_semaphore, #tpu.memory_space<semaphore_mem>>) src(%arg7 : memref<100000xf32, #tpu.memory_space<vmem>>) dst(%dma_wait3A_122 : memref<100000xf32, #tpu.memory_space<hbm>>)
      tpu.yield
    }) : () -> ()
    %scan3A_81 = arith.constant 0 : i32
    %scan3A_82 = arith.constant 0 : i32
    %scan3A_83 = arith.constant 25 : i32
    %scan3A_84 = arith.addi %scan3A_82, %scan3A_83 : i32
    %scan3A_85 = arith.constant 1 : i32
    %scan3A_86 = scf.for %scan3A_113 = %scan3A_82 to %scan3A_84 step %scan3A_85 iter_args(%scan3A_114 = %scan3A_81) -> (i32)  : i32 {
      %mul3A_115 = arith.constant 16 : i32
      %mul3A_116 = arith.muli %scan3A_113, %mul3A_115 : i32
      %get3A = arith.index_cast %mul3A_116 : i32 to index
      %get3A_117 = tpu.vector_load %arg5[%get3A] {strides = array<i32>} : memref<400xi32, #tpu.memory_space<vmem>>, vector<16xi32>,
      tpu.vector_store_idx %arg7[%get3A_117], %broadcast_in_dim3A_7 : memref<100000xf32, #tpu.memory_space<vmem>>[vector<16xi32>], vector<16xf32>,
      %scan3A_118 = arith.constant 0 : i32
      scf.yield %scan3A_118 : i32
    }
    %scan3A_87 = arith.constant 25 : i32
    %add3A_88 = arith.constant 160 : i32
    %add3A_89 = arith.addi %add3A_88, %add3A : i32
    "tpu.region"() ({
      %run_scoped3A = tpu.sem_alloc : memref<!tpu.dma_semaphore, #tpu.memory_space<semaphore_mem>>
      %dma_start3A = arith.constant 0 : i32
      %dma_start3A_113 = tpu.memref_slice %arg3[%add3A_89, %dma_start3A] : memref<224x400xf32, #tpu.memory_space<hbm>> -> memref<1x400xf32, #tpu.memory_space<hbm>>
      %dma_start3A_114 = tpu.memref_squeeze %dma_start3A_113 : memref<1x400xf32, #tpu.memory_space<hbm>> -> memref<400xf32, #tpu.memory_space<hbm>>
      %dma_start3A_115 = arith.constant 0 : i32
      %dma_start3A_116 = tpu.memref_slice %arg3[%add3A_89, %dma_start3A_115] : memref<224x400xf32, #tpu.memory_space<hbm>> -> memref<1x400xf32, #tpu.memory_space<hbm>>
      %dma_start3A_117 = tpu.memref_squeeze %dma_start3A_116 : memref<1x400xf32, #tpu.memory_space<hbm>> -> memref<400xf32, #tpu.memory_space<hbm>>
      tpu.enqueue_dma source(%dma_start3A_117 : memref<400xf32, #tpu.memory_space<hbm>>) target(%arg6 : memref<400xf32, #tpu.memory_space<vmem>>) target_semaphore(%run_scoped3A : memref<!tpu.dma_semaphore, #tpu.memory_space<semaphore_mem>>)
      %dma_wait3A = arith.constant 0 : i32
      %dma_wait3A_118 = tpu.memref_slice %arg3[%add3A_89, %dma_wait3A] : memref<224x400xf32, #tpu.memory_space<hbm>> -> memref<1x400xf32, #tpu.memory_space<hbm>>
      %dma_wait3A_119 = tpu.memref_squeeze %dma_wait3A_118 : memref<1x400xf32, #tpu.memory_space<hbm>> -> memref<400xf32, #tpu.memory_space<hbm>>
      %dma_wait3A_120 = arith.constant 0 : i32
      %dma_wait3A_121 = tpu.memref_slice %arg3[%add3A_89, %dma_wait3A_120] : memref<224x400xf32, #tpu.memory_space<hbm>> -> memref<1x400xf32, #tpu.memory_space<hbm>>
      %dma_wait3A_122 = tpu.memref_squeeze %dma_wait3A_121 : memref<1x400xf32, #tpu.memory_space<hbm>> -> memref<400xf32, #tpu.memory_space<hbm>>
      tpu.wait_dma2 semaphore(%run_scoped3A : memref<!tpu.dma_semaphore, #tpu.memory_space<semaphore_mem>>) src(%dma_wait3A_122 : memref<400xf32, #tpu.memory_space<hbm>>) dst(%arg6 : memref<400xf32, #tpu.memory_space<vmem>>)
      tpu.yield
    }) : () -> ()
    %scan3A_90 = arith.constant 0 : i32
    %scan3A_91 = arith.constant 0 : i32
    %scan3A_92 = arith.constant 25 : i32
    %scan3A_93 = arith.addi %scan3A_91, %scan3A_92 : i32
    %scan3A_94 = arith.constant 1 : i32
    %scan3A_95 = scf.for %scan3A_113 = %scan3A_91 to %scan3A_93 step %scan3A_94 iter_args(%scan3A_114 = %scan3A_90) -> (i32)  : i32 {
      %mul3A_115 = arith.constant 16 : i32
      %mul3A_116 = arith.muli %scan3A_113, %mul3A_115 : i32
      %get3A = arith.index_cast %mul3A_116 : i32 to index
      %get3A_117 = tpu.vector_load %arg5[%get3A] {strides = array<i32>} : memref<400xi32, #tpu.memory_space<vmem>>, vector<16xi32>,
      %mul3A_118 = arith.constant 16 : i32
      %mul3A_119 = arith.muli %scan3A_113, %mul3A_118 : i32
      %get3A_120 = arith.index_cast %mul3A_119 : i32 to index
      %get3A_121 = tpu.vector_load %arg6[%get3A_120] {strides = array<i32>} : memref<400xf32, #tpu.memory_space<vmem>>, vector<16xf32>,
      tpu.vector_store_idx %arg7[%get3A_117], %get3A_121 {add = true} : memref<100000xf32, #tpu.memory_space<vmem>>[vector<16xi32>], vector<16xf32>,
      %scan3A_122 = arith.constant 0 : i32
      scf.yield %scan3A_122 : i32
    }
    %scan3A_96 = arith.constant 25 : i32
    "tpu.region"() ({
      %run_scoped3A = tpu.sem_alloc : memref<!tpu.dma_semaphore, #tpu.memory_space<semaphore_mem>>
      %dma_start3A = arith.constant 0 : i32
      %dma_start3A_113 = tpu.memref_slice %arg4[%add3A_89, %dma_start3A] : memref<224x100000xf32, #tpu.memory_space<hbm>> -> memref<1x100000xf32, #tpu.memory_space<hbm>>
      %dma_start3A_114 = tpu.memref_squeeze %dma_start3A_113 : memref<1x100000xf32, #tpu.memory_space<hbm>> -> memref<100000xf32, #tpu.memory_space<hbm>>
      %dma_start3A_115 = arith.constant 0 : i32
      %dma_start3A_116 = tpu.memref_slice %arg4[%add3A_89, %dma_start3A_115] : memref<224x100000xf32, #tpu.memory_space<hbm>> -> memref<1x100000xf32, #tpu.memory_space<hbm>>
      %dma_start3A_117 = tpu.memref_squeeze %dma_start3A_116 : memref<1x100000xf32, #tpu.memory_space<hbm>> -> memref<100000xf32, #tpu.memory_space<hbm>>
      tpu.enqueue_dma source(%arg7 : memref<100000xf32, #tpu.memory_space<vmem>>) target(%dma_start3A_117 : memref<100000xf32, #tpu.memory_space<hbm>>) target_semaphore(%run_scoped3A : memref<!tpu.dma_semaphore, #tpu.memory_space<semaphore_mem>>)
      %dma_wait3A = arith.constant 0 : i32
      %dma_wait3A_118 = tpu.memref_slice %arg4[%add3A_89, %dma_wait3A] : memref<224x100000xf32, #tpu.memory_space<hbm>> -> memref<1x100000xf32, #tpu.memory_space<hbm>>
      %dma_wait3A_119 = tpu.memref_squeeze %dma_wait3A_118 : memref<1x100000xf32, #tpu.memory_space<hbm>> -> memref<100000xf32, #tpu.memory_space<hbm>>
      %dma_wait3A_120 = arith.constant 0 : i32
      %dma_wait3A_121 = tpu.memref_slice %arg4[%add3A_89, %dma_wait3A_120] : memref<224x100000xf32, #tpu.memory_space<hbm>> -> memref<1x100000xf32, #tpu.memory_space<hbm>>
      %dma_wait3A_122 = tpu.memref_squeeze %dma_wait3A_121 : memref<1x100000xf32, #tpu.memory_space<hbm>> -> memref<100000xf32, #tpu.memory_space<hbm>>
      tpu.wait_dma2 semaphore(%run_scoped3A : memref<!tpu.dma_semaphore, #tpu.memory_space<semaphore_mem>>) src(%arg7 : memref<100000xf32, #tpu.memory_space<vmem>>) dst(%dma_wait3A_122 : memref<100000xf32, #tpu.memory_space<hbm>>)
      tpu.yield
    }) : () -> ()
    %scan3A_97 = arith.constant 0 : i32
    %scan3A_98 = arith.constant 0 : i32
    %scan3A_99 = arith.constant 25 : i32
    %scan3A_100 = arith.addi %scan3A_98, %scan3A_99 : i32
    %scan3A_101 = arith.constant 1 : i32
    %scan3A_102 = scf.for %scan3A_113 = %scan3A_98 to %scan3A_100 step %scan3A_101 iter_args(%scan3A_114 = %scan3A_97) -> (i32)  : i32 {
      %mul3A_115 = arith.constant 16 : i32
      %mul3A_116 = arith.muli %scan3A_113, %mul3A_115 : i32
      %get3A = arith.index_cast %mul3A_116 : i32 to index
      %get3A_117 = tpu.vector_load %arg5[%get3A] {strides = array<i32>} : memref<400xi32, #tpu.memory_space<vmem>>, vector<16xi32>,
      tpu.vector_store_idx %arg7[%get3A_117], %broadcast_in_dim3A_7 : memref<100000xf32, #tpu.memory_space<vmem>>[vector<16xi32>], vector<16xf32>,
      %scan3A_118 = arith.constant 0 : i32
      scf.yield %scan3A_118 : i32
    }
    %scan3A_103 = arith.constant 25 : i32
    %add3A_104 = arith.constant 192 : i32
    %add3A_105 = arith.addi %add3A_104, %add3A : i32
    "tpu.region"() ({
      %run_scoped3A = tpu.sem_alloc : memref<!tpu.dma_semaphore, #tpu.memory_space<semaphore_mem>>
      %dma_start3A = arith.constant 0 : i32
      %dma_start3A_113 = tpu.memref_slice %arg3[%add3A_105, %dma_start3A] : memref<224x400xf32, #tpu.memory_space<hbm>> -> memref<1x400xf32, #tpu.memory_space<hbm>>
      %dma_start3A_114 = tpu.memref_squeeze %dma_start3A_113 : memref<1x400xf32, #tpu.memory_space<hbm>> -> memref<400xf32, #tpu.memory_space<hbm>>
      %dma_start3A_115 = arith.constant 0 : i32
      %dma_start3A_116 = tpu.memref_slice %arg3[%add3A_105, %dma_start3A_115] : memref<224x400xf32, #tpu.memory_space<hbm>> -> memref<1x400xf32, #tpu.memory_space<hbm>>
      %dma_start3A_117 = tpu.memref_squeeze %dma_start3A_116 : memref<1x400xf32, #tpu.memory_space<hbm>> -> memref<400xf32, #tpu.memory_space<hbm>>
      tpu.enqueue_dma source(%dma_start3A_117 : memref<400xf32, #tpu.memory_space<hbm>>) target(%arg6 : memref<400xf32, #tpu.memory_space<vmem>>) target_semaphore(%run_scoped3A : memref<!tpu.dma_semaphore, #tpu.memory_space<semaphore_mem>>)
      %dma_wait3A = arith.constant 0 : i32
      %dma_wait3A_118 = tpu.memref_slice %arg3[%add3A_105, %dma_wait3A] : memref<224x400xf32, #tpu.memory_space<hbm>> -> memref<1x400xf32, #tpu.memory_space<hbm>>
      %dma_wait3A_119 = tpu.memref_squeeze %dma_wait3A_118 : memref<1x400xf32, #tpu.memory_space<hbm>> -> memref<400xf32, #tpu.memory_space<hbm>>
      %dma_wait3A_120 = arith.constant 0 : i32
      %dma_wait3A_121 = tpu.memref_slice %arg3[%add3A_105, %dma_wait3A_120] : memref<224x400xf32, #tpu.memory_space<hbm>> -> memref<1x400xf32, #tpu.memory_space<hbm>>
      %dma_wait3A_122 = tpu.memref_squeeze %dma_wait3A_121 : memref<1x400xf32, #tpu.memory_space<hbm>> -> memref<400xf32, #tpu.memory_space<hbm>>
      tpu.wait_dma2 semaphore(%run_scoped3A : memref<!tpu.dma_semaphore, #tpu.memory_space<semaphore_mem>>) src(%dma_wait3A_122 : memref<400xf32, #tpu.memory_space<hbm>>) dst(%arg6 : memref<400xf32, #tpu.memory_space<vmem>>)
      tpu.yield
    }) : () -> ()
    %scan3A_106 = arith.constant 0 : i32
    %scan3A_107 = arith.constant 0 : i32
    %scan3A_108 = arith.constant 25 : i32
    %scan3A_109 = arith.addi %scan3A_107, %scan3A_108 : i32
    %scan3A_110 = arith.constant 1 : i32
    %scan3A_111 = scf.for %scan3A_113 = %scan3A_107 to %scan3A_109 step %scan3A_110 iter_args(%scan3A_114 = %scan3A_106) -> (i32)  : i32 {
      %mul3A_115 = arith.constant 16 : i32
      %mul3A_116 = arith.muli %scan3A_113, %mul3A_115 : i32
      %get3A = arith.index_cast %mul3A_116 : i32 to index
      %get3A_117 = tpu.vector_load %arg5[%get3A] {strides = array<i32>} : memref<400xi32, #tpu.memory_space<vmem>>, vector<16xi32>,
      %mul3A_118 = arith.constant 16 : i32
      %mul3A_119 = arith.muli %scan3A_113, %mul3A_118 : i32
      %get3A_120 = arith.index_cast %mul3A_119 : i32 to index
      %get3A_121 = tpu.vector_load %arg6[%get3A_120] {strides = array<i32>} : memref<400xf32, #tpu.memory_space<vmem>>, vector<16xf32>,
      tpu.vector_store_idx %arg7[%get3A_117], %get3A_121 {add = true} : memref<100000xf32, #tpu.memory_space<vmem>>[vector<16xi32>], vector<16xf32>,
      %scan3A_122 = arith.constant 0 : i32
      scf.yield %scan3A_122 : i32
    }
    %scan3A_112 = arith.constant 25 : i32
    "tpu.region"() ({
      %run_scoped3A = tpu.sem_alloc : memref<!tpu.dma_semaphore, #tpu.memory_space<semaphore_mem>>
      %dma_start3A = arith.constant 0 : i32
      %dma_start3A_113 = tpu.memref_slice %arg4[%add3A_105, %dma_start3A] : memref<224x100000xf32, #tpu.memory_space<hbm>> -> memref<1x100000xf32, #tpu.memory_space<hbm>>
      %dma_start3A_114 = tpu.memref_squeeze %dma_start3A_113 : memref<1x100000xf32, #tpu.memory_space<hbm>> -> memref<100000xf32, #tpu.memory_space<hbm>>
      %dma_start3A_115 = arith.constant 0 : i32
      %dma_start3A_116 = tpu.memref_slice %arg4[%add3A_105, %dma_start3A_115] : memref<224x100000xf32, #tpu.memory_space<hbm>> -> memref<1x100000xf32, #tpu.memory_space<hbm>>
      %dma_start3A_117 = tpu.memref_squeeze %dma_start3A_116 : memref<1x100000xf32, #tpu.memory_space<hbm>> -> memref<100000xf32, #tpu.memory_space<hbm>>
      tpu.enqueue_dma source(%arg7 : memref<100000xf32, #tpu.memory_space<vmem>>) target(%dma_start3A_117 : memref<100000xf32, #tpu.memory_space<hbm>>) target_semaphore(%run_scoped3A : memref<!tpu.dma_semaphore, #tpu.memory_space<semaphore_mem>>)
      %dma_wait3A = arith.constant 0 : i32
      %dma_wait3A_118 = tpu.memref_slice %arg4[%add3A_105, %dma_wait3A] : memref<224x100000xf32, #tpu.memory_space<hbm>> -> memref<1x100000xf32, #tpu.memory_space<hbm>>
      %dma_wait3A_119 = tpu.memref_squeeze %dma_wait3A_118 : memref<1x100000xf32, #tpu.memory_space<hbm>> -> memref<100000xf32, #tpu.memory_space<hbm>>
      %dma_wait3A_120 = arith.constant 0 : i32
      %dma_wait3A_121 = tpu.memref_slice %arg4[%add3A_105, %dma_wait3A_120] : memref<224x100000xf32, #tpu.memory_space<hbm>> -> memref<1x100000xf32, #tpu.memory_space<hbm>>
      %dma_wait3A_122 = tpu.memref_squeeze %dma_wait3A_121 : memref<1x100000xf32, #tpu.memory_space<hbm>> -> memref<100000xf32, #tpu.memory_space<hbm>>
      tpu.wait_dma2 semaphore(%run_scoped3A : memref<!tpu.dma_semaphore, #tpu.memory_space<semaphore_mem>>) src(%arg7 : memref<100000xf32, #tpu.memory_space<vmem>>) dst(%dma_wait3A_122 : memref<100000xf32, #tpu.memory_space<hbm>>)
      tpu.yield
    }) : () -> ()
    return
  }
}

module attributes {stable_mosaic.version = 14 : i64} {
  func.func @_enc_body(%arg0: i32, %arg1: memref<25x32x128xf32, #tpu.memory_space<vmem>>, %arg2: memref<25x32x128xf32, #tpu.memory_space<vmem>>, %arg3: memref<128x1024xbf16, #tpu.memory_space<vmem>>, %arg4: memref<256x1024xbf16, #tpu.memory_space<vmem>>, %arg5: memref<1x1024xf32, #tpu.memory_space<vmem>>, %arg6: memref<128x1024xbf16, #tpu.memory_space<vmem>>, %arg7: memref<256x1024xbf16, #tpu.memory_space<vmem>>, %arg8: memref<1x1024xf32, #tpu.memory_space<vmem>>, %arg9: memref<25x32x256xbf16, #tpu.memory_space<vmem>>, %arg10: memref<25x32x256xbf16, #tpu.memory_space<vmem>>, %arg11: memref<32x256xf32, #tpu.memory_space<vmem>>, %arg12: memref<32x256xf32, #tpu.memory_space<vmem>>, %arg13: memref<32x256xf32, #tpu.memory_space<vmem>>, %arg14: memref<32x256xf32, #tpu.memory_space<vmem>>) attributes {dimension_semantics = [#tpu.dimension_semantics<arbitrary>], iteration_bounds = array<i64: 16>, scalar_prefetch = 0 : i64, scratch_operands = 4 : i64, tpu.core_type = #tpu.core_type<tc>, window_params = [{transform_indices = @transform_0, window_bounds = array<i64: 25, 32, 128>}, {transform_indices = @transform_1, window_bounds = array<i64: 25, 32, 128>}, {pipeline_mode = #tpu.pipeline_mode<synchronous>, transform_indices = @transform_2, window_bounds = array<i64: 128, 1024>}, {pipeline_mode = #tpu.pipeline_mode<synchronous>, transform_indices = @transform_3, window_bounds = array<i64: 256, 1024>}, {pipeline_mode = #tpu.pipeline_mode<synchronous>, transform_indices = @transform_4, window_bounds = array<i64: 1, 1024>}, {pipeline_mode = #tpu.pipeline_mode<synchronous>, transform_indices = @transform_5, window_bounds = array<i64: 128, 1024>}, {pipeline_mode = #tpu.pipeline_mode<synchronous>, transform_indices = @transform_6, window_bounds = array<i64: 256, 1024>}, {pipeline_mode = #tpu.pipeline_mode<synchronous>, transform_indices = @transform_7, window_bounds = array<i64: 1, 1024>}, {transform_indices = @transform_8, window_bounds = array<i64: 25, 32, 256>}, {transform_indices = @transform_9, window_bounds = array<i64: 25, 32, 256>}]} {
    %eq3A = arith.constant 0 : i32
    %eq3A_0 = arith.cmpi eq, %arg0, %eq3A : i32
    %convert_element_type3A = arith.extui %eq3A_0 : i1 to i32
    %cond3A = arith.constant 0 : i32
    %cond3A_1 = arith.cmpi ne, %convert_element_type3A, %cond3A : i32
    scf.if %cond3A_1 {
      %broadcast_in_dim3A = arith.constant 0.000000e+00 : f32
      %broadcast_in_dim3A_1958 = vector.broadcast %broadcast_in_dim3A : f32 to vector<32x256xf32>
      %swap3A_1959 = arith.constant 0 : index
      %swap3A_1960 = arith.constant 0 : index
      %swap3A_1961 = vector.load %arg11[%swap3A_1959, %swap3A_1960] : memref<32x256xf32, #tpu.memory_space<vmem>>, vector<32x256xf32>
      tpu.vector_store %arg11[%swap3A_1959, %swap3A_1960], %broadcast_in_dim3A_1958 {strides = array<i32>} : memref<32x256xf32, #tpu.memory_space<vmem>>, vector<32x256xf32>,
      %swap3A_1962 = arith.constant 0 : index
      %swap3A_1963 = arith.constant 0 : index
      %swap3A_1964 = vector.load %arg12[%swap3A_1962, %swap3A_1963] : memref<32x256xf32, #tpu.memory_space<vmem>>, vector<32x256xf32>
      tpu.vector_store %arg12[%swap3A_1962, %swap3A_1963], %broadcast_in_dim3A_1958 {strides = array<i32>} : memref<32x256xf32, #tpu.memory_space<vmem>>, vector<32x256xf32>,
      %swap3A_1965 = arith.constant 0 : index
      %swap3A_1966 = arith.constant 0 : index
      %swap3A_1967 = vector.load %arg13[%swap3A_1965, %swap3A_1966] : memref<32x256xf32, #tpu.memory_space<vmem>>, vector<32x256xf32>
      tpu.vector_store %arg13[%swap3A_1965, %swap3A_1966], %broadcast_in_dim3A_1958 {strides = array<i32>} : memref<32x256xf32, #tpu.memory_space<vmem>>, vector<32x256xf32>,
      %swap3A_1968 = arith.constant 0 : index
      %swap3A_1969 = arith.constant 0 : index
      %swap3A_1970 = vector.load %arg14[%swap3A_1968, %swap3A_1969] : memref<32x256xf32, #tpu.memory_space<vmem>>, vector<32x256xf32>
      tpu.vector_store %arg14[%swap3A_1968, %swap3A_1969], %broadcast_in_dim3A_1958 {strides = array<i32>} : memref<32x256xf32, #tpu.memory_space<vmem>>, vector<32x256xf32>,
    } else {
    }
    %get3A = arith.constant 0 : index
    %get3A_2 = arith.constant 0 : index
    %get3A_3 = arith.constant 0 : index
    %get3A_4 = vector.load %arg1[%get3A, %get3A_2, %get3A_3] : memref<25x32x128xf32, #tpu.memory_space<vmem>>, vector<25x32x128xf32>
    %reshape3A = vector.shape_cast %get3A_4 : vector<25x32x128xf32> to vector<800x128xf32>
    %convert_element_type3A_5 = arith.truncf %reshape3A : vector<800x128xf32> to vector<800x128xbf16>
    %get3A_6 = arith.constant 0 : index
    %get3A_7 = arith.constant 0 : index
    %get3A_8 = vector.load %arg3[%get3A_6, %get3A_7] : memref<128x1024xbf16, #tpu.memory_space<vmem>>, vector<128x1024xbf16>
    %dot_general3A = arith.constant dense<0.000000e+00> : vector<800x1024xf32>
    %dot_general3A_9 = tpu.matmul %convert_element_type3A_5, %get3A_8, %dot_general3A {dimension_numbers = #tpu.dot_dimension_numbers<[1], [0], [0], [1], [0, 0, 1, 1], [], []>, transpose_lhs_hint = false} : vector<800x128xbf16>, vector<128x1024xbf16>, vector<800x1024xf32> -> vector<800x1024xf32>
    %get3A_10 = arith.constant 0 : index
    %get3A_11 = arith.constant 0 : index
    %get3A_12 = vector.load %arg5[%get3A_10, %get3A_11] : memref<1x1024xf32, #tpu.memory_space<vmem>>, vector<1x1024xf32>
    %add3A = vector.broadcast %get3A_12 : vector<1x1024xf32> to vector<800x1024xf32>
    %add3A_13 = arith.addf %dot_general3A_9, %add3A : vector<800x1024xf32>
    %get3A_14 = arith.constant 0 : index
    %get3A_15 = arith.constant 0 : index
    %get3A_16 = arith.constant 0 : index
    %get3A_17 = vector.load %arg2[%get3A_14, %get3A_15, %get3A_16] : memref<25x32x128xf32, #tpu.memory_space<vmem>>, vector<25x32x128xf32>
    %reshape3A_18 = vector.shape_cast %get3A_17 : vector<25x32x128xf32> to vector<800x128xf32>
    %convert_element_type3A_19 = arith.truncf %reshape3A_18 : vector<800x128xf32> to vector<800x128xbf16>
    %get3A_20 = arith.constant 0 : index
    %get3A_21 = arith.constant 0 : index
    %get3A_22 = vector.load %arg6[%get3A_20, %get3A_21] : memref<128x1024xbf16, #tpu.memory_space<vmem>>, vector<128x1024xbf16>
    %dot_general3A_23 = arith.constant dense<0.000000e+00> : vector<800x1024xf32>
    %dot_general3A_24 = tpu.matmul %convert_element_type3A_19, %get3A_22, %dot_general3A_23 {dimension_numbers = #tpu.dot_dimension_numbers<[1], [0], [0], [1], [0, 0, 1, 1], [], []>, transpose_lhs_hint = false} : vector<800x128xbf16>, vector<128x1024xbf16>, vector<800x1024xf32> -> vector<800x1024xf32>
    %get3A_25 = arith.constant 0 : index
    %get3A_26 = arith.constant 0 : index
    %get3A_27 = vector.load %arg8[%get3A_25, %get3A_26] : memref<1x1024xf32, #tpu.memory_space<vmem>>, vector<1x1024xf32>
    %add3A_28 = vector.broadcast %get3A_27 : vector<1x1024xf32> to vector<800x1024xf32>
    %add3A_29 = arith.addf %dot_general3A_24, %add3A_28 : vector<800x1024xf32>
    %get3A_30 = arith.constant 0 : index
    %get3A_31 = arith.constant 0 : index
    %get3A_32 = vector.load %arg11[%get3A_30, %get3A_31] : memref<32x256xf32, #tpu.memory_space<vmem>>, vector<32x256xf32>
    %get3A_33 = arith.constant 0 : index
    %get3A_34 = arith.constant 0 : index
    %get3A_35 = vector.load %arg12[%get3A_33, %get3A_34] : memref<32x256xf32, #tpu.memory_space<vmem>>, vector<32x256xf32>
    %get3A_36 = arith.constant 0 : index
    %get3A_37 = arith.constant 0 : index
    %get3A_38 = vector.load %arg13[%get3A_36, %get3A_37] : memref<32x256xf32, #tpu.memory_space<vmem>>, vector<32x256xf32>
    %get3A_39 = arith.constant 0 : index
    %get3A_40 = arith.constant 0 : index
    %get3A_41 = vector.load %arg14[%get3A_39, %get3A_40] : memref<32x256xf32, #tpu.memory_space<vmem>>, vector<32x256xf32>
    %slice3A = vector.extract_strided_slice %add3A_13 {offsets = [0, 0], sizes = [32, 1024], strides = [1, 1]} : vector<800x1024xf32> to vector<32x1024xf32>
    %convert_element_type3A_42 = arith.truncf %get3A_32 : vector<32x256xf32> to vector<32x256xbf16>
    %get3A_43 = arith.constant 0 : index
    %get3A_44 = arith.constant 0 : index
    %get3A_45 = vector.load %arg4[%get3A_43, %get3A_44] : memref<256x1024xbf16, #tpu.memory_space<vmem>>, vector<256x1024xbf16>
    %dot_general3A_46 = arith.constant dense<0.000000e+00> : vector<32x1024xf32>
    %dot_general3A_47 = tpu.matmul %convert_element_type3A_42, %get3A_45, %dot_general3A_46 {dimension_numbers = #tpu.dot_dimension_numbers<[1], [0], [0], [1], [0, 0, 1, 1], [], []>, transpose_lhs_hint = false} : vector<32x256xbf16>, vector<256x1024xbf16>, vector<32x1024xf32> -> vector<32x1024xf32>
    %add3A_48 = arith.addf %slice3A, %dot_general3A_47 : vector<32x1024xf32>
    %slice3A_49 = vector.extract_strided_slice %add3A_48 {offsets = [0, 0], sizes = [32, 256], strides = [1, 1]} : vector<32x1024xf32> to vector<32x256xf32>
    %logistic3A = arith.negf %slice3A_49 : vector<32x256xf32>
    %logistic3A_50 = math.exp %logistic3A : vector<32x256xf32>
    %logistic3A_51 = arith.constant 1.000000e+00 : f32
    %logistic3A_52 = vector.broadcast %logistic3A_51 : f32 to vector<32x256xf32>
    %logistic3A_53 = arith.addf %logistic3A_52, %logistic3A_50 : vector<32x256xf32>
    %logistic3A_54 = arith.divf %logistic3A_52, %logistic3A_53 : vector<32x256xf32>
    %slice3A_55 = vector.extract_strided_slice %add3A_48 {offsets = [0, 256], sizes = [32, 256], strides = [1, 1]} : vector<32x1024xf32> to vector<32x256xf32>
    %logistic3A_56 = arith.negf %slice3A_55 : vector<32x256xf32>
    %logistic3A_57 = math.exp %logistic3A_56 : vector<32x256xf32>
    %logistic3A_58 = arith.constant 1.000000e+00 : f32
    %logistic3A_59 = vector.broadcast %logistic3A_58 : f32 to vector<32x256xf32>
    %logistic3A_60 = arith.addf %logistic3A_59, %logistic3A_57 : vector<32x256xf32>
    %logistic3A_61 = arith.divf %logistic3A_59, %logistic3A_60 : vector<32x256xf32>
    %slice3A_62 = vector.extract_strided_slice %add3A_48 {offsets = [0, 512], sizes = [32, 256], strides = [1, 1]} : vector<32x1024xf32> to vector<32x256xf32>
    %tanh3A = math.tanh %slice3A_62 : vector<32x256xf32>
    %slice3A_63 = vector.extract_strided_slice %add3A_48 {offsets = [0, 768], sizes = [32, 256], strides = [1, 1]} : vector<32x1024xf32> to vector<32x256xf32>
    %logistic3A_64 = arith.negf %slice3A_63 : vector<32x256xf32>
    %logistic3A_65 = math.exp %logistic3A_64 : vector<32x256xf32>
    %logistic3A_66 = arith.constant 1.000000e+00 : f32
    %logistic3A_67 = vector.broadcast %logistic3A_66 : f32 to vector<32x256xf32>
    %logistic3A_68 = arith.addf %logistic3A_67, %logistic3A_65 : vector<32x256xf32>
    %logistic3A_69 = arith.divf %logistic3A_67, %logistic3A_68 : vector<32x256xf32>
    %mul3A = arith.mulf %logistic3A_61, %get3A_35 : vector<32x256xf32>
    %mul3A_70 = arith.mulf %logistic3A_54, %tanh3A : vector<32x256xf32>
    %add3A_71 = arith.addf %mul3A, %mul3A_70 : vector<32x256xf32>
    %tanh3A_72 = math.tanh %add3A_71 : vector<32x256xf32>
    %mul3A_73 = arith.mulf %logistic3A_69, %tanh3A_72 : vector<32x256xf32>
    %convert_element_type3A_74 = arith.truncf %mul3A_73 : vector<32x256xf32> to vector<32x256xbf16>
    %slice3A_75 = vector.extract_strided_slice %add3A_29 {offsets = [768, 0], sizes = [32, 1024], strides = [1, 1]} : vector<800x1024xf32> to vector<32x1024xf32>
    %convert_element_type3A_76 = arith.truncf %get3A_38 : vector<32x256xf32> to vector<32x256xbf16>
    %get3A_77 = arith.constant 0 : index
    %get3A_78 = arith.constant 0 : index
    %get3A_79 = vector.load %arg7[%get3A_77, %get3A_78] : memref<256x1024xbf16, #tpu.memory_space<vmem>>, vector<256x1024xbf16>
    %dot_general3A_80 = arith.constant dense<0.000000e+00> : vector<32x1024xf32>
    %dot_general3A_81 = tpu.matmul %convert_element_type3A_76, %get3A_79, %dot_general3A_80 {dimension_numbers = #tpu.dot_dimension_numbers<[1], [0], [0], [1], [0, 0, 1, 1], [], []>, transpose_lhs_hint = false} : vector<32x256xbf16>, vector<256x1024xbf16>, vector<32x1024xf32> -> vector<32x1024xf32>
    %add3A_82 = arith.addf %slice3A_75, %dot_general3A_81 : vector<32x1024xf32>
    %slice3A_83 = vector.extract_strided_slice %add3A_82 {offsets = [0, 0], sizes = [32, 256], strides = [1, 1]} : vector<32x1024xf32> to vector<32x256xf32>
    %logistic3A_84 = arith.negf %slice3A_83 : vector<32x256xf32>
    %logistic3A_85 = math.exp %logistic3A_84 : vector<32x256xf32>
    %logistic3A_86 = arith.constant 1.000000e+00 : f32
    %logistic3A_87 = vector.broadcast %logistic3A_86 : f32 to vector<32x256xf32>
    %logistic3A_88 = arith.addf %logistic3A_87, %logistic3A_85 : vector<32x256xf32>
    %logistic3A_89 = arith.divf %logistic3A_87, %logistic3A_88 : vector<32x256xf32>
    %slice3A_90 = vector.extract_strided_slice %add3A_82 {offsets = [0, 256], sizes = [32, 256], strides = [1, 1]} : vector<32x1024xf32> to vector<32x256xf32>
    %logistic3A_91 = arith.negf %slice3A_90 : vector<32x256xf32>
    %logistic3A_92 = math.exp %logistic3A_91 : vector<32x256xf32>
    %logistic3A_93 = arith.constant 1.000000e+00 : f32
    %logistic3A_94 = vector.broadcast %logistic3A_93 : f32 to vector<32x256xf32>
    %logistic3A_95 = arith.addf %logistic3A_94, %logistic3A_92 : vector<32x256xf32>
    %logistic3A_96 = arith.divf %logistic3A_94, %logistic3A_95 : vector<32x256xf32>
    %slice3A_97 = vector.extract_strided_slice %add3A_82 {offsets = [0, 512], sizes = [32, 256], strides = [1, 1]} : vector<32x1024xf32> to vector<32x256xf32>
    %tanh3A_98 = math.tanh %slice3A_97 : vector<32x256xf32>
    %slice3A_99 = vector.extract_strided_slice %add3A_82 {offsets = [0, 768], sizes = [32, 256], strides = [1, 1]} : vector<32x1024xf32> to vector<32x256xf32>
    %logistic3A_100 = arith.negf %slice3A_99 : vector<32x256xf32>
    %logistic3A_101 = math.exp %logistic3A_100 : vector<32x256xf32>
    %logistic3A_102 = arith.constant 1.000000e+00 : f32
    %logistic3A_103 = vector.broadcast %logistic3A_102 : f32 to vector<32x256xf32>
    %logistic3A_104 = arith.addf %logistic3A_103, %logistic3A_101 : vector<32x256xf32>
    %logistic3A_105 = arith.divf %logistic3A_103, %logistic3A_104 : vector<32x256xf32>
    %mul3A_106 = arith.mulf %logistic3A_96, %get3A_41 : vector<32x256xf32>
    %mul3A_107 = arith.mulf %logistic3A_89, %tanh3A_98 : vector<32x256xf32>
    %add3A_108 = arith.addf %mul3A_106, %mul3A_107 : vector<32x256xf32>
    %tanh3A_109 = math.tanh %add3A_108 : vector<32x256xf32>
    %mul3A_110 = arith.mulf %logistic3A_105, %tanh3A_109 : vector<32x256xf32>
    %convert_element_type3A_111 = arith.truncf %mul3A_110 : vector<32x256xf32> to vector<32x256xbf16>
    %slice3A_112 = vector.extract_strided_slice %add3A_13 {offsets = [32, 0], sizes = [32, 1024], strides = [1, 1]} : vector<800x1024xf32> to vector<32x1024xf32>
    %convert_element_type3A_113 = arith.truncf %mul3A_73 : vector<32x256xf32> to vector<32x256xbf16>
    %get3A_114 = arith.constant 0 : index
    %get3A_115 = arith.constant 0 : index
    %get3A_116 = vector.load %arg4[%get3A_114, %get3A_115] : memref<256x1024xbf16, #tpu.memory_space<vmem>>, vector<256x1024xbf16>
    %dot_general3A_117 = arith.constant dense<0.000000e+00> : vector<32x1024xf32>
    %dot_general3A_118 = tpu.matmul %convert_element_type3A_113, %get3A_116, %dot_general3A_117 {dimension_numbers = #tpu.dot_dimension_numbers<[1], [0], [0], [1], [0, 0, 1, 1], [], []>, transpose_lhs_hint = false} : vector<32x256xbf16>, vector<256x1024xbf16>, vector<32x1024xf32> -> vector<32x1024xf32>
    %add3A_119 = arith.addf %slice3A_112, %dot_general3A_118 : vector<32x1024xf32>
    %slice3A_120 = vector.extract_strided_slice %add3A_119 {offsets = [0, 0], sizes = [32, 256], strides = [1, 1]} : vector<32x1024xf32> to vector<32x256xf32>
    %logistic3A_121 = arith.negf %slice3A_120 : vector<32x256xf32>
    %logistic3A_122 = math.exp %logistic3A_121 : vector<32x256xf32>
    %logistic3A_123 = arith.constant 1.000000e+00 : f32
    %logistic3A_124 = vector.broadcast %logistic3A_123 : f32 to vector<32x256xf32>
    %logistic3A_125 = arith.addf %logistic3A_124, %logistic3A_122 : vector<32x256xf32>
    %logistic3A_126 = arith.divf %logistic3A_124, %logistic3A_125 : vector<32x256xf32>
    %slice3A_127 = vector.extract_strided_slice %add3A_119 {offsets = [0, 256], sizes = [32, 256], strides = [1, 1]} : vector<32x1024xf32> to vector<32x256xf32>
    %logistic3A_128 = arith.negf %slice3A_127 : vector<32x256xf32>
    %logistic3A_129 = math.exp %logistic3A_128 : vector<32x256xf32>
    %logistic3A_130 = arith.constant 1.000000e+00 : f32
    %logistic3A_131 = vector.broadcast %logistic3A_130 : f32 to vector<32x256xf32>
    %logistic3A_132 = arith.addf %logistic3A_131, %logistic3A_129 : vector<32x256xf32>
    %logistic3A_133 = arith.divf %logistic3A_131, %logistic3A_132 : vector<32x256xf32>
    %slice3A_134 = vector.extract_strided_slice %add3A_119 {offsets = [0, 512], sizes = [32, 256], strides = [1, 1]} : vector<32x1024xf32> to vector<32x256xf32>
    %tanh3A_135 = math.tanh %slice3A_134 : vector<32x256xf32>
    %slice3A_136 = vector.extract_strided_slice %add3A_119 {offsets = [0, 768], sizes = [32, 256], strides = [1, 1]} : vector<32x1024xf32> to vector<32x256xf32>
    %logistic3A_137 = arith.negf %slice3A_136 : vector<32x256xf32>
    %logistic3A_138 = math.exp %logistic3A_137 : vector<32x256xf32>
    %logistic3A_139 = arith.constant 1.000000e+00 : f32
    %logistic3A_140 = vector.broadcast %logistic3A_139 : f32 to vector<32x256xf32>
    %logistic3A_141 = arith.addf %logistic3A_140, %logistic3A_138 : vector<32x256xf32>
    %logistic3A_142 = arith.divf %logistic3A_140, %logistic3A_141 : vector<32x256xf32>
    %mul3A_143 = arith.mulf %logistic3A_133, %add3A_71 : vector<32x256xf32>
    %mul3A_144 = arith.mulf %logistic3A_126, %tanh3A_135 : vector<32x256xf32>
    %add3A_145 = arith.addf %mul3A_143, %mul3A_144 : vector<32x256xf32>
    %tanh3A_146 = math.tanh %add3A_145 : vector<32x256xf32>
    %mul3A_147 = arith.mulf %logistic3A_142, %tanh3A_146 : vector<32x256xf32>
    %convert_element_type3A_148 = arith.truncf %mul3A_147 : vector<32x256xf32> to vector<32x256xbf16>
    %slice3A_149 = vector.extract_strided_slice %add3A_29 {offsets = [736, 0], sizes = [32, 1024], strides = [1, 1]} : vector<800x1024xf32> to vector<32x1024xf32>
    %convert_element_type3A_150 = arith.truncf %mul3A_110 : vector<32x256xf32> to vector<32x256xbf16>
    %get3A_151 = arith.constant 0 : index
    %get3A_152 = arith.constant 0 : index
    %get3A_153 = vector.load %arg7[%get3A_151, %get3A_152] : memref<256x1024xbf16, #tpu.memory_space<vmem>>, vector<256x1024xbf16>
    %dot_general3A_154 = arith.constant dense<0.000000e+00> : vector<32x1024xf32>
    %dot_general3A_155 = tpu.matmul %convert_element_type3A_150, %get3A_153, %dot_general3A_154 {dimension_numbers = #tpu.dot_dimension_numbers<[1], [0], [0], [1], [0, 0, 1, 1], [], []>, transpose_lhs_hint = false} : vector<32x256xbf16>, vector<256x1024xbf16>, vector<32x1024xf32> -> vector<32x1024xf32>
    %add3A_156 = arith.addf %slice3A_149, %dot_general3A_155 : vector<32x1024xf32>
    %slice3A_157 = vector.extract_strided_slice %add3A_156 {offsets = [0, 0], sizes = [32, 256], strides = [1, 1]} : vector<32x1024xf32> to vector<32x256xf32>
    %logistic3A_158 = arith.negf %slice3A_157 : vector<32x256xf32>
    %logistic3A_159 = math.exp %logistic3A_158 : vector<32x256xf32>
    %logistic3A_160 = arith.constant 1.000000e+00 : f32
    %logistic3A_161 = vector.broadcast %logistic3A_160 : f32 to vector<32x256xf32>
    %logistic3A_162 = arith.addf %logistic3A_161, %logistic3A_159 : vector<32x256xf32>
    %logistic3A_163 = arith.divf %logistic3A_161, %logistic3A_162 : vector<32x256xf32>
    %slice3A_164 = vector.extract_strided_slice %add3A_156 {offsets = [0, 256], sizes = [32, 256], strides = [1, 1]} : vector<32x1024xf32> to vector<32x256xf32>
    %logistic3A_165 = arith.negf %slice3A_164 : vector<32x256xf32>
    %logistic3A_166 = math.exp %logistic3A_165 : vector<32x256xf32>
    %logistic3A_167 = arith.constant 1.000000e+00 : f32
    %logistic3A_168 = vector.broadcast %logistic3A_167 : f32 to vector<32x256xf32>
    %logistic3A_169 = arith.addf %logistic3A_168, %logistic3A_166 : vector<32x256xf32>
    %logistic3A_170 = arith.divf %logistic3A_168, %logistic3A_169 : vector<32x256xf32>
    %slice3A_171 = vector.extract_strided_slice %add3A_156 {offsets = [0, 512], sizes = [32, 256], strides = [1, 1]} : vector<32x1024xf32> to vector<32x256xf32>
    %tanh3A_172 = math.tanh %slice3A_171 : vector<32x256xf32>
    %slice3A_173 = vector.extract_strided_slice %add3A_156 {offsets = [0, 768], sizes = [32, 256], strides = [1, 1]} : vector<32x1024xf32> to vector<32x256xf32>
    %logistic3A_174 = arith.negf %slice3A_173 : vector<32x256xf32>
    %logistic3A_175 = math.exp %logistic3A_174 : vector<32x256xf32>
    %logistic3A_176 = arith.constant 1.000000e+00 : f32
    %logistic3A_177 = vector.broadcast %logistic3A_176 : f32 to vector<32x256xf32>
    %logistic3A_178 = arith.addf %logistic3A_177, %logistic3A_175 : vector<32x256xf32>
    %logistic3A_179 = arith.divf %logistic3A_177, %logistic3A_178 : vector<32x256xf32>
    %mul3A_180 = arith.mulf %logistic3A_170, %add3A_108 : vector<32x256xf32>
    %mul3A_181 = arith.mulf %logistic3A_163, %tanh3A_172 : vector<32x256xf32>
    %add3A_182 = arith.addf %mul3A_180, %mul3A_181 : vector<32x256xf32>
    %tanh3A_183 = math.tanh %add3A_182 : vector<32x256xf32>
    %mul3A_184 = arith.mulf %logistic3A_179, %tanh3A_183 : vector<32x256xf32>
    %convert_element_type3A_185 = arith.truncf %mul3A_184 : vector<32x256xf32> to vector<32x256xbf16>
    %slice3A_186 = vector.extract_strided_slice %add3A_13 {offsets = [64, 0], sizes = [32, 1024], strides = [1, 1]} : vector<800x1024xf32> to vector<32x1024xf32>
    %convert_element_type3A_187 = arith.truncf %mul3A_147 : vector<32x256xf32> to vector<32x256xbf16>
    %get3A_188 = arith.constant 0 : index
    %get3A_189 = arith.constant 0 : index
    %get3A_190 = vector.load %arg4[%get3A_188, %get3A_189] : memref<256x1024xbf16, #tpu.memory_space<vmem>>, vector<256x1024xbf16>
    %dot_general3A_191 = arith.constant dense<0.000000e+00> : vector<32x1024xf32>
    %dot_general3A_192 = tpu.matmul %convert_element_type3A_187, %get3A_190, %dot_general3A_191 {dimension_numbers = #tpu.dot_dimension_numbers<[1], [0], [0], [1], [0, 0, 1, 1], [], []>, transpose_lhs_hint = false} : vector<32x256xbf16>, vector<256x1024xbf16>, vector<32x1024xf32> -> vector<32x1024xf32>
    %add3A_193 = arith.addf %slice3A_186, %dot_general3A_192 : vector<32x1024xf32>
    %slice3A_194 = vector.extract_strided_slice %add3A_193 {offsets = [0, 0], sizes = [32, 256], strides = [1, 1]} : vector<32x1024xf32> to vector<32x256xf32>
    %logistic3A_195 = arith.negf %slice3A_194 : vector<32x256xf32>
    %logistic3A_196 = math.exp %logistic3A_195 : vector<32x256xf32>
    %logistic3A_197 = arith.constant 1.000000e+00 : f32
    %logistic3A_198 = vector.broadcast %logistic3A_197 : f32 to vector<32x256xf32>
    %logistic3A_199 = arith.addf %logistic3A_198, %logistic3A_196 : vector<32x256xf32>
    %logistic3A_200 = arith.divf %logistic3A_198, %logistic3A_199 : vector<32x256xf32>
    %slice3A_201 = vector.extract_strided_slice %add3A_193 {offsets = [0, 256], sizes = [32, 256], strides = [1, 1]} : vector<32x1024xf32> to vector<32x256xf32>
    %logistic3A_202 = arith.negf %slice3A_201 : vector<32x256xf32>
    %logistic3A_203 = math.exp %logistic3A_202 : vector<32x256xf32>
    %logistic3A_204 = arith.constant 1.000000e+00 : f32
    %logistic3A_205 = vector.broadcast %logistic3A_204 : f32 to vector<32x256xf32>
    %logistic3A_206 = arith.addf %logistic3A_205, %logistic3A_203 : vector<32x256xf32>
    %logistic3A_207 = arith.divf %logistic3A_205, %logistic3A_206 : vector<32x256xf32>
    %slice3A_208 = vector.extract_strided_slice %add3A_193 {offsets = [0, 512], sizes = [32, 256], strides = [1, 1]} : vector<32x1024xf32> to vector<32x256xf32>
    %tanh3A_209 = math.tanh %slice3A_208 : vector<32x256xf32>
    %slice3A_210 = vector.extract_strided_slice %add3A_193 {offsets = [0, 768], sizes = [32, 256], strides = [1, 1]} : vector<32x1024xf32> to vector<32x256xf32>
    %logistic3A_211 = arith.negf %slice3A_210 : vector<32x256xf32>
    %logistic3A_212 = math.exp %logistic3A_211 : vector<32x256xf32>
    %logistic3A_213 = arith.constant 1.000000e+00 : f32
    %logistic3A_214 = vector.broadcast %logistic3A_213 : f32 to vector<32x256xf32>
    %logistic3A_215 = arith.addf %logistic3A_214, %logistic3A_212 : vector<32x256xf32>
    %logistic3A_216 = arith.divf %logistic3A_214, %logistic3A_215 : vector<32x256xf32>
    %mul3A_217 = arith.mulf %logistic3A_207, %add3A_145 : vector<32x256xf32>
    %mul3A_218 = arith.mulf %logistic3A_200, %tanh3A_209 : vector<32x256xf32>
    %add3A_219 = arith.addf %mul3A_217, %mul3A_218 : vector<32x256xf32>
    %tanh3A_220 = math.tanh %add3A_219 : vector<32x256xf32>
    %mul3A_221 = arith.mulf %logistic3A_216, %tanh3A_220 : vector<32x256xf32>
    %convert_element_type3A_222 = arith.truncf %mul3A_221 : vector<32x256xf32> to vector<32x256xbf16>
    %slice3A_223 = vector.extract_strided_slice %add3A_29 {offsets = [704, 0], sizes = [32, 1024], strides = [1, 1]} : vector<800x1024xf32> to vector<32x1024xf32>
    %convert_element_type3A_224 = arith.truncf %mul3A_184 : vector<32x256xf32> to vector<32x256xbf16>
    %get3A_225 = arith.constant 0 : index
    %get3A_226 = arith.constant 0 : index
    %get3A_227 = vector.load %arg7[%get3A_225, %get3A_226] : memref<256x1024xbf16, #tpu.memory_space<vmem>>, vector<256x1024xbf16>
    %dot_general3A_228 = arith.constant dense<0.000000e+00> : vector<32x1024xf32>
    %dot_general3A_229 = tpu.matmul %convert_element_type3A_224, %get3A_227, %dot_general3A_228 {dimension_numbers = #tpu.dot_dimension_numbers<[1], [0], [0], [1], [0, 0, 1, 1], [], []>, transpose_lhs_hint = false} : vector<32x256xbf16>, vector<256x1024xbf16>, vector<32x1024xf32> -> vector<32x1024xf32>
    %add3A_230 = arith.addf %slice3A_223, %dot_general3A_229 : vector<32x1024xf32>
    %slice3A_231 = vector.extract_strided_slice %add3A_230 {offsets = [0, 0], sizes = [32, 256], strides = [1, 1]} : vector<32x1024xf32> to vector<32x256xf32>
    %logistic3A_232 = arith.negf %slice3A_231 : vector<32x256xf32>
    %logistic3A_233 = math.exp %logistic3A_232 : vector<32x256xf32>
    %logistic3A_234 = arith.constant 1.000000e+00 : f32
    %logistic3A_235 = vector.broadcast %logistic3A_234 : f32 to vector<32x256xf32>
    %logistic3A_236 = arith.addf %logistic3A_235, %logistic3A_233 : vector<32x256xf32>
    %logistic3A_237 = arith.divf %logistic3A_235, %logistic3A_236 : vector<32x256xf32>
    %slice3A_238 = vector.extract_strided_slice %add3A_230 {offsets = [0, 256], sizes = [32, 256], strides = [1, 1]} : vector<32x1024xf32> to vector<32x256xf32>
    %logistic3A_239 = arith.negf %slice3A_238 : vector<32x256xf32>
    %logistic3A_240 = math.exp %logistic3A_239 : vector<32x256xf32>
    %logistic3A_241 = arith.constant 1.000000e+00 : f32
    %logistic3A_242 = vector.broadcast %logistic3A_241 : f32 to vector<32x256xf32>
    %logistic3A_243 = arith.addf %logistic3A_242, %logistic3A_240 : vector<32x256xf32>
    %logistic3A_244 = arith.divf %logistic3A_242, %logistic3A_243 : vector<32x256xf32>
    %slice3A_245 = vector.extract_strided_slice %add3A_230 {offsets = [0, 512], sizes = [32, 256], strides = [1, 1]} : vector<32x1024xf32> to vector<32x256xf32>
    %tanh3A_246 = math.tanh %slice3A_245 : vector<32x256xf32>
    %slice3A_247 = vector.extract_strided_slice %add3A_230 {offsets = [0, 768], sizes = [32, 256], strides = [1, 1]} : vector<32x1024xf32> to vector<32x256xf32>
    %logistic3A_248 = arith.negf %slice3A_247 : vector<32x256xf32>
    %logistic3A_249 = math.exp %logistic3A_248 : vector<32x256xf32>
    %logistic3A_250 = arith.constant 1.000000e+00 : f32
    %logistic3A_251 = vector.broadcast %logistic3A_250 : f32 to vector<32x256xf32>
    %logistic3A_252 = arith.addf %logistic3A_251, %logistic3A_249 : vector<32x256xf32>
    %logistic3A_253 = arith.divf %logistic3A_251, %logistic3A_252 : vector<32x256xf32>
    %mul3A_254 = arith.mulf %logistic3A_244, %add3A_182 : vector<32x256xf32>
    %mul3A_255 = arith.mulf %logistic3A_237, %tanh3A_246 : vector<32x256xf32>
    %add3A_256 = arith.addf %mul3A_254, %mul3A_255 : vector<32x256xf32>
    %tanh3A_257 = math.tanh %add3A_256 : vector<32x256xf32>
    %mul3A_258 = arith.mulf %logistic3A_253, %tanh3A_257 : vector<32x256xf32>
    %convert_element_type3A_259 = arith.truncf %mul3A_258 : vector<32x256xf32> to vector<32x256xbf16>
    %slice3A_260 = vector.extract_strided_slice %add3A_13 {offsets = [96, 0], sizes = [32, 1024], strides = [1, 1]} : vector<800x1024xf32> to vector<32x1024xf32>
    %convert_element_type3A_261 = arith.truncf %mul3A_221 : vector<32x256xf32> to vector<32x256xbf16>
    %get3A_262 = arith.constant 0 : index
    %get3A_263 = arith.constant 0 : index
    %get3A_264 = vector.load %arg4[%get3A_262, %get3A_263] : memref<256x1024xbf16, #tpu.memory_space<vmem>>, vector<256x1024xbf16>
    %dot_general3A_265 = arith.constant dense<0.000000e+00> : vector<32x1024xf32>
    %dot_general3A_266 = tpu.matmul %convert_element_type3A_261, %get3A_264, %dot_general3A_265 {dimension_numbers = #tpu.dot_dimension_numbers<[1], [0], [0], [1], [0, 0, 1, 1], [], []>, transpose_lhs_hint = false} : vector<32x256xbf16>, vector<256x1024xbf16>, vector<32x1024xf32> -> vector<32x1024xf32>
    %add3A_267 = arith.addf %slice3A_260, %dot_general3A_266 : vector<32x1024xf32>
    %slice3A_268 = vector.extract_strided_slice %add3A_267 {offsets = [0, 0], sizes = [32, 256], strides = [1, 1]} : vector<32x1024xf32> to vector<32x256xf32>
    %logistic3A_269 = arith.negf %slice3A_268 : vector<32x256xf32>
    %logistic3A_270 = math.exp %logistic3A_269 : vector<32x256xf32>
    %logistic3A_271 = arith.constant 1.000000e+00 : f32
    %logistic3A_272 = vector.broadcast %logistic3A_271 : f32 to vector<32x256xf32>
    %logistic3A_273 = arith.addf %logistic3A_272, %logistic3A_270 : vector<32x256xf32>
    %logistic3A_274 = arith.divf %logistic3A_272, %logistic3A_273 : vector<32x256xf32>
    %slice3A_275 = vector.extract_strided_slice %add3A_267 {offsets = [0, 256], sizes = [32, 256], strides = [1, 1]} : vector<32x1024xf32> to vector<32x256xf32>
    %logistic3A_276 = arith.negf %slice3A_275 : vector<32x256xf32>
    %logistic3A_277 = math.exp %logistic3A_276 : vector<32x256xf32>
    %logistic3A_278 = arith.constant 1.000000e+00 : f32
    %logistic3A_279 = vector.broadcast %logistic3A_278 : f32 to vector<32x256xf32>
    %logistic3A_280 = arith.addf %logistic3A_279, %logistic3A_277 : vector<32x256xf32>
    %logistic3A_281 = arith.divf %logistic3A_279, %logistic3A_280 : vector<32x256xf32>
    %slice3A_282 = vector.extract_strided_slice %add3A_267 {offsets = [0, 512], sizes = [32, 256], strides = [1, 1]} : vector<32x1024xf32> to vector<32x256xf32>
    %tanh3A_283 = math.tanh %slice3A_282 : vector<32x256xf32>
    %slice3A_284 = vector.extract_strided_slice %add3A_267 {offsets = [0, 768], sizes = [32, 256], strides = [1, 1]} : vector<32x1024xf32> to vector<32x256xf32>
    %logistic3A_285 = arith.negf %slice3A_284 : vector<32x256xf32>
    %logistic3A_286 = math.exp %logistic3A_285 : vector<32x256xf32>
    %logistic3A_287 = arith.constant 1.000000e+00 : f32
    %logistic3A_288 = vector.broadcast %logistic3A_287 : f32 to vector<32x256xf32>
    %logistic3A_289 = arith.addf %logistic3A_288, %logistic3A_286 : vector<32x256xf32>
    %logistic3A_290 = arith.divf %logistic3A_288, %logistic3A_289 : vector<32x256xf32>
    %mul3A_291 = arith.mulf %logistic3A_281, %add3A_219 : vector<32x256xf32>
    %mul3A_292 = arith.mulf %logistic3A_274, %tanh3A_283 : vector<32x256xf32>
    %add3A_293 = arith.addf %mul3A_291, %mul3A_292 : vector<32x256xf32>
    %tanh3A_294 = math.tanh %add3A_293 : vector<32x256xf32>
    %mul3A_295 = arith.mulf %logistic3A_290, %tanh3A_294 : vector<32x256xf32>
    %convert_element_type3A_296 = arith.truncf %mul3A_295 : vector<32x256xf32> to vector<32x256xbf16>
    %slice3A_297 = vector.extract_strided_slice %add3A_29 {offsets = [672, 0], sizes = [32, 1024], strides = [1, 1]} : vector<800x1024xf32> to vector<32x1024xf32>
    %convert_element_type3A_298 = arith.truncf %mul3A_258 : vector<32x256xf32> to vector<32x256xbf16>
    %get3A_299 = arith.constant 0 : index
    %get3A_300 = arith.constant 0 : index
    %get3A_301 = vector.load %arg7[%get3A_299, %get3A_300] : memref<256x1024xbf16, #tpu.memory_space<vmem>>, vector<256x1024xbf16>
    %dot_general3A_302 = arith.constant dense<0.000000e+00> : vector<32x1024xf32>
    %dot_general3A_303 = tpu.matmul %convert_element_type3A_298, %get3A_301, %dot_general3A_302 {dimension_numbers = #tpu.dot_dimension_numbers<[1], [0], [0], [1], [0, 0, 1, 1], [], []>, transpose_lhs_hint = false} : vector<32x256xbf16>, vector<256x1024xbf16>, vector<32x1024xf32> -> vector<32x1024xf32>
    %add3A_304 = arith.addf %slice3A_297, %dot_general3A_303 : vector<32x1024xf32>
    %slice3A_305 = vector.extract_strided_slice %add3A_304 {offsets = [0, 0], sizes = [32, 256], strides = [1, 1]} : vector<32x1024xf32> to vector<32x256xf32>
    %logistic3A_306 = arith.negf %slice3A_305 : vector<32x256xf32>
    %logistic3A_307 = math.exp %logistic3A_306 : vector<32x256xf32>
    %logistic3A_308 = arith.constant 1.000000e+00 : f32
    %logistic3A_309 = vector.broadcast %logistic3A_308 : f32 to vector<32x256xf32>
    %logistic3A_310 = arith.addf %logistic3A_309, %logistic3A_307 : vector<32x256xf32>
    %logistic3A_311 = arith.divf %logistic3A_309, %logistic3A_310 : vector<32x256xf32>
    %slice3A_312 = vector.extract_strided_slice %add3A_304 {offsets = [0, 256], sizes = [32, 256], strides = [1, 1]} : vector<32x1024xf32> to vector<32x256xf32>
    %logistic3A_313 = arith.negf %slice3A_312 : vector<32x256xf32>
    %logistic3A_314 = math.exp %logistic3A_313 : vector<32x256xf32>
    %logistic3A_315 = arith.constant 1.000000e+00 : f32
    %logistic3A_316 = vector.broadcast %logistic3A_315 : f32 to vector<32x256xf32>
    %logistic3A_317 = arith.addf %logistic3A_316, %logistic3A_314 : vector<32x256xf32>
    %logistic3A_318 = arith.divf %logistic3A_316, %logistic3A_317 : vector<32x256xf32>
    %slice3A_319 = vector.extract_strided_slice %add3A_304 {offsets = [0, 512], sizes = [32, 256], strides = [1, 1]} : vector<32x1024xf32> to vector<32x256xf32>
    %tanh3A_320 = math.tanh %slice3A_319 : vector<32x256xf32>
    %slice3A_321 = vector.extract_strided_slice %add3A_304 {offsets = [0, 768], sizes = [32, 256], strides = [1, 1]} : vector<32x1024xf32> to vector<32x256xf32>
    %logistic3A_322 = arith.negf %slice3A_321 : vector<32x256xf32>
    %logistic3A_323 = math.exp %logistic3A_322 : vector<32x256xf32>
    %logistic3A_324 = arith.constant 1.000000e+00 : f32
    %logistic3A_325 = vector.broadcast %logistic3A_324 : f32 to vector<32x256xf32>
    %logistic3A_326 = arith.addf %logistic3A_325, %logistic3A_323 : vector<32x256xf32>
    %logistic3A_327 = arith.divf %logistic3A_325, %logistic3A_326 : vector<32x256xf32>
    %mul3A_328 = arith.mulf %logistic3A_318, %add3A_256 : vector<32x256xf32>
    %mul3A_329 = arith.mulf %logistic3A_311, %tanh3A_320 : vector<32x256xf32>
    %add3A_330 = arith.addf %mul3A_328, %mul3A_329 : vector<32x256xf32>
    %tanh3A_331 = math.tanh %add3A_330 : vector<32x256xf32>
    %mul3A_332 = arith.mulf %logistic3A_327, %tanh3A_331 : vector<32x256xf32>
    %convert_element_type3A_333 = arith.truncf %mul3A_332 : vector<32x256xf32> to vector<32x256xbf16>
    %slice3A_334 = vector.extract_strided_slice %add3A_13 {offsets = [128, 0], sizes = [32, 1024], strides = [1, 1]} : vector<800x1024xf32> to vector<32x1024xf32>
    %convert_element_type3A_335 = arith.truncf %mul3A_295 : vector<32x256xf32> to vector<32x256xbf16>
    %get3A_336 = arith.constant 0 : index
    %get3A_337 = arith.constant 0 : index
    %get3A_338 = vector.load %arg4[%get3A_336, %get3A_337] : memref<256x1024xbf16, #tpu.memory_space<vmem>>, vector<256x1024xbf16>
    %dot_general3A_339 = arith.constant dense<0.000000e+00> : vector<32x1024xf32>
    %dot_general3A_340 = tpu.matmul %convert_element_type3A_335, %get3A_338, %dot_general3A_339 {dimension_numbers = #tpu.dot_dimension_numbers<[1], [0], [0], [1], [0, 0, 1, 1], [], []>, transpose_lhs_hint = false} : vector<32x256xbf16>, vector<256x1024xbf16>, vector<32x1024xf32> -> vector<32x1024xf32>
    %add3A_341 = arith.addf %slice3A_334, %dot_general3A_340 : vector<32x1024xf32>
    %slice3A_342 = vector.extract_strided_slice %add3A_341 {offsets = [0, 0], sizes = [32, 256], strides = [1, 1]} : vector<32x1024xf32> to vector<32x256xf32>
    %logistic3A_343 = arith.negf %slice3A_342 : vector<32x256xf32>
    %logistic3A_344 = math.exp %logistic3A_343 : vector<32x256xf32>
    %logistic3A_345 = arith.constant 1.000000e+00 : f32
    %logistic3A_346 = vector.broadcast %logistic3A_345 : f32 to vector<32x256xf32>
    %logistic3A_347 = arith.addf %logistic3A_346, %logistic3A_344 : vector<32x256xf32>
    %logistic3A_348 = arith.divf %logistic3A_346, %logistic3A_347 : vector<32x256xf32>
    %slice3A_349 = vector.extract_strided_slice %add3A_341 {offsets = [0, 256], sizes = [32, 256], strides = [1, 1]} : vector<32x1024xf32> to vector<32x256xf32>
    %logistic3A_350 = arith.negf %slice3A_349 : vector<32x256xf32>
    %logistic3A_351 = math.exp %logistic3A_350 : vector<32x256xf32>
    %logistic3A_352 = arith.constant 1.000000e+00 : f32
    %logistic3A_353 = vector.broadcast %logistic3A_352 : f32 to vector<32x256xf32>
    %logistic3A_354 = arith.addf %logistic3A_353, %logistic3A_351 : vector<32x256xf32>
    %logistic3A_355 = arith.divf %logistic3A_353, %logistic3A_354 : vector<32x256xf32>
    %slice3A_356 = vector.extract_strided_slice %add3A_341 {offsets = [0, 512], sizes = [32, 256], strides = [1, 1]} : vector<32x1024xf32> to vector<32x256xf32>
    %tanh3A_357 = math.tanh %slice3A_356 : vector<32x256xf32>
    %slice3A_358 = vector.extract_strided_slice %add3A_341 {offsets = [0, 768], sizes = [32, 256], strides = [1, 1]} : vector<32x1024xf32> to vector<32x256xf32>
    %logistic3A_359 = arith.negf %slice3A_358 : vector<32x256xf32>
    %logistic3A_360 = math.exp %logistic3A_359 : vector<32x256xf32>
    %logistic3A_361 = arith.constant 1.000000e+00 : f32
    %logistic3A_362 = vector.broadcast %logistic3A_361 : f32 to vector<32x256xf32>
    %logistic3A_363 = arith.addf %logistic3A_362, %logistic3A_360 : vector<32x256xf32>
    %logistic3A_364 = arith.divf %logistic3A_362, %logistic3A_363 : vector<32x256xf32>
    %mul3A_365 = arith.mulf %logistic3A_355, %add3A_293 : vector<32x256xf32>
    %mul3A_366 = arith.mulf %logistic3A_348, %tanh3A_357 : vector<32x256xf32>
    %add3A_367 = arith.addf %mul3A_365, %mul3A_366 : vector<32x256xf32>
    %tanh3A_368 = math.tanh %add3A_367 : vector<32x256xf32>
    %mul3A_369 = arith.mulf %logistic3A_364, %tanh3A_368 : vector<32x256xf32>
    %convert_element_type3A_370 = arith.truncf %mul3A_369 : vector<32x256xf32> to vector<32x256xbf16>
    %slice3A_371 = vector.extract_strided_slice %add3A_29 {offsets = [640, 0], sizes = [32, 1024], strides = [1, 1]} : vector<800x1024xf32> to vector<32x1024xf32>
    %convert_element_type3A_372 = arith.truncf %mul3A_332 : vector<32x256xf32> to vector<32x256xbf16>
    %get3A_373 = arith.constant 0 : index
    %get3A_374 = arith.constant 0 : index
    %get3A_375 = vector.load %arg7[%get3A_373, %get3A_374] : memref<256x1024xbf16, #tpu.memory_space<vmem>>, vector<256x1024xbf16>
    %dot_general3A_376 = arith.constant dense<0.000000e+00> : vector<32x1024xf32>
    %dot_general3A_377 = tpu.matmul %convert_element_type3A_372, %get3A_375, %dot_general3A_376 {dimension_numbers = #tpu.dot_dimension_numbers<[1], [0], [0], [1], [0, 0, 1, 1], [], []>, transpose_lhs_hint = false} : vector<32x256xbf16>, vector<256x1024xbf16>, vector<32x1024xf32> -> vector<32x1024xf32>
    %add3A_378 = arith.addf %slice3A_371, %dot_general3A_377 : vector<32x1024xf32>
    %slice3A_379 = vector.extract_strided_slice %add3A_378 {offsets = [0, 0], sizes = [32, 256], strides = [1, 1]} : vector<32x1024xf32> to vector<32x256xf32>
    %logistic3A_380 = arith.negf %slice3A_379 : vector<32x256xf32>
    %logistic3A_381 = math.exp %logistic3A_380 : vector<32x256xf32>
    %logistic3A_382 = arith.constant 1.000000e+00 : f32
    %logistic3A_383 = vector.broadcast %logistic3A_382 : f32 to vector<32x256xf32>
    %logistic3A_384 = arith.addf %logistic3A_383, %logistic3A_381 : vector<32x256xf32>
    %logistic3A_385 = arith.divf %logistic3A_383, %logistic3A_384 : vector<32x256xf32>
    %slice3A_386 = vector.extract_strided_slice %add3A_378 {offsets = [0, 256], sizes = [32, 256], strides = [1, 1]} : vector<32x1024xf32> to vector<32x256xf32>
    %logistic3A_387 = arith.negf %slice3A_386 : vector<32x256xf32>
    %logistic3A_388 = math.exp %logistic3A_387 : vector<32x256xf32>
    %logistic3A_389 = arith.constant 1.000000e+00 : f32
    %logistic3A_390 = vector.broadcast %logistic3A_389 : f32 to vector<32x256xf32>
    %logistic3A_391 = arith.addf %logistic3A_390, %logistic3A_388 : vector<32x256xf32>
    %logistic3A_392 = arith.divf %logistic3A_390, %logistic3A_391 : vector<32x256xf32>
    %slice3A_393 = vector.extract_strided_slice %add3A_378 {offsets = [0, 512], sizes = [32, 256], strides = [1, 1]} : vector<32x1024xf32> to vector<32x256xf32>
    %tanh3A_394 = math.tanh %slice3A_393 : vector<32x256xf32>
    %slice3A_395 = vector.extract_strided_slice %add3A_378 {offsets = [0, 768], sizes = [32, 256], strides = [1, 1]} : vector<32x1024xf32> to vector<32x256xf32>
    %logistic3A_396 = arith.negf %slice3A_395 : vector<32x256xf32>
    %logistic3A_397 = math.exp %logistic3A_396 : vector<32x256xf32>
    %logistic3A_398 = arith.constant 1.000000e+00 : f32
    %logistic3A_399 = vector.broadcast %logistic3A_398 : f32 to vector<32x256xf32>
    %logistic3A_400 = arith.addf %logistic3A_399, %logistic3A_397 : vector<32x256xf32>
    %logistic3A_401 = arith.divf %logistic3A_399, %logistic3A_400 : vector<32x256xf32>
    %mul3A_402 = arith.mulf %logistic3A_392, %add3A_330 : vector<32x256xf32>
    %mul3A_403 = arith.mulf %logistic3A_385, %tanh3A_394 : vector<32x256xf32>
    %add3A_404 = arith.addf %mul3A_402, %mul3A_403 : vector<32x256xf32>
    %tanh3A_405 = math.tanh %add3A_404 : vector<32x256xf32>
    %mul3A_406 = arith.mulf %logistic3A_401, %tanh3A_405 : vector<32x256xf32>
    %convert_element_type3A_407 = arith.truncf %mul3A_406 : vector<32x256xf32> to vector<32x256xbf16>
    %slice3A_408 = vector.extract_strided_slice %add3A_13 {offsets = [160, 0], sizes = [32, 1024], strides = [1, 1]} : vector<800x1024xf32> to vector<32x1024xf32>
    %convert_element_type3A_409 = arith.truncf %mul3A_369 : vector<32x256xf32> to vector<32x256xbf16>
    %get3A_410 = arith.constant 0 : index
    %get3A_411 = arith.constant 0 : index
    %get3A_412 = vector.load %arg4[%get3A_410, %get3A_411] : memref<256x1024xbf16, #tpu.memory_space<vmem>>, vector<256x1024xbf16>
    %dot_general3A_413 = arith.constant dense<0.000000e+00> : vector<32x1024xf32>
    %dot_general3A_414 = tpu.matmul %convert_element_type3A_409, %get3A_412, %dot_general3A_413 {dimension_numbers = #tpu.dot_dimension_numbers<[1], [0], [0], [1], [0, 0, 1, 1], [], []>, transpose_lhs_hint = false} : vector<32x256xbf16>, vector<256x1024xbf16>, vector<32x1024xf32> -> vector<32x1024xf32>
    %add3A_415 = arith.addf %slice3A_408, %dot_general3A_414 : vector<32x1024xf32>
    %slice3A_416 = vector.extract_strided_slice %add3A_415 {offsets = [0, 0], sizes = [32, 256], strides = [1, 1]} : vector<32x1024xf32> to vector<32x256xf32>
    %logistic3A_417 = arith.negf %slice3A_416 : vector<32x256xf32>
    %logistic3A_418 = math.exp %logistic3A_417 : vector<32x256xf32>
    %logistic3A_419 = arith.constant 1.000000e+00 : f32
    %logistic3A_420 = vector.broadcast %logistic3A_419 : f32 to vector<32x256xf32>
    %logistic3A_421 = arith.addf %logistic3A_420, %logistic3A_418 : vector<32x256xf32>
    %logistic3A_422 = arith.divf %logistic3A_420, %logistic3A_421 : vector<32x256xf32>
    %slice3A_423 = vector.extract_strided_slice %add3A_415 {offsets = [0, 256], sizes = [32, 256], strides = [1, 1]} : vector<32x1024xf32> to vector<32x256xf32>
    %logistic3A_424 = arith.negf %slice3A_423 : vector<32x256xf32>
    %logistic3A_425 = math.exp %logistic3A_424 : vector<32x256xf32>
    %logistic3A_426 = arith.constant 1.000000e+00 : f32
    %logistic3A_427 = vector.broadcast %logistic3A_426 : f32 to vector<32x256xf32>
    %logistic3A_428 = arith.addf %logistic3A_427, %logistic3A_425 : vector<32x256xf32>
    %logistic3A_429 = arith.divf %logistic3A_427, %logistic3A_428 : vector<32x256xf32>
    %slice3A_430 = vector.extract_strided_slice %add3A_415 {offsets = [0, 512], sizes = [32, 256], strides = [1, 1]} : vector<32x1024xf32> to vector<32x256xf32>
    %tanh3A_431 = math.tanh %slice3A_430 : vector<32x256xf32>
    %slice3A_432 = vector.extract_strided_slice %add3A_415 {offsets = [0, 768], sizes = [32, 256], strides = [1, 1]} : vector<32x1024xf32> to vector<32x256xf32>
    %logistic3A_433 = arith.negf %slice3A_432 : vector<32x256xf32>
    %logistic3A_434 = math.exp %logistic3A_433 : vector<32x256xf32>
    %logistic3A_435 = arith.constant 1.000000e+00 : f32
    %logistic3A_436 = vector.broadcast %logistic3A_435 : f32 to vector<32x256xf32>
    %logistic3A_437 = arith.addf %logistic3A_436, %logistic3A_434 : vector<32x256xf32>
    %logistic3A_438 = arith.divf %logistic3A_436, %logistic3A_437 : vector<32x256xf32>
    %mul3A_439 = arith.mulf %logistic3A_429, %add3A_367 : vector<32x256xf32>
    %mul3A_440 = arith.mulf %logistic3A_422, %tanh3A_431 : vector<32x256xf32>
    %add3A_441 = arith.addf %mul3A_439, %mul3A_440 : vector<32x256xf32>
    %tanh3A_442 = math.tanh %add3A_441 : vector<32x256xf32>
    %mul3A_443 = arith.mulf %logistic3A_438, %tanh3A_442 : vector<32x256xf32>
    %convert_element_type3A_444 = arith.truncf %mul3A_443 : vector<32x256xf32> to vector<32x256xbf16>
    %slice3A_445 = vector.extract_strided_slice %add3A_29 {offsets = [608, 0], sizes = [32, 1024], strides = [1, 1]} : vector<800x1024xf32> to vector<32x1024xf32>
    %convert_element_type3A_446 = arith.truncf %mul3A_406 : vector<32x256xf32> to vector<32x256xbf16>
    %get3A_447 = arith.constant 0 : index
    %get3A_448 = arith.constant 0 : index
    %get3A_449 = vector.load %arg7[%get3A_447, %get3A_448] : memref<256x1024xbf16, #tpu.memory_space<vmem>>, vector<256x1024xbf16>
    %dot_general3A_450 = arith.constant dense<0.000000e+00> : vector<32x1024xf32>
    %dot_general3A_451 = tpu.matmul %convert_element_type3A_446, %get3A_449, %dot_general3A_450 {dimension_numbers = #tpu.dot_dimension_numbers<[1], [0], [0], [1], [0, 0, 1, 1], [], []>, transpose_lhs_hint = false} : vector<32x256xbf16>, vector<256x1024xbf16>, vector<32x1024xf32> -> vector<32x1024xf32>
    %add3A_452 = arith.addf %slice3A_445, %dot_general3A_451 : vector<32x1024xf32>
    %slice3A_453 = vector.extract_strided_slice %add3A_452 {offsets = [0, 0], sizes = [32, 256], strides = [1, 1]} : vector<32x1024xf32> to vector<32x256xf32>
    %logistic3A_454 = arith.negf %slice3A_453 : vector<32x256xf32>
    %logistic3A_455 = math.exp %logistic3A_454 : vector<32x256xf32>
    %logistic3A_456 = arith.constant 1.000000e+00 : f32
    %logistic3A_457 = vector.broadcast %logistic3A_456 : f32 to vector<32x256xf32>
    %logistic3A_458 = arith.addf %logistic3A_457, %logistic3A_455 : vector<32x256xf32>
    %logistic3A_459 = arith.divf %logistic3A_457, %logistic3A_458 : vector<32x256xf32>
    %slice3A_460 = vector.extract_strided_slice %add3A_452 {offsets = [0, 256], sizes = [32, 256], strides = [1, 1]} : vector<32x1024xf32> to vector<32x256xf32>
    %logistic3A_461 = arith.negf %slice3A_460 : vector<32x256xf32>
    %logistic3A_462 = math.exp %logistic3A_461 : vector<32x256xf32>
    %logistic3A_463 = arith.constant 1.000000e+00 : f32
    %logistic3A_464 = vector.broadcast %logistic3A_463 : f32 to vector<32x256xf32>
    %logistic3A_465 = arith.addf %logistic3A_464, %logistic3A_462 : vector<32x256xf32>
    %logistic3A_466 = arith.divf %logistic3A_464, %logistic3A_465 : vector<32x256xf32>
    %slice3A_467 = vector.extract_strided_slice %add3A_452 {offsets = [0, 512], sizes = [32, 256], strides = [1, 1]} : vector<32x1024xf32> to vector<32x256xf32>
    %tanh3A_468 = math.tanh %slice3A_467 : vector<32x256xf32>
    %slice3A_469 = vector.extract_strided_slice %add3A_452 {offsets = [0, 768], sizes = [32, 256], strides = [1, 1]} : vector<32x1024xf32> to vector<32x256xf32>
    %logistic3A_470 = arith.negf %slice3A_469 : vector<32x256xf32>
    %logistic3A_471 = math.exp %logistic3A_470 : vector<32x256xf32>
    %logistic3A_472 = arith.constant 1.000000e+00 : f32
    %logistic3A_473 = vector.broadcast %logistic3A_472 : f32 to vector<32x256xf32>
    %logistic3A_474 = arith.addf %logistic3A_473, %logistic3A_471 : vector<32x256xf32>
    %logistic3A_475 = arith.divf %logistic3A_473, %logistic3A_474 : vector<32x256xf32>
    %mul3A_476 = arith.mulf %logistic3A_466, %add3A_404 : vector<32x256xf32>
    %mul3A_477 = arith.mulf %logistic3A_459, %tanh3A_468 : vector<32x256xf32>
    %add3A_478 = arith.addf %mul3A_476, %mul3A_477 : vector<32x256xf32>
    %tanh3A_479 = math.tanh %add3A_478 : vector<32x256xf32>
    %mul3A_480 = arith.mulf %logistic3A_475, %tanh3A_479 : vector<32x256xf32>
    %convert_element_type3A_481 = arith.truncf %mul3A_480 : vector<32x256xf32> to vector<32x256xbf16>
    %slice3A_482 = vector.extract_strided_slice %add3A_13 {offsets = [192, 0], sizes = [32, 1024], strides = [1, 1]} : vector<800x1024xf32> to vector<32x1024xf32>
    %convert_element_type3A_483 = arith.truncf %mul3A_443 : vector<32x256xf32> to vector<32x256xbf16>
    %get3A_484 = arith.constant 0 : index
    %get3A_485 = arith.constant 0 : index
    %get3A_486 = vector.load %arg4[%get3A_484, %get3A_485] : memref<256x1024xbf16, #tpu.memory_space<vmem>>, vector<256x1024xbf16>
    %dot_general3A_487 = arith.constant dense<0.000000e+00> : vector<32x1024xf32>
    %dot_general3A_488 = tpu.matmul %convert_element_type3A_483, %get3A_486, %dot_general3A_487 {dimension_numbers = #tpu.dot_dimension_numbers<[1], [0], [0], [1], [0, 0, 1, 1], [], []>, transpose_lhs_hint = false} : vector<32x256xbf16>, vector<256x1024xbf16>, vector<32x1024xf32> -> vector<32x1024xf32>
    %add3A_489 = arith.addf %slice3A_482, %dot_general3A_488 : vector<32x1024xf32>
    %slice3A_490 = vector.extract_strided_slice %add3A_489 {offsets = [0, 0], sizes = [32, 256], strides = [1, 1]} : vector<32x1024xf32> to vector<32x256xf32>
    %logistic3A_491 = arith.negf %slice3A_490 : vector<32x256xf32>
    %logistic3A_492 = math.exp %logistic3A_491 : vector<32x256xf32>
    %logistic3A_493 = arith.constant 1.000000e+00 : f32
    %logistic3A_494 = vector.broadcast %logistic3A_493 : f32 to vector<32x256xf32>
    %logistic3A_495 = arith.addf %logistic3A_494, %logistic3A_492 : vector<32x256xf32>
    %logistic3A_496 = arith.divf %logistic3A_494, %logistic3A_495 : vector<32x256xf32>
    %slice3A_497 = vector.extract_strided_slice %add3A_489 {offsets = [0, 256], sizes = [32, 256], strides = [1, 1]} : vector<32x1024xf32> to vector<32x256xf32>
    %logistic3A_498 = arith.negf %slice3A_497 : vector<32x256xf32>
    %logistic3A_499 = math.exp %logistic3A_498 : vector<32x256xf32>
    %logistic3A_500 = arith.constant 1.000000e+00 : f32
    %logistic3A_501 = vector.broadcast %logistic3A_500 : f32 to vector<32x256xf32>
    %logistic3A_502 = arith.addf %logistic3A_501, %logistic3A_499 : vector<32x256xf32>
    %logistic3A_503 = arith.divf %logistic3A_501, %logistic3A_502 : vector<32x256xf32>
    %slice3A_504 = vector.extract_strided_slice %add3A_489 {offsets = [0, 512], sizes = [32, 256], strides = [1, 1]} : vector<32x1024xf32> to vector<32x256xf32>
    %tanh3A_505 = math.tanh %slice3A_504 : vector<32x256xf32>
    %slice3A_506 = vector.extract_strided_slice %add3A_489 {offsets = [0, 768], sizes = [32, 256], strides = [1, 1]} : vector<32x1024xf32> to vector<32x256xf32>
    %logistic3A_507 = arith.negf %slice3A_506 : vector<32x256xf32>
    %logistic3A_508 = math.exp %logistic3A_507 : vector<32x256xf32>
    %logistic3A_509 = arith.constant 1.000000e+00 : f32
    %logistic3A_510 = vector.broadcast %logistic3A_509 : f32 to vector<32x256xf32>
    %logistic3A_511 = arith.addf %logistic3A_510, %logistic3A_508 : vector<32x256xf32>
    %logistic3A_512 = arith.divf %logistic3A_510, %logistic3A_511 : vector<32x256xf32>
    %mul3A_513 = arith.mulf %logistic3A_503, %add3A_441 : vector<32x256xf32>
    %mul3A_514 = arith.mulf %logistic3A_496, %tanh3A_505 : vector<32x256xf32>
    %add3A_515 = arith.addf %mul3A_513, %mul3A_514 : vector<32x256xf32>
    %tanh3A_516 = math.tanh %add3A_515 : vector<32x256xf32>
    %mul3A_517 = arith.mulf %logistic3A_512, %tanh3A_516 : vector<32x256xf32>
    %convert_element_type3A_518 = arith.truncf %mul3A_517 : vector<32x256xf32> to vector<32x256xbf16>
    %slice3A_519 = vector.extract_strided_slice %add3A_29 {offsets = [576, 0], sizes = [32, 1024], strides = [1, 1]} : vector<800x1024xf32> to vector<32x1024xf32>
    %convert_element_type3A_520 = arith.truncf %mul3A_480 : vector<32x256xf32> to vector<32x256xbf16>
    %get3A_521 = arith.constant 0 : index
    %get3A_522 = arith.constant 0 : index
    %get3A_523 = vector.load %arg7[%get3A_521, %get3A_522] : memref<256x1024xbf16, #tpu.memory_space<vmem>>, vector<256x1024xbf16>
    %dot_general3A_524 = arith.constant dense<0.000000e+00> : vector<32x1024xf32>
    %dot_general3A_525 = tpu.matmul %convert_element_type3A_520, %get3A_523, %dot_general3A_524 {dimension_numbers = #tpu.dot_dimension_numbers<[1], [0], [0], [1], [0, 0, 1, 1], [], []>, transpose_lhs_hint = false} : vector<32x256xbf16>, vector<256x1024xbf16>, vector<32x1024xf32> -> vector<32x1024xf32>
    %add3A_526 = arith.addf %slice3A_519, %dot_general3A_525 : vector<32x1024xf32>
    %slice3A_527 = vector.extract_strided_slice %add3A_526 {offsets = [0, 0], sizes = [32, 256], strides = [1, 1]} : vector<32x1024xf32> to vector<32x256xf32>
    %logistic3A_528 = arith.negf %slice3A_527 : vector<32x256xf32>
    %logistic3A_529 = math.exp %logistic3A_528 : vector<32x256xf32>
    %logistic3A_530 = arith.constant 1.000000e+00 : f32
    %logistic3A_531 = vector.broadcast %logistic3A_530 : f32 to vector<32x256xf32>
    %logistic3A_532 = arith.addf %logistic3A_531, %logistic3A_529 : vector<32x256xf32>
    %logistic3A_533 = arith.divf %logistic3A_531, %logistic3A_532 : vector<32x256xf32>
    %slice3A_534 = vector.extract_strided_slice %add3A_526 {offsets = [0, 256], sizes = [32, 256], strides = [1, 1]} : vector<32x1024xf32> to vector<32x256xf32>
    %logistic3A_535 = arith.negf %slice3A_534 : vector<32x256xf32>
    %logistic3A_536 = math.exp %logistic3A_535 : vector<32x256xf32>
    %logistic3A_537 = arith.constant 1.000000e+00 : f32
    %logistic3A_538 = vector.broadcast %logistic3A_537 : f32 to vector<32x256xf32>
    %logistic3A_539 = arith.addf %logistic3A_538, %logistic3A_536 : vector<32x256xf32>
    %logistic3A_540 = arith.divf %logistic3A_538, %logistic3A_539 : vector<32x256xf32>
    %slice3A_541 = vector.extract_strided_slice %add3A_526 {offsets = [0, 512], sizes = [32, 256], strides = [1, 1]} : vector<32x1024xf32> to vector<32x256xf32>
    %tanh3A_542 = math.tanh %slice3A_541 : vector<32x256xf32>
    %slice3A_543 = vector.extract_strided_slice %add3A_526 {offsets = [0, 768], sizes = [32, 256], strides = [1, 1]} : vector<32x1024xf32> to vector<32x256xf32>
    %logistic3A_544 = arith.negf %slice3A_543 : vector<32x256xf32>
    %logistic3A_545 = math.exp %logistic3A_544 : vector<32x256xf32>
    %logistic3A_546 = arith.constant 1.000000e+00 : f32
    %logistic3A_547 = vector.broadcast %logistic3A_546 : f32 to vector<32x256xf32>
    %logistic3A_548 = arith.addf %logistic3A_547, %logistic3A_545 : vector<32x256xf32>
    %logistic3A_549 = arith.divf %logistic3A_547, %logistic3A_548 : vector<32x256xf32>
    %mul3A_550 = arith.mulf %logistic3A_540, %add3A_478 : vector<32x256xf32>
    %mul3A_551 = arith.mulf %logistic3A_533, %tanh3A_542 : vector<32x256xf32>
    %add3A_552 = arith.addf %mul3A_550, %mul3A_551 : vector<32x256xf32>
    %tanh3A_553 = math.tanh %add3A_552 : vector<32x256xf32>
    %mul3A_554 = arith.mulf %logistic3A_549, %tanh3A_553 : vector<32x256xf32>
    %convert_element_type3A_555 = arith.truncf %mul3A_554 : vector<32x256xf32> to vector<32x256xbf16>
    %slice3A_556 = vector.extract_strided_slice %add3A_13 {offsets = [224, 0], sizes = [32, 1024], strides = [1, 1]} : vector<800x1024xf32> to vector<32x1024xf32>
    %convert_element_type3A_557 = arith.truncf %mul3A_517 : vector<32x256xf32> to vector<32x256xbf16>
    %get3A_558 = arith.constant 0 : index
    %get3A_559 = arith.constant 0 : index
    %get3A_560 = vector.load %arg4[%get3A_558, %get3A_559] : memref<256x1024xbf16, #tpu.memory_space<vmem>>, vector<256x1024xbf16>
    %dot_general3A_561 = arith.constant dense<0.000000e+00> : vector<32x1024xf32>
    %dot_general3A_562 = tpu.matmul %convert_element_type3A_557, %get3A_560, %dot_general3A_561 {dimension_numbers = #tpu.dot_dimension_numbers<[1], [0], [0], [1], [0, 0, 1, 1], [], []>, transpose_lhs_hint = false} : vector<32x256xbf16>, vector<256x1024xbf16>, vector<32x1024xf32> -> vector<32x1024xf32>
    %add3A_563 = arith.addf %slice3A_556, %dot_general3A_562 : vector<32x1024xf32>
    %slice3A_564 = vector.extract_strided_slice %add3A_563 {offsets = [0, 0], sizes = [32, 256], strides = [1, 1]} : vector<32x1024xf32> to vector<32x256xf32>
    %logistic3A_565 = arith.negf %slice3A_564 : vector<32x256xf32>
    %logistic3A_566 = math.exp %logistic3A_565 : vector<32x256xf32>
    %logistic3A_567 = arith.constant 1.000000e+00 : f32
    %logistic3A_568 = vector.broadcast %logistic3A_567 : f32 to vector<32x256xf32>
    %logistic3A_569 = arith.addf %logistic3A_568, %logistic3A_566 : vector<32x256xf32>
    %logistic3A_570 = arith.divf %logistic3A_568, %logistic3A_569 : vector<32x256xf32>
    %slice3A_571 = vector.extract_strided_slice %add3A_563 {offsets = [0, 256], sizes = [32, 256], strides = [1, 1]} : vector<32x1024xf32> to vector<32x256xf32>
    %logistic3A_572 = arith.negf %slice3A_571 : vector<32x256xf32>
    %logistic3A_573 = math.exp %logistic3A_572 : vector<32x256xf32>
    %logistic3A_574 = arith.constant 1.000000e+00 : f32
    %logistic3A_575 = vector.broadcast %logistic3A_574 : f32 to vector<32x256xf32>
    %logistic3A_576 = arith.addf %logistic3A_575, %logistic3A_573 : vector<32x256xf32>
    %logistic3A_577 = arith.divf %logistic3A_575, %logistic3A_576 : vector<32x256xf32>
    %slice3A_578 = vector.extract_strided_slice %add3A_563 {offsets = [0, 512], sizes = [32, 256], strides = [1, 1]} : vector<32x1024xf32> to vector<32x256xf32>
    %tanh3A_579 = math.tanh %slice3A_578 : vector<32x256xf32>
    %slice3A_580 = vector.extract_strided_slice %add3A_563 {offsets = [0, 768], sizes = [32, 256], strides = [1, 1]} : vector<32x1024xf32> to vector<32x256xf32>
    %logistic3A_581 = arith.negf %slice3A_580 : vector<32x256xf32>
    %logistic3A_582 = math.exp %logistic3A_581 : vector<32x256xf32>
    %logistic3A_583 = arith.constant 1.000000e+00 : f32
    %logistic3A_584 = vector.broadcast %logistic3A_583 : f32 to vector<32x256xf32>
    %logistic3A_585 = arith.addf %logistic3A_584, %logistic3A_582 : vector<32x256xf32>
    %logistic3A_586 = arith.divf %logistic3A_584, %logistic3A_585 : vector<32x256xf32>
    %mul3A_587 = arith.mulf %logistic3A_577, %add3A_515 : vector<32x256xf32>
    %mul3A_588 = arith.mulf %logistic3A_570, %tanh3A_579 : vector<32x256xf32>
    %add3A_589 = arith.addf %mul3A_587, %mul3A_588 : vector<32x256xf32>
    %tanh3A_590 = math.tanh %add3A_589 : vector<32x256xf32>
    %mul3A_591 = arith.mulf %logistic3A_586, %tanh3A_590 : vector<32x256xf32>
    %convert_element_type3A_592 = arith.truncf %mul3A_591 : vector<32x256xf32> to vector<32x256xbf16>
    %slice3A_593 = vector.extract_strided_slice %add3A_29 {offsets = [544, 0], sizes = [32, 1024], strides = [1, 1]} : vector<800x1024xf32> to vector<32x1024xf32>
    %convert_element_type3A_594 = arith.truncf %mul3A_554 : vector<32x256xf32> to vector<32x256xbf16>
    %get3A_595 = arith.constant 0 : index
    %get3A_596 = arith.constant 0 : index
    %get3A_597 = vector.load %arg7[%get3A_595, %get3A_596] : memref<256x1024xbf16, #tpu.memory_space<vmem>>, vector<256x1024xbf16>
    %dot_general3A_598 = arith.constant dense<0.000000e+00> : vector<32x1024xf32>
    %dot_general3A_599 = tpu.matmul %convert_element_type3A_594, %get3A_597, %dot_general3A_598 {dimension_numbers = #tpu.dot_dimension_numbers<[1], [0], [0], [1], [0, 0, 1, 1], [], []>, transpose_lhs_hint = false} : vector<32x256xbf16>, vector<256x1024xbf16>, vector<32x1024xf32> -> vector<32x1024xf32>
    %add3A_600 = arith.addf %slice3A_593, %dot_general3A_599 : vector<32x1024xf32>
    %slice3A_601 = vector.extract_strided_slice %add3A_600 {offsets = [0, 0], sizes = [32, 256], strides = [1, 1]} : vector<32x1024xf32> to vector<32x256xf32>
    %logistic3A_602 = arith.negf %slice3A_601 : vector<32x256xf32>
    %logistic3A_603 = math.exp %logistic3A_602 : vector<32x256xf32>
    %logistic3A_604 = arith.constant 1.000000e+00 : f32
    %logistic3A_605 = vector.broadcast %logistic3A_604 : f32 to vector<32x256xf32>
    %logistic3A_606 = arith.addf %logistic3A_605, %logistic3A_603 : vector<32x256xf32>
    %logistic3A_607 = arith.divf %logistic3A_605, %logistic3A_606 : vector<32x256xf32>
    %slice3A_608 = vector.extract_strided_slice %add3A_600 {offsets = [0, 256], sizes = [32, 256], strides = [1, 1]} : vector<32x1024xf32> to vector<32x256xf32>
    %logistic3A_609 = arith.negf %slice3A_608 : vector<32x256xf32>
    %logistic3A_610 = math.exp %logistic3A_609 : vector<32x256xf32>
    %logistic3A_611 = arith.constant 1.000000e+00 : f32
    %logistic3A_612 = vector.broadcast %logistic3A_611 : f32 to vector<32x256xf32>
    %logistic3A_613 = arith.addf %logistic3A_612, %logistic3A_610 : vector<32x256xf32>
    %logistic3A_614 = arith.divf %logistic3A_612, %logistic3A_613 : vector<32x256xf32>
    %slice3A_615 = vector.extract_strided_slice %add3A_600 {offsets = [0, 512], sizes = [32, 256], strides = [1, 1]} : vector<32x1024xf32> to vector<32x256xf32>
    %tanh3A_616 = math.tanh %slice3A_615 : vector<32x256xf32>
    %slice3A_617 = vector.extract_strided_slice %add3A_600 {offsets = [0, 768], sizes = [32, 256], strides = [1, 1]} : vector<32x1024xf32> to vector<32x256xf32>
    %logistic3A_618 = arith.negf %slice3A_617 : vector<32x256xf32>
    %logistic3A_619 = math.exp %logistic3A_618 : vector<32x256xf32>
    %logistic3A_620 = arith.constant 1.000000e+00 : f32
    %logistic3A_621 = vector.broadcast %logistic3A_620 : f32 to vector<32x256xf32>
    %logistic3A_622 = arith.addf %logistic3A_621, %logistic3A_619 : vector<32x256xf32>
    %logistic3A_623 = arith.divf %logistic3A_621, %logistic3A_622 : vector<32x256xf32>
    %mul3A_624 = arith.mulf %logistic3A_614, %add3A_552 : vector<32x256xf32>
    %mul3A_625 = arith.mulf %logistic3A_607, %tanh3A_616 : vector<32x256xf32>
    %add3A_626 = arith.addf %mul3A_624, %mul3A_625 : vector<32x256xf32>
    %tanh3A_627 = math.tanh %add3A_626 : vector<32x256xf32>
    %mul3A_628 = arith.mulf %logistic3A_623, %tanh3A_627 : vector<32x256xf32>
    %convert_element_type3A_629 = arith.truncf %mul3A_628 : vector<32x256xf32> to vector<32x256xbf16>
    %slice3A_630 = vector.extract_strided_slice %add3A_13 {offsets = [256, 0], sizes = [32, 1024], strides = [1, 1]} : vector<800x1024xf32> to vector<32x1024xf32>
    %convert_element_type3A_631 = arith.truncf %mul3A_591 : vector<32x256xf32> to vector<32x256xbf16>
    %get3A_632 = arith.constant 0 : index
    %get3A_633 = arith.constant 0 : index
    %get3A_634 = vector.load %arg4[%get3A_632, %get3A_633] : memref<256x1024xbf16, #tpu.memory_space<vmem>>, vector<256x1024xbf16>
    %dot_general3A_635 = arith.constant dense<0.000000e+00> : vector<32x1024xf32>
    %dot_general3A_636 = tpu.matmul %convert_element_type3A_631, %get3A_634, %dot_general3A_635 {dimension_numbers = #tpu.dot_dimension_numbers<[1], [0], [0], [1], [0, 0, 1, 1], [], []>, transpose_lhs_hint = false} : vector<32x256xbf16>, vector<256x1024xbf16>, vector<32x1024xf32> -> vector<32x1024xf32>
    %add3A_637 = arith.addf %slice3A_630, %dot_general3A_636 : vector<32x1024xf32>
    %slice3A_638 = vector.extract_strided_slice %add3A_637 {offsets = [0, 0], sizes = [32, 256], strides = [1, 1]} : vector<32x1024xf32> to vector<32x256xf32>
    %logistic3A_639 = arith.negf %slice3A_638 : vector<32x256xf32>
    %logistic3A_640 = math.exp %logistic3A_639 : vector<32x256xf32>
    %logistic3A_641 = arith.constant 1.000000e+00 : f32
    %logistic3A_642 = vector.broadcast %logistic3A_641 : f32 to vector<32x256xf32>
    %logistic3A_643 = arith.addf %logistic3A_642, %logistic3A_640 : vector<32x256xf32>
    %logistic3A_644 = arith.divf %logistic3A_642, %logistic3A_643 : vector<32x256xf32>
    %slice3A_645 = vector.extract_strided_slice %add3A_637 {offsets = [0, 256], sizes = [32, 256], strides = [1, 1]} : vector<32x1024xf32> to vector<32x256xf32>
    %logistic3A_646 = arith.negf %slice3A_645 : vector<32x256xf32>
    %logistic3A_647 = math.exp %logistic3A_646 : vector<32x256xf32>
    %logistic3A_648 = arith.constant 1.000000e+00 : f32
    %logistic3A_649 = vector.broadcast %logistic3A_648 : f32 to vector<32x256xf32>
    %logistic3A_650 = arith.addf %logistic3A_649, %logistic3A_647 : vector<32x256xf32>
    %logistic3A_651 = arith.divf %logistic3A_649, %logistic3A_650 : vector<32x256xf32>
    %slice3A_652 = vector.extract_strided_slice %add3A_637 {offsets = [0, 512], sizes = [32, 256], strides = [1, 1]} : vector<32x1024xf32> to vector<32x256xf32>
    %tanh3A_653 = math.tanh %slice3A_652 : vector<32x256xf32>
    %slice3A_654 = vector.extract_strided_slice %add3A_637 {offsets = [0, 768], sizes = [32, 256], strides = [1, 1]} : vector<32x1024xf32> to vector<32x256xf32>
    %logistic3A_655 = arith.negf %slice3A_654 : vector<32x256xf32>
    %logistic3A_656 = math.exp %logistic3A_655 : vector<32x256xf32>
    %logistic3A_657 = arith.constant 1.000000e+00 : f32
    %logistic3A_658 = vector.broadcast %logistic3A_657 : f32 to vector<32x256xf32>
    %logistic3A_659 = arith.addf %logistic3A_658, %logistic3A_656 : vector<32x256xf32>
    %logistic3A_660 = arith.divf %logistic3A_658, %logistic3A_659 : vector<32x256xf32>
    %mul3A_661 = arith.mulf %logistic3A_651, %add3A_589 : vector<32x256xf32>
    %mul3A_662 = arith.mulf %logistic3A_644, %tanh3A_653 : vector<32x256xf32>
    %add3A_663 = arith.addf %mul3A_661, %mul3A_662 : vector<32x256xf32>
    %tanh3A_664 = math.tanh %add3A_663 : vector<32x256xf32>
    %mul3A_665 = arith.mulf %logistic3A_660, %tanh3A_664 : vector<32x256xf32>
    %convert_element_type3A_666 = arith.truncf %mul3A_665 : vector<32x256xf32> to vector<32x256xbf16>
    %slice3A_667 = vector.extract_strided_slice %add3A_29 {offsets = [512, 0], sizes = [32, 1024], strides = [1, 1]} : vector<800x1024xf32> to vector<32x1024xf32>
    %convert_element_type3A_668 = arith.truncf %mul3A_628 : vector<32x256xf32> to vector<32x256xbf16>
    %get3A_669 = arith.constant 0 : index
    %get3A_670 = arith.constant 0 : index
    %get3A_671 = vector.load %arg7[%get3A_669, %get3A_670] : memref<256x1024xbf16, #tpu.memory_space<vmem>>, vector<256x1024xbf16>
    %dot_general3A_672 = arith.constant dense<0.000000e+00> : vector<32x1024xf32>
    %dot_general3A_673 = tpu.matmul %convert_element_type3A_668, %get3A_671, %dot_general3A_672 {dimension_numbers = #tpu.dot_dimension_numbers<[1], [0], [0], [1], [0, 0, 1, 1], [], []>, transpose_lhs_hint = false} : vector<32x256xbf16>, vector<256x1024xbf16>, vector<32x1024xf32> -> vector<32x1024xf32>
    %add3A_674 = arith.addf %slice3A_667, %dot_general3A_673 : vector<32x1024xf32>
    %slice3A_675 = vector.extract_strided_slice %add3A_674 {offsets = [0, 0], sizes = [32, 256], strides = [1, 1]} : vector<32x1024xf32> to vector<32x256xf32>
    %logistic3A_676 = arith.negf %slice3A_675 : vector<32x256xf32>
    %logistic3A_677 = math.exp %logistic3A_676 : vector<32x256xf32>
    %logistic3A_678 = arith.constant 1.000000e+00 : f32
    %logistic3A_679 = vector.broadcast %logistic3A_678 : f32 to vector<32x256xf32>
    %logistic3A_680 = arith.addf %logistic3A_679, %logistic3A_677 : vector<32x256xf32>
    %logistic3A_681 = arith.divf %logistic3A_679, %logistic3A_680 : vector<32x256xf32>
    %slice3A_682 = vector.extract_strided_slice %add3A_674 {offsets = [0, 256], sizes = [32, 256], strides = [1, 1]} : vector<32x1024xf32> to vector<32x256xf32>
    %logistic3A_683 = arith.negf %slice3A_682 : vector<32x256xf32>
    %logistic3A_684 = math.exp %logistic3A_683 : vector<32x256xf32>
    %logistic3A_685 = arith.constant 1.000000e+00 : f32
    %logistic3A_686 = vector.broadcast %logistic3A_685 : f32 to vector<32x256xf32>
    %logistic3A_687 = arith.addf %logistic3A_686, %logistic3A_684 : vector<32x256xf32>
    %logistic3A_688 = arith.divf %logistic3A_686, %logistic3A_687 : vector<32x256xf32>
    %slice3A_689 = vector.extract_strided_slice %add3A_674 {offsets = [0, 512], sizes = [32, 256], strides = [1, 1]} : vector<32x1024xf32> to vector<32x256xf32>
    %tanh3A_690 = math.tanh %slice3A_689 : vector<32x256xf32>
    %slice3A_691 = vector.extract_strided_slice %add3A_674 {offsets = [0, 768], sizes = [32, 256], strides = [1, 1]} : vector<32x1024xf32> to vector<32x256xf32>
    %logistic3A_692 = arith.negf %slice3A_691 : vector<32x256xf32>
    %logistic3A_693 = math.exp %logistic3A_692 : vector<32x256xf32>
    %logistic3A_694 = arith.constant 1.000000e+00 : f32
    %logistic3A_695 = vector.broadcast %logistic3A_694 : f32 to vector<32x256xf32>
    %logistic3A_696 = arith.addf %logistic3A_695, %logistic3A_693 : vector<32x256xf32>
    %logistic3A_697 = arith.divf %logistic3A_695, %logistic3A_696 : vector<32x256xf32>
    %mul3A_698 = arith.mulf %logistic3A_688, %add3A_626 : vector<32x256xf32>
    %mul3A_699 = arith.mulf %logistic3A_681, %tanh3A_690 : vector<32x256xf32>
    %add3A_700 = arith.addf %mul3A_698, %mul3A_699 : vector<32x256xf32>
    %tanh3A_701 = math.tanh %add3A_700 : vector<32x256xf32>
    %mul3A_702 = arith.mulf %logistic3A_697, %tanh3A_701 : vector<32x256xf32>
    %convert_element_type3A_703 = arith.truncf %mul3A_702 : vector<32x256xf32> to vector<32x256xbf16>
    %slice3A_704 = vector.extract_strided_slice %add3A_13 {offsets = [288, 0], sizes = [32, 1024], strides = [1, 1]} : vector<800x1024xf32> to vector<32x1024xf32>
    %convert_element_type3A_705 = arith.truncf %mul3A_665 : vector<32x256xf32> to vector<32x256xbf16>
    %get3A_706 = arith.constant 0 : index
    %get3A_707 = arith.constant 0 : index
    %get3A_708 = vector.load %arg4[%get3A_706, %get3A_707] : memref<256x1024xbf16, #tpu.memory_space<vmem>>, vector<256x1024xbf16>
    %dot_general3A_709 = arith.constant dense<0.000000e+00> : vector<32x1024xf32>
    %dot_general3A_710 = tpu.matmul %convert_element_type3A_705, %get3A_708, %dot_general3A_709 {dimension_numbers = #tpu.dot_dimension_numbers<[1], [0], [0], [1], [0, 0, 1, 1], [], []>, transpose_lhs_hint = false} : vector<32x256xbf16>, vector<256x1024xbf16>, vector<32x1024xf32> -> vector<32x1024xf32>
    %add3A_711 = arith.addf %slice3A_704, %dot_general3A_710 : vector<32x1024xf32>
    %slice3A_712 = vector.extract_strided_slice %add3A_711 {offsets = [0, 0], sizes = [32, 256], strides = [1, 1]} : vector<32x1024xf32> to vector<32x256xf32>
    %logistic3A_713 = arith.negf %slice3A_712 : vector<32x256xf32>
    %logistic3A_714 = math.exp %logistic3A_713 : vector<32x256xf32>
    %logistic3A_715 = arith.constant 1.000000e+00 : f32
    %logistic3A_716 = vector.broadcast %logistic3A_715 : f32 to vector<32x256xf32>
    %logistic3A_717 = arith.addf %logistic3A_716, %logistic3A_714 : vector<32x256xf32>
    %logistic3A_718 = arith.divf %logistic3A_716, %logistic3A_717 : vector<32x256xf32>
    %slice3A_719 = vector.extract_strided_slice %add3A_711 {offsets = [0, 256], sizes = [32, 256], strides = [1, 1]} : vector<32x1024xf32> to vector<32x256xf32>
    %logistic3A_720 = arith.negf %slice3A_719 : vector<32x256xf32>
    %logistic3A_721 = math.exp %logistic3A_720 : vector<32x256xf32>
    %logistic3A_722 = arith.constant 1.000000e+00 : f32
    %logistic3A_723 = vector.broadcast %logistic3A_722 : f32 to vector<32x256xf32>
    %logistic3A_724 = arith.addf %logistic3A_723, %logistic3A_721 : vector<32x256xf32>
    %logistic3A_725 = arith.divf %logistic3A_723, %logistic3A_724 : vector<32x256xf32>
    %slice3A_726 = vector.extract_strided_slice %add3A_711 {offsets = [0, 512], sizes = [32, 256], strides = [1, 1]} : vector<32x1024xf32> to vector<32x256xf32>
    %tanh3A_727 = math.tanh %slice3A_726 : vector<32x256xf32>
    %slice3A_728 = vector.extract_strided_slice %add3A_711 {offsets = [0, 768], sizes = [32, 256], strides = [1, 1]} : vector<32x1024xf32> to vector<32x256xf32>
    %logistic3A_729 = arith.negf %slice3A_728 : vector<32x256xf32>
    %logistic3A_730 = math.exp %logistic3A_729 : vector<32x256xf32>
    %logistic3A_731 = arith.constant 1.000000e+00 : f32
    %logistic3A_732 = vector.broadcast %logistic3A_731 : f32 to vector<32x256xf32>
    %logistic3A_733 = arith.addf %logistic3A_732, %logistic3A_730 : vector<32x256xf32>
    %logistic3A_734 = arith.divf %logistic3A_732, %logistic3A_733 : vector<32x256xf32>
    %mul3A_735 = arith.mulf %logistic3A_725, %add3A_663 : vector<32x256xf32>
    %mul3A_736 = arith.mulf %logistic3A_718, %tanh3A_727 : vector<32x256xf32>
    %add3A_737 = arith.addf %mul3A_735, %mul3A_736 : vector<32x256xf32>
    %tanh3A_738 = math.tanh %add3A_737 : vector<32x256xf32>
    %mul3A_739 = arith.mulf %logistic3A_734, %tanh3A_738 : vector<32x256xf32>
    %convert_element_type3A_740 = arith.truncf %mul3A_739 : vector<32x256xf32> to vector<32x256xbf16>
    %slice3A_741 = vector.extract_strided_slice %add3A_29 {offsets = [480, 0], sizes = [32, 1024], strides = [1, 1]} : vector<800x1024xf32> to vector<32x1024xf32>
    %convert_element_type3A_742 = arith.truncf %mul3A_702 : vector<32x256xf32> to vector<32x256xbf16>
    %get3A_743 = arith.constant 0 : index
    %get3A_744 = arith.constant 0 : index
    %get3A_745 = vector.load %arg7[%get3A_743, %get3A_744] : memref<256x1024xbf16, #tpu.memory_space<vmem>>, vector<256x1024xbf16>
    %dot_general3A_746 = arith.constant dense<0.000000e+00> : vector<32x1024xf32>
    %dot_general3A_747 = tpu.matmul %convert_element_type3A_742, %get3A_745, %dot_general3A_746 {dimension_numbers = #tpu.dot_dimension_numbers<[1], [0], [0], [1], [0, 0, 1, 1], [], []>, transpose_lhs_hint = false} : vector<32x256xbf16>, vector<256x1024xbf16>, vector<32x1024xf32> -> vector<32x1024xf32>
    %add3A_748 = arith.addf %slice3A_741, %dot_general3A_747 : vector<32x1024xf32>
    %slice3A_749 = vector.extract_strided_slice %add3A_748 {offsets = [0, 0], sizes = [32, 256], strides = [1, 1]} : vector<32x1024xf32> to vector<32x256xf32>
    %logistic3A_750 = arith.negf %slice3A_749 : vector<32x256xf32>
    %logistic3A_751 = math.exp %logistic3A_750 : vector<32x256xf32>
    %logistic3A_752 = arith.constant 1.000000e+00 : f32
    %logistic3A_753 = vector.broadcast %logistic3A_752 : f32 to vector<32x256xf32>
    %logistic3A_754 = arith.addf %logistic3A_753, %logistic3A_751 : vector<32x256xf32>
    %logistic3A_755 = arith.divf %logistic3A_753, %logistic3A_754 : vector<32x256xf32>
    %slice3A_756 = vector.extract_strided_slice %add3A_748 {offsets = [0, 256], sizes = [32, 256], strides = [1, 1]} : vector<32x1024xf32> to vector<32x256xf32>
    %logistic3A_757 = arith.negf %slice3A_756 : vector<32x256xf32>
    %logistic3A_758 = math.exp %logistic3A_757 : vector<32x256xf32>
    %logistic3A_759 = arith.constant 1.000000e+00 : f32
    %logistic3A_760 = vector.broadcast %logistic3A_759 : f32 to vector<32x256xf32>
    %logistic3A_761 = arith.addf %logistic3A_760, %logistic3A_758 : vector<32x256xf32>
    %logistic3A_762 = arith.divf %logistic3A_760, %logistic3A_761 : vector<32x256xf32>
    %slice3A_763 = vector.extract_strided_slice %add3A_748 {offsets = [0, 512], sizes = [32, 256], strides = [1, 1]} : vector<32x1024xf32> to vector<32x256xf32>
    %tanh3A_764 = math.tanh %slice3A_763 : vector<32x256xf32>
    %slice3A_765 = vector.extract_strided_slice %add3A_748 {offsets = [0, 768], sizes = [32, 256], strides = [1, 1]} : vector<32x1024xf32> to vector<32x256xf32>
    %logistic3A_766 = arith.negf %slice3A_765 : vector<32x256xf32>
    %logistic3A_767 = math.exp %logistic3A_766 : vector<32x256xf32>
    %logistic3A_768 = arith.constant 1.000000e+00 : f32
    %logistic3A_769 = vector.broadcast %logistic3A_768 : f32 to vector<32x256xf32>
    %logistic3A_770 = arith.addf %logistic3A_769, %logistic3A_767 : vector<32x256xf32>
    %logistic3A_771 = arith.divf %logistic3A_769, %logistic3A_770 : vector<32x256xf32>
    %mul3A_772 = arith.mulf %logistic3A_762, %add3A_700 : vector<32x256xf32>
    %mul3A_773 = arith.mulf %logistic3A_755, %tanh3A_764 : vector<32x256xf32>
    %add3A_774 = arith.addf %mul3A_772, %mul3A_773 : vector<32x256xf32>
    %tanh3A_775 = math.tanh %add3A_774 : vector<32x256xf32>
    %mul3A_776 = arith.mulf %logistic3A_771, %tanh3A_775 : vector<32x256xf32>
    %convert_element_type3A_777 = arith.truncf %mul3A_776 : vector<32x256xf32> to vector<32x256xbf16>
    %slice3A_778 = vector.extract_strided_slice %add3A_13 {offsets = [320, 0], sizes = [32, 1024], strides = [1, 1]} : vector<800x1024xf32> to vector<32x1024xf32>
    %convert_element_type3A_779 = arith.truncf %mul3A_739 : vector<32x256xf32> to vector<32x256xbf16>
    %get3A_780 = arith.constant 0 : index
    %get3A_781 = arith.constant 0 : index
    %get3A_782 = vector.load %arg4[%get3A_780, %get3A_781] : memref<256x1024xbf16, #tpu.memory_space<vmem>>, vector<256x1024xbf16>
    %dot_general3A_783 = arith.constant dense<0.000000e+00> : vector<32x1024xf32>
    %dot_general3A_784 = tpu.matmul %convert_element_type3A_779, %get3A_782, %dot_general3A_783 {dimension_numbers = #tpu.dot_dimension_numbers<[1], [0], [0], [1], [0, 0, 1, 1], [], []>, transpose_lhs_hint = false} : vector<32x256xbf16>, vector<256x1024xbf16>, vector<32x1024xf32> -> vector<32x1024xf32>
    %add3A_785 = arith.addf %slice3A_778, %dot_general3A_784 : vector<32x1024xf32>
    %slice3A_786 = vector.extract_strided_slice %add3A_785 {offsets = [0, 0], sizes = [32, 256], strides = [1, 1]} : vector<32x1024xf32> to vector<32x256xf32>
    %logistic3A_787 = arith.negf %slice3A_786 : vector<32x256xf32>
    %logistic3A_788 = math.exp %logistic3A_787 : vector<32x256xf32>
    %logistic3A_789 = arith.constant 1.000000e+00 : f32
    %logistic3A_790 = vector.broadcast %logistic3A_789 : f32 to vector<32x256xf32>
    %logistic3A_791 = arith.addf %logistic3A_790, %logistic3A_788 : vector<32x256xf32>
    %logistic3A_792 = arith.divf %logistic3A_790, %logistic3A_791 : vector<32x256xf32>
    %slice3A_793 = vector.extract_strided_slice %add3A_785 {offsets = [0, 256], sizes = [32, 256], strides = [1, 1]} : vector<32x1024xf32> to vector<32x256xf32>
    %logistic3A_794 = arith.negf %slice3A_793 : vector<32x256xf32>
    %logistic3A_795 = math.exp %logistic3A_794 : vector<32x256xf32>
    %logistic3A_796 = arith.constant 1.000000e+00 : f32
    %logistic3A_797 = vector.broadcast %logistic3A_796 : f32 to vector<32x256xf32>
    %logistic3A_798 = arith.addf %logistic3A_797, %logistic3A_795 : vector<32x256xf32>
    %logistic3A_799 = arith.divf %logistic3A_797, %logistic3A_798 : vector<32x256xf32>
    %slice3A_800 = vector.extract_strided_slice %add3A_785 {offsets = [0, 512], sizes = [32, 256], strides = [1, 1]} : vector<32x1024xf32> to vector<32x256xf32>
    %tanh3A_801 = math.tanh %slice3A_800 : vector<32x256xf32>
    %slice3A_802 = vector.extract_strided_slice %add3A_785 {offsets = [0, 768], sizes = [32, 256], strides = [1, 1]} : vector<32x1024xf32> to vector<32x256xf32>
    %logistic3A_803 = arith.negf %slice3A_802 : vector<32x256xf32>
    %logistic3A_804 = math.exp %logistic3A_803 : vector<32x256xf32>
    %logistic3A_805 = arith.constant 1.000000e+00 : f32
    %logistic3A_806 = vector.broadcast %logistic3A_805 : f32 to vector<32x256xf32>
    %logistic3A_807 = arith.addf %logistic3A_806, %logistic3A_804 : vector<32x256xf32>
    %logistic3A_808 = arith.divf %logistic3A_806, %logistic3A_807 : vector<32x256xf32>
    %mul3A_809 = arith.mulf %logistic3A_799, %add3A_737 : vector<32x256xf32>
    %mul3A_810 = arith.mulf %logistic3A_792, %tanh3A_801 : vector<32x256xf32>
    %add3A_811 = arith.addf %mul3A_809, %mul3A_810 : vector<32x256xf32>
    %tanh3A_812 = math.tanh %add3A_811 : vector<32x256xf32>
    %mul3A_813 = arith.mulf %logistic3A_808, %tanh3A_812 : vector<32x256xf32>
    %convert_element_type3A_814 = arith.truncf %mul3A_813 : vector<32x256xf32> to vector<32x256xbf16>
    %slice3A_815 = vector.extract_strided_slice %add3A_29 {offsets = [448, 0], sizes = [32, 1024], strides = [1, 1]} : vector<800x1024xf32> to vector<32x1024xf32>
    %convert_element_type3A_816 = arith.truncf %mul3A_776 : vector<32x256xf32> to vector<32x256xbf16>
    %get3A_817 = arith.constant 0 : index
    %get3A_818 = arith.constant 0 : index
    %get3A_819 = vector.load %arg7[%get3A_817, %get3A_818] : memref<256x1024xbf16, #tpu.memory_space<vmem>>, vector<256x1024xbf16>
    %dot_general3A_820 = arith.constant dense<0.000000e+00> : vector<32x1024xf32>
    %dot_general3A_821 = tpu.matmul %convert_element_type3A_816, %get3A_819, %dot_general3A_820 {dimension_numbers = #tpu.dot_dimension_numbers<[1], [0], [0], [1], [0, 0, 1, 1], [], []>, transpose_lhs_hint = false} : vector<32x256xbf16>, vector<256x1024xbf16>, vector<32x1024xf32> -> vector<32x1024xf32>
    %add3A_822 = arith.addf %slice3A_815, %dot_general3A_821 : vector<32x1024xf32>
    %slice3A_823 = vector.extract_strided_slice %add3A_822 {offsets = [0, 0], sizes = [32, 256], strides = [1, 1]} : vector<32x1024xf32> to vector<32x256xf32>
    %logistic3A_824 = arith.negf %slice3A_823 : vector<32x256xf32>
    %logistic3A_825 = math.exp %logistic3A_824 : vector<32x256xf32>
    %logistic3A_826 = arith.constant 1.000000e+00 : f32
    %logistic3A_827 = vector.broadcast %logistic3A_826 : f32 to vector<32x256xf32>
    %logistic3A_828 = arith.addf %logistic3A_827, %logistic3A_825 : vector<32x256xf32>
    %logistic3A_829 = arith.divf %logistic3A_827, %logistic3A_828 : vector<32x256xf32>
    %slice3A_830 = vector.extract_strided_slice %add3A_822 {offsets = [0, 256], sizes = [32, 256], strides = [1, 1]} : vector<32x1024xf32> to vector<32x256xf32>
    %logistic3A_831 = arith.negf %slice3A_830 : vector<32x256xf32>
    %logistic3A_832 = math.exp %logistic3A_831 : vector<32x256xf32>
    %logistic3A_833 = arith.constant 1.000000e+00 : f32
    %logistic3A_834 = vector.broadcast %logistic3A_833 : f32 to vector<32x256xf32>
    %logistic3A_835 = arith.addf %logistic3A_834, %logistic3A_832 : vector<32x256xf32>
    %logistic3A_836 = arith.divf %logistic3A_834, %logistic3A_835 : vector<32x256xf32>
    %slice3A_837 = vector.extract_strided_slice %add3A_822 {offsets = [0, 512], sizes = [32, 256], strides = [1, 1]} : vector<32x1024xf32> to vector<32x256xf32>
    %tanh3A_838 = math.tanh %slice3A_837 : vector<32x256xf32>
    %slice3A_839 = vector.extract_strided_slice %add3A_822 {offsets = [0, 768], sizes = [32, 256], strides = [1, 1]} : vector<32x1024xf32> to vector<32x256xf32>
    %logistic3A_840 = arith.negf %slice3A_839 : vector<32x256xf32>
    %logistic3A_841 = math.exp %logistic3A_840 : vector<32x256xf32>
    %logistic3A_842 = arith.constant 1.000000e+00 : f32
    %logistic3A_843 = vector.broadcast %logistic3A_842 : f32 to vector<32x256xf32>
    %logistic3A_844 = arith.addf %logistic3A_843, %logistic3A_841 : vector<32x256xf32>
    %logistic3A_845 = arith.divf %logistic3A_843, %logistic3A_844 : vector<32x256xf32>
    %mul3A_846 = arith.mulf %logistic3A_836, %add3A_774 : vector<32x256xf32>
    %mul3A_847 = arith.mulf %logistic3A_829, %tanh3A_838 : vector<32x256xf32>
    %add3A_848 = arith.addf %mul3A_846, %mul3A_847 : vector<32x256xf32>
    %tanh3A_849 = math.tanh %add3A_848 : vector<32x256xf32>
    %mul3A_850 = arith.mulf %logistic3A_845, %tanh3A_849 : vector<32x256xf32>
    %convert_element_type3A_851 = arith.truncf %mul3A_850 : vector<32x256xf32> to vector<32x256xbf16>
    %slice3A_852 = vector.extract_strided_slice %add3A_13 {offsets = [352, 0], sizes = [32, 1024], strides = [1, 1]} : vector<800x1024xf32> to vector<32x1024xf32>
    %convert_element_type3A_853 = arith.truncf %mul3A_813 : vector<32x256xf32> to vector<32x256xbf16>
    %get3A_854 = arith.constant 0 : index
    %get3A_855 = arith.constant 0 : index
    %get3A_856 = vector.load %arg4[%get3A_854, %get3A_855] : memref<256x1024xbf16, #tpu.memory_space<vmem>>, vector<256x1024xbf16>
    %dot_general3A_857 = arith.constant dense<0.000000e+00> : vector<32x1024xf32>
    %dot_general3A_858 = tpu.matmul %convert_element_type3A_853, %get3A_856, %dot_general3A_857 {dimension_numbers = #tpu.dot_dimension_numbers<[1], [0], [0], [1], [0, 0, 1, 1], [], []>, transpose_lhs_hint = false} : vector<32x256xbf16>, vector<256x1024xbf16>, vector<32x1024xf32> -> vector<32x1024xf32>
    %add3A_859 = arith.addf %slice3A_852, %dot_general3A_858 : vector<32x1024xf32>
    %slice3A_860 = vector.extract_strided_slice %add3A_859 {offsets = [0, 0], sizes = [32, 256], strides = [1, 1]} : vector<32x1024xf32> to vector<32x256xf32>
    %logistic3A_861 = arith.negf %slice3A_860 : vector<32x256xf32>
    %logistic3A_862 = math.exp %logistic3A_861 : vector<32x256xf32>
    %logistic3A_863 = arith.constant 1.000000e+00 : f32
    %logistic3A_864 = vector.broadcast %logistic3A_863 : f32 to vector<32x256xf32>
    %logistic3A_865 = arith.addf %logistic3A_864, %logistic3A_862 : vector<32x256xf32>
    %logistic3A_866 = arith.divf %logistic3A_864, %logistic3A_865 : vector<32x256xf32>
    %slice3A_867 = vector.extract_strided_slice %add3A_859 {offsets = [0, 256], sizes = [32, 256], strides = [1, 1]} : vector<32x1024xf32> to vector<32x256xf32>
    %logistic3A_868 = arith.negf %slice3A_867 : vector<32x256xf32>
    %logistic3A_869 = math.exp %logistic3A_868 : vector<32x256xf32>
    %logistic3A_870 = arith.constant 1.000000e+00 : f32
    %logistic3A_871 = vector.broadcast %logistic3A_870 : f32 to vector<32x256xf32>
    %logistic3A_872 = arith.addf %logistic3A_871, %logistic3A_869 : vector<32x256xf32>
    %logistic3A_873 = arith.divf %logistic3A_871, %logistic3A_872 : vector<32x256xf32>
    %slice3A_874 = vector.extract_strided_slice %add3A_859 {offsets = [0, 512], sizes = [32, 256], strides = [1, 1]} : vector<32x1024xf32> to vector<32x256xf32>
    %tanh3A_875 = math.tanh %slice3A_874 : vector<32x256xf32>
    %slice3A_876 = vector.extract_strided_slice %add3A_859 {offsets = [0, 768], sizes = [32, 256], strides = [1, 1]} : vector<32x1024xf32> to vector<32x256xf32>
    %logistic3A_877 = arith.negf %slice3A_876 : vector<32x256xf32>
    %logistic3A_878 = math.exp %logistic3A_877 : vector<32x256xf32>
    %logistic3A_879 = arith.constant 1.000000e+00 : f32
    %logistic3A_880 = vector.broadcast %logistic3A_879 : f32 to vector<32x256xf32>
    %logistic3A_881 = arith.addf %logistic3A_880, %logistic3A_878 : vector<32x256xf32>
    %logistic3A_882 = arith.divf %logistic3A_880, %logistic3A_881 : vector<32x256xf32>
    %mul3A_883 = arith.mulf %logistic3A_873, %add3A_811 : vector<32x256xf32>
    %mul3A_884 = arith.mulf %logistic3A_866, %tanh3A_875 : vector<32x256xf32>
    %add3A_885 = arith.addf %mul3A_883, %mul3A_884 : vector<32x256xf32>
    %tanh3A_886 = math.tanh %add3A_885 : vector<32x256xf32>
    %mul3A_887 = arith.mulf %logistic3A_882, %tanh3A_886 : vector<32x256xf32>
    %convert_element_type3A_888 = arith.truncf %mul3A_887 : vector<32x256xf32> to vector<32x256xbf16>
    %slice3A_889 = vector.extract_strided_slice %add3A_29 {offsets = [416, 0], sizes = [32, 1024], strides = [1, 1]} : vector<800x1024xf32> to vector<32x1024xf32>
    %convert_element_type3A_890 = arith.truncf %mul3A_850 : vector<32x256xf32> to vector<32x256xbf16>
    %get3A_891 = arith.constant 0 : index
    %get3A_892 = arith.constant 0 : index
    %get3A_893 = vector.load %arg7[%get3A_891, %get3A_892] : memref<256x1024xbf16, #tpu.memory_space<vmem>>, vector<256x1024xbf16>
    %dot_general3A_894 = arith.constant dense<0.000000e+00> : vector<32x1024xf32>
    %dot_general3A_895 = tpu.matmul %convert_element_type3A_890, %get3A_893, %dot_general3A_894 {dimension_numbers = #tpu.dot_dimension_numbers<[1], [0], [0], [1], [0, 0, 1, 1], [], []>, transpose_lhs_hint = false} : vector<32x256xbf16>, vector<256x1024xbf16>, vector<32x1024xf32> -> vector<32x1024xf32>
    %add3A_896 = arith.addf %slice3A_889, %dot_general3A_895 : vector<32x1024xf32>
    %slice3A_897 = vector.extract_strided_slice %add3A_896 {offsets = [0, 0], sizes = [32, 256], strides = [1, 1]} : vector<32x1024xf32> to vector<32x256xf32>
    %logistic3A_898 = arith.negf %slice3A_897 : vector<32x256xf32>
    %logistic3A_899 = math.exp %logistic3A_898 : vector<32x256xf32>
    %logistic3A_900 = arith.constant 1.000000e+00 : f32
    %logistic3A_901 = vector.broadcast %logistic3A_900 : f32 to vector<32x256xf32>
    %logistic3A_902 = arith.addf %logistic3A_901, %logistic3A_899 : vector<32x256xf32>
    %logistic3A_903 = arith.divf %logistic3A_901, %logistic3A_902 : vector<32x256xf32>
    %slice3A_904 = vector.extract_strided_slice %add3A_896 {offsets = [0, 256], sizes = [32, 256], strides = [1, 1]} : vector<32x1024xf32> to vector<32x256xf32>
    %logistic3A_905 = arith.negf %slice3A_904 : vector<32x256xf32>
    %logistic3A_906 = math.exp %logistic3A_905 : vector<32x256xf32>
    %logistic3A_907 = arith.constant 1.000000e+00 : f32
    %logistic3A_908 = vector.broadcast %logistic3A_907 : f32 to vector<32x256xf32>
    %logistic3A_909 = arith.addf %logistic3A_908, %logistic3A_906 : vector<32x256xf32>
    %logistic3A_910 = arith.divf %logistic3A_908, %logistic3A_909 : vector<32x256xf32>
    %slice3A_911 = vector.extract_strided_slice %add3A_896 {offsets = [0, 512], sizes = [32, 256], strides = [1, 1]} : vector<32x1024xf32> to vector<32x256xf32>
    %tanh3A_912 = math.tanh %slice3A_911 : vector<32x256xf32>
    %slice3A_913 = vector.extract_strided_slice %add3A_896 {offsets = [0, 768], sizes = [32, 256], strides = [1, 1]} : vector<32x1024xf32> to vector<32x256xf32>
    %logistic3A_914 = arith.negf %slice3A_913 : vector<32x256xf32>
    %logistic3A_915 = math.exp %logistic3A_914 : vector<32x256xf32>
    %logistic3A_916 = arith.constant 1.000000e+00 : f32
    %logistic3A_917 = vector.broadcast %logistic3A_916 : f32 to vector<32x256xf32>
    %logistic3A_918 = arith.addf %logistic3A_917, %logistic3A_915 : vector<32x256xf32>
    %logistic3A_919 = arith.divf %logistic3A_917, %logistic3A_918 : vector<32x256xf32>
    %mul3A_920 = arith.mulf %logistic3A_910, %add3A_848 : vector<32x256xf32>
    %mul3A_921 = arith.mulf %logistic3A_903, %tanh3A_912 : vector<32x256xf32>
    %add3A_922 = arith.addf %mul3A_920, %mul3A_921 : vector<32x256xf32>
    %tanh3A_923 = math.tanh %add3A_922 : vector<32x256xf32>
    %mul3A_924 = arith.mulf %logistic3A_919, %tanh3A_923 : vector<32x256xf32>
    %convert_element_type3A_925 = arith.truncf %mul3A_924 : vector<32x256xf32> to vector<32x256xbf16>
    %slice3A_926 = vector.extract_strided_slice %add3A_13 {offsets = [384, 0], sizes = [32, 1024], strides = [1, 1]} : vector<800x1024xf32> to vector<32x1024xf32>
    %convert_element_type3A_927 = arith.truncf %mul3A_887 : vector<32x256xf32> to vector<32x256xbf16>
    %get3A_928 = arith.constant 0 : index
    %get3A_929 = arith.constant 0 : index
    %get3A_930 = vector.load %arg4[%get3A_928, %get3A_929] : memref<256x1024xbf16, #tpu.memory_space<vmem>>, vector<256x1024xbf16>
    %dot_general3A_931 = arith.constant dense<0.000000e+00> : vector<32x1024xf32>
    %dot_general3A_932 = tpu.matmul %convert_element_type3A_927, %get3A_930, %dot_general3A_931 {dimension_numbers = #tpu.dot_dimension_numbers<[1], [0], [0], [1], [0, 0, 1, 1], [], []>, transpose_lhs_hint = false} : vector<32x256xbf16>, vector<256x1024xbf16>, vector<32x1024xf32> -> vector<32x1024xf32>
    %add3A_933 = arith.addf %slice3A_926, %dot_general3A_932 : vector<32x1024xf32>
    %slice3A_934 = vector.extract_strided_slice %add3A_933 {offsets = [0, 0], sizes = [32, 256], strides = [1, 1]} : vector<32x1024xf32> to vector<32x256xf32>
    %logistic3A_935 = arith.negf %slice3A_934 : vector<32x256xf32>
    %logistic3A_936 = math.exp %logistic3A_935 : vector<32x256xf32>
    %logistic3A_937 = arith.constant 1.000000e+00 : f32
    %logistic3A_938 = vector.broadcast %logistic3A_937 : f32 to vector<32x256xf32>
    %logistic3A_939 = arith.addf %logistic3A_938, %logistic3A_936 : vector<32x256xf32>
    %logistic3A_940 = arith.divf %logistic3A_938, %logistic3A_939 : vector<32x256xf32>
    %slice3A_941 = vector.extract_strided_slice %add3A_933 {offsets = [0, 256], sizes = [32, 256], strides = [1, 1]} : vector<32x1024xf32> to vector<32x256xf32>
    %logistic3A_942 = arith.negf %slice3A_941 : vector<32x256xf32>
    %logistic3A_943 = math.exp %logistic3A_942 : vector<32x256xf32>
    %logistic3A_944 = arith.constant 1.000000e+00 : f32
    %logistic3A_945 = vector.broadcast %logistic3A_944 : f32 to vector<32x256xf32>
    %logistic3A_946 = arith.addf %logistic3A_945, %logistic3A_943 : vector<32x256xf32>
    %logistic3A_947 = arith.divf %logistic3A_945, %logistic3A_946 : vector<32x256xf32>
    %slice3A_948 = vector.extract_strided_slice %add3A_933 {offsets = [0, 512], sizes = [32, 256], strides = [1, 1]} : vector<32x1024xf32> to vector<32x256xf32>
    %tanh3A_949 = math.tanh %slice3A_948 : vector<32x256xf32>
    %slice3A_950 = vector.extract_strided_slice %add3A_933 {offsets = [0, 768], sizes = [32, 256], strides = [1, 1]} : vector<32x1024xf32> to vector<32x256xf32>
    %logistic3A_951 = arith.negf %slice3A_950 : vector<32x256xf32>
    %logistic3A_952 = math.exp %logistic3A_951 : vector<32x256xf32>
    %logistic3A_953 = arith.constant 1.000000e+00 : f32
    %logistic3A_954 = vector.broadcast %logistic3A_953 : f32 to vector<32x256xf32>
    %logistic3A_955 = arith.addf %logistic3A_954, %logistic3A_952 : vector<32x256xf32>
    %logistic3A_956 = arith.divf %logistic3A_954, %logistic3A_955 : vector<32x256xf32>
    %mul3A_957 = arith.mulf %logistic3A_947, %add3A_885 : vector<32x256xf32>
    %mul3A_958 = arith.mulf %logistic3A_940, %tanh3A_949 : vector<32x256xf32>
    %add3A_959 = arith.addf %mul3A_957, %mul3A_958 : vector<32x256xf32>
    %tanh3A_960 = math.tanh %add3A_959 : vector<32x256xf32>
    %mul3A_961 = arith.mulf %logistic3A_956, %tanh3A_960 : vector<32x256xf32>
    %convert_element_type3A_962 = arith.truncf %mul3A_961 : vector<32x256xf32> to vector<32x256xbf16>
    %slice3A_963 = vector.extract_strided_slice %add3A_29 {offsets = [384, 0], sizes = [32, 1024], strides = [1, 1]} : vector<800x1024xf32> to vector<32x1024xf32>
    %convert_element_type3A_964 = arith.truncf %mul3A_924 : vector<32x256xf32> to vector<32x256xbf16>
    %get3A_965 = arith.constant 0 : index
    %get3A_966 = arith.constant 0 : index
    %get3A_967 = vector.load %arg7[%get3A_965, %get3A_966] : memref<256x1024xbf16, #tpu.memory_space<vmem>>, vector<256x1024xbf16>
    %dot_general3A_968 = arith.constant dense<0.000000e+00> : vector<32x1024xf32>
    %dot_general3A_969 = tpu.matmul %convert_element_type3A_964, %get3A_967, %dot_general3A_968 {dimension_numbers = #tpu.dot_dimension_numbers<[1], [0], [0], [1], [0, 0, 1, 1], [], []>, transpose_lhs_hint = false} : vector<32x256xbf16>, vector<256x1024xbf16>, vector<32x1024xf32> -> vector<32x1024xf32>
    %add3A_970 = arith.addf %slice3A_963, %dot_general3A_969 : vector<32x1024xf32>
    %slice3A_971 = vector.extract_strided_slice %add3A_970 {offsets = [0, 0], sizes = [32, 256], strides = [1, 1]} : vector<32x1024xf32> to vector<32x256xf32>
    %logistic3A_972 = arith.negf %slice3A_971 : vector<32x256xf32>
    %logistic3A_973 = math.exp %logistic3A_972 : vector<32x256xf32>
    %logistic3A_974 = arith.constant 1.000000e+00 : f32
    %logistic3A_975 = vector.broadcast %logistic3A_974 : f32 to vector<32x256xf32>
    %logistic3A_976 = arith.addf %logistic3A_975, %logistic3A_973 : vector<32x256xf32>
    %logistic3A_977 = arith.divf %logistic3A_975, %logistic3A_976 : vector<32x256xf32>
    %slice3A_978 = vector.extract_strided_slice %add3A_970 {offsets = [0, 256], sizes = [32, 256], strides = [1, 1]} : vector<32x1024xf32> to vector<32x256xf32>
    %logistic3A_979 = arith.negf %slice3A_978 : vector<32x256xf32>
    %logistic3A_980 = math.exp %logistic3A_979 : vector<32x256xf32>
    %logistic3A_981 = arith.constant 1.000000e+00 : f32
    %logistic3A_982 = vector.broadcast %logistic3A_981 : f32 to vector<32x256xf32>
    %logistic3A_983 = arith.addf %logistic3A_982, %logistic3A_980 : vector<32x256xf32>
    %logistic3A_984 = arith.divf %logistic3A_982, %logistic3A_983 : vector<32x256xf32>
    %slice3A_985 = vector.extract_strided_slice %add3A_970 {offsets = [0, 512], sizes = [32, 256], strides = [1, 1]} : vector<32x1024xf32> to vector<32x256xf32>
    %tanh3A_986 = math.tanh %slice3A_985 : vector<32x256xf32>
    %slice3A_987 = vector.extract_strided_slice %add3A_970 {offsets = [0, 768], sizes = [32, 256], strides = [1, 1]} : vector<32x1024xf32> to vector<32x256xf32>
    %logistic3A_988 = arith.negf %slice3A_987 : vector<32x256xf32>
    %logistic3A_989 = math.exp %logistic3A_988 : vector<32x256xf32>
    %logistic3A_990 = arith.constant 1.000000e+00 : f32
    %logistic3A_991 = vector.broadcast %logistic3A_990 : f32 to vector<32x256xf32>
    %logistic3A_992 = arith.addf %logistic3A_991, %logistic3A_989 : vector<32x256xf32>
    %logistic3A_993 = arith.divf %logistic3A_991, %logistic3A_992 : vector<32x256xf32>
    %mul3A_994 = arith.mulf %logistic3A_984, %add3A_922 : vector<32x256xf32>
    %mul3A_995 = arith.mulf %logistic3A_977, %tanh3A_986 : vector<32x256xf32>
    %add3A_996 = arith.addf %mul3A_994, %mul3A_995 : vector<32x256xf32>
    %tanh3A_997 = math.tanh %add3A_996 : vector<32x256xf32>
    %mul3A_998 = arith.mulf %logistic3A_993, %tanh3A_997 : vector<32x256xf32>
    %convert_element_type3A_999 = arith.truncf %mul3A_998 : vector<32x256xf32> to vector<32x256xbf16>
    %slice3A_1000 = vector.extract_strided_slice %add3A_13 {offsets = [416, 0], sizes = [32, 1024], strides = [1, 1]} : vector<800x1024xf32> to vector<32x1024xf32>
    %convert_element_type3A_1001 = arith.truncf %mul3A_961 : vector<32x256xf32> to vector<32x256xbf16>
    %get3A_1002 = arith.constant 0 : index
    %get3A_1003 = arith.constant 0 : index
    %get3A_1004 = vector.load %arg4[%get3A_1002, %get3A_1003] : memref<256x1024xbf16, #tpu.memory_space<vmem>>, vector<256x1024xbf16>
    %dot_general3A_1005 = arith.constant dense<0.000000e+00> : vector<32x1024xf32>
    %dot_general3A_1006 = tpu.matmul %convert_element_type3A_1001, %get3A_1004, %dot_general3A_1005 {dimension_numbers = #tpu.dot_dimension_numbers<[1], [0], [0], [1], [0, 0, 1, 1], [], []>, transpose_lhs_hint = false} : vector<32x256xbf16>, vector<256x1024xbf16>, vector<32x1024xf32> -> vector<32x1024xf32>
    %add3A_1007 = arith.addf %slice3A_1000, %dot_general3A_1006 : vector<32x1024xf32>
    %slice3A_1008 = vector.extract_strided_slice %add3A_1007 {offsets = [0, 0], sizes = [32, 256], strides = [1, 1]} : vector<32x1024xf32> to vector<32x256xf32>
    %logistic3A_1009 = arith.negf %slice3A_1008 : vector<32x256xf32>
    %logistic3A_1010 = math.exp %logistic3A_1009 : vector<32x256xf32>
    %logistic3A_1011 = arith.constant 1.000000e+00 : f32
    %logistic3A_1012 = vector.broadcast %logistic3A_1011 : f32 to vector<32x256xf32>
    %logistic3A_1013 = arith.addf %logistic3A_1012, %logistic3A_1010 : vector<32x256xf32>
    %logistic3A_1014 = arith.divf %logistic3A_1012, %logistic3A_1013 : vector<32x256xf32>
    %slice3A_1015 = vector.extract_strided_slice %add3A_1007 {offsets = [0, 256], sizes = [32, 256], strides = [1, 1]} : vector<32x1024xf32> to vector<32x256xf32>
    %logistic3A_1016 = arith.negf %slice3A_1015 : vector<32x256xf32>
    %logistic3A_1017 = math.exp %logistic3A_1016 : vector<32x256xf32>
    %logistic3A_1018 = arith.constant 1.000000e+00 : f32
    %logistic3A_1019 = vector.broadcast %logistic3A_1018 : f32 to vector<32x256xf32>
    %logistic3A_1020 = arith.addf %logistic3A_1019, %logistic3A_1017 : vector<32x256xf32>
    %logistic3A_1021 = arith.divf %logistic3A_1019, %logistic3A_1020 : vector<32x256xf32>
    %slice3A_1022 = vector.extract_strided_slice %add3A_1007 {offsets = [0, 512], sizes = [32, 256], strides = [1, 1]} : vector<32x1024xf32> to vector<32x256xf32>
    %tanh3A_1023 = math.tanh %slice3A_1022 : vector<32x256xf32>
    %slice3A_1024 = vector.extract_strided_slice %add3A_1007 {offsets = [0, 768], sizes = [32, 256], strides = [1, 1]} : vector<32x1024xf32> to vector<32x256xf32>
    %logistic3A_1025 = arith.negf %slice3A_1024 : vector<32x256xf32>
    %logistic3A_1026 = math.exp %logistic3A_1025 : vector<32x256xf32>
    %logistic3A_1027 = arith.constant 1.000000e+00 : f32
    %logistic3A_1028 = vector.broadcast %logistic3A_1027 : f32 to vector<32x256xf32>
    %logistic3A_1029 = arith.addf %logistic3A_1028, %logistic3A_1026 : vector<32x256xf32>
    %logistic3A_1030 = arith.divf %logistic3A_1028, %logistic3A_1029 : vector<32x256xf32>
    %mul3A_1031 = arith.mulf %logistic3A_1021, %add3A_959 : vector<32x256xf32>
    %mul3A_1032 = arith.mulf %logistic3A_1014, %tanh3A_1023 : vector<32x256xf32>
    %add3A_1033 = arith.addf %mul3A_1031, %mul3A_1032 : vector<32x256xf32>
    %tanh3A_1034 = math.tanh %add3A_1033 : vector<32x256xf32>
    %mul3A_1035 = arith.mulf %logistic3A_1030, %tanh3A_1034 : vector<32x256xf32>
    %convert_element_type3A_1036 = arith.truncf %mul3A_1035 : vector<32x256xf32> to vector<32x256xbf16>
    %slice3A_1037 = vector.extract_strided_slice %add3A_29 {offsets = [352, 0], sizes = [32, 1024], strides = [1, 1]} : vector<800x1024xf32> to vector<32x1024xf32>
    %convert_element_type3A_1038 = arith.truncf %mul3A_998 : vector<32x256xf32> to vector<32x256xbf16>
    %get3A_1039 = arith.constant 0 : index
    %get3A_1040 = arith.constant 0 : index
    %get3A_1041 = vector.load %arg7[%get3A_1039, %get3A_1040] : memref<256x1024xbf16, #tpu.memory_space<vmem>>, vector<256x1024xbf16>
    %dot_general3A_1042 = arith.constant dense<0.000000e+00> : vector<32x1024xf32>
    %dot_general3A_1043 = tpu.matmul %convert_element_type3A_1038, %get3A_1041, %dot_general3A_1042 {dimension_numbers = #tpu.dot_dimension_numbers<[1], [0], [0], [1], [0, 0, 1, 1], [], []>, transpose_lhs_hint = false} : vector<32x256xbf16>, vector<256x1024xbf16>, vector<32x1024xf32> -> vector<32x1024xf32>
    %add3A_1044 = arith.addf %slice3A_1037, %dot_general3A_1043 : vector<32x1024xf32>
    %slice3A_1045 = vector.extract_strided_slice %add3A_1044 {offsets = [0, 0], sizes = [32, 256], strides = [1, 1]} : vector<32x1024xf32> to vector<32x256xf32>
    %logistic3A_1046 = arith.negf %slice3A_1045 : vector<32x256xf32>
    %logistic3A_1047 = math.exp %logistic3A_1046 : vector<32x256xf32>
    %logistic3A_1048 = arith.constant 1.000000e+00 : f32
    %logistic3A_1049 = vector.broadcast %logistic3A_1048 : f32 to vector<32x256xf32>
    %logistic3A_1050 = arith.addf %logistic3A_1049, %logistic3A_1047 : vector<32x256xf32>
    %logistic3A_1051 = arith.divf %logistic3A_1049, %logistic3A_1050 : vector<32x256xf32>
    %slice3A_1052 = vector.extract_strided_slice %add3A_1044 {offsets = [0, 256], sizes = [32, 256], strides = [1, 1]} : vector<32x1024xf32> to vector<32x256xf32>
    %logistic3A_1053 = arith.negf %slice3A_1052 : vector<32x256xf32>
    %logistic3A_1054 = math.exp %logistic3A_1053 : vector<32x256xf32>
    %logistic3A_1055 = arith.constant 1.000000e+00 : f32
    %logistic3A_1056 = vector.broadcast %logistic3A_1055 : f32 to vector<32x256xf32>
    %logistic3A_1057 = arith.addf %logistic3A_1056, %logistic3A_1054 : vector<32x256xf32>
    %logistic3A_1058 = arith.divf %logistic3A_1056, %logistic3A_1057 : vector<32x256xf32>
    %slice3A_1059 = vector.extract_strided_slice %add3A_1044 {offsets = [0, 512], sizes = [32, 256], strides = [1, 1]} : vector<32x1024xf32> to vector<32x256xf32>
    %tanh3A_1060 = math.tanh %slice3A_1059 : vector<32x256xf32>
    %slice3A_1061 = vector.extract_strided_slice %add3A_1044 {offsets = [0, 768], sizes = [32, 256], strides = [1, 1]} : vector<32x1024xf32> to vector<32x256xf32>
    %logistic3A_1062 = arith.negf %slice3A_1061 : vector<32x256xf32>
    %logistic3A_1063 = math.exp %logistic3A_1062 : vector<32x256xf32>
    %logistic3A_1064 = arith.constant 1.000000e+00 : f32
    %logistic3A_1065 = vector.broadcast %logistic3A_1064 : f32 to vector<32x256xf32>
    %logistic3A_1066 = arith.addf %logistic3A_1065, %logistic3A_1063 : vector<32x256xf32>
    %logistic3A_1067 = arith.divf %logistic3A_1065, %logistic3A_1066 : vector<32x256xf32>
    %mul3A_1068 = arith.mulf %logistic3A_1058, %add3A_996 : vector<32x256xf32>
    %mul3A_1069 = arith.mulf %logistic3A_1051, %tanh3A_1060 : vector<32x256xf32>
    %add3A_1070 = arith.addf %mul3A_1068, %mul3A_1069 : vector<32x256xf32>
    %tanh3A_1071 = math.tanh %add3A_1070 : vector<32x256xf32>
    %mul3A_1072 = arith.mulf %logistic3A_1067, %tanh3A_1071 : vector<32x256xf32>
    %convert_element_type3A_1073 = arith.truncf %mul3A_1072 : vector<32x256xf32> to vector<32x256xbf16>
    %slice3A_1074 = vector.extract_strided_slice %add3A_13 {offsets = [448, 0], sizes = [32, 1024], strides = [1, 1]} : vector<800x1024xf32> to vector<32x1024xf32>
    %convert_element_type3A_1075 = arith.truncf %mul3A_1035 : vector<32x256xf32> to vector<32x256xbf16>
    %get3A_1076 = arith.constant 0 : index
    %get3A_1077 = arith.constant 0 : index
    %get3A_1078 = vector.load %arg4[%get3A_1076, %get3A_1077] : memref<256x1024xbf16, #tpu.memory_space<vmem>>, vector<256x1024xbf16>
    %dot_general3A_1079 = arith.constant dense<0.000000e+00> : vector<32x1024xf32>
    %dot_general3A_1080 = tpu.matmul %convert_element_type3A_1075, %get3A_1078, %dot_general3A_1079 {dimension_numbers = #tpu.dot_dimension_numbers<[1], [0], [0], [1], [0, 0, 1, 1], [], []>, transpose_lhs_hint = false} : vector<32x256xbf16>, vector<256x1024xbf16>, vector<32x1024xf32> -> vector<32x1024xf32>
    %add3A_1081 = arith.addf %slice3A_1074, %dot_general3A_1080 : vector<32x1024xf32>
    %slice3A_1082 = vector.extract_strided_slice %add3A_1081 {offsets = [0, 0], sizes = [32, 256], strides = [1, 1]} : vector<32x1024xf32> to vector<32x256xf32>
    %logistic3A_1083 = arith.negf %slice3A_1082 : vector<32x256xf32>
    %logistic3A_1084 = math.exp %logistic3A_1083 : vector<32x256xf32>
    %logistic3A_1085 = arith.constant 1.000000e+00 : f32
    %logistic3A_1086 = vector.broadcast %logistic3A_1085 : f32 to vector<32x256xf32>
    %logistic3A_1087 = arith.addf %logistic3A_1086, %logistic3A_1084 : vector<32x256xf32>
    %logistic3A_1088 = arith.divf %logistic3A_1086, %logistic3A_1087 : vector<32x256xf32>
    %slice3A_1089 = vector.extract_strided_slice %add3A_1081 {offsets = [0, 256], sizes = [32, 256], strides = [1, 1]} : vector<32x1024xf32> to vector<32x256xf32>
    %logistic3A_1090 = arith.negf %slice3A_1089 : vector<32x256xf32>
    %logistic3A_1091 = math.exp %logistic3A_1090 : vector<32x256xf32>
    %logistic3A_1092 = arith.constant 1.000000e+00 : f32
    %logistic3A_1093 = vector.broadcast %logistic3A_1092 : f32 to vector<32x256xf32>
    %logistic3A_1094 = arith.addf %logistic3A_1093, %logistic3A_1091 : vector<32x256xf32>
    %logistic3A_1095 = arith.divf %logistic3A_1093, %logistic3A_1094 : vector<32x256xf32>
    %slice3A_1096 = vector.extract_strided_slice %add3A_1081 {offsets = [0, 512], sizes = [32, 256], strides = [1, 1]} : vector<32x1024xf32> to vector<32x256xf32>
    %tanh3A_1097 = math.tanh %slice3A_1096 : vector<32x256xf32>
    %slice3A_1098 = vector.extract_strided_slice %add3A_1081 {offsets = [0, 768], sizes = [32, 256], strides = [1, 1]} : vector<32x1024xf32> to vector<32x256xf32>
    %logistic3A_1099 = arith.negf %slice3A_1098 : vector<32x256xf32>
    %logistic3A_1100 = math.exp %logistic3A_1099 : vector<32x256xf32>
    %logistic3A_1101 = arith.constant 1.000000e+00 : f32
    %logistic3A_1102 = vector.broadcast %logistic3A_1101 : f32 to vector<32x256xf32>
    %logistic3A_1103 = arith.addf %logistic3A_1102, %logistic3A_1100 : vector<32x256xf32>
    %logistic3A_1104 = arith.divf %logistic3A_1102, %logistic3A_1103 : vector<32x256xf32>
    %mul3A_1105 = arith.mulf %logistic3A_1095, %add3A_1033 : vector<32x256xf32>
    %mul3A_1106 = arith.mulf %logistic3A_1088, %tanh3A_1097 : vector<32x256xf32>
    %add3A_1107 = arith.addf %mul3A_1105, %mul3A_1106 : vector<32x256xf32>
    %tanh3A_1108 = math.tanh %add3A_1107 : vector<32x256xf32>
    %mul3A_1109 = arith.mulf %logistic3A_1104, %tanh3A_1108 : vector<32x256xf32>
    %convert_element_type3A_1110 = arith.truncf %mul3A_1109 : vector<32x256xf32> to vector<32x256xbf16>
    %slice3A_1111 = vector.extract_strided_slice %add3A_29 {offsets = [320, 0], sizes = [32, 1024], strides = [1, 1]} : vector<800x1024xf32> to vector<32x1024xf32>
    %convert_element_type3A_1112 = arith.truncf %mul3A_1072 : vector<32x256xf32> to vector<32x256xbf16>
    %get3A_1113 = arith.constant 0 : index
    %get3A_1114 = arith.constant 0 : index
    %get3A_1115 = vector.load %arg7[%get3A_1113, %get3A_1114] : memref<256x1024xbf16, #tpu.memory_space<vmem>>, vector<256x1024xbf16>
    %dot_general3A_1116 = arith.constant dense<0.000000e+00> : vector<32x1024xf32>
    %dot_general3A_1117 = tpu.matmul %convert_element_type3A_1112, %get3A_1115, %dot_general3A_1116 {dimension_numbers = #tpu.dot_dimension_numbers<[1], [0], [0], [1], [0, 0, 1, 1], [], []>, transpose_lhs_hint = false} : vector<32x256xbf16>, vector<256x1024xbf16>, vector<32x1024xf32> -> vector<32x1024xf32>
    %add3A_1118 = arith.addf %slice3A_1111, %dot_general3A_1117 : vector<32x1024xf32>
    %slice3A_1119 = vector.extract_strided_slice %add3A_1118 {offsets = [0, 0], sizes = [32, 256], strides = [1, 1]} : vector<32x1024xf32> to vector<32x256xf32>
    %logistic3A_1120 = arith.negf %slice3A_1119 : vector<32x256xf32>
    %logistic3A_1121 = math.exp %logistic3A_1120 : vector<32x256xf32>
    %logistic3A_1122 = arith.constant 1.000000e+00 : f32
    %logistic3A_1123 = vector.broadcast %logistic3A_1122 : f32 to vector<32x256xf32>
    %logistic3A_1124 = arith.addf %logistic3A_1123, %logistic3A_1121 : vector<32x256xf32>
    %logistic3A_1125 = arith.divf %logistic3A_1123, %logistic3A_1124 : vector<32x256xf32>
    %slice3A_1126 = vector.extract_strided_slice %add3A_1118 {offsets = [0, 256], sizes = [32, 256], strides = [1, 1]} : vector<32x1024xf32> to vector<32x256xf32>
    %logistic3A_1127 = arith.negf %slice3A_1126 : vector<32x256xf32>
    %logistic3A_1128 = math.exp %logistic3A_1127 : vector<32x256xf32>
    %logistic3A_1129 = arith.constant 1.000000e+00 : f32
    %logistic3A_1130 = vector.broadcast %logistic3A_1129 : f32 to vector<32x256xf32>
    %logistic3A_1131 = arith.addf %logistic3A_1130, %logistic3A_1128 : vector<32x256xf32>
    %logistic3A_1132 = arith.divf %logistic3A_1130, %logistic3A_1131 : vector<32x256xf32>
    %slice3A_1133 = vector.extract_strided_slice %add3A_1118 {offsets = [0, 512], sizes = [32, 256], strides = [1, 1]} : vector<32x1024xf32> to vector<32x256xf32>
    %tanh3A_1134 = math.tanh %slice3A_1133 : vector<32x256xf32>
    %slice3A_1135 = vector.extract_strided_slice %add3A_1118 {offsets = [0, 768], sizes = [32, 256], strides = [1, 1]} : vector<32x1024xf32> to vector<32x256xf32>
    %logistic3A_1136 = arith.negf %slice3A_1135 : vector<32x256xf32>
    %logistic3A_1137 = math.exp %logistic3A_1136 : vector<32x256xf32>
    %logistic3A_1138 = arith.constant 1.000000e+00 : f32
    %logistic3A_1139 = vector.broadcast %logistic3A_1138 : f32 to vector<32x256xf32>
    %logistic3A_1140 = arith.addf %logistic3A_1139, %logistic3A_1137 : vector<32x256xf32>
    %logistic3A_1141 = arith.divf %logistic3A_1139, %logistic3A_1140 : vector<32x256xf32>
    %mul3A_1142 = arith.mulf %logistic3A_1132, %add3A_1070 : vector<32x256xf32>
    %mul3A_1143 = arith.mulf %logistic3A_1125, %tanh3A_1134 : vector<32x256xf32>
    %add3A_1144 = arith.addf %mul3A_1142, %mul3A_1143 : vector<32x256xf32>
    %tanh3A_1145 = math.tanh %add3A_1144 : vector<32x256xf32>
    %mul3A_1146 = arith.mulf %logistic3A_1141, %tanh3A_1145 : vector<32x256xf32>
    %convert_element_type3A_1147 = arith.truncf %mul3A_1146 : vector<32x256xf32> to vector<32x256xbf16>
    %slice3A_1148 = vector.extract_strided_slice %add3A_13 {offsets = [480, 0], sizes = [32, 1024], strides = [1, 1]} : vector<800x1024xf32> to vector<32x1024xf32>
    %convert_element_type3A_1149 = arith.truncf %mul3A_1109 : vector<32x256xf32> to vector<32x256xbf16>
    %get3A_1150 = arith.constant 0 : index
    %get3A_1151 = arith.constant 0 : index
    %get3A_1152 = vector.load %arg4[%get3A_1150, %get3A_1151] : memref<256x1024xbf16, #tpu.memory_space<vmem>>, vector<256x1024xbf16>
    %dot_general3A_1153 = arith.constant dense<0.000000e+00> : vector<32x1024xf32>
    %dot_general3A_1154 = tpu.matmul %convert_element_type3A_1149, %get3A_1152, %dot_general3A_1153 {dimension_numbers = #tpu.dot_dimension_numbers<[1], [0], [0], [1], [0, 0, 1, 1], [], []>, transpose_lhs_hint = false} : vector<32x256xbf16>, vector<256x1024xbf16>, vector<32x1024xf32> -> vector<32x1024xf32>
    %add3A_1155 = arith.addf %slice3A_1148, %dot_general3A_1154 : vector<32x1024xf32>
    %slice3A_1156 = vector.extract_strided_slice %add3A_1155 {offsets = [0, 0], sizes = [32, 256], strides = [1, 1]} : vector<32x1024xf32> to vector<32x256xf32>
    %logistic3A_1157 = arith.negf %slice3A_1156 : vector<32x256xf32>
    %logistic3A_1158 = math.exp %logistic3A_1157 : vector<32x256xf32>
    %logistic3A_1159 = arith.constant 1.000000e+00 : f32
    %logistic3A_1160 = vector.broadcast %logistic3A_1159 : f32 to vector<32x256xf32>
    %logistic3A_1161 = arith.addf %logistic3A_1160, %logistic3A_1158 : vector<32x256xf32>
    %logistic3A_1162 = arith.divf %logistic3A_1160, %logistic3A_1161 : vector<32x256xf32>
    %slice3A_1163 = vector.extract_strided_slice %add3A_1155 {offsets = [0, 256], sizes = [32, 256], strides = [1, 1]} : vector<32x1024xf32> to vector<32x256xf32>
    %logistic3A_1164 = arith.negf %slice3A_1163 : vector<32x256xf32>
    %logistic3A_1165 = math.exp %logistic3A_1164 : vector<32x256xf32>
    %logistic3A_1166 = arith.constant 1.000000e+00 : f32
    %logistic3A_1167 = vector.broadcast %logistic3A_1166 : f32 to vector<32x256xf32>
    %logistic3A_1168 = arith.addf %logistic3A_1167, %logistic3A_1165 : vector<32x256xf32>
    %logistic3A_1169 = arith.divf %logistic3A_1167, %logistic3A_1168 : vector<32x256xf32>
    %slice3A_1170 = vector.extract_strided_slice %add3A_1155 {offsets = [0, 512], sizes = [32, 256], strides = [1, 1]} : vector<32x1024xf32> to vector<32x256xf32>
    %tanh3A_1171 = math.tanh %slice3A_1170 : vector<32x256xf32>
    %slice3A_1172 = vector.extract_strided_slice %add3A_1155 {offsets = [0, 768], sizes = [32, 256], strides = [1, 1]} : vector<32x1024xf32> to vector<32x256xf32>
    %logistic3A_1173 = arith.negf %slice3A_1172 : vector<32x256xf32>
    %logistic3A_1174 = math.exp %logistic3A_1173 : vector<32x256xf32>
    %logistic3A_1175 = arith.constant 1.000000e+00 : f32
    %logistic3A_1176 = vector.broadcast %logistic3A_1175 : f32 to vector<32x256xf32>
    %logistic3A_1177 = arith.addf %logistic3A_1176, %logistic3A_1174 : vector<32x256xf32>
    %logistic3A_1178 = arith.divf %logistic3A_1176, %logistic3A_1177 : vector<32x256xf32>
    %mul3A_1179 = arith.mulf %logistic3A_1169, %add3A_1107 : vector<32x256xf32>
    %mul3A_1180 = arith.mulf %logistic3A_1162, %tanh3A_1171 : vector<32x256xf32>
    %add3A_1181 = arith.addf %mul3A_1179, %mul3A_1180 : vector<32x256xf32>
    %tanh3A_1182 = math.tanh %add3A_1181 : vector<32x256xf32>
    %mul3A_1183 = arith.mulf %logistic3A_1178, %tanh3A_1182 : vector<32x256xf32>
    %convert_element_type3A_1184 = arith.truncf %mul3A_1183 : vector<32x256xf32> to vector<32x256xbf16>
    %slice3A_1185 = vector.extract_strided_slice %add3A_29 {offsets = [288, 0], sizes = [32, 1024], strides = [1, 1]} : vector<800x1024xf32> to vector<32x1024xf32>
    %convert_element_type3A_1186 = arith.truncf %mul3A_1146 : vector<32x256xf32> to vector<32x256xbf16>
    %get3A_1187 = arith.constant 0 : index
    %get3A_1188 = arith.constant 0 : index
    %get3A_1189 = vector.load %arg7[%get3A_1187, %get3A_1188] : memref<256x1024xbf16, #tpu.memory_space<vmem>>, vector<256x1024xbf16>
    %dot_general3A_1190 = arith.constant dense<0.000000e+00> : vector<32x1024xf32>
    %dot_general3A_1191 = tpu.matmul %convert_element_type3A_1186, %get3A_1189, %dot_general3A_1190 {dimension_numbers = #tpu.dot_dimension_numbers<[1], [0], [0], [1], [0, 0, 1, 1], [], []>, transpose_lhs_hint = false} : vector<32x256xbf16>, vector<256x1024xbf16>, vector<32x1024xf32> -> vector<32x1024xf32>
    %add3A_1192 = arith.addf %slice3A_1185, %dot_general3A_1191 : vector<32x1024xf32>
    %slice3A_1193 = vector.extract_strided_slice %add3A_1192 {offsets = [0, 0], sizes = [32, 256], strides = [1, 1]} : vector<32x1024xf32> to vector<32x256xf32>
    %logistic3A_1194 = arith.negf %slice3A_1193 : vector<32x256xf32>
    %logistic3A_1195 = math.exp %logistic3A_1194 : vector<32x256xf32>
    %logistic3A_1196 = arith.constant 1.000000e+00 : f32
    %logistic3A_1197 = vector.broadcast %logistic3A_1196 : f32 to vector<32x256xf32>
    %logistic3A_1198 = arith.addf %logistic3A_1197, %logistic3A_1195 : vector<32x256xf32>
    %logistic3A_1199 = arith.divf %logistic3A_1197, %logistic3A_1198 : vector<32x256xf32>
    %slice3A_1200 = vector.extract_strided_slice %add3A_1192 {offsets = [0, 256], sizes = [32, 256], strides = [1, 1]} : vector<32x1024xf32> to vector<32x256xf32>
    %logistic3A_1201 = arith.negf %slice3A_1200 : vector<32x256xf32>
    %logistic3A_1202 = math.exp %logistic3A_1201 : vector<32x256xf32>
    %logistic3A_1203 = arith.constant 1.000000e+00 : f32
    %logistic3A_1204 = vector.broadcast %logistic3A_1203 : f32 to vector<32x256xf32>
    %logistic3A_1205 = arith.addf %logistic3A_1204, %logistic3A_1202 : vector<32x256xf32>
    %logistic3A_1206 = arith.divf %logistic3A_1204, %logistic3A_1205 : vector<32x256xf32>
    %slice3A_1207 = vector.extract_strided_slice %add3A_1192 {offsets = [0, 512], sizes = [32, 256], strides = [1, 1]} : vector<32x1024xf32> to vector<32x256xf32>
    %tanh3A_1208 = math.tanh %slice3A_1207 : vector<32x256xf32>
    %slice3A_1209 = vector.extract_strided_slice %add3A_1192 {offsets = [0, 768], sizes = [32, 256], strides = [1, 1]} : vector<32x1024xf32> to vector<32x256xf32>
    %logistic3A_1210 = arith.negf %slice3A_1209 : vector<32x256xf32>
    %logistic3A_1211 = math.exp %logistic3A_1210 : vector<32x256xf32>
    %logistic3A_1212 = arith.constant 1.000000e+00 : f32
    %logistic3A_1213 = vector.broadcast %logistic3A_1212 : f32 to vector<32x256xf32>
    %logistic3A_1214 = arith.addf %logistic3A_1213, %logistic3A_1211 : vector<32x256xf32>
    %logistic3A_1215 = arith.divf %logistic3A_1213, %logistic3A_1214 : vector<32x256xf32>
    %mul3A_1216 = arith.mulf %logistic3A_1206, %add3A_1144 : vector<32x256xf32>
    %mul3A_1217 = arith.mulf %logistic3A_1199, %tanh3A_1208 : vector<32x256xf32>
    %add3A_1218 = arith.addf %mul3A_1216, %mul3A_1217 : vector<32x256xf32>
    %tanh3A_1219 = math.tanh %add3A_1218 : vector<32x256xf32>
    %mul3A_1220 = arith.mulf %logistic3A_1215, %tanh3A_1219 : vector<32x256xf32>
    %convert_element_type3A_1221 = arith.truncf %mul3A_1220 : vector<32x256xf32> to vector<32x256xbf16>
    %slice3A_1222 = vector.extract_strided_slice %add3A_13 {offsets = [512, 0], sizes = [32, 1024], strides = [1, 1]} : vector<800x1024xf32> to vector<32x1024xf32>
    %convert_element_type3A_1223 = arith.truncf %mul3A_1183 : vector<32x256xf32> to vector<32x256xbf16>
    %get3A_1224 = arith.constant 0 : index
    %get3A_1225 = arith.constant 0 : index
    %get3A_1226 = vector.load %arg4[%get3A_1224, %get3A_1225] : memref<256x1024xbf16, #tpu.memory_space<vmem>>, vector<256x1024xbf16>
    %dot_general3A_1227 = arith.constant dense<0.000000e+00> : vector<32x1024xf32>
    %dot_general3A_1228 = tpu.matmul %convert_element_type3A_1223, %get3A_1226, %dot_general3A_1227 {dimension_numbers = #tpu.dot_dimension_numbers<[1], [0], [0], [1], [0, 0, 1, 1], [], []>, transpose_lhs_hint = false} : vector<32x256xbf16>, vector<256x1024xbf16>, vector<32x1024xf32> -> vector<32x1024xf32>
    %add3A_1229 = arith.addf %slice3A_1222, %dot_general3A_1228 : vector<32x1024xf32>
    %slice3A_1230 = vector.extract_strided_slice %add3A_1229 {offsets = [0, 0], sizes = [32, 256], strides = [1, 1]} : vector<32x1024xf32> to vector<32x256xf32>
    %logistic3A_1231 = arith.negf %slice3A_1230 : vector<32x256xf32>
    %logistic3A_1232 = math.exp %logistic3A_1231 : vector<32x256xf32>
    %logistic3A_1233 = arith.constant 1.000000e+00 : f32
    %logistic3A_1234 = vector.broadcast %logistic3A_1233 : f32 to vector<32x256xf32>
    %logistic3A_1235 = arith.addf %logistic3A_1234, %logistic3A_1232 : vector<32x256xf32>
    %logistic3A_1236 = arith.divf %logistic3A_1234, %logistic3A_1235 : vector<32x256xf32>
    %slice3A_1237 = vector.extract_strided_slice %add3A_1229 {offsets = [0, 256], sizes = [32, 256], strides = [1, 1]} : vector<32x1024xf32> to vector<32x256xf32>
    %logistic3A_1238 = arith.negf %slice3A_1237 : vector<32x256xf32>
    %logistic3A_1239 = math.exp %logistic3A_1238 : vector<32x256xf32>
    %logistic3A_1240 = arith.constant 1.000000e+00 : f32
    %logistic3A_1241 = vector.broadcast %logistic3A_1240 : f32 to vector<32x256xf32>
    %logistic3A_1242 = arith.addf %logistic3A_1241, %logistic3A_1239 : vector<32x256xf32>
    %logistic3A_1243 = arith.divf %logistic3A_1241, %logistic3A_1242 : vector<32x256xf32>
    %slice3A_1244 = vector.extract_strided_slice %add3A_1229 {offsets = [0, 512], sizes = [32, 256], strides = [1, 1]} : vector<32x1024xf32> to vector<32x256xf32>
    %tanh3A_1245 = math.tanh %slice3A_1244 : vector<32x256xf32>
    %slice3A_1246 = vector.extract_strided_slice %add3A_1229 {offsets = [0, 768], sizes = [32, 256], strides = [1, 1]} : vector<32x1024xf32> to vector<32x256xf32>
    %logistic3A_1247 = arith.negf %slice3A_1246 : vector<32x256xf32>
    %logistic3A_1248 = math.exp %logistic3A_1247 : vector<32x256xf32>
    %logistic3A_1249 = arith.constant 1.000000e+00 : f32
    %logistic3A_1250 = vector.broadcast %logistic3A_1249 : f32 to vector<32x256xf32>
    %logistic3A_1251 = arith.addf %logistic3A_1250, %logistic3A_1248 : vector<32x256xf32>
    %logistic3A_1252 = arith.divf %logistic3A_1250, %logistic3A_1251 : vector<32x256xf32>
    %mul3A_1253 = arith.mulf %logistic3A_1243, %add3A_1181 : vector<32x256xf32>
    %mul3A_1254 = arith.mulf %logistic3A_1236, %tanh3A_1245 : vector<32x256xf32>
    %add3A_1255 = arith.addf %mul3A_1253, %mul3A_1254 : vector<32x256xf32>
    %tanh3A_1256 = math.tanh %add3A_1255 : vector<32x256xf32>
    %mul3A_1257 = arith.mulf %logistic3A_1252, %tanh3A_1256 : vector<32x256xf32>
    %convert_element_type3A_1258 = arith.truncf %mul3A_1257 : vector<32x256xf32> to vector<32x256xbf16>
    %slice3A_1259 = vector.extract_strided_slice %add3A_29 {offsets = [256, 0], sizes = [32, 1024], strides = [1, 1]} : vector<800x1024xf32> to vector<32x1024xf32>
    %convert_element_type3A_1260 = arith.truncf %mul3A_1220 : vector<32x256xf32> to vector<32x256xbf16>
    %get3A_1261 = arith.constant 0 : index
    %get3A_1262 = arith.constant 0 : index
    %get3A_1263 = vector.load %arg7[%get3A_1261, %get3A_1262] : memref<256x1024xbf16, #tpu.memory_space<vmem>>, vector<256x1024xbf16>
    %dot_general3A_1264 = arith.constant dense<0.000000e+00> : vector<32x1024xf32>
    %dot_general3A_1265 = tpu.matmul %convert_element_type3A_1260, %get3A_1263, %dot_general3A_1264 {dimension_numbers = #tpu.dot_dimension_numbers<[1], [0], [0], [1], [0, 0, 1, 1], [], []>, transpose_lhs_hint = false} : vector<32x256xbf16>, vector<256x1024xbf16>, vector<32x1024xf32> -> vector<32x1024xf32>
    %add3A_1266 = arith.addf %slice3A_1259, %dot_general3A_1265 : vector<32x1024xf32>
    %slice3A_1267 = vector.extract_strided_slice %add3A_1266 {offsets = [0, 0], sizes = [32, 256], strides = [1, 1]} : vector<32x1024xf32> to vector<32x256xf32>
    %logistic3A_1268 = arith.negf %slice3A_1267 : vector<32x256xf32>
    %logistic3A_1269 = math.exp %logistic3A_1268 : vector<32x256xf32>
    %logistic3A_1270 = arith.constant 1.000000e+00 : f32
    %logistic3A_1271 = vector.broadcast %logistic3A_1270 : f32 to vector<32x256xf32>
    %logistic3A_1272 = arith.addf %logistic3A_1271, %logistic3A_1269 : vector<32x256xf32>
    %logistic3A_1273 = arith.divf %logistic3A_1271, %logistic3A_1272 : vector<32x256xf32>
    %slice3A_1274 = vector.extract_strided_slice %add3A_1266 {offsets = [0, 256], sizes = [32, 256], strides = [1, 1]} : vector<32x1024xf32> to vector<32x256xf32>
    %logistic3A_1275 = arith.negf %slice3A_1274 : vector<32x256xf32>
    %logistic3A_1276 = math.exp %logistic3A_1275 : vector<32x256xf32>
    %logistic3A_1277 = arith.constant 1.000000e+00 : f32
    %logistic3A_1278 = vector.broadcast %logistic3A_1277 : f32 to vector<32x256xf32>
    %logistic3A_1279 = arith.addf %logistic3A_1278, %logistic3A_1276 : vector<32x256xf32>
    %logistic3A_1280 = arith.divf %logistic3A_1278, %logistic3A_1279 : vector<32x256xf32>
    %slice3A_1281 = vector.extract_strided_slice %add3A_1266 {offsets = [0, 512], sizes = [32, 256], strides = [1, 1]} : vector<32x1024xf32> to vector<32x256xf32>
    %tanh3A_1282 = math.tanh %slice3A_1281 : vector<32x256xf32>
    %slice3A_1283 = vector.extract_strided_slice %add3A_1266 {offsets = [0, 768], sizes = [32, 256], strides = [1, 1]} : vector<32x1024xf32> to vector<32x256xf32>
    %logistic3A_1284 = arith.negf %slice3A_1283 : vector<32x256xf32>
    %logistic3A_1285 = math.exp %logistic3A_1284 : vector<32x256xf32>
    %logistic3A_1286 = arith.constant 1.000000e+00 : f32
    %logistic3A_1287 = vector.broadcast %logistic3A_1286 : f32 to vector<32x256xf32>
    %logistic3A_1288 = arith.addf %logistic3A_1287, %logistic3A_1285 : vector<32x256xf32>
    %logistic3A_1289 = arith.divf %logistic3A_1287, %logistic3A_1288 : vector<32x256xf32>
    %mul3A_1290 = arith.mulf %logistic3A_1280, %add3A_1218 : vector<32x256xf32>
    %mul3A_1291 = arith.mulf %logistic3A_1273, %tanh3A_1282 : vector<32x256xf32>
    %add3A_1292 = arith.addf %mul3A_1290, %mul3A_1291 : vector<32x256xf32>
    %tanh3A_1293 = math.tanh %add3A_1292 : vector<32x256xf32>
    %mul3A_1294 = arith.mulf %logistic3A_1289, %tanh3A_1293 : vector<32x256xf32>
    %convert_element_type3A_1295 = arith.truncf %mul3A_1294 : vector<32x256xf32> to vector<32x256xbf16>
    %slice3A_1296 = vector.extract_strided_slice %add3A_13 {offsets = [544, 0], sizes = [32, 1024], strides = [1, 1]} : vector<800x1024xf32> to vector<32x1024xf32>
    %convert_element_type3A_1297 = arith.truncf %mul3A_1257 : vector<32x256xf32> to vector<32x256xbf16>
    %get3A_1298 = arith.constant 0 : index
    %get3A_1299 = arith.constant 0 : index
    %get3A_1300 = vector.load %arg4[%get3A_1298, %get3A_1299] : memref<256x1024xbf16, #tpu.memory_space<vmem>>, vector<256x1024xbf16>
    %dot_general3A_1301 = arith.constant dense<0.000000e+00> : vector<32x1024xf32>
    %dot_general3A_1302 = tpu.matmul %convert_element_type3A_1297, %get3A_1300, %dot_general3A_1301 {dimension_numbers = #tpu.dot_dimension_numbers<[1], [0], [0], [1], [0, 0, 1, 1], [], []>, transpose_lhs_hint = false} : vector<32x256xbf16>, vector<256x1024xbf16>, vector<32x1024xf32> -> vector<32x1024xf32>
    %add3A_1303 = arith.addf %slice3A_1296, %dot_general3A_1302 : vector<32x1024xf32>
    %slice3A_1304 = vector.extract_strided_slice %add3A_1303 {offsets = [0, 0], sizes = [32, 256], strides = [1, 1]} : vector<32x1024xf32> to vector<32x256xf32>
    %logistic3A_1305 = arith.negf %slice3A_1304 : vector<32x256xf32>
    %logistic3A_1306 = math.exp %logistic3A_1305 : vector<32x256xf32>
    %logistic3A_1307 = arith.constant 1.000000e+00 : f32
    %logistic3A_1308 = vector.broadcast %logistic3A_1307 : f32 to vector<32x256xf32>
    %logistic3A_1309 = arith.addf %logistic3A_1308, %logistic3A_1306 : vector<32x256xf32>
    %logistic3A_1310 = arith.divf %logistic3A_1308, %logistic3A_1309 : vector<32x256xf32>
    %slice3A_1311 = vector.extract_strided_slice %add3A_1303 {offsets = [0, 256], sizes = [32, 256], strides = [1, 1]} : vector<32x1024xf32> to vector<32x256xf32>
    %logistic3A_1312 = arith.negf %slice3A_1311 : vector<32x256xf32>
    %logistic3A_1313 = math.exp %logistic3A_1312 : vector<32x256xf32>
    %logistic3A_1314 = arith.constant 1.000000e+00 : f32
    %logistic3A_1315 = vector.broadcast %logistic3A_1314 : f32 to vector<32x256xf32>
    %logistic3A_1316 = arith.addf %logistic3A_1315, %logistic3A_1313 : vector<32x256xf32>
    %logistic3A_1317 = arith.divf %logistic3A_1315, %logistic3A_1316 : vector<32x256xf32>
    %slice3A_1318 = vector.extract_strided_slice %add3A_1303 {offsets = [0, 512], sizes = [32, 256], strides = [1, 1]} : vector<32x1024xf32> to vector<32x256xf32>
    %tanh3A_1319 = math.tanh %slice3A_1318 : vector<32x256xf32>
    %slice3A_1320 = vector.extract_strided_slice %add3A_1303 {offsets = [0, 768], sizes = [32, 256], strides = [1, 1]} : vector<32x1024xf32> to vector<32x256xf32>
    %logistic3A_1321 = arith.negf %slice3A_1320 : vector<32x256xf32>
    %logistic3A_1322 = math.exp %logistic3A_1321 : vector<32x256xf32>
    %logistic3A_1323 = arith.constant 1.000000e+00 : f32
    %logistic3A_1324 = vector.broadcast %logistic3A_1323 : f32 to vector<32x256xf32>
    %logistic3A_1325 = arith.addf %logistic3A_1324, %logistic3A_1322 : vector<32x256xf32>
    %logistic3A_1326 = arith.divf %logistic3A_1324, %logistic3A_1325 : vector<32x256xf32>
    %mul3A_1327 = arith.mulf %logistic3A_1317, %add3A_1255 : vector<32x256xf32>
    %mul3A_1328 = arith.mulf %logistic3A_1310, %tanh3A_1319 : vector<32x256xf32>
    %add3A_1329 = arith.addf %mul3A_1327, %mul3A_1328 : vector<32x256xf32>
    %tanh3A_1330 = math.tanh %add3A_1329 : vector<32x256xf32>
    %mul3A_1331 = arith.mulf %logistic3A_1326, %tanh3A_1330 : vector<32x256xf32>
    %convert_element_type3A_1332 = arith.truncf %mul3A_1331 : vector<32x256xf32> to vector<32x256xbf16>
    %slice3A_1333 = vector.extract_strided_slice %add3A_29 {offsets = [224, 0], sizes = [32, 1024], strides = [1, 1]} : vector<800x1024xf32> to vector<32x1024xf32>
    %convert_element_type3A_1334 = arith.truncf %mul3A_1294 : vector<32x256xf32> to vector<32x256xbf16>
    %get3A_1335 = arith.constant 0 : index
    %get3A_1336 = arith.constant 0 : index
    %get3A_1337 = vector.load %arg7[%get3A_1335, %get3A_1336] : memref<256x1024xbf16, #tpu.memory_space<vmem>>, vector<256x1024xbf16>
    %dot_general3A_1338 = arith.constant dense<0.000000e+00> : vector<32x1024xf32>
    %dot_general3A_1339 = tpu.matmul %convert_element_type3A_1334, %get3A_1337, %dot_general3A_1338 {dimension_numbers = #tpu.dot_dimension_numbers<[1], [0], [0], [1], [0, 0, 1, 1], [], []>, transpose_lhs_hint = false} : vector<32x256xbf16>, vector<256x1024xbf16>, vector<32x1024xf32> -> vector<32x1024xf32>
    %add3A_1340 = arith.addf %slice3A_1333, %dot_general3A_1339 : vector<32x1024xf32>
    %slice3A_1341 = vector.extract_strided_slice %add3A_1340 {offsets = [0, 0], sizes = [32, 256], strides = [1, 1]} : vector<32x1024xf32> to vector<32x256xf32>
    %logistic3A_1342 = arith.negf %slice3A_1341 : vector<32x256xf32>
    %logistic3A_1343 = math.exp %logistic3A_1342 : vector<32x256xf32>
    %logistic3A_1344 = arith.constant 1.000000e+00 : f32
    %logistic3A_1345 = vector.broadcast %logistic3A_1344 : f32 to vector<32x256xf32>
    %logistic3A_1346 = arith.addf %logistic3A_1345, %logistic3A_1343 : vector<32x256xf32>
    %logistic3A_1347 = arith.divf %logistic3A_1345, %logistic3A_1346 : vector<32x256xf32>
    %slice3A_1348 = vector.extract_strided_slice %add3A_1340 {offsets = [0, 256], sizes = [32, 256], strides = [1, 1]} : vector<32x1024xf32> to vector<32x256xf32>
    %logistic3A_1349 = arith.negf %slice3A_1348 : vector<32x256xf32>
    %logistic3A_1350 = math.exp %logistic3A_1349 : vector<32x256xf32>
    %logistic3A_1351 = arith.constant 1.000000e+00 : f32
    %logistic3A_1352 = vector.broadcast %logistic3A_1351 : f32 to vector<32x256xf32>
    %logistic3A_1353 = arith.addf %logistic3A_1352, %logistic3A_1350 : vector<32x256xf32>
    %logistic3A_1354 = arith.divf %logistic3A_1352, %logistic3A_1353 : vector<32x256xf32>
    %slice3A_1355 = vector.extract_strided_slice %add3A_1340 {offsets = [0, 512], sizes = [32, 256], strides = [1, 1]} : vector<32x1024xf32> to vector<32x256xf32>
    %tanh3A_1356 = math.tanh %slice3A_1355 : vector<32x256xf32>
    %slice3A_1357 = vector.extract_strided_slice %add3A_1340 {offsets = [0, 768], sizes = [32, 256], strides = [1, 1]} : vector<32x1024xf32> to vector<32x256xf32>
    %logistic3A_1358 = arith.negf %slice3A_1357 : vector<32x256xf32>
    %logistic3A_1359 = math.exp %logistic3A_1358 : vector<32x256xf32>
    %logistic3A_1360 = arith.constant 1.000000e+00 : f32
    %logistic3A_1361 = vector.broadcast %logistic3A_1360 : f32 to vector<32x256xf32>
    %logistic3A_1362 = arith.addf %logistic3A_1361, %logistic3A_1359 : vector<32x256xf32>
    %logistic3A_1363 = arith.divf %logistic3A_1361, %logistic3A_1362 : vector<32x256xf32>
    %mul3A_1364 = arith.mulf %logistic3A_1354, %add3A_1292 : vector<32x256xf32>
    %mul3A_1365 = arith.mulf %logistic3A_1347, %tanh3A_1356 : vector<32x256xf32>
    %add3A_1366 = arith.addf %mul3A_1364, %mul3A_1365 : vector<32x256xf32>
    %tanh3A_1367 = math.tanh %add3A_1366 : vector<32x256xf32>
    %mul3A_1368 = arith.mulf %logistic3A_1363, %tanh3A_1367 : vector<32x256xf32>
    %convert_element_type3A_1369 = arith.truncf %mul3A_1368 : vector<32x256xf32> to vector<32x256xbf16>
    %slice3A_1370 = vector.extract_strided_slice %add3A_13 {offsets = [576, 0], sizes = [32, 1024], strides = [1, 1]} : vector<800x1024xf32> to vector<32x1024xf32>
    %convert_element_type3A_1371 = arith.truncf %mul3A_1331 : vector<32x256xf32> to vector<32x256xbf16>
    %get3A_1372 = arith.constant 0 : index
    %get3A_1373 = arith.constant 0 : index
    %get3A_1374 = vector.load %arg4[%get3A_1372, %get3A_1373] : memref<256x1024xbf16, #tpu.memory_space<vmem>>, vector<256x1024xbf16>
    %dot_general3A_1375 = arith.constant dense<0.000000e+00> : vector<32x1024xf32>
    %dot_general3A_1376 = tpu.matmul %convert_element_type3A_1371, %get3A_1374, %dot_general3A_1375 {dimension_numbers = #tpu.dot_dimension_numbers<[1], [0], [0], [1], [0, 0, 1, 1], [], []>, transpose_lhs_hint = false} : vector<32x256xbf16>, vector<256x1024xbf16>, vector<32x1024xf32> -> vector<32x1024xf32>
    %add3A_1377 = arith.addf %slice3A_1370, %dot_general3A_1376 : vector<32x1024xf32>
    %slice3A_1378 = vector.extract_strided_slice %add3A_1377 {offsets = [0, 0], sizes = [32, 256], strides = [1, 1]} : vector<32x1024xf32> to vector<32x256xf32>
    %logistic3A_1379 = arith.negf %slice3A_1378 : vector<32x256xf32>
    %logistic3A_1380 = math.exp %logistic3A_1379 : vector<32x256xf32>
    %logistic3A_1381 = arith.constant 1.000000e+00 : f32
    %logistic3A_1382 = vector.broadcast %logistic3A_1381 : f32 to vector<32x256xf32>
    %logistic3A_1383 = arith.addf %logistic3A_1382, %logistic3A_1380 : vector<32x256xf32>
    %logistic3A_1384 = arith.divf %logistic3A_1382, %logistic3A_1383 : vector<32x256xf32>
    %slice3A_1385 = vector.extract_strided_slice %add3A_1377 {offsets = [0, 256], sizes = [32, 256], strides = [1, 1]} : vector<32x1024xf32> to vector<32x256xf32>
    %logistic3A_1386 = arith.negf %slice3A_1385 : vector<32x256xf32>
    %logistic3A_1387 = math.exp %logistic3A_1386 : vector<32x256xf32>
    %logistic3A_1388 = arith.constant 1.000000e+00 : f32
    %logistic3A_1389 = vector.broadcast %logistic3A_1388 : f32 to vector<32x256xf32>
    %logistic3A_1390 = arith.addf %logistic3A_1389, %logistic3A_1387 : vector<32x256xf32>
    %logistic3A_1391 = arith.divf %logistic3A_1389, %logistic3A_1390 : vector<32x256xf32>
    %slice3A_1392 = vector.extract_strided_slice %add3A_1377 {offsets = [0, 512], sizes = [32, 256], strides = [1, 1]} : vector<32x1024xf32> to vector<32x256xf32>
    %tanh3A_1393 = math.tanh %slice3A_1392 : vector<32x256xf32>
    %slice3A_1394 = vector.extract_strided_slice %add3A_1377 {offsets = [0, 768], sizes = [32, 256], strides = [1, 1]} : vector<32x1024xf32> to vector<32x256xf32>
    %logistic3A_1395 = arith.negf %slice3A_1394 : vector<32x256xf32>
    %logistic3A_1396 = math.exp %logistic3A_1395 : vector<32x256xf32>
    %logistic3A_1397 = arith.constant 1.000000e+00 : f32
    %logistic3A_1398 = vector.broadcast %logistic3A_1397 : f32 to vector<32x256xf32>
    %logistic3A_1399 = arith.addf %logistic3A_1398, %logistic3A_1396 : vector<32x256xf32>
    %logistic3A_1400 = arith.divf %logistic3A_1398, %logistic3A_1399 : vector<32x256xf32>
    %mul3A_1401 = arith.mulf %logistic3A_1391, %add3A_1329 : vector<32x256xf32>
    %mul3A_1402 = arith.mulf %logistic3A_1384, %tanh3A_1393 : vector<32x256xf32>
    %add3A_1403 = arith.addf %mul3A_1401, %mul3A_1402 : vector<32x256xf32>
    %tanh3A_1404 = math.tanh %add3A_1403 : vector<32x256xf32>
    %mul3A_1405 = arith.mulf %logistic3A_1400, %tanh3A_1404 : vector<32x256xf32>
    %convert_element_type3A_1406 = arith.truncf %mul3A_1405 : vector<32x256xf32> to vector<32x256xbf16>
    %slice3A_1407 = vector.extract_strided_slice %add3A_29 {offsets = [192, 0], sizes = [32, 1024], strides = [1, 1]} : vector<800x1024xf32> to vector<32x1024xf32>
    %convert_element_type3A_1408 = arith.truncf %mul3A_1368 : vector<32x256xf32> to vector<32x256xbf16>
    %get3A_1409 = arith.constant 0 : index
    %get3A_1410 = arith.constant 0 : index
    %get3A_1411 = vector.load %arg7[%get3A_1409, %get3A_1410] : memref<256x1024xbf16, #tpu.memory_space<vmem>>, vector<256x1024xbf16>
    %dot_general3A_1412 = arith.constant dense<0.000000e+00> : vector<32x1024xf32>
    %dot_general3A_1413 = tpu.matmul %convert_element_type3A_1408, %get3A_1411, %dot_general3A_1412 {dimension_numbers = #tpu.dot_dimension_numbers<[1], [0], [0], [1], [0, 0, 1, 1], [], []>, transpose_lhs_hint = false} : vector<32x256xbf16>, vector<256x1024xbf16>, vector<32x1024xf32> -> vector<32x1024xf32>
    %add3A_1414 = arith.addf %slice3A_1407, %dot_general3A_1413 : vector<32x1024xf32>
    %slice3A_1415 = vector.extract_strided_slice %add3A_1414 {offsets = [0, 0], sizes = [32, 256], strides = [1, 1]} : vector<32x1024xf32> to vector<32x256xf32>
    %logistic3A_1416 = arith.negf %slice3A_1415 : vector<32x256xf32>
    %logistic3A_1417 = math.exp %logistic3A_1416 : vector<32x256xf32>
    %logistic3A_1418 = arith.constant 1.000000e+00 : f32
    %logistic3A_1419 = vector.broadcast %logistic3A_1418 : f32 to vector<32x256xf32>
    %logistic3A_1420 = arith.addf %logistic3A_1419, %logistic3A_1417 : vector<32x256xf32>
    %logistic3A_1421 = arith.divf %logistic3A_1419, %logistic3A_1420 : vector<32x256xf32>
    %slice3A_1422 = vector.extract_strided_slice %add3A_1414 {offsets = [0, 256], sizes = [32, 256], strides = [1, 1]} : vector<32x1024xf32> to vector<32x256xf32>
    %logistic3A_1423 = arith.negf %slice3A_1422 : vector<32x256xf32>
    %logistic3A_1424 = math.exp %logistic3A_1423 : vector<32x256xf32>
    %logistic3A_1425 = arith.constant 1.000000e+00 : f32
    %logistic3A_1426 = vector.broadcast %logistic3A_1425 : f32 to vector<32x256xf32>
    %logistic3A_1427 = arith.addf %logistic3A_1426, %logistic3A_1424 : vector<32x256xf32>
    %logistic3A_1428 = arith.divf %logistic3A_1426, %logistic3A_1427 : vector<32x256xf32>
    %slice3A_1429 = vector.extract_strided_slice %add3A_1414 {offsets = [0, 512], sizes = [32, 256], strides = [1, 1]} : vector<32x1024xf32> to vector<32x256xf32>
    %tanh3A_1430 = math.tanh %slice3A_1429 : vector<32x256xf32>
    %slice3A_1431 = vector.extract_strided_slice %add3A_1414 {offsets = [0, 768], sizes = [32, 256], strides = [1, 1]} : vector<32x1024xf32> to vector<32x256xf32>
    %logistic3A_1432 = arith.negf %slice3A_1431 : vector<32x256xf32>
    %logistic3A_1433 = math.exp %logistic3A_1432 : vector<32x256xf32>
    %logistic3A_1434 = arith.constant 1.000000e+00 : f32
    %logistic3A_1435 = vector.broadcast %logistic3A_1434 : f32 to vector<32x256xf32>
    %logistic3A_1436 = arith.addf %logistic3A_1435, %logistic3A_1433 : vector<32x256xf32>
    %logistic3A_1437 = arith.divf %logistic3A_1435, %logistic3A_1436 : vector<32x256xf32>
    %mul3A_1438 = arith.mulf %logistic3A_1428, %add3A_1366 : vector<32x256xf32>
    %mul3A_1439 = arith.mulf %logistic3A_1421, %tanh3A_1430 : vector<32x256xf32>
    %add3A_1440 = arith.addf %mul3A_1438, %mul3A_1439 : vector<32x256xf32>
    %tanh3A_1441 = math.tanh %add3A_1440 : vector<32x256xf32>
    %mul3A_1442 = arith.mulf %logistic3A_1437, %tanh3A_1441 : vector<32x256xf32>
    %convert_element_type3A_1443 = arith.truncf %mul3A_1442 : vector<32x256xf32> to vector<32x256xbf16>
    %slice3A_1444 = vector.extract_strided_slice %add3A_13 {offsets = [608, 0], sizes = [32, 1024], strides = [1, 1]} : vector<800x1024xf32> to vector<32x1024xf32>
    %convert_element_type3A_1445 = arith.truncf %mul3A_1405 : vector<32x256xf32> to vector<32x256xbf16>
    %get3A_1446 = arith.constant 0 : index
    %get3A_1447 = arith.constant 0 : index
    %get3A_1448 = vector.load %arg4[%get3A_1446, %get3A_1447] : memref<256x1024xbf16, #tpu.memory_space<vmem>>, vector<256x1024xbf16>
    %dot_general3A_1449 = arith.constant dense<0.000000e+00> : vector<32x1024xf32>
    %dot_general3A_1450 = tpu.matmul %convert_element_type3A_1445, %get3A_1448, %dot_general3A_1449 {dimension_numbers = #tpu.dot_dimension_numbers<[1], [0], [0], [1], [0, 0, 1, 1], [], []>, transpose_lhs_hint = false} : vector<32x256xbf16>, vector<256x1024xbf16>, vector<32x1024xf32> -> vector<32x1024xf32>
    %add3A_1451 = arith.addf %slice3A_1444, %dot_general3A_1450 : vector<32x1024xf32>
    %slice3A_1452 = vector.extract_strided_slice %add3A_1451 {offsets = [0, 0], sizes = [32, 256], strides = [1, 1]} : vector<32x1024xf32> to vector<32x256xf32>
    %logistic3A_1453 = arith.negf %slice3A_1452 : vector<32x256xf32>
    %logistic3A_1454 = math.exp %logistic3A_1453 : vector<32x256xf32>
    %logistic3A_1455 = arith.constant 1.000000e+00 : f32
    %logistic3A_1456 = vector.broadcast %logistic3A_1455 : f32 to vector<32x256xf32>
    %logistic3A_1457 = arith.addf %logistic3A_1456, %logistic3A_1454 : vector<32x256xf32>
    %logistic3A_1458 = arith.divf %logistic3A_1456, %logistic3A_1457 : vector<32x256xf32>
    %slice3A_1459 = vector.extract_strided_slice %add3A_1451 {offsets = [0, 256], sizes = [32, 256], strides = [1, 1]} : vector<32x1024xf32> to vector<32x256xf32>
    %logistic3A_1460 = arith.negf %slice3A_1459 : vector<32x256xf32>
    %logistic3A_1461 = math.exp %logistic3A_1460 : vector<32x256xf32>
    %logistic3A_1462 = arith.constant 1.000000e+00 : f32
    %logistic3A_1463 = vector.broadcast %logistic3A_1462 : f32 to vector<32x256xf32>
    %logistic3A_1464 = arith.addf %logistic3A_1463, %logistic3A_1461 : vector<32x256xf32>
    %logistic3A_1465 = arith.divf %logistic3A_1463, %logistic3A_1464 : vector<32x256xf32>
    %slice3A_1466 = vector.extract_strided_slice %add3A_1451 {offsets = [0, 512], sizes = [32, 256], strides = [1, 1]} : vector<32x1024xf32> to vector<32x256xf32>
    %tanh3A_1467 = math.tanh %slice3A_1466 : vector<32x256xf32>
    %slice3A_1468 = vector.extract_strided_slice %add3A_1451 {offsets = [0, 768], sizes = [32, 256], strides = [1, 1]} : vector<32x1024xf32> to vector<32x256xf32>
    %logistic3A_1469 = arith.negf %slice3A_1468 : vector<32x256xf32>
    %logistic3A_1470 = math.exp %logistic3A_1469 : vector<32x256xf32>
    %logistic3A_1471 = arith.constant 1.000000e+00 : f32
    %logistic3A_1472 = vector.broadcast %logistic3A_1471 : f32 to vector<32x256xf32>
    %logistic3A_1473 = arith.addf %logistic3A_1472, %logistic3A_1470 : vector<32x256xf32>
    %logistic3A_1474 = arith.divf %logistic3A_1472, %logistic3A_1473 : vector<32x256xf32>
    %mul3A_1475 = arith.mulf %logistic3A_1465, %add3A_1403 : vector<32x256xf32>
    %mul3A_1476 = arith.mulf %logistic3A_1458, %tanh3A_1467 : vector<32x256xf32>
    %add3A_1477 = arith.addf %mul3A_1475, %mul3A_1476 : vector<32x256xf32>
    %tanh3A_1478 = math.tanh %add3A_1477 : vector<32x256xf32>
    %mul3A_1479 = arith.mulf %logistic3A_1474, %tanh3A_1478 : vector<32x256xf32>
    %convert_element_type3A_1480 = arith.truncf %mul3A_1479 : vector<32x256xf32> to vector<32x256xbf16>
    %slice3A_1481 = vector.extract_strided_slice %add3A_29 {offsets = [160, 0], sizes = [32, 1024], strides = [1, 1]} : vector<800x1024xf32> to vector<32x1024xf32>
    %convert_element_type3A_1482 = arith.truncf %mul3A_1442 : vector<32x256xf32> to vector<32x256xbf16>
    %get3A_1483 = arith.constant 0 : index
    %get3A_1484 = arith.constant 0 : index
    %get3A_1485 = vector.load %arg7[%get3A_1483, %get3A_1484] : memref<256x1024xbf16, #tpu.memory_space<vmem>>, vector<256x1024xbf16>
    %dot_general3A_1486 = arith.constant dense<0.000000e+00> : vector<32x1024xf32>
    %dot_general3A_1487 = tpu.matmul %convert_element_type3A_1482, %get3A_1485, %dot_general3A_1486 {dimension_numbers = #tpu.dot_dimension_numbers<[1], [0], [0], [1], [0, 0, 1, 1], [], []>, transpose_lhs_hint = false} : vector<32x256xbf16>, vector<256x1024xbf16>, vector<32x1024xf32> -> vector<32x1024xf32>
    %add3A_1488 = arith.addf %slice3A_1481, %dot_general3A_1487 : vector<32x1024xf32>
    %slice3A_1489 = vector.extract_strided_slice %add3A_1488 {offsets = [0, 0], sizes = [32, 256], strides = [1, 1]} : vector<32x1024xf32> to vector<32x256xf32>
    %logistic3A_1490 = arith.negf %slice3A_1489 : vector<32x256xf32>
    %logistic3A_1491 = math.exp %logistic3A_1490 : vector<32x256xf32>
    %logistic3A_1492 = arith.constant 1.000000e+00 : f32
    %logistic3A_1493 = vector.broadcast %logistic3A_1492 : f32 to vector<32x256xf32>
    %logistic3A_1494 = arith.addf %logistic3A_1493, %logistic3A_1491 : vector<32x256xf32>
    %logistic3A_1495 = arith.divf %logistic3A_1493, %logistic3A_1494 : vector<32x256xf32>
    %slice3A_1496 = vector.extract_strided_slice %add3A_1488 {offsets = [0, 256], sizes = [32, 256], strides = [1, 1]} : vector<32x1024xf32> to vector<32x256xf32>
    %logistic3A_1497 = arith.negf %slice3A_1496 : vector<32x256xf32>
    %logistic3A_1498 = math.exp %logistic3A_1497 : vector<32x256xf32>
    %logistic3A_1499 = arith.constant 1.000000e+00 : f32
    %logistic3A_1500 = vector.broadcast %logistic3A_1499 : f32 to vector<32x256xf32>
    %logistic3A_1501 = arith.addf %logistic3A_1500, %logistic3A_1498 : vector<32x256xf32>
    %logistic3A_1502 = arith.divf %logistic3A_1500, %logistic3A_1501 : vector<32x256xf32>
    %slice3A_1503 = vector.extract_strided_slice %add3A_1488 {offsets = [0, 512], sizes = [32, 256], strides = [1, 1]} : vector<32x1024xf32> to vector<32x256xf32>
    %tanh3A_1504 = math.tanh %slice3A_1503 : vector<32x256xf32>
    %slice3A_1505 = vector.extract_strided_slice %add3A_1488 {offsets = [0, 768], sizes = [32, 256], strides = [1, 1]} : vector<32x1024xf32> to vector<32x256xf32>
    %logistic3A_1506 = arith.negf %slice3A_1505 : vector<32x256xf32>
    %logistic3A_1507 = math.exp %logistic3A_1506 : vector<32x256xf32>
    %logistic3A_1508 = arith.constant 1.000000e+00 : f32
    %logistic3A_1509 = vector.broadcast %logistic3A_1508 : f32 to vector<32x256xf32>
    %logistic3A_1510 = arith.addf %logistic3A_1509, %logistic3A_1507 : vector<32x256xf32>
    %logistic3A_1511 = arith.divf %logistic3A_1509, %logistic3A_1510 : vector<32x256xf32>
    %mul3A_1512 = arith.mulf %logistic3A_1502, %add3A_1440 : vector<32x256xf32>
    %mul3A_1513 = arith.mulf %logistic3A_1495, %tanh3A_1504 : vector<32x256xf32>
    %add3A_1514 = arith.addf %mul3A_1512, %mul3A_1513 : vector<32x256xf32>
    %tanh3A_1515 = math.tanh %add3A_1514 : vector<32x256xf32>
    %mul3A_1516 = arith.mulf %logistic3A_1511, %tanh3A_1515 : vector<32x256xf32>
    %convert_element_type3A_1517 = arith.truncf %mul3A_1516 : vector<32x256xf32> to vector<32x256xbf16>
    %slice3A_1518 = vector.extract_strided_slice %add3A_13 {offsets = [640, 0], sizes = [32, 1024], strides = [1, 1]} : vector<800x1024xf32> to vector<32x1024xf32>
    %convert_element_type3A_1519 = arith.truncf %mul3A_1479 : vector<32x256xf32> to vector<32x256xbf16>
    %get3A_1520 = arith.constant 0 : index
    %get3A_1521 = arith.constant 0 : index
    %get3A_1522 = vector.load %arg4[%get3A_1520, %get3A_1521] : memref<256x1024xbf16, #tpu.memory_space<vmem>>, vector<256x1024xbf16>
    %dot_general3A_1523 = arith.constant dense<0.000000e+00> : vector<32x1024xf32>
    %dot_general3A_1524 = tpu.matmul %convert_element_type3A_1519, %get3A_1522, %dot_general3A_1523 {dimension_numbers = #tpu.dot_dimension_numbers<[1], [0], [0], [1], [0, 0, 1, 1], [], []>, transpose_lhs_hint = false} : vector<32x256xbf16>, vector<256x1024xbf16>, vector<32x1024xf32> -> vector<32x1024xf32>
    %add3A_1525 = arith.addf %slice3A_1518, %dot_general3A_1524 : vector<32x1024xf32>
    %slice3A_1526 = vector.extract_strided_slice %add3A_1525 {offsets = [0, 0], sizes = [32, 256], strides = [1, 1]} : vector<32x1024xf32> to vector<32x256xf32>
    %logistic3A_1527 = arith.negf %slice3A_1526 : vector<32x256xf32>
    %logistic3A_1528 = math.exp %logistic3A_1527 : vector<32x256xf32>
    %logistic3A_1529 = arith.constant 1.000000e+00 : f32
    %logistic3A_1530 = vector.broadcast %logistic3A_1529 : f32 to vector<32x256xf32>
    %logistic3A_1531 = arith.addf %logistic3A_1530, %logistic3A_1528 : vector<32x256xf32>
    %logistic3A_1532 = arith.divf %logistic3A_1530, %logistic3A_1531 : vector<32x256xf32>
    %slice3A_1533 = vector.extract_strided_slice %add3A_1525 {offsets = [0, 256], sizes = [32, 256], strides = [1, 1]} : vector<32x1024xf32> to vector<32x256xf32>
    %logistic3A_1534 = arith.negf %slice3A_1533 : vector<32x256xf32>
    %logistic3A_1535 = math.exp %logistic3A_1534 : vector<32x256xf32>
    %logistic3A_1536 = arith.constant 1.000000e+00 : f32
    %logistic3A_1537 = vector.broadcast %logistic3A_1536 : f32 to vector<32x256xf32>
    %logistic3A_1538 = arith.addf %logistic3A_1537, %logistic3A_1535 : vector<32x256xf32>
    %logistic3A_1539 = arith.divf %logistic3A_1537, %logistic3A_1538 : vector<32x256xf32>
    %slice3A_1540 = vector.extract_strided_slice %add3A_1525 {offsets = [0, 512], sizes = [32, 256], strides = [1, 1]} : vector<32x1024xf32> to vector<32x256xf32>
    %tanh3A_1541 = math.tanh %slice3A_1540 : vector<32x256xf32>
    %slice3A_1542 = vector.extract_strided_slice %add3A_1525 {offsets = [0, 768], sizes = [32, 256], strides = [1, 1]} : vector<32x1024xf32> to vector<32x256xf32>
    %logistic3A_1543 = arith.negf %slice3A_1542 : vector<32x256xf32>
    %logistic3A_1544 = math.exp %logistic3A_1543 : vector<32x256xf32>
    %logistic3A_1545 = arith.constant 1.000000e+00 : f32
    %logistic3A_1546 = vector.broadcast %logistic3A_1545 : f32 to vector<32x256xf32>
    %logistic3A_1547 = arith.addf %logistic3A_1546, %logistic3A_1544 : vector<32x256xf32>
    %logistic3A_1548 = arith.divf %logistic3A_1546, %logistic3A_1547 : vector<32x256xf32>
    %mul3A_1549 = arith.mulf %logistic3A_1539, %add3A_1477 : vector<32x256xf32>
    %mul3A_1550 = arith.mulf %logistic3A_1532, %tanh3A_1541 : vector<32x256xf32>
    %add3A_1551 = arith.addf %mul3A_1549, %mul3A_1550 : vector<32x256xf32>
    %tanh3A_1552 = math.tanh %add3A_1551 : vector<32x256xf32>
    %mul3A_1553 = arith.mulf %logistic3A_1548, %tanh3A_1552 : vector<32x256xf32>
    %convert_element_type3A_1554 = arith.truncf %mul3A_1553 : vector<32x256xf32> to vector<32x256xbf16>
    %slice3A_1555 = vector.extract_strided_slice %add3A_29 {offsets = [128, 0], sizes = [32, 1024], strides = [1, 1]} : vector<800x1024xf32> to vector<32x1024xf32>
    %convert_element_type3A_1556 = arith.truncf %mul3A_1516 : vector<32x256xf32> to vector<32x256xbf16>
    %get3A_1557 = arith.constant 0 : index
    %get3A_1558 = arith.constant 0 : index
    %get3A_1559 = vector.load %arg7[%get3A_1557, %get3A_1558] : memref<256x1024xbf16, #tpu.memory_space<vmem>>, vector<256x1024xbf16>
    %dot_general3A_1560 = arith.constant dense<0.000000e+00> : vector<32x1024xf32>
    %dot_general3A_1561 = tpu.matmul %convert_element_type3A_1556, %get3A_1559, %dot_general3A_1560 {dimension_numbers = #tpu.dot_dimension_numbers<[1], [0], [0], [1], [0, 0, 1, 1], [], []>, transpose_lhs_hint = false} : vector<32x256xbf16>, vector<256x1024xbf16>, vector<32x1024xf32> -> vector<32x1024xf32>
    %add3A_1562 = arith.addf %slice3A_1555, %dot_general3A_1561 : vector<32x1024xf32>
    %slice3A_1563 = vector.extract_strided_slice %add3A_1562 {offsets = [0, 0], sizes = [32, 256], strides = [1, 1]} : vector<32x1024xf32> to vector<32x256xf32>
    %logistic3A_1564 = arith.negf %slice3A_1563 : vector<32x256xf32>
    %logistic3A_1565 = math.exp %logistic3A_1564 : vector<32x256xf32>
    %logistic3A_1566 = arith.constant 1.000000e+00 : f32
    %logistic3A_1567 = vector.broadcast %logistic3A_1566 : f32 to vector<32x256xf32>
    %logistic3A_1568 = arith.addf %logistic3A_1567, %logistic3A_1565 : vector<32x256xf32>
    %logistic3A_1569 = arith.divf %logistic3A_1567, %logistic3A_1568 : vector<32x256xf32>
    %slice3A_1570 = vector.extract_strided_slice %add3A_1562 {offsets = [0, 256], sizes = [32, 256], strides = [1, 1]} : vector<32x1024xf32> to vector<32x256xf32>
    %logistic3A_1571 = arith.negf %slice3A_1570 : vector<32x256xf32>
    %logistic3A_1572 = math.exp %logistic3A_1571 : vector<32x256xf32>
    %logistic3A_1573 = arith.constant 1.000000e+00 : f32
    %logistic3A_1574 = vector.broadcast %logistic3A_1573 : f32 to vector<32x256xf32>
    %logistic3A_1575 = arith.addf %logistic3A_1574, %logistic3A_1572 : vector<32x256xf32>
    %logistic3A_1576 = arith.divf %logistic3A_1574, %logistic3A_1575 : vector<32x256xf32>
    %slice3A_1577 = vector.extract_strided_slice %add3A_1562 {offsets = [0, 512], sizes = [32, 256], strides = [1, 1]} : vector<32x1024xf32> to vector<32x256xf32>
    %tanh3A_1578 = math.tanh %slice3A_1577 : vector<32x256xf32>
    %slice3A_1579 = vector.extract_strided_slice %add3A_1562 {offsets = [0, 768], sizes = [32, 256], strides = [1, 1]} : vector<32x1024xf32> to vector<32x256xf32>
    %logistic3A_1580 = arith.negf %slice3A_1579 : vector<32x256xf32>
    %logistic3A_1581 = math.exp %logistic3A_1580 : vector<32x256xf32>
    %logistic3A_1582 = arith.constant 1.000000e+00 : f32
    %logistic3A_1583 = vector.broadcast %logistic3A_1582 : f32 to vector<32x256xf32>
    %logistic3A_1584 = arith.addf %logistic3A_1583, %logistic3A_1581 : vector<32x256xf32>
    %logistic3A_1585 = arith.divf %logistic3A_1583, %logistic3A_1584 : vector<32x256xf32>
    %mul3A_1586 = arith.mulf %logistic3A_1576, %add3A_1514 : vector<32x256xf32>
    %mul3A_1587 = arith.mulf %logistic3A_1569, %tanh3A_1578 : vector<32x256xf32>
    %add3A_1588 = arith.addf %mul3A_1586, %mul3A_1587 : vector<32x256xf32>
    %tanh3A_1589 = math.tanh %add3A_1588 : vector<32x256xf32>
    %mul3A_1590 = arith.mulf %logistic3A_1585, %tanh3A_1589 : vector<32x256xf32>
    %convert_element_type3A_1591 = arith.truncf %mul3A_1590 : vector<32x256xf32> to vector<32x256xbf16>
    %slice3A_1592 = vector.extract_strided_slice %add3A_13 {offsets = [672, 0], sizes = [32, 1024], strides = [1, 1]} : vector<800x1024xf32> to vector<32x1024xf32>
    %convert_element_type3A_1593 = arith.truncf %mul3A_1553 : vector<32x256xf32> to vector<32x256xbf16>
    %get3A_1594 = arith.constant 0 : index
    %get3A_1595 = arith.constant 0 : index
    %get3A_1596 = vector.load %arg4[%get3A_1594, %get3A_1595] : memref<256x1024xbf16, #tpu.memory_space<vmem>>, vector<256x1024xbf16>
    %dot_general3A_1597 = arith.constant dense<0.000000e+00> : vector<32x1024xf32>
    %dot_general3A_1598 = tpu.matmul %convert_element_type3A_1593, %get3A_1596, %dot_general3A_1597 {dimension_numbers = #tpu.dot_dimension_numbers<[1], [0], [0], [1], [0, 0, 1, 1], [], []>, transpose_lhs_hint = false} : vector<32x256xbf16>, vector<256x1024xbf16>, vector<32x1024xf32> -> vector<32x1024xf32>
    %add3A_1599 = arith.addf %slice3A_1592, %dot_general3A_1598 : vector<32x1024xf32>
    %slice3A_1600 = vector.extract_strided_slice %add3A_1599 {offsets = [0, 0], sizes = [32, 256], strides = [1, 1]} : vector<32x1024xf32> to vector<32x256xf32>
    %logistic3A_1601 = arith.negf %slice3A_1600 : vector<32x256xf32>
    %logistic3A_1602 = math.exp %logistic3A_1601 : vector<32x256xf32>
    %logistic3A_1603 = arith.constant 1.000000e+00 : f32
    %logistic3A_1604 = vector.broadcast %logistic3A_1603 : f32 to vector<32x256xf32>
    %logistic3A_1605 = arith.addf %logistic3A_1604, %logistic3A_1602 : vector<32x256xf32>
    %logistic3A_1606 = arith.divf %logistic3A_1604, %logistic3A_1605 : vector<32x256xf32>
    %slice3A_1607 = vector.extract_strided_slice %add3A_1599 {offsets = [0, 256], sizes = [32, 256], strides = [1, 1]} : vector<32x1024xf32> to vector<32x256xf32>
    %logistic3A_1608 = arith.negf %slice3A_1607 : vector<32x256xf32>
    %logistic3A_1609 = math.exp %logistic3A_1608 : vector<32x256xf32>
    %logistic3A_1610 = arith.constant 1.000000e+00 : f32
    %logistic3A_1611 = vector.broadcast %logistic3A_1610 : f32 to vector<32x256xf32>
    %logistic3A_1612 = arith.addf %logistic3A_1611, %logistic3A_1609 : vector<32x256xf32>
    %logistic3A_1613 = arith.divf %logistic3A_1611, %logistic3A_1612 : vector<32x256xf32>
    %slice3A_1614 = vector.extract_strided_slice %add3A_1599 {offsets = [0, 512], sizes = [32, 256], strides = [1, 1]} : vector<32x1024xf32> to vector<32x256xf32>
    %tanh3A_1615 = math.tanh %slice3A_1614 : vector<32x256xf32>
    %slice3A_1616 = vector.extract_strided_slice %add3A_1599 {offsets = [0, 768], sizes = [32, 256], strides = [1, 1]} : vector<32x1024xf32> to vector<32x256xf32>
    %logistic3A_1617 = arith.negf %slice3A_1616 : vector<32x256xf32>
    %logistic3A_1618 = math.exp %logistic3A_1617 : vector<32x256xf32>
    %logistic3A_1619 = arith.constant 1.000000e+00 : f32
    %logistic3A_1620 = vector.broadcast %logistic3A_1619 : f32 to vector<32x256xf32>
    %logistic3A_1621 = arith.addf %logistic3A_1620, %logistic3A_1618 : vector<32x256xf32>
    %logistic3A_1622 = arith.divf %logistic3A_1620, %logistic3A_1621 : vector<32x256xf32>
    %mul3A_1623 = arith.mulf %logistic3A_1613, %add3A_1551 : vector<32x256xf32>
    %mul3A_1624 = arith.mulf %logistic3A_1606, %tanh3A_1615 : vector<32x256xf32>
    %add3A_1625 = arith.addf %mul3A_1623, %mul3A_1624 : vector<32x256xf32>
    %tanh3A_1626 = math.tanh %add3A_1625 : vector<32x256xf32>
    %mul3A_1627 = arith.mulf %logistic3A_1622, %tanh3A_1626 : vector<32x256xf32>
    %convert_element_type3A_1628 = arith.truncf %mul3A_1627 : vector<32x256xf32> to vector<32x256xbf16>
    %slice3A_1629 = vector.extract_strided_slice %add3A_29 {offsets = [96, 0], sizes = [32, 1024], strides = [1, 1]} : vector<800x1024xf32> to vector<32x1024xf32>
    %convert_element_type3A_1630 = arith.truncf %mul3A_1590 : vector<32x256xf32> to vector<32x256xbf16>
    %get3A_1631 = arith.constant 0 : index
    %get3A_1632 = arith.constant 0 : index
    %get3A_1633 = vector.load %arg7[%get3A_1631, %get3A_1632] : memref<256x1024xbf16, #tpu.memory_space<vmem>>, vector<256x1024xbf16>
    %dot_general3A_1634 = arith.constant dense<0.000000e+00> : vector<32x1024xf32>
    %dot_general3A_1635 = tpu.matmul %convert_element_type3A_1630, %get3A_1633, %dot_general3A_1634 {dimension_numbers = #tpu.dot_dimension_numbers<[1], [0], [0], [1], [0, 0, 1, 1], [], []>, transpose_lhs_hint = false} : vector<32x256xbf16>, vector<256x1024xbf16>, vector<32x1024xf32> -> vector<32x1024xf32>
    %add3A_1636 = arith.addf %slice3A_1629, %dot_general3A_1635 : vector<32x1024xf32>
    %slice3A_1637 = vector.extract_strided_slice %add3A_1636 {offsets = [0, 0], sizes = [32, 256], strides = [1, 1]} : vector<32x1024xf32> to vector<32x256xf32>
    %logistic3A_1638 = arith.negf %slice3A_1637 : vector<32x256xf32>
    %logistic3A_1639 = math.exp %logistic3A_1638 : vector<32x256xf32>
    %logistic3A_1640 = arith.constant 1.000000e+00 : f32
    %logistic3A_1641 = vector.broadcast %logistic3A_1640 : f32 to vector<32x256xf32>
    %logistic3A_1642 = arith.addf %logistic3A_1641, %logistic3A_1639 : vector<32x256xf32>
    %logistic3A_1643 = arith.divf %logistic3A_1641, %logistic3A_1642 : vector<32x256xf32>
    %slice3A_1644 = vector.extract_strided_slice %add3A_1636 {offsets = [0, 256], sizes = [32, 256], strides = [1, 1]} : vector<32x1024xf32> to vector<32x256xf32>
    %logistic3A_1645 = arith.negf %slice3A_1644 : vector<32x256xf32>
    %logistic3A_1646 = math.exp %logistic3A_1645 : vector<32x256xf32>
    %logistic3A_1647 = arith.constant 1.000000e+00 : f32
    %logistic3A_1648 = vector.broadcast %logistic3A_1647 : f32 to vector<32x256xf32>
    %logistic3A_1649 = arith.addf %logistic3A_1648, %logistic3A_1646 : vector<32x256xf32>
    %logistic3A_1650 = arith.divf %logistic3A_1648, %logistic3A_1649 : vector<32x256xf32>
    %slice3A_1651 = vector.extract_strided_slice %add3A_1636 {offsets = [0, 512], sizes = [32, 256], strides = [1, 1]} : vector<32x1024xf32> to vector<32x256xf32>
    %tanh3A_1652 = math.tanh %slice3A_1651 : vector<32x256xf32>
    %slice3A_1653 = vector.extract_strided_slice %add3A_1636 {offsets = [0, 768], sizes = [32, 256], strides = [1, 1]} : vector<32x1024xf32> to vector<32x256xf32>
    %logistic3A_1654 = arith.negf %slice3A_1653 : vector<32x256xf32>
    %logistic3A_1655 = math.exp %logistic3A_1654 : vector<32x256xf32>
    %logistic3A_1656 = arith.constant 1.000000e+00 : f32
    %logistic3A_1657 = vector.broadcast %logistic3A_1656 : f32 to vector<32x256xf32>
    %logistic3A_1658 = arith.addf %logistic3A_1657, %logistic3A_1655 : vector<32x256xf32>
    %logistic3A_1659 = arith.divf %logistic3A_1657, %logistic3A_1658 : vector<32x256xf32>
    %mul3A_1660 = arith.mulf %logistic3A_1650, %add3A_1588 : vector<32x256xf32>
    %mul3A_1661 = arith.mulf %logistic3A_1643, %tanh3A_1652 : vector<32x256xf32>
    %add3A_1662 = arith.addf %mul3A_1660, %mul3A_1661 : vector<32x256xf32>
    %tanh3A_1663 = math.tanh %add3A_1662 : vector<32x256xf32>
    %mul3A_1664 = arith.mulf %logistic3A_1659, %tanh3A_1663 : vector<32x256xf32>
    %convert_element_type3A_1665 = arith.truncf %mul3A_1664 : vector<32x256xf32> to vector<32x256xbf16>
    %slice3A_1666 = vector.extract_strided_slice %add3A_13 {offsets = [704, 0], sizes = [32, 1024], strides = [1, 1]} : vector<800x1024xf32> to vector<32x1024xf32>
    %convert_element_type3A_1667 = arith.truncf %mul3A_1627 : vector<32x256xf32> to vector<32x256xbf16>
    %get3A_1668 = arith.constant 0 : index
    %get3A_1669 = arith.constant 0 : index
    %get3A_1670 = vector.load %arg4[%get3A_1668, %get3A_1669] : memref<256x1024xbf16, #tpu.memory_space<vmem>>, vector<256x1024xbf16>
    %dot_general3A_1671 = arith.constant dense<0.000000e+00> : vector<32x1024xf32>
    %dot_general3A_1672 = tpu.matmul %convert_element_type3A_1667, %get3A_1670, %dot_general3A_1671 {dimension_numbers = #tpu.dot_dimension_numbers<[1], [0], [0], [1], [0, 0, 1, 1], [], []>, transpose_lhs_hint = false} : vector<32x256xbf16>, vector<256x1024xbf16>, vector<32x1024xf32> -> vector<32x1024xf32>
    %add3A_1673 = arith.addf %slice3A_1666, %dot_general3A_1672 : vector<32x1024xf32>
    %slice3A_1674 = vector.extract_strided_slice %add3A_1673 {offsets = [0, 0], sizes = [32, 256], strides = [1, 1]} : vector<32x1024xf32> to vector<32x256xf32>
    %logistic3A_1675 = arith.negf %slice3A_1674 : vector<32x256xf32>
    %logistic3A_1676 = math.exp %logistic3A_1675 : vector<32x256xf32>
    %logistic3A_1677 = arith.constant 1.000000e+00 : f32
    %logistic3A_1678 = vector.broadcast %logistic3A_1677 : f32 to vector<32x256xf32>
    %logistic3A_1679 = arith.addf %logistic3A_1678, %logistic3A_1676 : vector<32x256xf32>
    %logistic3A_1680 = arith.divf %logistic3A_1678, %logistic3A_1679 : vector<32x256xf32>
    %slice3A_1681 = vector.extract_strided_slice %add3A_1673 {offsets = [0, 256], sizes = [32, 256], strides = [1, 1]} : vector<32x1024xf32> to vector<32x256xf32>
    %logistic3A_1682 = arith.negf %slice3A_1681 : vector<32x256xf32>
    %logistic3A_1683 = math.exp %logistic3A_1682 : vector<32x256xf32>
    %logistic3A_1684 = arith.constant 1.000000e+00 : f32
    %logistic3A_1685 = vector.broadcast %logistic3A_1684 : f32 to vector<32x256xf32>
    %logistic3A_1686 = arith.addf %logistic3A_1685, %logistic3A_1683 : vector<32x256xf32>
    %logistic3A_1687 = arith.divf %logistic3A_1685, %logistic3A_1686 : vector<32x256xf32>
    %slice3A_1688 = vector.extract_strided_slice %add3A_1673 {offsets = [0, 512], sizes = [32, 256], strides = [1, 1]} : vector<32x1024xf32> to vector<32x256xf32>
    %tanh3A_1689 = math.tanh %slice3A_1688 : vector<32x256xf32>
    %slice3A_1690 = vector.extract_strided_slice %add3A_1673 {offsets = [0, 768], sizes = [32, 256], strides = [1, 1]} : vector<32x1024xf32> to vector<32x256xf32>
    %logistic3A_1691 = arith.negf %slice3A_1690 : vector<32x256xf32>
    %logistic3A_1692 = math.exp %logistic3A_1691 : vector<32x256xf32>
    %logistic3A_1693 = arith.constant 1.000000e+00 : f32
    %logistic3A_1694 = vector.broadcast %logistic3A_1693 : f32 to vector<32x256xf32>
    %logistic3A_1695 = arith.addf %logistic3A_1694, %logistic3A_1692 : vector<32x256xf32>
    %logistic3A_1696 = arith.divf %logistic3A_1694, %logistic3A_1695 : vector<32x256xf32>
    %mul3A_1697 = arith.mulf %logistic3A_1687, %add3A_1625 : vector<32x256xf32>
    %mul3A_1698 = arith.mulf %logistic3A_1680, %tanh3A_1689 : vector<32x256xf32>
    %add3A_1699 = arith.addf %mul3A_1697, %mul3A_1698 : vector<32x256xf32>
    %tanh3A_1700 = math.tanh %add3A_1699 : vector<32x256xf32>
    %mul3A_1701 = arith.mulf %logistic3A_1696, %tanh3A_1700 : vector<32x256xf32>
    %convert_element_type3A_1702 = arith.truncf %mul3A_1701 : vector<32x256xf32> to vector<32x256xbf16>
    %slice3A_1703 = vector.extract_strided_slice %add3A_29 {offsets = [64, 0], sizes = [32, 1024], strides = [1, 1]} : vector<800x1024xf32> to vector<32x1024xf32>
    %convert_element_type3A_1704 = arith.truncf %mul3A_1664 : vector<32x256xf32> to vector<32x256xbf16>
    %get3A_1705 = arith.constant 0 : index
    %get3A_1706 = arith.constant 0 : index
    %get3A_1707 = vector.load %arg7[%get3A_1705, %get3A_1706] : memref<256x1024xbf16, #tpu.memory_space<vmem>>, vector<256x1024xbf16>
    %dot_general3A_1708 = arith.constant dense<0.000000e+00> : vector<32x1024xf32>
    %dot_general3A_1709 = tpu.matmul %convert_element_type3A_1704, %get3A_1707, %dot_general3A_1708 {dimension_numbers = #tpu.dot_dimension_numbers<[1], [0], [0], [1], [0, 0, 1, 1], [], []>, transpose_lhs_hint = false} : vector<32x256xbf16>, vector<256x1024xbf16>, vector<32x1024xf32> -> vector<32x1024xf32>
    %add3A_1710 = arith.addf %slice3A_1703, %dot_general3A_1709 : vector<32x1024xf32>
    %slice3A_1711 = vector.extract_strided_slice %add3A_1710 {offsets = [0, 0], sizes = [32, 256], strides = [1, 1]} : vector<32x1024xf32> to vector<32x256xf32>
    %logistic3A_1712 = arith.negf %slice3A_1711 : vector<32x256xf32>
    %logistic3A_1713 = math.exp %logistic3A_1712 : vector<32x256xf32>
    %logistic3A_1714 = arith.constant 1.000000e+00 : f32
    %logistic3A_1715 = vector.broadcast %logistic3A_1714 : f32 to vector<32x256xf32>
    %logistic3A_1716 = arith.addf %logistic3A_1715, %logistic3A_1713 : vector<32x256xf32>
    %logistic3A_1717 = arith.divf %logistic3A_1715, %logistic3A_1716 : vector<32x256xf32>
    %slice3A_1718 = vector.extract_strided_slice %add3A_1710 {offsets = [0, 256], sizes = [32, 256], strides = [1, 1]} : vector<32x1024xf32> to vector<32x256xf32>
    %logistic3A_1719 = arith.negf %slice3A_1718 : vector<32x256xf32>
    %logistic3A_1720 = math.exp %logistic3A_1719 : vector<32x256xf32>
    %logistic3A_1721 = arith.constant 1.000000e+00 : f32
    %logistic3A_1722 = vector.broadcast %logistic3A_1721 : f32 to vector<32x256xf32>
    %logistic3A_1723 = arith.addf %logistic3A_1722, %logistic3A_1720 : vector<32x256xf32>
    %logistic3A_1724 = arith.divf %logistic3A_1722, %logistic3A_1723 : vector<32x256xf32>
    %slice3A_1725 = vector.extract_strided_slice %add3A_1710 {offsets = [0, 512], sizes = [32, 256], strides = [1, 1]} : vector<32x1024xf32> to vector<32x256xf32>
    %tanh3A_1726 = math.tanh %slice3A_1725 : vector<32x256xf32>
    %slice3A_1727 = vector.extract_strided_slice %add3A_1710 {offsets = [0, 768], sizes = [32, 256], strides = [1, 1]} : vector<32x1024xf32> to vector<32x256xf32>
    %logistic3A_1728 = arith.negf %slice3A_1727 : vector<32x256xf32>
    %logistic3A_1729 = math.exp %logistic3A_1728 : vector<32x256xf32>
    %logistic3A_1730 = arith.constant 1.000000e+00 : f32
    %logistic3A_1731 = vector.broadcast %logistic3A_1730 : f32 to vector<32x256xf32>
    %logistic3A_1732 = arith.addf %logistic3A_1731, %logistic3A_1729 : vector<32x256xf32>
    %logistic3A_1733 = arith.divf %logistic3A_1731, %logistic3A_1732 : vector<32x256xf32>
    %mul3A_1734 = arith.mulf %logistic3A_1724, %add3A_1662 : vector<32x256xf32>
    %mul3A_1735 = arith.mulf %logistic3A_1717, %tanh3A_1726 : vector<32x256xf32>
    %add3A_1736 = arith.addf %mul3A_1734, %mul3A_1735 : vector<32x256xf32>
    %tanh3A_1737 = math.tanh %add3A_1736 : vector<32x256xf32>
    %mul3A_1738 = arith.mulf %logistic3A_1733, %tanh3A_1737 : vector<32x256xf32>
    %convert_element_type3A_1739 = arith.truncf %mul3A_1738 : vector<32x256xf32> to vector<32x256xbf16>
    %slice3A_1740 = vector.extract_strided_slice %add3A_13 {offsets = [736, 0], sizes = [32, 1024], strides = [1, 1]} : vector<800x1024xf32> to vector<32x1024xf32>
    %convert_element_type3A_1741 = arith.truncf %mul3A_1701 : vector<32x256xf32> to vector<32x256xbf16>
    %get3A_1742 = arith.constant 0 : index
    %get3A_1743 = arith.constant 0 : index
    %get3A_1744 = vector.load %arg4[%get3A_1742, %get3A_1743] : memref<256x1024xbf16, #tpu.memory_space<vmem>>, vector<256x1024xbf16>
    %dot_general3A_1745 = arith.constant dense<0.000000e+00> : vector<32x1024xf32>
    %dot_general3A_1746 = tpu.matmul %convert_element_type3A_1741, %get3A_1744, %dot_general3A_1745 {dimension_numbers = #tpu.dot_dimension_numbers<[1], [0], [0], [1], [0, 0, 1, 1], [], []>, transpose_lhs_hint = false} : vector<32x256xbf16>, vector<256x1024xbf16>, vector<32x1024xf32> -> vector<32x1024xf32>
    %add3A_1747 = arith.addf %slice3A_1740, %dot_general3A_1746 : vector<32x1024xf32>
    %slice3A_1748 = vector.extract_strided_slice %add3A_1747 {offsets = [0, 0], sizes = [32, 256], strides = [1, 1]} : vector<32x1024xf32> to vector<32x256xf32>
    %logistic3A_1749 = arith.negf %slice3A_1748 : vector<32x256xf32>
    %logistic3A_1750 = math.exp %logistic3A_1749 : vector<32x256xf32>
    %logistic3A_1751 = arith.constant 1.000000e+00 : f32
    %logistic3A_1752 = vector.broadcast %logistic3A_1751 : f32 to vector<32x256xf32>
    %logistic3A_1753 = arith.addf %logistic3A_1752, %logistic3A_1750 : vector<32x256xf32>
    %logistic3A_1754 = arith.divf %logistic3A_1752, %logistic3A_1753 : vector<32x256xf32>
    %slice3A_1755 = vector.extract_strided_slice %add3A_1747 {offsets = [0, 256], sizes = [32, 256], strides = [1, 1]} : vector<32x1024xf32> to vector<32x256xf32>
    %logistic3A_1756 = arith.negf %slice3A_1755 : vector<32x256xf32>
    %logistic3A_1757 = math.exp %logistic3A_1756 : vector<32x256xf32>
    %logistic3A_1758 = arith.constant 1.000000e+00 : f32
    %logistic3A_1759 = vector.broadcast %logistic3A_1758 : f32 to vector<32x256xf32>
    %logistic3A_1760 = arith.addf %logistic3A_1759, %logistic3A_1757 : vector<32x256xf32>
    %logistic3A_1761 = arith.divf %logistic3A_1759, %logistic3A_1760 : vector<32x256xf32>
    %slice3A_1762 = vector.extract_strided_slice %add3A_1747 {offsets = [0, 512], sizes = [32, 256], strides = [1, 1]} : vector<32x1024xf32> to vector<32x256xf32>
    %tanh3A_1763 = math.tanh %slice3A_1762 : vector<32x256xf32>
    %slice3A_1764 = vector.extract_strided_slice %add3A_1747 {offsets = [0, 768], sizes = [32, 256], strides = [1, 1]} : vector<32x1024xf32> to vector<32x256xf32>
    %logistic3A_1765 = arith.negf %slice3A_1764 : vector<32x256xf32>
    %logistic3A_1766 = math.exp %logistic3A_1765 : vector<32x256xf32>
    %logistic3A_1767 = arith.constant 1.000000e+00 : f32
    %logistic3A_1768 = vector.broadcast %logistic3A_1767 : f32 to vector<32x256xf32>
    %logistic3A_1769 = arith.addf %logistic3A_1768, %logistic3A_1766 : vector<32x256xf32>
    %logistic3A_1770 = arith.divf %logistic3A_1768, %logistic3A_1769 : vector<32x256xf32>
    %mul3A_1771 = arith.mulf %logistic3A_1761, %add3A_1699 : vector<32x256xf32>
    %mul3A_1772 = arith.mulf %logistic3A_1754, %tanh3A_1763 : vector<32x256xf32>
    %add3A_1773 = arith.addf %mul3A_1771, %mul3A_1772 : vector<32x256xf32>
    %tanh3A_1774 = math.tanh %add3A_1773 : vector<32x256xf32>
    %mul3A_1775 = arith.mulf %logistic3A_1770, %tanh3A_1774 : vector<32x256xf32>
    %convert_element_type3A_1776 = arith.truncf %mul3A_1775 : vector<32x256xf32> to vector<32x256xbf16>
    %slice3A_1777 = vector.extract_strided_slice %add3A_29 {offsets = [32, 0], sizes = [32, 1024], strides = [1, 1]} : vector<800x1024xf32> to vector<32x1024xf32>
    %convert_element_type3A_1778 = arith.truncf %mul3A_1738 : vector<32x256xf32> to vector<32x256xbf16>
    %get3A_1779 = arith.constant 0 : index
    %get3A_1780 = arith.constant 0 : index
    %get3A_1781 = vector.load %arg7[%get3A_1779, %get3A_1780] : memref<256x1024xbf16, #tpu.memory_space<vmem>>, vector<256x1024xbf16>
    %dot_general3A_1782 = arith.constant dense<0.000000e+00> : vector<32x1024xf32>
    %dot_general3A_1783 = tpu.matmul %convert_element_type3A_1778, %get3A_1781, %dot_general3A_1782 {dimension_numbers = #tpu.dot_dimension_numbers<[1], [0], [0], [1], [0, 0, 1, 1], [], []>, transpose_lhs_hint = false} : vector<32x256xbf16>, vector<256x1024xbf16>, vector<32x1024xf32> -> vector<32x1024xf32>
    %add3A_1784 = arith.addf %slice3A_1777, %dot_general3A_1783 : vector<32x1024xf32>
    %slice3A_1785 = vector.extract_strided_slice %add3A_1784 {offsets = [0, 0], sizes = [32, 256], strides = [1, 1]} : vector<32x1024xf32> to vector<32x256xf32>
    %logistic3A_1786 = arith.negf %slice3A_1785 : vector<32x256xf32>
    %logistic3A_1787 = math.exp %logistic3A_1786 : vector<32x256xf32>
    %logistic3A_1788 = arith.constant 1.000000e+00 : f32
    %logistic3A_1789 = vector.broadcast %logistic3A_1788 : f32 to vector<32x256xf32>
    %logistic3A_1790 = arith.addf %logistic3A_1789, %logistic3A_1787 : vector<32x256xf32>
    %logistic3A_1791 = arith.divf %logistic3A_1789, %logistic3A_1790 : vector<32x256xf32>
    %slice3A_1792 = vector.extract_strided_slice %add3A_1784 {offsets = [0, 256], sizes = [32, 256], strides = [1, 1]} : vector<32x1024xf32> to vector<32x256xf32>
    %logistic3A_1793 = arith.negf %slice3A_1792 : vector<32x256xf32>
    %logistic3A_1794 = math.exp %logistic3A_1793 : vector<32x256xf32>
    %logistic3A_1795 = arith.constant 1.000000e+00 : f32
    %logistic3A_1796 = vector.broadcast %logistic3A_1795 : f32 to vector<32x256xf32>
    %logistic3A_1797 = arith.addf %logistic3A_1796, %logistic3A_1794 : vector<32x256xf32>
    %logistic3A_1798 = arith.divf %logistic3A_1796, %logistic3A_1797 : vector<32x256xf32>
    %slice3A_1799 = vector.extract_strided_slice %add3A_1784 {offsets = [0, 512], sizes = [32, 256], strides = [1, 1]} : vector<32x1024xf32> to vector<32x256xf32>
    %tanh3A_1800 = math.tanh %slice3A_1799 : vector<32x256xf32>
    %slice3A_1801 = vector.extract_strided_slice %add3A_1784 {offsets = [0, 768], sizes = [32, 256], strides = [1, 1]} : vector<32x1024xf32> to vector<32x256xf32>
    %logistic3A_1802 = arith.negf %slice3A_1801 : vector<32x256xf32>
    %logistic3A_1803 = math.exp %logistic3A_1802 : vector<32x256xf32>
    %logistic3A_1804 = arith.constant 1.000000e+00 : f32
    %logistic3A_1805 = vector.broadcast %logistic3A_1804 : f32 to vector<32x256xf32>
    %logistic3A_1806 = arith.addf %logistic3A_1805, %logistic3A_1803 : vector<32x256xf32>
    %logistic3A_1807 = arith.divf %logistic3A_1805, %logistic3A_1806 : vector<32x256xf32>
    %mul3A_1808 = arith.mulf %logistic3A_1798, %add3A_1736 : vector<32x256xf32>
    %mul3A_1809 = arith.mulf %logistic3A_1791, %tanh3A_1800 : vector<32x256xf32>
    %add3A_1810 = arith.addf %mul3A_1808, %mul3A_1809 : vector<32x256xf32>
    %tanh3A_1811 = math.tanh %add3A_1810 : vector<32x256xf32>
    %mul3A_1812 = arith.mulf %logistic3A_1807, %tanh3A_1811 : vector<32x256xf32>
    %convert_element_type3A_1813 = arith.truncf %mul3A_1812 : vector<32x256xf32> to vector<32x256xbf16>
    %slice3A_1814 = vector.extract_strided_slice %add3A_13 {offsets = [768, 0], sizes = [32, 1024], strides = [1, 1]} : vector<800x1024xf32> to vector<32x1024xf32>
    %convert_element_type3A_1815 = arith.truncf %mul3A_1775 : vector<32x256xf32> to vector<32x256xbf16>
    %get3A_1816 = arith.constant 0 : index
    %get3A_1817 = arith.constant 0 : index
    %get3A_1818 = vector.load %arg4[%get3A_1816, %get3A_1817] : memref<256x1024xbf16, #tpu.memory_space<vmem>>, vector<256x1024xbf16>
    %dot_general3A_1819 = arith.constant dense<0.000000e+00> : vector<32x1024xf32>
    %dot_general3A_1820 = tpu.matmul %convert_element_type3A_1815, %get3A_1818, %dot_general3A_1819 {dimension_numbers = #tpu.dot_dimension_numbers<[1], [0], [0], [1], [0, 0, 1, 1], [], []>, transpose_lhs_hint = false} : vector<32x256xbf16>, vector<256x1024xbf16>, vector<32x1024xf32> -> vector<32x1024xf32>
    %add3A_1821 = arith.addf %slice3A_1814, %dot_general3A_1820 : vector<32x1024xf32>
    %slice3A_1822 = vector.extract_strided_slice %add3A_1821 {offsets = [0, 0], sizes = [32, 256], strides = [1, 1]} : vector<32x1024xf32> to vector<32x256xf32>
    %logistic3A_1823 = arith.negf %slice3A_1822 : vector<32x256xf32>
    %logistic3A_1824 = math.exp %logistic3A_1823 : vector<32x256xf32>
    %logistic3A_1825 = arith.constant 1.000000e+00 : f32
    %logistic3A_1826 = vector.broadcast %logistic3A_1825 : f32 to vector<32x256xf32>
    %logistic3A_1827 = arith.addf %logistic3A_1826, %logistic3A_1824 : vector<32x256xf32>
    %logistic3A_1828 = arith.divf %logistic3A_1826, %logistic3A_1827 : vector<32x256xf32>
    %slice3A_1829 = vector.extract_strided_slice %add3A_1821 {offsets = [0, 256], sizes = [32, 256], strides = [1, 1]} : vector<32x1024xf32> to vector<32x256xf32>
    %logistic3A_1830 = arith.negf %slice3A_1829 : vector<32x256xf32>
    %logistic3A_1831 = math.exp %logistic3A_1830 : vector<32x256xf32>
    %logistic3A_1832 = arith.constant 1.000000e+00 : f32
    %logistic3A_1833 = vector.broadcast %logistic3A_1832 : f32 to vector<32x256xf32>
    %logistic3A_1834 = arith.addf %logistic3A_1833, %logistic3A_1831 : vector<32x256xf32>
    %logistic3A_1835 = arith.divf %logistic3A_1833, %logistic3A_1834 : vector<32x256xf32>
    %slice3A_1836 = vector.extract_strided_slice %add3A_1821 {offsets = [0, 512], sizes = [32, 256], strides = [1, 1]} : vector<32x1024xf32> to vector<32x256xf32>
    %tanh3A_1837 = math.tanh %slice3A_1836 : vector<32x256xf32>
    %slice3A_1838 = vector.extract_strided_slice %add3A_1821 {offsets = [0, 768], sizes = [32, 256], strides = [1, 1]} : vector<32x1024xf32> to vector<32x256xf32>
    %logistic3A_1839 = arith.negf %slice3A_1838 : vector<32x256xf32>
    %logistic3A_1840 = math.exp %logistic3A_1839 : vector<32x256xf32>
    %logistic3A_1841 = arith.constant 1.000000e+00 : f32
    %logistic3A_1842 = vector.broadcast %logistic3A_1841 : f32 to vector<32x256xf32>
    %logistic3A_1843 = arith.addf %logistic3A_1842, %logistic3A_1840 : vector<32x256xf32>
    %logistic3A_1844 = arith.divf %logistic3A_1842, %logistic3A_1843 : vector<32x256xf32>
    %mul3A_1845 = arith.mulf %logistic3A_1835, %add3A_1773 : vector<32x256xf32>
    %mul3A_1846 = arith.mulf %logistic3A_1828, %tanh3A_1837 : vector<32x256xf32>
    %add3A_1847 = arith.addf %mul3A_1845, %mul3A_1846 : vector<32x256xf32>
    %tanh3A_1848 = math.tanh %add3A_1847 : vector<32x256xf32>
    %mul3A_1849 = arith.mulf %logistic3A_1844, %tanh3A_1848 : vector<32x256xf32>
    %convert_element_type3A_1850 = arith.truncf %mul3A_1849 : vector<32x256xf32> to vector<32x256xbf16>
    %slice3A_1851 = vector.extract_strided_slice %add3A_29 {offsets = [0, 0], sizes = [32, 1024], strides = [1, 1]} : vector<800x1024xf32> to vector<32x1024xf32>
    %convert_element_type3A_1852 = arith.truncf %mul3A_1812 : vector<32x256xf32> to vector<32x256xbf16>
    %get3A_1853 = arith.constant 0 : index
    %get3A_1854 = arith.constant 0 : index
    %get3A_1855 = vector.load %arg7[%get3A_1853, %get3A_1854] : memref<256x1024xbf16, #tpu.memory_space<vmem>>, vector<256x1024xbf16>
    %dot_general3A_1856 = arith.constant dense<0.000000e+00> : vector<32x1024xf32>
    %dot_general3A_1857 = tpu.matmul %convert_element_type3A_1852, %get3A_1855, %dot_general3A_1856 {dimension_numbers = #tpu.dot_dimension_numbers<[1], [0], [0], [1], [0, 0, 1, 1], [], []>, transpose_lhs_hint = false} : vector<32x256xbf16>, vector<256x1024xbf16>, vector<32x1024xf32> -> vector<32x1024xf32>
    %add3A_1858 = arith.addf %slice3A_1851, %dot_general3A_1857 : vector<32x1024xf32>
    %slice3A_1859 = vector.extract_strided_slice %add3A_1858 {offsets = [0, 0], sizes = [32, 256], strides = [1, 1]} : vector<32x1024xf32> to vector<32x256xf32>
    %logistic3A_1860 = arith.negf %slice3A_1859 : vector<32x256xf32>
    %logistic3A_1861 = math.exp %logistic3A_1860 : vector<32x256xf32>
    %logistic3A_1862 = arith.constant 1.000000e+00 : f32
    %logistic3A_1863 = vector.broadcast %logistic3A_1862 : f32 to vector<32x256xf32>
    %logistic3A_1864 = arith.addf %logistic3A_1863, %logistic3A_1861 : vector<32x256xf32>
    %logistic3A_1865 = arith.divf %logistic3A_1863, %logistic3A_1864 : vector<32x256xf32>
    %slice3A_1866 = vector.extract_strided_slice %add3A_1858 {offsets = [0, 256], sizes = [32, 256], strides = [1, 1]} : vector<32x1024xf32> to vector<32x256xf32>
    %logistic3A_1867 = arith.negf %slice3A_1866 : vector<32x256xf32>
    %logistic3A_1868 = math.exp %logistic3A_1867 : vector<32x256xf32>
    %logistic3A_1869 = arith.constant 1.000000e+00 : f32
    %logistic3A_1870 = vector.broadcast %logistic3A_1869 : f32 to vector<32x256xf32>
    %logistic3A_1871 = arith.addf %logistic3A_1870, %logistic3A_1868 : vector<32x256xf32>
    %logistic3A_1872 = arith.divf %logistic3A_1870, %logistic3A_1871 : vector<32x256xf32>
    %slice3A_1873 = vector.extract_strided_slice %add3A_1858 {offsets = [0, 512], sizes = [32, 256], strides = [1, 1]} : vector<32x1024xf32> to vector<32x256xf32>
    %tanh3A_1874 = math.tanh %slice3A_1873 : vector<32x256xf32>
    %slice3A_1875 = vector.extract_strided_slice %add3A_1858 {offsets = [0, 768], sizes = [32, 256], strides = [1, 1]} : vector<32x1024xf32> to vector<32x256xf32>
    %logistic3A_1876 = arith.negf %slice3A_1875 : vector<32x256xf32>
    %logistic3A_1877 = math.exp %logistic3A_1876 : vector<32x256xf32>
    %logistic3A_1878 = arith.constant 1.000000e+00 : f32
    %logistic3A_1879 = vector.broadcast %logistic3A_1878 : f32 to vector<32x256xf32>
    %logistic3A_1880 = arith.addf %logistic3A_1879, %logistic3A_1877 : vector<32x256xf32>
    %logistic3A_1881 = arith.divf %logistic3A_1879, %logistic3A_1880 : vector<32x256xf32>
    %mul3A_1882 = arith.mulf %logistic3A_1872, %add3A_1810 : vector<32x256xf32>
    %mul3A_1883 = arith.mulf %logistic3A_1865, %tanh3A_1874 : vector<32x256xf32>
    %add3A_1884 = arith.addf %mul3A_1882, %mul3A_1883 : vector<32x256xf32>
    %tanh3A_1885 = math.tanh %add3A_1884 : vector<32x256xf32>
    %mul3A_1886 = arith.mulf %logistic3A_1881, %tanh3A_1885 : vector<32x256xf32>
    %convert_element_type3A_1887 = arith.truncf %mul3A_1886 : vector<32x256xf32> to vector<32x256xbf16>
    %swap3A = arith.constant 0 : index
    %swap3A_1888 = arith.constant 0 : index
    %swap3A_1889 = vector.load %arg11[%swap3A, %swap3A_1888] : memref<32x256xf32, #tpu.memory_space<vmem>>, vector<32x256xf32>
    tpu.vector_store %arg11[%swap3A, %swap3A_1888], %mul3A_1849 {strides = array<i32>} : memref<32x256xf32, #tpu.memory_space<vmem>>, vector<32x256xf32>,
    %swap3A_1890 = arith.constant 0 : index
    %swap3A_1891 = arith.constant 0 : index
    %swap3A_1892 = vector.load %arg12[%swap3A_1890, %swap3A_1891] : memref<32x256xf32, #tpu.memory_space<vmem>>, vector<32x256xf32>
    tpu.vector_store %arg12[%swap3A_1890, %swap3A_1891], %add3A_1847 {strides = array<i32>} : memref<32x256xf32, #tpu.memory_space<vmem>>, vector<32x256xf32>,
    %swap3A_1893 = arith.constant 0 : index
    %swap3A_1894 = arith.constant 0 : index
    %swap3A_1895 = vector.load %arg13[%swap3A_1893, %swap3A_1894] : memref<32x256xf32, #tpu.memory_space<vmem>>, vector<32x256xf32>
    tpu.vector_store %arg13[%swap3A_1893, %swap3A_1894], %mul3A_1886 {strides = array<i32>} : memref<32x256xf32, #tpu.memory_space<vmem>>, vector<32x256xf32>,
    %swap3A_1896 = arith.constant 0 : index
    %swap3A_1897 = arith.constant 0 : index
    %swap3A_1898 = vector.load %arg14[%swap3A_1896, %swap3A_1897] : memref<32x256xf32, #tpu.memory_space<vmem>>, vector<32x256xf32>
    tpu.vector_store %arg14[%swap3A_1896, %swap3A_1897], %add3A_1884 {strides = array<i32>} : memref<32x256xf32, #tpu.memory_space<vmem>>, vector<32x256xf32>,
    %stack3A = vector.shape_cast %convert_element_type3A_74 : vector<32x256xbf16> to vector<1x32x256xbf16>
    %stack3A_1899 = vector.shape_cast %convert_element_type3A_148 : vector<32x256xbf16> to vector<1x32x256xbf16>
    %stack3A_1900 = vector.shape_cast %convert_element_type3A_222 : vector<32x256xbf16> to vector<1x32x256xbf16>
    %stack3A_1901 = vector.shape_cast %convert_element_type3A_296 : vector<32x256xbf16> to vector<1x32x256xbf16>
    %stack3A_1902 = vector.shape_cast %convert_element_type3A_370 : vector<32x256xbf16> to vector<1x32x256xbf16>
    %stack3A_1903 = vector.shape_cast %convert_element_type3A_444 : vector<32x256xbf16> to vector<1x32x256xbf16>
    %stack3A_1904 = vector.shape_cast %convert_element_type3A_518 : vector<32x256xbf16> to vector<1x32x256xbf16>
    %stack3A_1905 = vector.shape_cast %convert_element_type3A_592 : vector<32x256xbf16> to vector<1x32x256xbf16>
    %stack3A_1906 = vector.shape_cast %convert_element_type3A_666 : vector<32x256xbf16> to vector<1x32x256xbf16>
    %stack3A_1907 = vector.shape_cast %convert_element_type3A_740 : vector<32x256xbf16> to vector<1x32x256xbf16>
    %stack3A_1908 = vector.shape_cast %convert_element_type3A_814 : vector<32x256xbf16> to vector<1x32x256xbf16>
    %stack3A_1909 = vector.shape_cast %convert_element_type3A_888 : vector<32x256xbf16> to vector<1x32x256xbf16>
    %stack3A_1910 = vector.shape_cast %convert_element_type3A_962 : vector<32x256xbf16> to vector<1x32x256xbf16>
    %stack3A_1911 = vector.shape_cast %convert_element_type3A_1036 : vector<32x256xbf16> to vector<1x32x256xbf16>
    %stack3A_1912 = vector.shape_cast %convert_element_type3A_1110 : vector<32x256xbf16> to vector<1x32x256xbf16>
    %stack3A_1913 = vector.shape_cast %convert_element_type3A_1184 : vector<32x256xbf16> to vector<1x32x256xbf16>
    %stack3A_1914 = vector.shape_cast %convert_element_type3A_1258 : vector<32x256xbf16> to vector<1x32x256xbf16>
    %stack3A_1915 = vector.shape_cast %convert_element_type3A_1332 : vector<32x256xbf16> to vector<1x32x256xbf16>
    %stack3A_1916 = vector.shape_cast %convert_element_type3A_1406 : vector<32x256xbf16> to vector<1x32x256xbf16>
    %stack3A_1917 = vector.shape_cast %convert_element_type3A_1480 : vector<32x256xbf16> to vector<1x32x256xbf16>
    %stack3A_1918 = vector.shape_cast %convert_element_type3A_1554 : vector<32x256xbf16> to vector<1x32x256xbf16>
    %stack3A_1919 = vector.shape_cast %convert_element_type3A_1628 : vector<32x256xbf16> to vector<1x32x256xbf16>
    %stack3A_1920 = vector.shape_cast %convert_element_type3A_1702 : vector<32x256xbf16> to vector<1x32x256xbf16>
    %stack3A_1921 = vector.shape_cast %convert_element_type3A_1776 : vector<32x256xbf16> to vector<1x32x256xbf16>
    %stack3A_1922 = vector.shape_cast %convert_element_type3A_1850 : vector<32x256xbf16> to vector<1x32x256xbf16>
    %stack3A_1923 = tpu.concatenate %stack3A, %stack3A_1899, %stack3A_1900, %stack3A_1901, %stack3A_1902, %stack3A_1903, %stack3A_1904, %stack3A_1905, %stack3A_1906, %stack3A_1907, %stack3A_1908, %stack3A_1909, %stack3A_1910, %stack3A_1911, %stack3A_1912, %stack3A_1913, %stack3A_1914, %stack3A_1915, %stack3A_1916, %stack3A_1917, %stack3A_1918, %stack3A_1919, %stack3A_1920, %stack3A_1921, %stack3A_1922 in 0 : vector<1x32x256xbf16>, vector<1x32x256xbf16>, vector<1x32x256xbf16>, vector<1x32x256xbf16>, vector<1x32x256xbf16>, vector<1x32x256xbf16>, vector<1x32x256xbf16>, vector<1x32x256xbf16>, vector<1x32x256xbf16>, vector<1x32x256xbf16>, vector<1x32x256xbf16>, vector<1x32x256xbf16>, vector<1x32x256xbf16>, vector<1x32x256xbf16>, vector<1x32x256xbf16>, vector<1x32x256xbf16>, vector<1x32x256xbf16>, vector<1x32x256xbf16>, vector<1x32x256xbf16>, vector<1x32x256xbf16>, vector<1x32x256xbf16>, vector<1x32x256xbf16>, vector<1x32x256xbf16>, vector<1x32x256xbf16>, vector<1x32x256xbf16> -> vector<25x32x256xbf16>
    %swap3A_1924 = arith.constant 0 : index
    %swap3A_1925 = arith.constant 0 : index
    %swap3A_1926 = arith.constant 0 : index
    %swap3A_1927 = vector.load %arg9[%swap3A_1924, %swap3A_1925, %swap3A_1926] : memref<25x32x256xbf16, #tpu.memory_space<vmem>>, vector<25x32x256xbf16>
    tpu.vector_store %arg9[%swap3A_1924, %swap3A_1925, %swap3A_1926], %stack3A_1923 {strides = array<i32>} : memref<25x32x256xbf16, #tpu.memory_space<vmem>>, vector<25x32x256xbf16>,
    %stack3A_1928 = vector.shape_cast %convert_element_type3A_1887 : vector<32x256xbf16> to vector<1x32x256xbf16>
    %stack3A_1929 = vector.shape_cast %convert_element_type3A_1813 : vector<32x256xbf16> to vector<1x32x256xbf16>
    %stack3A_1930 = vector.shape_cast %convert_element_type3A_1739 : vector<32x256xbf16> to vector<1x32x256xbf16>
    %stack3A_1931 = vector.shape_cast %convert_element_type3A_1665 : vector<32x256xbf16> to vector<1x32x256xbf16>
    %stack3A_1932 = vector.shape_cast %convert_element_type3A_1591 : vector<32x256xbf16> to vector<1x32x256xbf16>
    %stack3A_1933 = vector.shape_cast %convert_element_type3A_1517 : vector<32x256xbf16> to vector<1x32x256xbf16>
    %stack3A_1934 = vector.shape_cast %convert_element_type3A_1443 : vector<32x256xbf16> to vector<1x32x256xbf16>
    %stack3A_1935 = vector.shape_cast %convert_element_type3A_1369 : vector<32x256xbf16> to vector<1x32x256xbf16>
    %stack3A_1936 = vector.shape_cast %convert_element_type3A_1295 : vector<32x256xbf16> to vector<1x32x256xbf16>
    %stack3A_1937 = vector.shape_cast %convert_element_type3A_1221 : vector<32x256xbf16> to vector<1x32x256xbf16>
    %stack3A_1938 = vector.shape_cast %convert_element_type3A_1147 : vector<32x256xbf16> to vector<1x32x256xbf16>
    %stack3A_1939 = vector.shape_cast %convert_element_type3A_1073 : vector<32x256xbf16> to vector<1x32x256xbf16>
    %stack3A_1940 = vector.shape_cast %convert_element_type3A_999 : vector<32x256xbf16> to vector<1x32x256xbf16>
    %stack3A_1941 = vector.shape_cast %convert_element_type3A_925 : vector<32x256xbf16> to vector<1x32x256xbf16>
    %stack3A_1942 = vector.shape_cast %convert_element_type3A_851 : vector<32x256xbf16> to vector<1x32x256xbf16>
    %stack3A_1943 = vector.shape_cast %convert_element_type3A_777 : vector<32x256xbf16> to vector<1x32x256xbf16>
    %stack3A_1944 = vector.shape_cast %convert_element_type3A_703 : vector<32x256xbf16> to vector<1x32x256xbf16>
    %stack3A_1945 = vector.shape_cast %convert_element_type3A_629 : vector<32x256xbf16> to vector<1x32x256xbf16>
    %stack3A_1946 = vector.shape_cast %convert_element_type3A_555 : vector<32x256xbf16> to vector<1x32x256xbf16>
    %stack3A_1947 = vector.shape_cast %convert_element_type3A_481 : vector<32x256xbf16> to vector<1x32x256xbf16>
    %stack3A_1948 = vector.shape_cast %convert_element_type3A_407 : vector<32x256xbf16> to vector<1x32x256xbf16>
    %stack3A_1949 = vector.shape_cast %convert_element_type3A_333 : vector<32x256xbf16> to vector<1x32x256xbf16>
    %stack3A_1950 = vector.shape_cast %convert_element_type3A_259 : vector<32x256xbf16> to vector<1x32x256xbf16>
    %stack3A_1951 = vector.shape_cast %convert_element_type3A_185 : vector<32x256xbf16> to vector<1x32x256xbf16>
    %stack3A_1952 = vector.shape_cast %convert_element_type3A_111 : vector<32x256xbf16> to vector<1x32x256xbf16>
    %stack3A_1953 = tpu.concatenate %stack3A_1928, %stack3A_1929, %stack3A_1930, %stack3A_1931, %stack3A_1932, %stack3A_1933, %stack3A_1934, %stack3A_1935, %stack3A_1936, %stack3A_1937, %stack3A_1938, %stack3A_1939, %stack3A_1940, %stack3A_1941, %stack3A_1942, %stack3A_1943, %stack3A_1944, %stack3A_1945, %stack3A_1946, %stack3A_1947, %stack3A_1948, %stack3A_1949, %stack3A_1950, %stack3A_1951, %stack3A_1952 in 0 : vector<1x32x256xbf16>, vector<1x32x256xbf16>, vector<1x32x256xbf16>, vector<1x32x256xbf16>, vector<1x32x256xbf16>, vector<1x32x256xbf16>, vector<1x32x256xbf16>, vector<1x32x256xbf16>, vector<1x32x256xbf16>, vector<1x32x256xbf16>, vector<1x32x256xbf16>, vector<1x32x256xbf16>, vector<1x32x256xbf16>, vector<1x32x256xbf16>, vector<1x32x256xbf16>, vector<1x32x256xbf16>, vector<1x32x256xbf16>, vector<1x32x256xbf16>, vector<1x32x256xbf16>, vector<1x32x256xbf16>, vector<1x32x256xbf16>, vector<1x32x256xbf16>, vector<1x32x256xbf16>, vector<1x32x256xbf16>, vector<1x32x256xbf16> -> vector<25x32x256xbf16>
    %swap3A_1954 = arith.constant 0 : index
    %swap3A_1955 = arith.constant 0 : index
    %swap3A_1956 = arith.constant 0 : index
    %swap3A_1957 = vector.load %arg10[%swap3A_1954, %swap3A_1955, %swap3A_1956] : memref<25x32x256xbf16, #tpu.memory_space<vmem>>, vector<25x32x256xbf16>
    tpu.vector_store %arg10[%swap3A_1954, %swap3A_1955, %swap3A_1956], %stack3A_1953 {strides = array<i32>} : memref<25x32x256xbf16, #tpu.memory_space<vmem>>, vector<25x32x256xbf16>,
    return
  }
  func.func @transform_0(%arg0: i32) -> (i32, i32, i32) {
    %c0_i32 = arith.constant 0 : i32
    %c0_i32_0 = arith.constant 0 : i32
    %c0_i32_1 = arith.constant 0 : i32
    return %arg0, %c0_i32, %c0_i32_0 : i32, i32, i32
  }
  func.func @transform_1(%arg0: i32) -> (i32, i32, i32) {
    %sub3A = arith.constant 15 : i32
    %sub3A_0 = arith.subi %sub3A, %arg0 : i32
    %c0_i32 = arith.constant 0 : i32
    %c0_i32_1 = arith.constant 0 : i32
    %c0_i32_2 = arith.constant 0 : i32
    return %sub3A_0, %c0_i32, %c0_i32_1 : i32, i32, i32
  }
  func.func @transform_2(%arg0: i32) -> (i32, i32) {
    %c0_i32 = arith.constant 0 : i32
    %c0_i32_0 = arith.constant 0 : i32
    %c0_i32_1 = arith.constant 0 : i32
    return %c0_i32, %c0_i32_0 : i32, i32
  }
  func.func @transform_3(%arg0: i32) -> (i32, i32) {
    %c0_i32 = arith.constant 0 : i32
    %c0_i32_0 = arith.constant 0 : i32
    %c0_i32_1 = arith.constant 0 : i32
    return %c0_i32, %c0_i32_0 : i32, i32
  }
  func.func @transform_4(%arg0: i32) -> (i32, i32) {
    %c0_i32 = arith.constant 0 : i32
    %c0_i32_0 = arith.constant 0 : i32
    %c0_i32_1 = arith.constant 0 : i32
    return %c0_i32, %c0_i32_0 : i32, i32
  }
  func.func @transform_5(%arg0: i32) -> (i32, i32) {
    %c0_i32 = arith.constant 0 : i32
    %c0_i32_0 = arith.constant 0 : i32
    %c0_i32_1 = arith.constant 0 : i32
    return %c0_i32, %c0_i32_0 : i32, i32
  }
  func.func @transform_6(%arg0: i32) -> (i32, i32) {
    %c0_i32 = arith.constant 0 : i32
    %c0_i32_0 = arith.constant 0 : i32
    %c0_i32_1 = arith.constant 0 : i32
    return %c0_i32, %c0_i32_0 : i32, i32
  }
  func.func @transform_7(%arg0: i32) -> (i32, i32) {
    %c0_i32 = arith.constant 0 : i32
    %c0_i32_0 = arith.constant 0 : i32
    %c0_i32_1 = arith.constant 0 : i32
    return %c0_i32, %c0_i32_0 : i32, i32
  }
  func.func @transform_8(%arg0: i32) -> (i32, i32, i32) {
    %c0_i32 = arith.constant 0 : i32
    %c0_i32_0 = arith.constant 0 : i32
    %c0_i32_1 = arith.constant 0 : i32
    return %arg0, %c0_i32, %c0_i32_0 : i32, i32, i32
  }
  func.func @transform_9(%arg0: i32) -> (i32, i32, i32) {
    %sub3A = arith.constant 15 : i32
    %sub3A_0 = arith.subi %sub3A, %arg0 : i32
    %c0_i32 = arith.constant 0 : i32
    %c0_i32_1 = arith.constant 0 : i32
    %c0_i32_2 = arith.constant 0 : i32
    return %sub3A_0, %c0_i32, %c0_i32_1 : i32, i32, i32
  }
}

module attributes {stable_mosaic.version = 14 : i64} {
  func.func @_dec_body(%arg0: i32, %arg1: memref<400x32x256xbf16, #tpu.memory_space<vmem>>, %arg2: memref<400x32x256xbf16, #tpu.memory_space<vmem>>, %arg3: memref<7x32x128xf32, #tpu.memory_space<vmem>>, %arg4: memref<128x1024xbf16, #tpu.memory_space<vmem>>, %arg5: memref<256x1024xbf16, #tpu.memory_space<vmem>>, %arg6: memref<1x1024xf32, #tpu.memory_space<vmem>>, %arg7: memref<1x256xf32, #tpu.memory_space<vmem>>, %arg8: memref<256x512xf32, #tpu.memory_space<vmem>>, %arg9: memref<1x256xf32, #tpu.memory_space<vmem>>, %arg10: memref<256x256xf32, #tpu.memory_space<vmem>>, %arg11: memref<1x256xf32, #tpu.memory_space<vmem>>, %arg12: memref<1x1xf32, #tpu.memory_space<vmem>>, %arg13: memref<32x800xf32, #tpu.memory_space<vmem>>, %arg14: memref<768x768xbf16, #tpu.memory_space<vmem>>, %arg15: memref<1x768xf32, #tpu.memory_space<vmem>>, %arg16: memref<512xf32, #tpu.memory_space<vmem>>, %arg17: memref<256xf32, #tpu.memory_space<vmem>>, %arg18: memref<128xf32, #tpu.memory_space<vmem>>, %arg19: memref<1x1xf32, #tpu.memory_space<vmem>>, %arg20: memref<7x32x400xf32, #tpu.memory_space<vmem>>, %arg21: memref<224x768xf32, #tpu.memory_space<vmem>>, %arg22: memref<7x32xf32, #tpu.memory_space<vmem>>, %arg23: memref<1x1xf32, #tpu.memory_space<smem>>) attributes {dimension_semantics = [#tpu.dimension_semantics<arbitrary>], iteration_bounds = array<i64: 1>, scalar_prefetch = 0 : i64, scratch_operands = 0 : i64, tpu.core_type = #tpu.core_type<tc>, window_params = [{pipeline_mode = #tpu.pipeline_mode<synchronous>, transform_indices = @transform_0, window_bounds = array<i64: 400, 32, 256>}, {pipeline_mode = #tpu.pipeline_mode<synchronous>, transform_indices = @transform_1, window_bounds = array<i64: 400, 32, 256>}, {pipeline_mode = #tpu.pipeline_mode<synchronous>, transform_indices = @transform_2, window_bounds = array<i64: 7, 32, 128>}, {pipeline_mode = #tpu.pipeline_mode<synchronous>, transform_indices = @transform_3, window_bounds = array<i64: 128, 1024>}, {pipeline_mode = #tpu.pipeline_mode<synchronous>, transform_indices = @transform_4, window_bounds = array<i64: 256, 1024>}, {pipeline_mode = #tpu.pipeline_mode<synchronous>, transform_indices = @transform_5, window_bounds = array<i64: 1, 1024>}, {pipeline_mode = #tpu.pipeline_mode<synchronous>, transform_indices = @transform_6, window_bounds = array<i64: 1, 256>}, {pipeline_mode = #tpu.pipeline_mode<synchronous>, transform_indices = @transform_7, window_bounds = array<i64: 256, 512>}, {pipeline_mode = #tpu.pipeline_mode<synchronous>, transform_indices = @transform_8, window_bounds = array<i64: 1, 256>}, {pipeline_mode = #tpu.pipeline_mode<synchronous>, transform_indices = @transform_9, window_bounds = array<i64: 256, 256>}, {pipeline_mode = #tpu.pipeline_mode<synchronous>, transform_indices = @transform_10, window_bounds = array<i64: 1, 256>}, {pipeline_mode = #tpu.pipeline_mode<synchronous>, transform_indices = @transform_11, window_bounds = array<i64: 1, 1>}, {pipeline_mode = #tpu.pipeline_mode<synchronous>, transform_indices = @transform_12, window_bounds = array<i64: 32, 800>}, {pipeline_mode = #tpu.pipeline_mode<synchronous>, transform_indices = @transform_13, window_bounds = array<i64: 768, 768>}, {pipeline_mode = #tpu.pipeline_mode<synchronous>, transform_indices = @transform_14, window_bounds = array<i64: 1, 768>}, {pipeline_mode = #tpu.pipeline_mode<synchronous>, transform_indices = @transform_15, window_bounds = array<i64: 512>}, {pipeline_mode = #tpu.pipeline_mode<synchronous>, transform_indices = @transform_16, window_bounds = array<i64: 256>}, {pipeline_mode = #tpu.pipeline_mode<synchronous>, transform_indices = @transform_17, window_bounds = array<i64: 128>}, {pipeline_mode = #tpu.pipeline_mode<synchronous>, transform_indices = @transform_18, window_bounds = array<i64: 1, 1>}, {pipeline_mode = #tpu.pipeline_mode<synchronous>, transform_indices = @transform_19, window_bounds = array<i64: 7, 32, 400>}, {pipeline_mode = #tpu.pipeline_mode<synchronous>, transform_indices = @transform_20, window_bounds = array<i64: 224, 768>}, {pipeline_mode = #tpu.pipeline_mode<synchronous>, transform_indices = @transform_21, window_bounds = array<i64: 7, 32>}, {transform_indices = @transform_22, window_bounds = array<i64: 1, 1>}]} {
    %broadcast_in_dim3A = arith.constant 0.000000e+00 : f32
    %broadcast_in_dim3A_0 = vector.broadcast %broadcast_in_dim3A : f32 to vector<32x256xf32>
    %broadcast_in_dim3A_1 = arith.constant 0.000000e+00 : f32
    %broadcast_in_dim3A_2 = vector.broadcast %broadcast_in_dim3A_1 : f32 to vector<32x256xf32>
    %get3A = arith.constant 0 : index
    %get3A_3 = arith.constant 0 : index
    %get3A_4 = arith.constant 0 : index
    %get3A_5 = vector.load %arg3[%get3A, %get3A_3, %get3A_4] : memref<7x32x128xf32, #tpu.memory_space<vmem>>, vector<1x32x128xf32>
    %get3A_6 = vector.shape_cast %get3A_5 : vector<1x32x128xf32> to vector<32x128xf32>
    %get3A_7 = arith.constant 0 : index
    %get3A_8 = arith.constant 0 : index
    %get3A_9 = vector.load %arg4[%get3A_7, %get3A_8] : memref<128x1024xbf16, #tpu.memory_space<vmem>>, vector<128x1024xbf16>
    %get3A_10 = arith.constant 0 : index
    %get3A_11 = arith.constant 0 : index
    %get3A_12 = vector.load %arg5[%get3A_10, %get3A_11] : memref<256x1024xbf16, #tpu.memory_space<vmem>>, vector<256x1024xbf16>
    %get3A_13 = arith.constant 0 : index
    %get3A_14 = arith.constant 0 : index
    %get3A_15 = vector.load %arg6[%get3A_13, %get3A_14] : memref<1x1024xf32, #tpu.memory_space<vmem>>, vector<1x1024xf32>
    %convert_element_type3A = arith.truncf %get3A_6 : vector<32x128xf32> to vector<32x128xbf16>
    %dot_general3A = arith.constant dense<0.000000e+00> : vector<32x1024xf32>
    %dot_general3A_16 = tpu.matmul %convert_element_type3A, %get3A_9, %dot_general3A {dimension_numbers = #tpu.dot_dimension_numbers<[1], [0], [0], [1], [0, 0, 1, 1], [], []>, transpose_lhs_hint = false} : vector<32x128xbf16>, vector<128x1024xbf16>, vector<32x1024xf32> -> vector<32x1024xf32>
    %convert_element_type3A_17 = arith.truncf %broadcast_in_dim3A_0 : vector<32x256xf32> to vector<32x256xbf16>
    %dot_general3A_18 = arith.constant dense<0.000000e+00> : vector<32x1024xf32>
    %dot_general3A_19 = tpu.matmul %convert_element_type3A_17, %get3A_12, %dot_general3A_18 {dimension_numbers = #tpu.dot_dimension_numbers<[1], [0], [0], [1], [0, 0, 1, 1], [], []>, transpose_lhs_hint = false} : vector<32x256xbf16>, vector<256x1024xbf16>, vector<32x1024xf32> -> vector<32x1024xf32>
    %add3A = arith.addf %dot_general3A_16, %dot_general3A_19 : vector<32x1024xf32>
    %add3A_20 = vector.broadcast %get3A_15 : vector<1x1024xf32> to vector<32x1024xf32>
    %add3A_21 = arith.addf %add3A, %add3A_20 : vector<32x1024xf32>
    %slice3A = vector.extract_strided_slice %add3A_21 {offsets = [0, 0], sizes = [32, 256], strides = [1, 1]} : vector<32x1024xf32> to vector<32x256xf32>
    %logistic3A = arith.negf %slice3A : vector<32x256xf32>
    %logistic3A_22 = math.exp %logistic3A : vector<32x256xf32>
    %logistic3A_23 = arith.constant 1.000000e+00 : f32
    %logistic3A_24 = vector.broadcast %logistic3A_23 : f32 to vector<32x256xf32>
    %logistic3A_25 = arith.addf %logistic3A_24, %logistic3A_22 : vector<32x256xf32>
    %logistic3A_26 = arith.divf %logistic3A_24, %logistic3A_25 : vector<32x256xf32>
    %slice3A_27 = vector.extract_strided_slice %add3A_21 {offsets = [0, 256], sizes = [32, 256], strides = [1, 1]} : vector<32x1024xf32> to vector<32x256xf32>
    %logistic3A_28 = arith.negf %slice3A_27 : vector<32x256xf32>
    %logistic3A_29 = math.exp %logistic3A_28 : vector<32x256xf32>
    %logistic3A_30 = arith.constant 1.000000e+00 : f32
    %logistic3A_31 = vector.broadcast %logistic3A_30 : f32 to vector<32x256xf32>
    %logistic3A_32 = arith.addf %logistic3A_31, %logistic3A_29 : vector<32x256xf32>
    %logistic3A_33 = arith.divf %logistic3A_31, %logistic3A_32 : vector<32x256xf32>
    %slice3A_34 = vector.extract_strided_slice %add3A_21 {offsets = [0, 512], sizes = [32, 256], strides = [1, 1]} : vector<32x1024xf32> to vector<32x256xf32>
    %tanh3A = math.tanh %slice3A_34 : vector<32x256xf32>
    %slice3A_35 = vector.extract_strided_slice %add3A_21 {offsets = [0, 768], sizes = [32, 256], strides = [1, 1]} : vector<32x1024xf32> to vector<32x256xf32>
    %logistic3A_36 = arith.negf %slice3A_35 : vector<32x256xf32>
    %logistic3A_37 = math.exp %logistic3A_36 : vector<32x256xf32>
    %logistic3A_38 = arith.constant 1.000000e+00 : f32
    %logistic3A_39 = vector.broadcast %logistic3A_38 : f32 to vector<32x256xf32>
    %logistic3A_40 = arith.addf %logistic3A_39, %logistic3A_37 : vector<32x256xf32>
    %logistic3A_41 = arith.divf %logistic3A_39, %logistic3A_40 : vector<32x256xf32>
    %mul3A = arith.mulf %logistic3A_33, %broadcast_in_dim3A_2 : vector<32x256xf32>
    %mul3A_42 = arith.mulf %logistic3A_26, %tanh3A : vector<32x256xf32>
    %add3A_43 = arith.addf %mul3A, %mul3A_42 : vector<32x256xf32>
    %tanh3A_44 = math.tanh %add3A_43 : vector<32x256xf32>
    %mul3A_45 = arith.mulf %logistic3A_41, %tanh3A_44 : vector<32x256xf32>
    %get3A_46 = arith.constant 1 : index
    %get3A_47 = arith.constant 0 : index
    %get3A_48 = arith.constant 0 : index
    %get3A_49 = vector.load %arg3[%get3A_46, %get3A_47, %get3A_48] : memref<7x32x128xf32, #tpu.memory_space<vmem>>, vector<1x32x128xf32>
    %get3A_50 = vector.shape_cast %get3A_49 : vector<1x32x128xf32> to vector<32x128xf32>
    %get3A_51 = arith.constant 0 : index
    %get3A_52 = arith.constant 0 : index
    %get3A_53 = vector.load %arg4[%get3A_51, %get3A_52] : memref<128x1024xbf16, #tpu.memory_space<vmem>>, vector<128x1024xbf16>
    %get3A_54 = arith.constant 0 : index
    %get3A_55 = arith.constant 0 : index
    %get3A_56 = vector.load %arg5[%get3A_54, %get3A_55] : memref<256x1024xbf16, #tpu.memory_space<vmem>>, vector<256x1024xbf16>
    %get3A_57 = arith.constant 0 : index
    %get3A_58 = arith.constant 0 : index
    %get3A_59 = vector.load %arg6[%get3A_57, %get3A_58] : memref<1x1024xf32, #tpu.memory_space<vmem>>, vector<1x1024xf32>
    %convert_element_type3A_60 = arith.truncf %get3A_50 : vector<32x128xf32> to vector<32x128xbf16>
    %dot_general3A_61 = arith.constant dense<0.000000e+00> : vector<32x1024xf32>
    %dot_general3A_62 = tpu.matmul %convert_element_type3A_60, %get3A_53, %dot_general3A_61 {dimension_numbers = #tpu.dot_dimension_numbers<[1], [0], [0], [1], [0, 0, 1, 1], [], []>, transpose_lhs_hint = false} : vector<32x128xbf16>, vector<128x1024xbf16>, vector<32x1024xf32> -> vector<32x1024xf32>
    %convert_element_type3A_63 = arith.truncf %mul3A_45 : vector<32x256xf32> to vector<32x256xbf16>
    %dot_general3A_64 = arith.constant dense<0.000000e+00> : vector<32x1024xf32>
    %dot_general3A_65 = tpu.matmul %convert_element_type3A_63, %get3A_56, %dot_general3A_64 {dimension_numbers = #tpu.dot_dimension_numbers<[1], [0], [0], [1], [0, 0, 1, 1], [], []>, transpose_lhs_hint = false} : vector<32x256xbf16>, vector<256x1024xbf16>, vector<32x1024xf32> -> vector<32x1024xf32>
    %add3A_66 = arith.addf %dot_general3A_62, %dot_general3A_65 : vector<32x1024xf32>
    %add3A_67 = vector.broadcast %get3A_59 : vector<1x1024xf32> to vector<32x1024xf32>
    %add3A_68 = arith.addf %add3A_66, %add3A_67 : vector<32x1024xf32>
    %slice3A_69 = vector.extract_strided_slice %add3A_68 {offsets = [0, 0], sizes = [32, 256], strides = [1, 1]} : vector<32x1024xf32> to vector<32x256xf32>
    %logistic3A_70 = arith.negf %slice3A_69 : vector<32x256xf32>
    %logistic3A_71 = math.exp %logistic3A_70 : vector<32x256xf32>
    %logistic3A_72 = arith.constant 1.000000e+00 : f32
    %logistic3A_73 = vector.broadcast %logistic3A_72 : f32 to vector<32x256xf32>
    %logistic3A_74 = arith.addf %logistic3A_73, %logistic3A_71 : vector<32x256xf32>
    %logistic3A_75 = arith.divf %logistic3A_73, %logistic3A_74 : vector<32x256xf32>
    %slice3A_76 = vector.extract_strided_slice %add3A_68 {offsets = [0, 256], sizes = [32, 256], strides = [1, 1]} : vector<32x1024xf32> to vector<32x256xf32>
    %logistic3A_77 = arith.negf %slice3A_76 : vector<32x256xf32>
    %logistic3A_78 = math.exp %logistic3A_77 : vector<32x256xf32>
    %logistic3A_79 = arith.constant 1.000000e+00 : f32
    %logistic3A_80 = vector.broadcast %logistic3A_79 : f32 to vector<32x256xf32>
    %logistic3A_81 = arith.addf %logistic3A_80, %logistic3A_78 : vector<32x256xf32>
    %logistic3A_82 = arith.divf %logistic3A_80, %logistic3A_81 : vector<32x256xf32>
    %slice3A_83 = vector.extract_strided_slice %add3A_68 {offsets = [0, 512], sizes = [32, 256], strides = [1, 1]} : vector<32x1024xf32> to vector<32x256xf32>
    %tanh3A_84 = math.tanh %slice3A_83 : vector<32x256xf32>
    %slice3A_85 = vector.extract_strided_slice %add3A_68 {offsets = [0, 768], sizes = [32, 256], strides = [1, 1]} : vector<32x1024xf32> to vector<32x256xf32>
    %logistic3A_86 = arith.negf %slice3A_85 : vector<32x256xf32>
    %logistic3A_87 = math.exp %logistic3A_86 : vector<32x256xf32>
    %logistic3A_88 = arith.constant 1.000000e+00 : f32
    %logistic3A_89 = vector.broadcast %logistic3A_88 : f32 to vector<32x256xf32>
    %logistic3A_90 = arith.addf %logistic3A_89, %logistic3A_87 : vector<32x256xf32>
    %logistic3A_91 = arith.divf %logistic3A_89, %logistic3A_90 : vector<32x256xf32>
    %mul3A_92 = arith.mulf %logistic3A_82, %add3A_43 : vector<32x256xf32>
    %mul3A_93 = arith.mulf %logistic3A_75, %tanh3A_84 : vector<32x256xf32>
    %add3A_94 = arith.addf %mul3A_92, %mul3A_93 : vector<32x256xf32>
    %tanh3A_95 = math.tanh %add3A_94 : vector<32x256xf32>
    %mul3A_96 = arith.mulf %logistic3A_91, %tanh3A_95 : vector<32x256xf32>
    %get3A_97 = arith.constant 2 : index
    %get3A_98 = arith.constant 0 : index
    %get3A_99 = arith.constant 0 : index
    %get3A_100 = vector.load %arg3[%get3A_97, %get3A_98, %get3A_99] : memref<7x32x128xf32, #tpu.memory_space<vmem>>, vector<1x32x128xf32>
    %get3A_101 = vector.shape_cast %get3A_100 : vector<1x32x128xf32> to vector<32x128xf32>
    %get3A_102 = arith.constant 0 : index
    %get3A_103 = arith.constant 0 : index
    %get3A_104 = vector.load %arg4[%get3A_102, %get3A_103] : memref<128x1024xbf16, #tpu.memory_space<vmem>>, vector<128x1024xbf16>
    %get3A_105 = arith.constant 0 : index
    %get3A_106 = arith.constant 0 : index
    %get3A_107 = vector.load %arg5[%get3A_105, %get3A_106] : memref<256x1024xbf16, #tpu.memory_space<vmem>>, vector<256x1024xbf16>
    %get3A_108 = arith.constant 0 : index
    %get3A_109 = arith.constant 0 : index
    %get3A_110 = vector.load %arg6[%get3A_108, %get3A_109] : memref<1x1024xf32, #tpu.memory_space<vmem>>, vector<1x1024xf32>
    %convert_element_type3A_111 = arith.truncf %get3A_101 : vector<32x128xf32> to vector<32x128xbf16>
    %dot_general3A_112 = arith.constant dense<0.000000e+00> : vector<32x1024xf32>
    %dot_general3A_113 = tpu.matmul %convert_element_type3A_111, %get3A_104, %dot_general3A_112 {dimension_numbers = #tpu.dot_dimension_numbers<[1], [0], [0], [1], [0, 0, 1, 1], [], []>, transpose_lhs_hint = false} : vector<32x128xbf16>, vector<128x1024xbf16>, vector<32x1024xf32> -> vector<32x1024xf32>
    %convert_element_type3A_114 = arith.truncf %mul3A_96 : vector<32x256xf32> to vector<32x256xbf16>
    %dot_general3A_115 = arith.constant dense<0.000000e+00> : vector<32x1024xf32>
    %dot_general3A_116 = tpu.matmul %convert_element_type3A_114, %get3A_107, %dot_general3A_115 {dimension_numbers = #tpu.dot_dimension_numbers<[1], [0], [0], [1], [0, 0, 1, 1], [], []>, transpose_lhs_hint = false} : vector<32x256xbf16>, vector<256x1024xbf16>, vector<32x1024xf32> -> vector<32x1024xf32>
    %add3A_117 = arith.addf %dot_general3A_113, %dot_general3A_116 : vector<32x1024xf32>
    %add3A_118 = vector.broadcast %get3A_110 : vector<1x1024xf32> to vector<32x1024xf32>
    %add3A_119 = arith.addf %add3A_117, %add3A_118 : vector<32x1024xf32>
    %slice3A_120 = vector.extract_strided_slice %add3A_119 {offsets = [0, 0], sizes = [32, 256], strides = [1, 1]} : vector<32x1024xf32> to vector<32x256xf32>
    %logistic3A_121 = arith.negf %slice3A_120 : vector<32x256xf32>
    %logistic3A_122 = math.exp %logistic3A_121 : vector<32x256xf32>
    %logistic3A_123 = arith.constant 1.000000e+00 : f32
    %logistic3A_124 = vector.broadcast %logistic3A_123 : f32 to vector<32x256xf32>
    %logistic3A_125 = arith.addf %logistic3A_124, %logistic3A_122 : vector<32x256xf32>
    %logistic3A_126 = arith.divf %logistic3A_124, %logistic3A_125 : vector<32x256xf32>
    %slice3A_127 = vector.extract_strided_slice %add3A_119 {offsets = [0, 256], sizes = [32, 256], strides = [1, 1]} : vector<32x1024xf32> to vector<32x256xf32>
    %logistic3A_128 = arith.negf %slice3A_127 : vector<32x256xf32>
    %logistic3A_129 = math.exp %logistic3A_128 : vector<32x256xf32>
    %logistic3A_130 = arith.constant 1.000000e+00 : f32
    %logistic3A_131 = vector.broadcast %logistic3A_130 : f32 to vector<32x256xf32>
    %logistic3A_132 = arith.addf %logistic3A_131, %logistic3A_129 : vector<32x256xf32>
    %logistic3A_133 = arith.divf %logistic3A_131, %logistic3A_132 : vector<32x256xf32>
    %slice3A_134 = vector.extract_strided_slice %add3A_119 {offsets = [0, 512], sizes = [32, 256], strides = [1, 1]} : vector<32x1024xf32> to vector<32x256xf32>
    %tanh3A_135 = math.tanh %slice3A_134 : vector<32x256xf32>
    %slice3A_136 = vector.extract_strided_slice %add3A_119 {offsets = [0, 768], sizes = [32, 256], strides = [1, 1]} : vector<32x1024xf32> to vector<32x256xf32>
    %logistic3A_137 = arith.negf %slice3A_136 : vector<32x256xf32>
    %logistic3A_138 = math.exp %logistic3A_137 : vector<32x256xf32>
    %logistic3A_139 = arith.constant 1.000000e+00 : f32
    %logistic3A_140 = vector.broadcast %logistic3A_139 : f32 to vector<32x256xf32>
    %logistic3A_141 = arith.addf %logistic3A_140, %logistic3A_138 : vector<32x256xf32>
    %logistic3A_142 = arith.divf %logistic3A_140, %logistic3A_141 : vector<32x256xf32>
    %mul3A_143 = arith.mulf %logistic3A_133, %add3A_94 : vector<32x256xf32>
    %mul3A_144 = arith.mulf %logistic3A_126, %tanh3A_135 : vector<32x256xf32>
    %add3A_145 = arith.addf %mul3A_143, %mul3A_144 : vector<32x256xf32>
    %tanh3A_146 = math.tanh %add3A_145 : vector<32x256xf32>
    %mul3A_147 = arith.mulf %logistic3A_142, %tanh3A_146 : vector<32x256xf32>
    %get3A_148 = arith.constant 3 : index
    %get3A_149 = arith.constant 0 : index
    %get3A_150 = arith.constant 0 : index
    %get3A_151 = vector.load %arg3[%get3A_148, %get3A_149, %get3A_150] : memref<7x32x128xf32, #tpu.memory_space<vmem>>, vector<1x32x128xf32>
    %get3A_152 = vector.shape_cast %get3A_151 : vector<1x32x128xf32> to vector<32x128xf32>
    %get3A_153 = arith.constant 0 : index
    %get3A_154 = arith.constant 0 : index
    %get3A_155 = vector.load %arg4[%get3A_153, %get3A_154] : memref<128x1024xbf16, #tpu.memory_space<vmem>>, vector<128x1024xbf16>
    %get3A_156 = arith.constant 0 : index
    %get3A_157 = arith.constant 0 : index
    %get3A_158 = vector.load %arg5[%get3A_156, %get3A_157] : memref<256x1024xbf16, #tpu.memory_space<vmem>>, vector<256x1024xbf16>
    %get3A_159 = arith.constant 0 : index
    %get3A_160 = arith.constant 0 : index
    %get3A_161 = vector.load %arg6[%get3A_159, %get3A_160] : memref<1x1024xf32, #tpu.memory_space<vmem>>, vector<1x1024xf32>
    %convert_element_type3A_162 = arith.truncf %get3A_152 : vector<32x128xf32> to vector<32x128xbf16>
    %dot_general3A_163 = arith.constant dense<0.000000e+00> : vector<32x1024xf32>
    %dot_general3A_164 = tpu.matmul %convert_element_type3A_162, %get3A_155, %dot_general3A_163 {dimension_numbers = #tpu.dot_dimension_numbers<[1], [0], [0], [1], [0, 0, 1, 1], [], []>, transpose_lhs_hint = false} : vector<32x128xbf16>, vector<128x1024xbf16>, vector<32x1024xf32> -> vector<32x1024xf32>
    %convert_element_type3A_165 = arith.truncf %mul3A_147 : vector<32x256xf32> to vector<32x256xbf16>
    %dot_general3A_166 = arith.constant dense<0.000000e+00> : vector<32x1024xf32>
    %dot_general3A_167 = tpu.matmul %convert_element_type3A_165, %get3A_158, %dot_general3A_166 {dimension_numbers = #tpu.dot_dimension_numbers<[1], [0], [0], [1], [0, 0, 1, 1], [], []>, transpose_lhs_hint = false} : vector<32x256xbf16>, vector<256x1024xbf16>, vector<32x1024xf32> -> vector<32x1024xf32>
    %add3A_168 = arith.addf %dot_general3A_164, %dot_general3A_167 : vector<32x1024xf32>
    %add3A_169 = vector.broadcast %get3A_161 : vector<1x1024xf32> to vector<32x1024xf32>
    %add3A_170 = arith.addf %add3A_168, %add3A_169 : vector<32x1024xf32>
    %slice3A_171 = vector.extract_strided_slice %add3A_170 {offsets = [0, 0], sizes = [32, 256], strides = [1, 1]} : vector<32x1024xf32> to vector<32x256xf32>
    %logistic3A_172 = arith.negf %slice3A_171 : vector<32x256xf32>
    %logistic3A_173 = math.exp %logistic3A_172 : vector<32x256xf32>
    %logistic3A_174 = arith.constant 1.000000e+00 : f32
    %logistic3A_175 = vector.broadcast %logistic3A_174 : f32 to vector<32x256xf32>
    %logistic3A_176 = arith.addf %logistic3A_175, %logistic3A_173 : vector<32x256xf32>
    %logistic3A_177 = arith.divf %logistic3A_175, %logistic3A_176 : vector<32x256xf32>
    %slice3A_178 = vector.extract_strided_slice %add3A_170 {offsets = [0, 256], sizes = [32, 256], strides = [1, 1]} : vector<32x1024xf32> to vector<32x256xf32>
    %logistic3A_179 = arith.negf %slice3A_178 : vector<32x256xf32>
    %logistic3A_180 = math.exp %logistic3A_179 : vector<32x256xf32>
    %logistic3A_181 = arith.constant 1.000000e+00 : f32
    %logistic3A_182 = vector.broadcast %logistic3A_181 : f32 to vector<32x256xf32>
    %logistic3A_183 = arith.addf %logistic3A_182, %logistic3A_180 : vector<32x256xf32>
    %logistic3A_184 = arith.divf %logistic3A_182, %logistic3A_183 : vector<32x256xf32>
    %slice3A_185 = vector.extract_strided_slice %add3A_170 {offsets = [0, 512], sizes = [32, 256], strides = [1, 1]} : vector<32x1024xf32> to vector<32x256xf32>
    %tanh3A_186 = math.tanh %slice3A_185 : vector<32x256xf32>
    %slice3A_187 = vector.extract_strided_slice %add3A_170 {offsets = [0, 768], sizes = [32, 256], strides = [1, 1]} : vector<32x1024xf32> to vector<32x256xf32>
    %logistic3A_188 = arith.negf %slice3A_187 : vector<32x256xf32>
    %logistic3A_189 = math.exp %logistic3A_188 : vector<32x256xf32>
    %logistic3A_190 = arith.constant 1.000000e+00 : f32
    %logistic3A_191 = vector.broadcast %logistic3A_190 : f32 to vector<32x256xf32>
    %logistic3A_192 = arith.addf %logistic3A_191, %logistic3A_189 : vector<32x256xf32>
    %logistic3A_193 = arith.divf %logistic3A_191, %logistic3A_192 : vector<32x256xf32>
    %mul3A_194 = arith.mulf %logistic3A_184, %add3A_145 : vector<32x256xf32>
    %mul3A_195 = arith.mulf %logistic3A_177, %tanh3A_186 : vector<32x256xf32>
    %add3A_196 = arith.addf %mul3A_194, %mul3A_195 : vector<32x256xf32>
    %tanh3A_197 = math.tanh %add3A_196 : vector<32x256xf32>
    %mul3A_198 = arith.mulf %logistic3A_193, %tanh3A_197 : vector<32x256xf32>
    %get3A_199 = arith.constant 4 : index
    %get3A_200 = arith.constant 0 : index
    %get3A_201 = arith.constant 0 : index
    %get3A_202 = vector.load %arg3[%get3A_199, %get3A_200, %get3A_201] : memref<7x32x128xf32, #tpu.memory_space<vmem>>, vector<1x32x128xf32>
    %get3A_203 = vector.shape_cast %get3A_202 : vector<1x32x128xf32> to vector<32x128xf32>
    %get3A_204 = arith.constant 0 : index
    %get3A_205 = arith.constant 0 : index
    %get3A_206 = vector.load %arg4[%get3A_204, %get3A_205] : memref<128x1024xbf16, #tpu.memory_space<vmem>>, vector<128x1024xbf16>
    %get3A_207 = arith.constant 0 : index
    %get3A_208 = arith.constant 0 : index
    %get3A_209 = vector.load %arg5[%get3A_207, %get3A_208] : memref<256x1024xbf16, #tpu.memory_space<vmem>>, vector<256x1024xbf16>
    %get3A_210 = arith.constant 0 : index
    %get3A_211 = arith.constant 0 : index
    %get3A_212 = vector.load %arg6[%get3A_210, %get3A_211] : memref<1x1024xf32, #tpu.memory_space<vmem>>, vector<1x1024xf32>
    %convert_element_type3A_213 = arith.truncf %get3A_203 : vector<32x128xf32> to vector<32x128xbf16>
    %dot_general3A_214 = arith.constant dense<0.000000e+00> : vector<32x1024xf32>
    %dot_general3A_215 = tpu.matmul %convert_element_type3A_213, %get3A_206, %dot_general3A_214 {dimension_numbers = #tpu.dot_dimension_numbers<[1], [0], [0], [1], [0, 0, 1, 1], [], []>, transpose_lhs_hint = false} : vector<32x128xbf16>, vector<128x1024xbf16>, vector<32x1024xf32> -> vector<32x1024xf32>
    %convert_element_type3A_216 = arith.truncf %mul3A_198 : vector<32x256xf32> to vector<32x256xbf16>
    %dot_general3A_217 = arith.constant dense<0.000000e+00> : vector<32x1024xf32>
    %dot_general3A_218 = tpu.matmul %convert_element_type3A_216, %get3A_209, %dot_general3A_217 {dimension_numbers = #tpu.dot_dimension_numbers<[1], [0], [0], [1], [0, 0, 1, 1], [], []>, transpose_lhs_hint = false} : vector<32x256xbf16>, vector<256x1024xbf16>, vector<32x1024xf32> -> vector<32x1024xf32>
    %add3A_219 = arith.addf %dot_general3A_215, %dot_general3A_218 : vector<32x1024xf32>
    %add3A_220 = vector.broadcast %get3A_212 : vector<1x1024xf32> to vector<32x1024xf32>
    %add3A_221 = arith.addf %add3A_219, %add3A_220 : vector<32x1024xf32>
    %slice3A_222 = vector.extract_strided_slice %add3A_221 {offsets = [0, 0], sizes = [32, 256], strides = [1, 1]} : vector<32x1024xf32> to vector<32x256xf32>
    %logistic3A_223 = arith.negf %slice3A_222 : vector<32x256xf32>
    %logistic3A_224 = math.exp %logistic3A_223 : vector<32x256xf32>
    %logistic3A_225 = arith.constant 1.000000e+00 : f32
    %logistic3A_226 = vector.broadcast %logistic3A_225 : f32 to vector<32x256xf32>
    %logistic3A_227 = arith.addf %logistic3A_226, %logistic3A_224 : vector<32x256xf32>
    %logistic3A_228 = arith.divf %logistic3A_226, %logistic3A_227 : vector<32x256xf32>
    %slice3A_229 = vector.extract_strided_slice %add3A_221 {offsets = [0, 256], sizes = [32, 256], strides = [1, 1]} : vector<32x1024xf32> to vector<32x256xf32>
    %logistic3A_230 = arith.negf %slice3A_229 : vector<32x256xf32>
    %logistic3A_231 = math.exp %logistic3A_230 : vector<32x256xf32>
    %logistic3A_232 = arith.constant 1.000000e+00 : f32
    %logistic3A_233 = vector.broadcast %logistic3A_232 : f32 to vector<32x256xf32>
    %logistic3A_234 = arith.addf %logistic3A_233, %logistic3A_231 : vector<32x256xf32>
    %logistic3A_235 = arith.divf %logistic3A_233, %logistic3A_234 : vector<32x256xf32>
    %slice3A_236 = vector.extract_strided_slice %add3A_221 {offsets = [0, 512], sizes = [32, 256], strides = [1, 1]} : vector<32x1024xf32> to vector<32x256xf32>
    %tanh3A_237 = math.tanh %slice3A_236 : vector<32x256xf32>
    %slice3A_238 = vector.extract_strided_slice %add3A_221 {offsets = [0, 768], sizes = [32, 256], strides = [1, 1]} : vector<32x1024xf32> to vector<32x256xf32>
    %logistic3A_239 = arith.negf %slice3A_238 : vector<32x256xf32>
    %logistic3A_240 = math.exp %logistic3A_239 : vector<32x256xf32>
    %logistic3A_241 = arith.constant 1.000000e+00 : f32
    %logistic3A_242 = vector.broadcast %logistic3A_241 : f32 to vector<32x256xf32>
    %logistic3A_243 = arith.addf %logistic3A_242, %logistic3A_240 : vector<32x256xf32>
    %logistic3A_244 = arith.divf %logistic3A_242, %logistic3A_243 : vector<32x256xf32>
    %mul3A_245 = arith.mulf %logistic3A_235, %add3A_196 : vector<32x256xf32>
    %mul3A_246 = arith.mulf %logistic3A_228, %tanh3A_237 : vector<32x256xf32>
    %add3A_247 = arith.addf %mul3A_245, %mul3A_246 : vector<32x256xf32>
    %tanh3A_248 = math.tanh %add3A_247 : vector<32x256xf32>
    %mul3A_249 = arith.mulf %logistic3A_244, %tanh3A_248 : vector<32x256xf32>
    %get3A_250 = arith.constant 5 : index
    %get3A_251 = arith.constant 0 : index
    %get3A_252 = arith.constant 0 : index
    %get3A_253 = vector.load %arg3[%get3A_250, %get3A_251, %get3A_252] : memref<7x32x128xf32, #tpu.memory_space<vmem>>, vector<1x32x128xf32>
    %get3A_254 = vector.shape_cast %get3A_253 : vector<1x32x128xf32> to vector<32x128xf32>
    %get3A_255 = arith.constant 0 : index
    %get3A_256 = arith.constant 0 : index
    %get3A_257 = vector.load %arg4[%get3A_255, %get3A_256] : memref<128x1024xbf16, #tpu.memory_space<vmem>>, vector<128x1024xbf16>
    %get3A_258 = arith.constant 0 : index
    %get3A_259 = arith.constant 0 : index
    %get3A_260 = vector.load %arg5[%get3A_258, %get3A_259] : memref<256x1024xbf16, #tpu.memory_space<vmem>>, vector<256x1024xbf16>
    %get3A_261 = arith.constant 0 : index
    %get3A_262 = arith.constant 0 : index
    %get3A_263 = vector.load %arg6[%get3A_261, %get3A_262] : memref<1x1024xf32, #tpu.memory_space<vmem>>, vector<1x1024xf32>
    %convert_element_type3A_264 = arith.truncf %get3A_254 : vector<32x128xf32> to vector<32x128xbf16>
    %dot_general3A_265 = arith.constant dense<0.000000e+00> : vector<32x1024xf32>
    %dot_general3A_266 = tpu.matmul %convert_element_type3A_264, %get3A_257, %dot_general3A_265 {dimension_numbers = #tpu.dot_dimension_numbers<[1], [0], [0], [1], [0, 0, 1, 1], [], []>, transpose_lhs_hint = false} : vector<32x128xbf16>, vector<128x1024xbf16>, vector<32x1024xf32> -> vector<32x1024xf32>
    %convert_element_type3A_267 = arith.truncf %mul3A_249 : vector<32x256xf32> to vector<32x256xbf16>
    %dot_general3A_268 = arith.constant dense<0.000000e+00> : vector<32x1024xf32>
    %dot_general3A_269 = tpu.matmul %convert_element_type3A_267, %get3A_260, %dot_general3A_268 {dimension_numbers = #tpu.dot_dimension_numbers<[1], [0], [0], [1], [0, 0, 1, 1], [], []>, transpose_lhs_hint = false} : vector<32x256xbf16>, vector<256x1024xbf16>, vector<32x1024xf32> -> vector<32x1024xf32>
    %add3A_270 = arith.addf %dot_general3A_266, %dot_general3A_269 : vector<32x1024xf32>
    %add3A_271 = vector.broadcast %get3A_263 : vector<1x1024xf32> to vector<32x1024xf32>
    %add3A_272 = arith.addf %add3A_270, %add3A_271 : vector<32x1024xf32>
    %slice3A_273 = vector.extract_strided_slice %add3A_272 {offsets = [0, 0], sizes = [32, 256], strides = [1, 1]} : vector<32x1024xf32> to vector<32x256xf32>
    %logistic3A_274 = arith.negf %slice3A_273 : vector<32x256xf32>
    %logistic3A_275 = math.exp %logistic3A_274 : vector<32x256xf32>
    %logistic3A_276 = arith.constant 1.000000e+00 : f32
    %logistic3A_277 = vector.broadcast %logistic3A_276 : f32 to vector<32x256xf32>
    %logistic3A_278 = arith.addf %logistic3A_277, %logistic3A_275 : vector<32x256xf32>
    %logistic3A_279 = arith.divf %logistic3A_277, %logistic3A_278 : vector<32x256xf32>
    %slice3A_280 = vector.extract_strided_slice %add3A_272 {offsets = [0, 256], sizes = [32, 256], strides = [1, 1]} : vector<32x1024xf32> to vector<32x256xf32>
    %logistic3A_281 = arith.negf %slice3A_280 : vector<32x256xf32>
    %logistic3A_282 = math.exp %logistic3A_281 : vector<32x256xf32>
    %logistic3A_283 = arith.constant 1.000000e+00 : f32
    %logistic3A_284 = vector.broadcast %logistic3A_283 : f32 to vector<32x256xf32>
    %logistic3A_285 = arith.addf %logistic3A_284, %logistic3A_282 : vector<32x256xf32>
    %logistic3A_286 = arith.divf %logistic3A_284, %logistic3A_285 : vector<32x256xf32>
    %slice3A_287 = vector.extract_strided_slice %add3A_272 {offsets = [0, 512], sizes = [32, 256], strides = [1, 1]} : vector<32x1024xf32> to vector<32x256xf32>
    %tanh3A_288 = math.tanh %slice3A_287 : vector<32x256xf32>
    %slice3A_289 = vector.extract_strided_slice %add3A_272 {offsets = [0, 768], sizes = [32, 256], strides = [1, 1]} : vector<32x1024xf32> to vector<32x256xf32>
    %logistic3A_290 = arith.negf %slice3A_289 : vector<32x256xf32>
    %logistic3A_291 = math.exp %logistic3A_290 : vector<32x256xf32>
    %logistic3A_292 = arith.constant 1.000000e+00 : f32
    %logistic3A_293 = vector.broadcast %logistic3A_292 : f32 to vector<32x256xf32>
    %logistic3A_294 = arith.addf %logistic3A_293, %logistic3A_291 : vector<32x256xf32>
    %logistic3A_295 = arith.divf %logistic3A_293, %logistic3A_294 : vector<32x256xf32>
    %mul3A_296 = arith.mulf %logistic3A_286, %add3A_247 : vector<32x256xf32>
    %mul3A_297 = arith.mulf %logistic3A_279, %tanh3A_288 : vector<32x256xf32>
    %add3A_298 = arith.addf %mul3A_296, %mul3A_297 : vector<32x256xf32>
    %tanh3A_299 = math.tanh %add3A_298 : vector<32x256xf32>
    %mul3A_300 = arith.mulf %logistic3A_295, %tanh3A_299 : vector<32x256xf32>
    %get3A_301 = arith.constant 6 : index
    %get3A_302 = arith.constant 0 : index
    %get3A_303 = arith.constant 0 : index
    %get3A_304 = vector.load %arg3[%get3A_301, %get3A_302, %get3A_303] : memref<7x32x128xf32, #tpu.memory_space<vmem>>, vector<1x32x128xf32>
    %get3A_305 = vector.shape_cast %get3A_304 : vector<1x32x128xf32> to vector<32x128xf32>
    %get3A_306 = arith.constant 0 : index
    %get3A_307 = arith.constant 0 : index
    %get3A_308 = vector.load %arg4[%get3A_306, %get3A_307] : memref<128x1024xbf16, #tpu.memory_space<vmem>>, vector<128x1024xbf16>
    %get3A_309 = arith.constant 0 : index
    %get3A_310 = arith.constant 0 : index
    %get3A_311 = vector.load %arg5[%get3A_309, %get3A_310] : memref<256x1024xbf16, #tpu.memory_space<vmem>>, vector<256x1024xbf16>
    %get3A_312 = arith.constant 0 : index
    %get3A_313 = arith.constant 0 : index
    %get3A_314 = vector.load %arg6[%get3A_312, %get3A_313] : memref<1x1024xf32, #tpu.memory_space<vmem>>, vector<1x1024xf32>
    %convert_element_type3A_315 = arith.truncf %get3A_305 : vector<32x128xf32> to vector<32x128xbf16>
    %dot_general3A_316 = arith.constant dense<0.000000e+00> : vector<32x1024xf32>
    %dot_general3A_317 = tpu.matmul %convert_element_type3A_315, %get3A_308, %dot_general3A_316 {dimension_numbers = #tpu.dot_dimension_numbers<[1], [0], [0], [1], [0, 0, 1, 1], [], []>, transpose_lhs_hint = false} : vector<32x128xbf16>, vector<128x1024xbf16>, vector<32x1024xf32> -> vector<32x1024xf32>
    %convert_element_type3A_318 = arith.truncf %mul3A_300 : vector<32x256xf32> to vector<32x256xbf16>
    %dot_general3A_319 = arith.constant dense<0.000000e+00> : vector<32x1024xf32>
    %dot_general3A_320 = tpu.matmul %convert_element_type3A_318, %get3A_311, %dot_general3A_319 {dimension_numbers = #tpu.dot_dimension_numbers<[1], [0], [0], [1], [0, 0, 1, 1], [], []>, transpose_lhs_hint = false} : vector<32x256xbf16>, vector<256x1024xbf16>, vector<32x1024xf32> -> vector<32x1024xf32>
    %add3A_321 = arith.addf %dot_general3A_317, %dot_general3A_320 : vector<32x1024xf32>
    %add3A_322 = vector.broadcast %get3A_314 : vector<1x1024xf32> to vector<32x1024xf32>
    %add3A_323 = arith.addf %add3A_321, %add3A_322 : vector<32x1024xf32>
    %slice3A_324 = vector.extract_strided_slice %add3A_323 {offsets = [0, 0], sizes = [32, 256], strides = [1, 1]} : vector<32x1024xf32> to vector<32x256xf32>
    %logistic3A_325 = arith.negf %slice3A_324 : vector<32x256xf32>
    %logistic3A_326 = math.exp %logistic3A_325 : vector<32x256xf32>
    %logistic3A_327 = arith.constant 1.000000e+00 : f32
    %logistic3A_328 = vector.broadcast %logistic3A_327 : f32 to vector<32x256xf32>
    %logistic3A_329 = arith.addf %logistic3A_328, %logistic3A_326 : vector<32x256xf32>
    %logistic3A_330 = arith.divf %logistic3A_328, %logistic3A_329 : vector<32x256xf32>
    %slice3A_331 = vector.extract_strided_slice %add3A_323 {offsets = [0, 256], sizes = [32, 256], strides = [1, 1]} : vector<32x1024xf32> to vector<32x256xf32>
    %logistic3A_332 = arith.negf %slice3A_331 : vector<32x256xf32>
    %logistic3A_333 = math.exp %logistic3A_332 : vector<32x256xf32>
    %logistic3A_334 = arith.constant 1.000000e+00 : f32
    %logistic3A_335 = vector.broadcast %logistic3A_334 : f32 to vector<32x256xf32>
    %logistic3A_336 = arith.addf %logistic3A_335, %logistic3A_333 : vector<32x256xf32>
    %logistic3A_337 = arith.divf %logistic3A_335, %logistic3A_336 : vector<32x256xf32>
    %slice3A_338 = vector.extract_strided_slice %add3A_323 {offsets = [0, 512], sizes = [32, 256], strides = [1, 1]} : vector<32x1024xf32> to vector<32x256xf32>
    %tanh3A_339 = math.tanh %slice3A_338 : vector<32x256xf32>
    %slice3A_340 = vector.extract_strided_slice %add3A_323 {offsets = [0, 768], sizes = [32, 256], strides = [1, 1]} : vector<32x1024xf32> to vector<32x256xf32>
    %logistic3A_341 = arith.negf %slice3A_340 : vector<32x256xf32>
    %logistic3A_342 = math.exp %logistic3A_341 : vector<32x256xf32>
    %logistic3A_343 = arith.constant 1.000000e+00 : f32
    %logistic3A_344 = vector.broadcast %logistic3A_343 : f32 to vector<32x256xf32>
    %logistic3A_345 = arith.addf %logistic3A_344, %logistic3A_342 : vector<32x256xf32>
    %logistic3A_346 = arith.divf %logistic3A_344, %logistic3A_345 : vector<32x256xf32>
    %mul3A_347 = arith.mulf %logistic3A_337, %add3A_298 : vector<32x256xf32>
    %mul3A_348 = arith.mulf %logistic3A_330, %tanh3A_339 : vector<32x256xf32>
    %add3A_349 = arith.addf %mul3A_347, %mul3A_348 : vector<32x256xf32>
    %tanh3A_350 = math.tanh %add3A_349 : vector<32x256xf32>
    %mul3A_351 = arith.mulf %logistic3A_346, %tanh3A_350 : vector<32x256xf32>
    %stack3A = vector.shape_cast %mul3A_45 : vector<32x256xf32> to vector<1x32x256xf32>
    %stack3A_352 = vector.shape_cast %mul3A_96 : vector<32x256xf32> to vector<1x32x256xf32>
    %stack3A_353 = vector.shape_cast %mul3A_147 : vector<32x256xf32> to vector<1x32x256xf32>
    %stack3A_354 = vector.shape_cast %mul3A_198 : vector<32x256xf32> to vector<1x32x256xf32>
    %stack3A_355 = vector.shape_cast %mul3A_249 : vector<32x256xf32> to vector<1x32x256xf32>
    %stack3A_356 = vector.shape_cast %mul3A_300 : vector<32x256xf32> to vector<1x32x256xf32>
    %stack3A_357 = vector.shape_cast %mul3A_351 : vector<32x256xf32> to vector<1x32x256xf32>
    %stack3A_358 = tpu.concatenate %stack3A, %stack3A_352, %stack3A_353, %stack3A_354, %stack3A_355, %stack3A_356, %stack3A_357 in 0 : vector<1x32x256xf32>, vector<1x32x256xf32>, vector<1x32x256xf32>, vector<1x32x256xf32>, vector<1x32x256xf32>, vector<1x32x256xf32>, vector<1x32x256xf32> -> vector<7x32x256xf32>
    %get3A_359 = arith.constant 0 : index
    %get3A_360 = arith.constant 0 : index
    %get3A_361 = vector.load %arg7[%get3A_359, %get3A_360] : memref<1x256xf32, #tpu.memory_space<vmem>>, vector<1x256xf32>
    %get3A_362 = arith.constant 0 : index
    %get3A_363 = arith.constant 0 : index
    %get3A_364 = vector.load %arg8[%get3A_362, %get3A_363] : memref<256x512xf32, #tpu.memory_space<vmem>>, vector<256x512xf32>
    %dot_general3A_365 = arith.constant dense<0.000000e+00> : vector<1x512xf32>
    %dot_general3A_366 = tpu.matmul %get3A_361, %get3A_364, %dot_general3A_365 {dimension_numbers = #tpu.dot_dimension_numbers<[1], [0], [0], [1], [0, 0, 1, 1], [], []>, transpose_lhs_hint = false} : vector<1x256xf32>, vector<256x512xf32>, vector<1x512xf32> -> vector<1x512xf32>
    %squeeze3A = vector.shape_cast %dot_general3A_366 : vector<1x512xf32> to vector<512xf32>
    %get3A_367 = arith.constant 0 : index
    %get3A_368 = arith.constant 0 : index
    %get3A_369 = vector.load %arg9[%get3A_367, %get3A_368] : memref<1x256xf32, #tpu.memory_space<vmem>>, vector<1x256xf32>
    %get3A_370 = arith.constant 0 : index
    %get3A_371 = arith.constant 0 : index
    %get3A_372 = vector.load %arg7[%get3A_370, %get3A_371] : memref<1x256xf32, #tpu.memory_space<vmem>>, vector<1x256xf32>
    %mul3A_373 = arith.mulf %get3A_369, %get3A_372 : vector<1x256xf32>
    %reduce_sum3A = vector.shape_cast %mul3A_373 : vector<1x256xf32> to vector<1x1x256xf32>
    %reduce_sum3A_374 = arith.constant dense<0.000000e+00> : vector<1xf32>
    %reduce_sum3A_375 = vector.multi_reduction <add>, %reduce_sum3A, %reduce_sum3A_374 [1, 2] : vector<1x1x256xf32> to vector<1xf32>
    %reduce_sum3A_376 = vector.shape_cast %reduce_sum3A_375 : vector<1xf32> to vector<1x1x1xf32>
    %reduce_sum3A_377 = vector.extract %reduce_sum3A_376[0, 0, 0] : f32 from vector<1x1x1xf32>
    %get3A_378 = arith.constant 0 : index
    %get3A_379 = arith.constant 0 : index
    %get3A_380 = vector.load %arg12[%get3A_378, %get3A_379] : memref<1x1xf32, #tpu.memory_space<vmem>>, vector<1x1xf32>
    %get3A_381 = vector.extract %get3A_380[0, 0] : f32 from vector<1x1xf32>
    %add3A_382 = arith.addf %reduce_sum3A_377, %get3A_381 : f32
    %get3A_383 = arith.constant 0 : index
    %get3A_384 = arith.constant 0 : index
    %get3A_385 = vector.load %arg7[%get3A_383, %get3A_384] : memref<1x256xf32, #tpu.memory_space<vmem>>, vector<1x256xf32>
    %get3A_386 = arith.constant 0 : index
    %get3A_387 = arith.constant 0 : index
    %get3A_388 = vector.load %arg10[%get3A_386, %get3A_387] : memref<256x256xf32, #tpu.memory_space<vmem>>, vector<256x256xf32>
    %dot_general3A_389 = arith.constant dense<0.000000e+00> : vector<1x256xf32>
    %dot_general3A_390 = tpu.matmul %get3A_385, %get3A_388, %dot_general3A_389 {dimension_numbers = #tpu.dot_dimension_numbers<[1], [0], [0], [1], [0, 0, 1, 1], [], []>, transpose_lhs_hint = false} : vector<1x256xf32>, vector<256x256xf32>, vector<1x256xf32> -> vector<1x256xf32>
    %squeeze3A_391 = vector.shape_cast %dot_general3A_390 : vector<1x256xf32> to vector<256xf32>
    %get3A_392 = arith.constant 0 : index
    %get3A_393 = arith.constant 0 : index
    %get3A_394 = vector.load %arg11[%get3A_392, %get3A_393] : memref<1x256xf32, #tpu.memory_space<vmem>>, vector<1x256xf32>
    %get3A_395 = arith.constant 0 : index
    %get3A_396 = arith.constant 0 : index
    %get3A_397 = vector.load %arg7[%get3A_395, %get3A_396] : memref<1x256xf32, #tpu.memory_space<vmem>>, vector<1x256xf32>
    %mul3A_398 = arith.mulf %get3A_394, %get3A_397 : vector<1x256xf32>
    %reduce_sum3A_399 = vector.shape_cast %mul3A_398 : vector<1x256xf32> to vector<1x1x256xf32>
    %reduce_sum3A_400 = arith.constant dense<0.000000e+00> : vector<1xf32>
    %reduce_sum3A_401 = vector.multi_reduction <add>, %reduce_sum3A_399, %reduce_sum3A_400 [1, 2] : vector<1x1x256xf32> to vector<1xf32>
    %reduce_sum3A_402 = vector.shape_cast %reduce_sum3A_401 : vector<1xf32> to vector<1x1x1xf32>
    %reduce_sum3A_403 = vector.extract %reduce_sum3A_402[0, 0, 0] : f32 from vector<1x1x1xf32>
    %get3A_404 = arith.constant 0 : index
    %get3A_405 = arith.constant 0 : index
    %get3A_406 = arith.constant 0 : index
    %get3A_407 = vector.load %arg1[%get3A_404, %get3A_405, %get3A_406] : memref<400x32x256xbf16, #tpu.memory_space<vmem>>, vector<400x32x256xbf16>
    %reshape3A = vector.shape_cast %get3A_407 : vector<400x32x256xbf16> to vector<12800x256xbf16>
    %get3A_408 = arith.constant 0 : index
    %get3A_409 = arith.constant 0 : index
    %get3A_410 = arith.constant 0 : index
    %get3A_411 = vector.load %arg2[%get3A_408, %get3A_409, %get3A_410] : memref<400x32x256xbf16, #tpu.memory_space<vmem>>, vector<400x32x256xbf16>
    %reshape3A_412 = vector.shape_cast %get3A_411 : vector<400x32x256xbf16> to vector<12800x256xbf16>
    %slice3A_413 = vector.extract_strided_slice %squeeze3A {offsets = [0], sizes = [256], strides = [1]} : vector<512xf32> to vector<256xf32>
    %broadcast_in_dim3A_414 = vector.shape_cast %slice3A_413 : vector<256xf32> to vector<1x256xf32>
    %convert_element_type3A_415 = arith.extf %reshape3A : vector<12800x256xbf16> to vector<12800x256xf32>
    %mul3A_416 = vector.broadcast %broadcast_in_dim3A_414 : vector<1x256xf32> to vector<12800x256xf32>
    %mul3A_417 = arith.mulf %convert_element_type3A_415, %mul3A_416 : vector<12800x256xf32>
    %reduce_sum3A_418 = arith.constant dense<0.000000e+00> : vector<12800xf32>
    %reduce_sum3A_419 = vector.multi_reduction <add>, %mul3A_417, %reduce_sum3A_418 [1] : vector<12800x256xf32> to vector<12800xf32>
    %slice3A_420 = vector.extract_strided_slice %squeeze3A {offsets = [256], sizes = [256], strides = [1]} : vector<512xf32> to vector<256xf32>
    %broadcast_in_dim3A_421 = vector.shape_cast %slice3A_420 : vector<256xf32> to vector<1x256xf32>
    %convert_element_type3A_422 = arith.extf %reshape3A_412 : vector<12800x256xbf16> to vector<12800x256xf32>
    %mul3A_423 = vector.broadcast %broadcast_in_dim3A_421 : vector<1x256xf32> to vector<12800x256xf32>
    %mul3A_424 = arith.mulf %convert_element_type3A_422, %mul3A_423 : vector<12800x256xf32>
    %reduce_sum3A_425 = arith.constant dense<0.000000e+00> : vector<12800xf32>
    %reduce_sum3A_426 = vector.multi_reduction <add>, %mul3A_424, %reduce_sum3A_425 [1] : vector<12800x256xf32> to vector<12800xf32>
    %add3A_427 = arith.addf %reduce_sum3A_419, %reduce_sum3A_426 : vector<12800xf32>
    %reshape3A_428 = vector.shape_cast %add3A_427 : vector<12800xf32> to vector<400x32xf32>
    %transpose3A = tpu.transpose %reshape3A_428, [1, 0] : vector<400x32xf32> -> vector<32x400xf32>
    %add3A_429 = vector.broadcast %add3A_382 : f32 to vector<32x400xf32>
    %add3A_430 = arith.addf %transpose3A, %add3A_429 : vector<32x400xf32>
    %broadcast_in_dim3A_431 = vector.shape_cast %squeeze3A_391 : vector<256xf32> to vector<1x1x256xf32>
    %mul3A_432 = vector.broadcast %broadcast_in_dim3A_431 : vector<1x1x256xf32> to vector<7x32x256xf32>
    %mul3A_433 = arith.mulf %stack3A_358, %mul3A_432 : vector<7x32x256xf32>
    %reduce_sum3A_434 = arith.constant dense<0.000000e+00> : vector<7x32xf32>
    %reduce_sum3A_435 = vector.multi_reduction <add>, %mul3A_433, %reduce_sum3A_434 [2] : vector<7x32x256xf32> to vector<7x32xf32>
    %add3A_436 = vector.broadcast %reduce_sum3A_403 : f32 to vector<7x32xf32>
    %add3A_437 = arith.addf %reduce_sum3A_435, %add3A_436 : vector<7x32xf32>
    %get3A_438 = arith.constant 0 : index
    %get3A_439 = arith.constant 0 : index
    %get3A_440 = vector.load %arg13[%get3A_438, %get3A_439] : memref<32x800xf32, #tpu.memory_space<vmem>>, vector<32x800xf32>
    %dot_general3A_441 = arith.constant dense<0.000000e+00> : vector<7x800xf32>
    %dot_general3A_442 = tpu.matmul %add3A_437, %get3A_440, %dot_general3A_441 {dimension_numbers = #tpu.dot_dimension_numbers<[1], [0], [0], [1], [0, 0, 1, 1], [], []>, transpose_lhs_hint = false} : vector<7x32xf32>, vector<32x800xf32>, vector<7x800xf32> -> vector<7x800xf32>
    %iota3A = tpu.iota {dimensions = array<i32: 1>} : vector<1x32x1xi32>
    %jit3A = arith.constant 2 : i32
    %eq3A = arith.constant 0 : i32
    %eq3A_443 = arith.cmpi eq, %jit3A, %eq3A : i32
    %jit3A_444 = arith.constant 1 : i32
    %select_n3A = arith.select %eq3A_443, %jit3A_444, %jit3A : i32
    %rem3A = vector.broadcast %select_n3A : i32 to vector<1x32x1xi32>
    %rem3A_445 = arith.remsi %iota3A, %rem3A : vector<1x32x1xi32>
    %ne3A = arith.constant 0 : i32
    %ne3A_446 = vector.broadcast %ne3A : i32 to vector<1x32x1xi32>
    %ne3A_447 = arith.cmpi ne, %rem3A_445, %ne3A_446 : vector<1x32x1xi32>
    %lt3A = arith.constant 0 : i32
    %lt3A_448 = vector.broadcast %lt3A : i32 to vector<1x32x1xi32>
    %lt3A_449 = arith.cmpi slt, %rem3A_445, %lt3A_448 : vector<1x32x1xi32>
    %lt3A_450 = arith.constant 0 : i32
    %lt3A_451 = arith.cmpi slt, %select_n3A, %lt3A_450 : i32
    %ne3A_452 = vector.broadcast %lt3A_451 : i1 to vector<1x32x1xi1>
    %ne3A_453 = vector.broadcast %ne3A_452 : vector<1x32x1xi1> to vector<1x32x1xi1>
    %ne3A_454 = arith.xori %lt3A_449, %ne3A_453 : vector<1x32x1xi1>
    %and3A = arith.andi %ne3A_454, %ne3A_447 : vector<1x32x1xi1>
    %add3A_455 = vector.broadcast %select_n3A : i32 to vector<1x32x1xi32>
    %add3A_456 = arith.addi %rem3A_445, %add3A_455 : vector<1x32x1xi32>
    %select_n3A_457 = arith.select %and3A, %add3A_456, %rem3A_445 : vector<1x32x1xi1>, vector<1x32x1xi32>
    %eq3A_458 = arith.constant 0 : i32
    %eq3A_459 = vector.broadcast %eq3A_458 : i32 to vector<1x32x1xi32>
    %eq3A_460 = arith.cmpi eq, %select_n3A_457, %eq3A_459 : vector<1x32x1xi32>
    %slice3A_461 = vector.extract_strided_slice %dot_general3A_442 {offsets = [0, 0], sizes = [7, 400], strides = [1, 1]} : vector<7x800xf32> to vector<7x400xf32>
    %broadcast_in_dim3A_462 = vector.shape_cast %slice3A_461 : vector<7x400xf32> to vector<7x1x400xf32>
    %slice3A_463 = vector.extract_strided_slice %dot_general3A_442 {offsets = [0, 400], sizes = [7, 400], strides = [1, 1]} : vector<7x800xf32> to vector<7x400xf32>
    %broadcast_in_dim3A_464 = vector.shape_cast %slice3A_463 : vector<7x400xf32> to vector<7x1x400xf32>
    %broadcast_in_dim3A_465 = vector.shape_cast %eq3A_460 : vector<1x32x1xi1> to vector<1x32x1xi1>
    %broadcast_in_dim3A_466 = vector.broadcast %broadcast_in_dim3A_465 : vector<1x32x1xi1> to vector<7x32x400xi1>
    %broadcast_in_dim3A_467 = vector.shape_cast %broadcast_in_dim3A_462 : vector<7x1x400xf32> to vector<7x1x400xf32>
    %broadcast_in_dim3A_468 = vector.broadcast %broadcast_in_dim3A_467 : vector<7x1x400xf32> to vector<7x32x400xf32>
    %broadcast_in_dim3A_469 = vector.shape_cast %broadcast_in_dim3A_464 : vector<7x1x400xf32> to vector<7x1x400xf32>
    %broadcast_in_dim3A_470 = vector.broadcast %broadcast_in_dim3A_469 : vector<7x1x400xf32> to vector<7x32x400xf32>
    %select_n3A_471 = arith.select %broadcast_in_dim3A_466, %broadcast_in_dim3A_468, %broadcast_in_dim3A_470 : vector<7x32x400xi1>, vector<7x32x400xf32>
    %broadcast_in_dim3A_472 = vector.shape_cast %add3A_430 : vector<32x400xf32> to vector<1x32x400xf32>
    %add3A_473 = vector.broadcast %broadcast_in_dim3A_472 : vector<1x32x400xf32> to vector<7x32x400xf32>
    %add3A_474 = arith.addf %add3A_473, %select_n3A_471 : vector<7x32x400xf32>
    %reduce_max3A = arith.constant dense<0xFF800000> : vector<7x32xf32>
    %reduce_max3A_475 = vector.multi_reduction <maximumf>, %add3A_474, %reduce_max3A [2] : vector<7x32x400xf32> to vector<7x32xf32>
    %broadcast_in_dim3A_476 = vector.shape_cast %reduce_max3A_475 : vector<7x32xf32> to vector<7x32x1xf32>
    %sub3A = vector.broadcast %broadcast_in_dim3A_476 : vector<7x32x1xf32> to vector<7x32x400xf32>
    %sub3A_477 = arith.subf %add3A_474, %sub3A : vector<7x32x400xf32>
    %exp3A = math.exp %sub3A_477 : vector<7x32x400xf32>
    %reduce_sum3A_478 = arith.constant dense<0.000000e+00> : vector<7x32xf32>
    %reduce_sum3A_479 = vector.multi_reduction <add>, %exp3A, %reduce_sum3A_478 [2] : vector<7x32x400xf32> to vector<7x32xf32>
    %broadcast_in_dim3A_480 = vector.shape_cast %reduce_sum3A_479 : vector<7x32xf32> to vector<7x32x1xf32>
    %div3A = vector.broadcast %broadcast_in_dim3A_480 : vector<7x32x1xf32> to vector<7x32x400xf32>
    %div3A_481 = arith.divf %exp3A, %div3A : vector<7x32x400xf32>
    %broadcast_in_dim3A_482 = arith.constant 0.000000e+00 : f32
    %broadcast_in_dim3A_483 = vector.broadcast %broadcast_in_dim3A_482 : f32 to vector<32x400xf32>
    %slice3A_484 = vector.extract_strided_slice %div3A_481 {offsets = [0, 0, 0], sizes = [1, 32, 400], strides = [1, 1, 1]} : vector<7x32x400xf32> to vector<1x32x400xf32>
    %squeeze3A_485 = vector.shape_cast %slice3A_484 : vector<1x32x400xf32> to vector<32x400xf32>
    %min3A = arith.minimumf %squeeze3A_485, %broadcast_in_dim3A_483 : vector<32x400xf32>
    %reduce_sum3A_486 = vector.shape_cast %min3A : vector<32x400xf32> to vector<1x32x400xf32>
    %reduce_sum3A_487 = arith.constant dense<0.000000e+00> : vector<1xf32>
    %reduce_sum3A_488 = vector.multi_reduction <add>, %reduce_sum3A_486, %reduce_sum3A_487 [1, 2] : vector<1x32x400xf32> to vector<1xf32>
    %reduce_sum3A_489 = vector.shape_cast %reduce_sum3A_488 : vector<1xf32> to vector<1x1x1xf32>
    %reduce_sum3A_490 = vector.extract %reduce_sum3A_489[0, 0, 0] : f32 from vector<1x1x1xf32>
    %add3A_491 = arith.constant 0.000000e+00 : f32
    %add3A_492 = arith.addf %add3A_491, %reduce_sum3A_490 : f32
    %add3A_493 = arith.addf %broadcast_in_dim3A_483, %squeeze3A_485 : vector<32x400xf32>
    %slice3A_494 = vector.extract_strided_slice %div3A_481 {offsets = [1, 0, 0], sizes = [1, 32, 400], strides = [1, 1, 1]} : vector<7x32x400xf32> to vector<1x32x400xf32>
    %squeeze3A_495 = vector.shape_cast %slice3A_494 : vector<1x32x400xf32> to vector<32x400xf32>
    %min3A_496 = arith.minimumf %squeeze3A_495, %add3A_493 : vector<32x400xf32>
    %reduce_sum3A_497 = vector.shape_cast %min3A_496 : vector<32x400xf32> to vector<1x32x400xf32>
    %reduce_sum3A_498 = arith.constant dense<0.000000e+00> : vector<1xf32>
    %reduce_sum3A_499 = vector.multi_reduction <add>, %reduce_sum3A_497, %reduce_sum3A_498 [1, 2] : vector<1x32x400xf32> to vector<1xf32>
    %reduce_sum3A_500 = vector.shape_cast %reduce_sum3A_499 : vector<1xf32> to vector<1x1x1xf32>
    %reduce_sum3A_501 = vector.extract %reduce_sum3A_500[0, 0, 0] : f32 from vector<1x1x1xf32>
    %add3A_502 = arith.addf %add3A_492, %reduce_sum3A_501 : f32
    %add3A_503 = arith.addf %add3A_493, %squeeze3A_495 : vector<32x400xf32>
    %slice3A_504 = vector.extract_strided_slice %div3A_481 {offsets = [2, 0, 0], sizes = [1, 32, 400], strides = [1, 1, 1]} : vector<7x32x400xf32> to vector<1x32x400xf32>
    %squeeze3A_505 = vector.shape_cast %slice3A_504 : vector<1x32x400xf32> to vector<32x400xf32>
    %min3A_506 = arith.minimumf %squeeze3A_505, %add3A_503 : vector<32x400xf32>
    %reduce_sum3A_507 = vector.shape_cast %min3A_506 : vector<32x400xf32> to vector<1x32x400xf32>
    %reduce_sum3A_508 = arith.constant dense<0.000000e+00> : vector<1xf32>
    %reduce_sum3A_509 = vector.multi_reduction <add>, %reduce_sum3A_507, %reduce_sum3A_508 [1, 2] : vector<1x32x400xf32> to vector<1xf32>
    %reduce_sum3A_510 = vector.shape_cast %reduce_sum3A_509 : vector<1xf32> to vector<1x1x1xf32>
    %reduce_sum3A_511 = vector.extract %reduce_sum3A_510[0, 0, 0] : f32 from vector<1x1x1xf32>
    %add3A_512 = arith.addf %add3A_502, %reduce_sum3A_511 : f32
    %add3A_513 = arith.addf %add3A_503, %squeeze3A_505 : vector<32x400xf32>
    %slice3A_514 = vector.extract_strided_slice %div3A_481 {offsets = [3, 0, 0], sizes = [1, 32, 400], strides = [1, 1, 1]} : vector<7x32x400xf32> to vector<1x32x400xf32>
    %squeeze3A_515 = vector.shape_cast %slice3A_514 : vector<1x32x400xf32> to vector<32x400xf32>
    %min3A_516 = arith.minimumf %squeeze3A_515, %add3A_513 : vector<32x400xf32>
    %reduce_sum3A_517 = vector.shape_cast %min3A_516 : vector<32x400xf32> to vector<1x32x400xf32>
    %reduce_sum3A_518 = arith.constant dense<0.000000e+00> : vector<1xf32>
    %reduce_sum3A_519 = vector.multi_reduction <add>, %reduce_sum3A_517, %reduce_sum3A_518 [1, 2] : vector<1x32x400xf32> to vector<1xf32>
    %reduce_sum3A_520 = vector.shape_cast %reduce_sum3A_519 : vector<1xf32> to vector<1x1x1xf32>
    %reduce_sum3A_521 = vector.extract %reduce_sum3A_520[0, 0, 0] : f32 from vector<1x1x1xf32>
    %add3A_522 = arith.addf %add3A_512, %reduce_sum3A_521 : f32
    %add3A_523 = arith.addf %add3A_513, %squeeze3A_515 : vector<32x400xf32>
    %slice3A_524 = vector.extract_strided_slice %div3A_481 {offsets = [4, 0, 0], sizes = [1, 32, 400], strides = [1, 1, 1]} : vector<7x32x400xf32> to vector<1x32x400xf32>
    %squeeze3A_525 = vector.shape_cast %slice3A_524 : vector<1x32x400xf32> to vector<32x400xf32>
    %min3A_526 = arith.minimumf %squeeze3A_525, %add3A_523 : vector<32x400xf32>
    %reduce_sum3A_527 = vector.shape_cast %min3A_526 : vector<32x400xf32> to vector<1x32x400xf32>
    %reduce_sum3A_528 = arith.constant dense<0.000000e+00> : vector<1xf32>
    %reduce_sum3A_529 = vector.multi_reduction <add>, %reduce_sum3A_527, %reduce_sum3A_528 [1, 2] : vector<1x32x400xf32> to vector<1xf32>
    %reduce_sum3A_530 = vector.shape_cast %reduce_sum3A_529 : vector<1xf32> to vector<1x1x1xf32>
    %reduce_sum3A_531 = vector.extract %reduce_sum3A_530[0, 0, 0] : f32 from vector<1x1x1xf32>
    %add3A_532 = arith.addf %add3A_522, %reduce_sum3A_531 : f32
    %add3A_533 = arith.addf %add3A_523, %squeeze3A_525 : vector<32x400xf32>
    %slice3A_534 = vector.extract_strided_slice %div3A_481 {offsets = [5, 0, 0], sizes = [1, 32, 400], strides = [1, 1, 1]} : vector<7x32x400xf32> to vector<1x32x400xf32>
    %squeeze3A_535 = vector.shape_cast %slice3A_534 : vector<1x32x400xf32> to vector<32x400xf32>
    %min3A_536 = arith.minimumf %squeeze3A_535, %add3A_533 : vector<32x400xf32>
    %reduce_sum3A_537 = vector.shape_cast %min3A_536 : vector<32x400xf32> to vector<1x32x400xf32>
    %reduce_sum3A_538 = arith.constant dense<0.000000e+00> : vector<1xf32>
    %reduce_sum3A_539 = vector.multi_reduction <add>, %reduce_sum3A_537, %reduce_sum3A_538 [1, 2] : vector<1x32x400xf32> to vector<1xf32>
    %reduce_sum3A_540 = vector.shape_cast %reduce_sum3A_539 : vector<1xf32> to vector<1x1x1xf32>
    %reduce_sum3A_541 = vector.extract %reduce_sum3A_540[0, 0, 0] : f32 from vector<1x1x1xf32>
    %add3A_542 = arith.addf %add3A_532, %reduce_sum3A_541 : f32
    %add3A_543 = arith.addf %add3A_533, %squeeze3A_535 : vector<32x400xf32>
    %slice3A_544 = vector.extract_strided_slice %div3A_481 {offsets = [6, 0, 0], sizes = [1, 32, 400], strides = [1, 1, 1]} : vector<7x32x400xf32> to vector<1x32x400xf32>
    %squeeze3A_545 = vector.shape_cast %slice3A_544 : vector<1x32x400xf32> to vector<32x400xf32>
    %min3A_546 = arith.minimumf %squeeze3A_545, %add3A_543 : vector<32x400xf32>
    %reduce_sum3A_547 = vector.shape_cast %min3A_546 : vector<32x400xf32> to vector<1x32x400xf32>
    %reduce_sum3A_548 = arith.constant dense<0.000000e+00> : vector<1xf32>
    %reduce_sum3A_549 = vector.multi_reduction <add>, %reduce_sum3A_547, %reduce_sum3A_548 [1, 2] : vector<1x32x400xf32> to vector<1xf32>
    %reduce_sum3A_550 = vector.shape_cast %reduce_sum3A_549 : vector<1xf32> to vector<1x1x1xf32>
    %reduce_sum3A_551 = vector.extract %reduce_sum3A_550[0, 0, 0] : f32 from vector<1x1x1xf32>
    %add3A_552 = arith.addf %add3A_542, %reduce_sum3A_551 : f32
    %swap3A = arith.constant 0 : index
    %swap3A_553 = arith.constant 0 : index
    %swap3A_554 = memref.load %arg23[%swap3A, %swap3A_553] : memref<1x1xf32, #tpu.memory_space<smem>>
    memref.store %add3A_552, %arg23[%swap3A, %swap3A_553] : memref<1x1xf32, #tpu.memory_space<smem>>
    %reshape3A_555 = vector.shape_cast %div3A_481 : vector<7x32x400xf32> to vector<224x400xf32>
    %convert_element_type3A_556 = arith.truncf %reshape3A_555 : vector<224x400xf32> to vector<224x400xbf16>
    %get3A_557 = arith.constant 0 : index
    %get3A_558 = arith.constant 0 : index
    %get3A_559 = arith.constant 0 : index
    %get3A_560 = vector.load %arg1[%get3A_557, %get3A_558, %get3A_559] : memref<400x32x256xbf16, #tpu.memory_space<vmem>>, vector<400x32x256xbf16>
    %reshape3A_561 = vector.shape_cast %get3A_560 : vector<400x32x256xbf16> to vector<400x8192xbf16>
    %dot_general3A_562 = arith.constant dense<0.000000e+00> : vector<224x8192xf32>
    %dot_general3A_563 = tpu.matmul %convert_element_type3A_556, %reshape3A_561, %dot_general3A_562 {dimension_numbers = #tpu.dot_dimension_numbers<[1], [0], [0], [1], [0, 0, 1, 1], [], []>, transpose_lhs_hint = false} : vector<224x400xbf16>, vector<400x8192xbf16>, vector<224x8192xf32> -> vector<224x8192xf32>
    %reshape3A_564 = vector.shape_cast %dot_general3A_563 : vector<224x8192xf32> to vector<7x32x32x256xf32>
    %get3A_565 = arith.constant 0 : index
    %get3A_566 = arith.constant 0 : index
    %get3A_567 = arith.constant 0 : index
    %get3A_568 = vector.load %arg2[%get3A_565, %get3A_566, %get3A_567] : memref<400x32x256xbf16, #tpu.memory_space<vmem>>, vector<400x32x256xbf16>
    %reshape3A_569 = vector.shape_cast %get3A_568 : vector<400x32x256xbf16> to vector<400x8192xbf16>
    %dot_general3A_570 = arith.constant dense<0.000000e+00> : vector<224x8192xf32>
    %dot_general3A_571 = tpu.matmul %convert_element_type3A_556, %reshape3A_569, %dot_general3A_570 {dimension_numbers = #tpu.dot_dimension_numbers<[1], [0], [0], [1], [0, 0, 1, 1], [], []>, transpose_lhs_hint = false} : vector<224x400xbf16>, vector<400x8192xbf16>, vector<224x8192xf32> -> vector<224x8192xf32>
    %reshape3A_572 = vector.shape_cast %dot_general3A_571 : vector<224x8192xf32> to vector<7x32x32x256xf32>
    %slice3A_573 = vector.extract_strided_slice %reshape3A_564 {offsets = [0, 0, 0, 0], sizes = [7, 1, 1, 256], strides = [1, 1, 1, 1]} : vector<7x32x32x256xf32> to vector<7x1x1x256xf32>
    %squeeze3A_574 = vector.shape_cast %slice3A_573 : vector<7x1x1x256xf32> to vector<7x256xf32>
    %slice3A_575 = vector.extract_strided_slice %reshape3A_564 {offsets = [0, 1, 1, 0], sizes = [7, 1, 1, 256], strides = [1, 1, 1, 1]} : vector<7x32x32x256xf32> to vector<7x1x1x256xf32>
    %squeeze3A_576 = vector.shape_cast %slice3A_575 : vector<7x1x1x256xf32> to vector<7x256xf32>
    %slice3A_577 = vector.extract_strided_slice %reshape3A_564 {offsets = [0, 2, 2, 0], sizes = [7, 1, 1, 256], strides = [1, 1, 1, 1]} : vector<7x32x32x256xf32> to vector<7x1x1x256xf32>
    %squeeze3A_578 = vector.shape_cast %slice3A_577 : vector<7x1x1x256xf32> to vector<7x256xf32>
    %slice3A_579 = vector.extract_strided_slice %reshape3A_564 {offsets = [0, 3, 3, 0], sizes = [7, 1, 1, 256], strides = [1, 1, 1, 1]} : vector<7x32x32x256xf32> to vector<7x1x1x256xf32>
    %squeeze3A_580 = vector.shape_cast %slice3A_579 : vector<7x1x1x256xf32> to vector<7x256xf32>
    %slice3A_581 = vector.extract_strided_slice %reshape3A_564 {offsets = [0, 4, 4, 0], sizes = [7, 1, 1, 256], strides = [1, 1, 1, 1]} : vector<7x32x32x256xf32> to vector<7x1x1x256xf32>
    %squeeze3A_582 = vector.shape_cast %slice3A_581 : vector<7x1x1x256xf32> to vector<7x256xf32>
    %slice3A_583 = vector.extract_strided_slice %reshape3A_564 {offsets = [0, 5, 5, 0], sizes = [7, 1, 1, 256], strides = [1, 1, 1, 1]} : vector<7x32x32x256xf32> to vector<7x1x1x256xf32>
    %squeeze3A_584 = vector.shape_cast %slice3A_583 : vector<7x1x1x256xf32> to vector<7x256xf32>
    %slice3A_585 = vector.extract_strided_slice %reshape3A_564 {offsets = [0, 6, 6, 0], sizes = [7, 1, 1, 256], strides = [1, 1, 1, 1]} : vector<7x32x32x256xf32> to vector<7x1x1x256xf32>
    %squeeze3A_586 = vector.shape_cast %slice3A_585 : vector<7x1x1x256xf32> to vector<7x256xf32>
    %slice3A_587 = vector.extract_strided_slice %reshape3A_564 {offsets = [0, 7, 7, 0], sizes = [7, 1, 1, 256], strides = [1, 1, 1, 1]} : vector<7x32x32x256xf32> to vector<7x1x1x256xf32>
    %squeeze3A_588 = vector.shape_cast %slice3A_587 : vector<7x1x1x256xf32> to vector<7x256xf32>
    %slice3A_589 = vector.extract_strided_slice %reshape3A_564 {offsets = [0, 8, 8, 0], sizes = [7, 1, 1, 256], strides = [1, 1, 1, 1]} : vector<7x32x32x256xf32> to vector<7x1x1x256xf32>
    %squeeze3A_590 = vector.shape_cast %slice3A_589 : vector<7x1x1x256xf32> to vector<7x256xf32>
    %slice3A_591 = vector.extract_strided_slice %reshape3A_564 {offsets = [0, 9, 9, 0], sizes = [7, 1, 1, 256], strides = [1, 1, 1, 1]} : vector<7x32x32x256xf32> to vector<7x1x1x256xf32>
    %squeeze3A_592 = vector.shape_cast %slice3A_591 : vector<7x1x1x256xf32> to vector<7x256xf32>
    %slice3A_593 = vector.extract_strided_slice %reshape3A_564 {offsets = [0, 10, 10, 0], sizes = [7, 1, 1, 256], strides = [1, 1, 1, 1]} : vector<7x32x32x256xf32> to vector<7x1x1x256xf32>
    %squeeze3A_594 = vector.shape_cast %slice3A_593 : vector<7x1x1x256xf32> to vector<7x256xf32>
    %slice3A_595 = vector.extract_strided_slice %reshape3A_564 {offsets = [0, 11, 11, 0], sizes = [7, 1, 1, 256], strides = [1, 1, 1, 1]} : vector<7x32x32x256xf32> to vector<7x1x1x256xf32>
    %squeeze3A_596 = vector.shape_cast %slice3A_595 : vector<7x1x1x256xf32> to vector<7x256xf32>
    %slice3A_597 = vector.extract_strided_slice %reshape3A_564 {offsets = [0, 12, 12, 0], sizes = [7, 1, 1, 256], strides = [1, 1, 1, 1]} : vector<7x32x32x256xf32> to vector<7x1x1x256xf32>
    %squeeze3A_598 = vector.shape_cast %slice3A_597 : vector<7x1x1x256xf32> to vector<7x256xf32>
    %slice3A_599 = vector.extract_strided_slice %reshape3A_564 {offsets = [0, 13, 13, 0], sizes = [7, 1, 1, 256], strides = [1, 1, 1, 1]} : vector<7x32x32x256xf32> to vector<7x1x1x256xf32>
    %squeeze3A_600 = vector.shape_cast %slice3A_599 : vector<7x1x1x256xf32> to vector<7x256xf32>
    %slice3A_601 = vector.extract_strided_slice %reshape3A_564 {offsets = [0, 14, 14, 0], sizes = [7, 1, 1, 256], strides = [1, 1, 1, 1]} : vector<7x32x32x256xf32> to vector<7x1x1x256xf32>
    %squeeze3A_602 = vector.shape_cast %slice3A_601 : vector<7x1x1x256xf32> to vector<7x256xf32>
    %slice3A_603 = vector.extract_strided_slice %reshape3A_564 {offsets = [0, 15, 15, 0], sizes = [7, 1, 1, 256], strides = [1, 1, 1, 1]} : vector<7x32x32x256xf32> to vector<7x1x1x256xf32>
    %squeeze3A_604 = vector.shape_cast %slice3A_603 : vector<7x1x1x256xf32> to vector<7x256xf32>
    %slice3A_605 = vector.extract_strided_slice %reshape3A_564 {offsets = [0, 16, 16, 0], sizes = [7, 1, 1, 256], strides = [1, 1, 1, 1]} : vector<7x32x32x256xf32> to vector<7x1x1x256xf32>
    %squeeze3A_606 = vector.shape_cast %slice3A_605 : vector<7x1x1x256xf32> to vector<7x256xf32>
    %slice3A_607 = vector.extract_strided_slice %reshape3A_564 {offsets = [0, 17, 17, 0], sizes = [7, 1, 1, 256], strides = [1, 1, 1, 1]} : vector<7x32x32x256xf32> to vector<7x1x1x256xf32>
    %squeeze3A_608 = vector.shape_cast %slice3A_607 : vector<7x1x1x256xf32> to vector<7x256xf32>
    %slice3A_609 = vector.extract_strided_slice %reshape3A_564 {offsets = [0, 18, 18, 0], sizes = [7, 1, 1, 256], strides = [1, 1, 1, 1]} : vector<7x32x32x256xf32> to vector<7x1x1x256xf32>
    %squeeze3A_610 = vector.shape_cast %slice3A_609 : vector<7x1x1x256xf32> to vector<7x256xf32>
    %slice3A_611 = vector.extract_strided_slice %reshape3A_564 {offsets = [0, 19, 19, 0], sizes = [7, 1, 1, 256], strides = [1, 1, 1, 1]} : vector<7x32x32x256xf32> to vector<7x1x1x256xf32>
    %squeeze3A_612 = vector.shape_cast %slice3A_611 : vector<7x1x1x256xf32> to vector<7x256xf32>
    %slice3A_613 = vector.extract_strided_slice %reshape3A_564 {offsets = [0, 20, 20, 0], sizes = [7, 1, 1, 256], strides = [1, 1, 1, 1]} : vector<7x32x32x256xf32> to vector<7x1x1x256xf32>
    %squeeze3A_614 = vector.shape_cast %slice3A_613 : vector<7x1x1x256xf32> to vector<7x256xf32>
    %slice3A_615 = vector.extract_strided_slice %reshape3A_564 {offsets = [0, 21, 21, 0], sizes = [7, 1, 1, 256], strides = [1, 1, 1, 1]} : vector<7x32x32x256xf32> to vector<7x1x1x256xf32>
    %squeeze3A_616 = vector.shape_cast %slice3A_615 : vector<7x1x1x256xf32> to vector<7x256xf32>
    %slice3A_617 = vector.extract_strided_slice %reshape3A_564 {offsets = [0, 22, 22, 0], sizes = [7, 1, 1, 256], strides = [1, 1, 1, 1]} : vector<7x32x32x256xf32> to vector<7x1x1x256xf32>
    %squeeze3A_618 = vector.shape_cast %slice3A_617 : vector<7x1x1x256xf32> to vector<7x256xf32>
    %slice3A_619 = vector.extract_strided_slice %reshape3A_564 {offsets = [0, 23, 23, 0], sizes = [7, 1, 1, 256], strides = [1, 1, 1, 1]} : vector<7x32x32x256xf32> to vector<7x1x1x256xf32>
    %squeeze3A_620 = vector.shape_cast %slice3A_619 : vector<7x1x1x256xf32> to vector<7x256xf32>
    %slice3A_621 = vector.extract_strided_slice %reshape3A_564 {offsets = [0, 24, 24, 0], sizes = [7, 1, 1, 256], strides = [1, 1, 1, 1]} : vector<7x32x32x256xf32> to vector<7x1x1x256xf32>
    %squeeze3A_622 = vector.shape_cast %slice3A_621 : vector<7x1x1x256xf32> to vector<7x256xf32>
    %slice3A_623 = vector.extract_strided_slice %reshape3A_564 {offsets = [0, 25, 25, 0], sizes = [7, 1, 1, 256], strides = [1, 1, 1, 1]} : vector<7x32x32x256xf32> to vector<7x1x1x256xf32>
    %squeeze3A_624 = vector.shape_cast %slice3A_623 : vector<7x1x1x256xf32> to vector<7x256xf32>
    %slice3A_625 = vector.extract_strided_slice %reshape3A_564 {offsets = [0, 26, 26, 0], sizes = [7, 1, 1, 256], strides = [1, 1, 1, 1]} : vector<7x32x32x256xf32> to vector<7x1x1x256xf32>
    %squeeze3A_626 = vector.shape_cast %slice3A_625 : vector<7x1x1x256xf32> to vector<7x256xf32>
    %slice3A_627 = vector.extract_strided_slice %reshape3A_564 {offsets = [0, 27, 27, 0], sizes = [7, 1, 1, 256], strides = [1, 1, 1, 1]} : vector<7x32x32x256xf32> to vector<7x1x1x256xf32>
    %squeeze3A_628 = vector.shape_cast %slice3A_627 : vector<7x1x1x256xf32> to vector<7x256xf32>
    %slice3A_629 = vector.extract_strided_slice %reshape3A_564 {offsets = [0, 28, 28, 0], sizes = [7, 1, 1, 256], strides = [1, 1, 1, 1]} : vector<7x32x32x256xf32> to vector<7x1x1x256xf32>
    %squeeze3A_630 = vector.shape_cast %slice3A_629 : vector<7x1x1x256xf32> to vector<7x256xf32>
    %slice3A_631 = vector.extract_strided_slice %reshape3A_564 {offsets = [0, 29, 29, 0], sizes = [7, 1, 1, 256], strides = [1, 1, 1, 1]} : vector<7x32x32x256xf32> to vector<7x1x1x256xf32>
    %squeeze3A_632 = vector.shape_cast %slice3A_631 : vector<7x1x1x256xf32> to vector<7x256xf32>
    %slice3A_633 = vector.extract_strided_slice %reshape3A_564 {offsets = [0, 30, 30, 0], sizes = [7, 1, 1, 256], strides = [1, 1, 1, 1]} : vector<7x32x32x256xf32> to vector<7x1x1x256xf32>
    %squeeze3A_634 = vector.shape_cast %slice3A_633 : vector<7x1x1x256xf32> to vector<7x256xf32>
    %slice3A_635 = vector.extract_strided_slice %reshape3A_564 {offsets = [0, 31, 31, 0], sizes = [7, 1, 1, 256], strides = [1, 1, 1, 1]} : vector<7x32x32x256xf32> to vector<7x1x1x256xf32>
    %squeeze3A_636 = vector.shape_cast %slice3A_635 : vector<7x1x1x256xf32> to vector<7x256xf32>
    %stack3A_637 = vector.shape_cast %squeeze3A_574 : vector<7x256xf32> to vector<7x1x256xf32>
    %stack3A_638 = vector.shape_cast %squeeze3A_576 : vector<7x256xf32> to vector<7x1x256xf32>
    %stack3A_639 = vector.shape_cast %squeeze3A_578 : vector<7x256xf32> to vector<7x1x256xf32>
    %stack3A_640 = vector.shape_cast %squeeze3A_580 : vector<7x256xf32> to vector<7x1x256xf32>
    %stack3A_641 = vector.shape_cast %squeeze3A_582 : vector<7x256xf32> to vector<7x1x256xf32>
    %stack3A_642 = vector.shape_cast %squeeze3A_584 : vector<7x256xf32> to vector<7x1x256xf32>
    %stack3A_643 = vector.shape_cast %squeeze3A_586 : vector<7x256xf32> to vector<7x1x256xf32>
    %stack3A_644 = vector.shape_cast %squeeze3A_588 : vector<7x256xf32> to vector<7x1x256xf32>
    %stack3A_645 = vector.shape_cast %squeeze3A_590 : vector<7x256xf32> to vector<7x1x256xf32>
    %stack3A_646 = vector.shape_cast %squeeze3A_592 : vector<7x256xf32> to vector<7x1x256xf32>
    %stack3A_647 = vector.shape_cast %squeeze3A_594 : vector<7x256xf32> to vector<7x1x256xf32>
    %stack3A_648 = vector.shape_cast %squeeze3A_596 : vector<7x256xf32> to vector<7x1x256xf32>
    %stack3A_649 = vector.shape_cast %squeeze3A_598 : vector<7x256xf32> to vector<7x1x256xf32>
    %stack3A_650 = vector.shape_cast %squeeze3A_600 : vector<7x256xf32> to vector<7x1x256xf32>
    %stack3A_651 = vector.shape_cast %squeeze3A_602 : vector<7x256xf32> to vector<7x1x256xf32>
    %stack3A_652 = vector.shape_cast %squeeze3A_604 : vector<7x256xf32> to vector<7x1x256xf32>
    %stack3A_653 = vector.shape_cast %squeeze3A_606 : vector<7x256xf32> to vector<7x1x256xf32>
    %stack3A_654 = vector.shape_cast %squeeze3A_608 : vector<7x256xf32> to vector<7x1x256xf32>
    %stack3A_655 = vector.shape_cast %squeeze3A_610 : vector<7x256xf32> to vector<7x1x256xf32>
    %stack3A_656 = vector.shape_cast %squeeze3A_612 : vector<7x256xf32> to vector<7x1x256xf32>
    %stack3A_657 = vector.shape_cast %squeeze3A_614 : vector<7x256xf32> to vector<7x1x256xf32>
    %stack3A_658 = vector.shape_cast %squeeze3A_616 : vector<7x256xf32> to vector<7x1x256xf32>
    %stack3A_659 = vector.shape_cast %squeeze3A_618 : vector<7x256xf32> to vector<7x1x256xf32>
    %stack3A_660 = vector.shape_cast %squeeze3A_620 : vector<7x256xf32> to vector<7x1x256xf32>
    %stack3A_661 = vector.shape_cast %squeeze3A_622 : vector<7x256xf32> to vector<7x1x256xf32>
    %stack3A_662 = vector.shape_cast %squeeze3A_624 : vector<7x256xf32> to vector<7x1x256xf32>
    %stack3A_663 = vector.shape_cast %squeeze3A_626 : vector<7x256xf32> to vector<7x1x256xf32>
    %stack3A_664 = vector.shape_cast %squeeze3A_628 : vector<7x256xf32> to vector<7x1x256xf32>
    %stack3A_665 = vector.shape_cast %squeeze3A_630 : vector<7x256xf32> to vector<7x1x256xf32>
    %stack3A_666 = vector.shape_cast %squeeze3A_632 : vector<7x256xf32> to vector<7x1x256xf32>
    %stack3A_667 = vector.shape_cast %squeeze3A_634 : vector<7x256xf32> to vector<7x1x256xf32>
    %stack3A_668 = vector.shape_cast %squeeze3A_636 : vector<7x256xf32> to vector<7x1x256xf32>
    %stack3A_669 = tpu.concatenate %stack3A_637, %stack3A_638, %stack3A_639, %stack3A_640, %stack3A_641, %stack3A_642, %stack3A_643, %stack3A_644, %stack3A_645, %stack3A_646, %stack3A_647, %stack3A_648, %stack3A_649, %stack3A_650, %stack3A_651, %stack3A_652, %stack3A_653, %stack3A_654, %stack3A_655, %stack3A_656, %stack3A_657, %stack3A_658, %stack3A_659, %stack3A_660, %stack3A_661, %stack3A_662, %stack3A_663, %stack3A_664, %stack3A_665, %stack3A_666, %stack3A_667, %stack3A_668 in 1 : vector<7x1x256xf32>, vector<7x1x256xf32>, vector<7x1x256xf32>, vector<7x1x256xf32>, vector<7x1x256xf32>, vector<7x1x256xf32>, vector<7x1x256xf32>, vector<7x1x256xf32>, vector<7x1x256xf32>, vector<7x1x256xf32>, vector<7x1x256xf32>, vector<7x1x256xf32>, vector<7x1x256xf32>, vector<7x1x256xf32>, vector<7x1x256xf32>, vector<7x1x256xf32>, vector<7x1x256xf32>, vector<7x1x256xf32>, vector<7x1x256xf32>, vector<7x1x256xf32>, vector<7x1x256xf32>, vector<7x1x256xf32>, vector<7x1x256xf32>, vector<7x1x256xf32>, vector<7x1x256xf32>, vector<7x1x256xf32>, vector<7x1x256xf32>, vector<7x1x256xf32>, vector<7x1x256xf32>, vector<7x1x256xf32>, vector<7x1x256xf32>, vector<7x1x256xf32> -> vector<7x32x256xf32>
    %slice3A_670 = vector.extract_strided_slice %reshape3A_572 {offsets = [0, 0, 0, 0], sizes = [7, 1, 1, 256], strides = [1, 1, 1, 1]} : vector<7x32x32x256xf32> to vector<7x1x1x256xf32>
    %squeeze3A_671 = vector.shape_cast %slice3A_670 : vector<7x1x1x256xf32> to vector<7x256xf32>
    %slice3A_672 = vector.extract_strided_slice %reshape3A_572 {offsets = [0, 1, 1, 0], sizes = [7, 1, 1, 256], strides = [1, 1, 1, 1]} : vector<7x32x32x256xf32> to vector<7x1x1x256xf32>
    %squeeze3A_673 = vector.shape_cast %slice3A_672 : vector<7x1x1x256xf32> to vector<7x256xf32>
    %slice3A_674 = vector.extract_strided_slice %reshape3A_572 {offsets = [0, 2, 2, 0], sizes = [7, 1, 1, 256], strides = [1, 1, 1, 1]} : vector<7x32x32x256xf32> to vector<7x1x1x256xf32>
    %squeeze3A_675 = vector.shape_cast %slice3A_674 : vector<7x1x1x256xf32> to vector<7x256xf32>
    %slice3A_676 = vector.extract_strided_slice %reshape3A_572 {offsets = [0, 3, 3, 0], sizes = [7, 1, 1, 256], strides = [1, 1, 1, 1]} : vector<7x32x32x256xf32> to vector<7x1x1x256xf32>
    %squeeze3A_677 = vector.shape_cast %slice3A_676 : vector<7x1x1x256xf32> to vector<7x256xf32>
    %slice3A_678 = vector.extract_strided_slice %reshape3A_572 {offsets = [0, 4, 4, 0], sizes = [7, 1, 1, 256], strides = [1, 1, 1, 1]} : vector<7x32x32x256xf32> to vector<7x1x1x256xf32>
    %squeeze3A_679 = vector.shape_cast %slice3A_678 : vector<7x1x1x256xf32> to vector<7x256xf32>
    %slice3A_680 = vector.extract_strided_slice %reshape3A_572 {offsets = [0, 5, 5, 0], sizes = [7, 1, 1, 256], strides = [1, 1, 1, 1]} : vector<7x32x32x256xf32> to vector<7x1x1x256xf32>
    %squeeze3A_681 = vector.shape_cast %slice3A_680 : vector<7x1x1x256xf32> to vector<7x256xf32>
    %slice3A_682 = vector.extract_strided_slice %reshape3A_572 {offsets = [0, 6, 6, 0], sizes = [7, 1, 1, 256], strides = [1, 1, 1, 1]} : vector<7x32x32x256xf32> to vector<7x1x1x256xf32>
    %squeeze3A_683 = vector.shape_cast %slice3A_682 : vector<7x1x1x256xf32> to vector<7x256xf32>
    %slice3A_684 = vector.extract_strided_slice %reshape3A_572 {offsets = [0, 7, 7, 0], sizes = [7, 1, 1, 256], strides = [1, 1, 1, 1]} : vector<7x32x32x256xf32> to vector<7x1x1x256xf32>
    %squeeze3A_685 = vector.shape_cast %slice3A_684 : vector<7x1x1x256xf32> to vector<7x256xf32>
    %slice3A_686 = vector.extract_strided_slice %reshape3A_572 {offsets = [0, 8, 8, 0], sizes = [7, 1, 1, 256], strides = [1, 1, 1, 1]} : vector<7x32x32x256xf32> to vector<7x1x1x256xf32>
    %squeeze3A_687 = vector.shape_cast %slice3A_686 : vector<7x1x1x256xf32> to vector<7x256xf32>
    %slice3A_688 = vector.extract_strided_slice %reshape3A_572 {offsets = [0, 9, 9, 0], sizes = [7, 1, 1, 256], strides = [1, 1, 1, 1]} : vector<7x32x32x256xf32> to vector<7x1x1x256xf32>
    %squeeze3A_689 = vector.shape_cast %slice3A_688 : vector<7x1x1x256xf32> to vector<7x256xf32>
    %slice3A_690 = vector.extract_strided_slice %reshape3A_572 {offsets = [0, 10, 10, 0], sizes = [7, 1, 1, 256], strides = [1, 1, 1, 1]} : vector<7x32x32x256xf32> to vector<7x1x1x256xf32>
    %squeeze3A_691 = vector.shape_cast %slice3A_690 : vector<7x1x1x256xf32> to vector<7x256xf32>
    %slice3A_692 = vector.extract_strided_slice %reshape3A_572 {offsets = [0, 11, 11, 0], sizes = [7, 1, 1, 256], strides = [1, 1, 1, 1]} : vector<7x32x32x256xf32> to vector<7x1x1x256xf32>
    %squeeze3A_693 = vector.shape_cast %slice3A_692 : vector<7x1x1x256xf32> to vector<7x256xf32>
    %slice3A_694 = vector.extract_strided_slice %reshape3A_572 {offsets = [0, 12, 12, 0], sizes = [7, 1, 1, 256], strides = [1, 1, 1, 1]} : vector<7x32x32x256xf32> to vector<7x1x1x256xf32>
    %squeeze3A_695 = vector.shape_cast %slice3A_694 : vector<7x1x1x256xf32> to vector<7x256xf32>
    %slice3A_696 = vector.extract_strided_slice %reshape3A_572 {offsets = [0, 13, 13, 0], sizes = [7, 1, 1, 256], strides = [1, 1, 1, 1]} : vector<7x32x32x256xf32> to vector<7x1x1x256xf32>
    %squeeze3A_697 = vector.shape_cast %slice3A_696 : vector<7x1x1x256xf32> to vector<7x256xf32>
    %slice3A_698 = vector.extract_strided_slice %reshape3A_572 {offsets = [0, 14, 14, 0], sizes = [7, 1, 1, 256], strides = [1, 1, 1, 1]} : vector<7x32x32x256xf32> to vector<7x1x1x256xf32>
    %squeeze3A_699 = vector.shape_cast %slice3A_698 : vector<7x1x1x256xf32> to vector<7x256xf32>
    %slice3A_700 = vector.extract_strided_slice %reshape3A_572 {offsets = [0, 15, 15, 0], sizes = [7, 1, 1, 256], strides = [1, 1, 1, 1]} : vector<7x32x32x256xf32> to vector<7x1x1x256xf32>
    %squeeze3A_701 = vector.shape_cast %slice3A_700 : vector<7x1x1x256xf32> to vector<7x256xf32>
    %slice3A_702 = vector.extract_strided_slice %reshape3A_572 {offsets = [0, 16, 16, 0], sizes = [7, 1, 1, 256], strides = [1, 1, 1, 1]} : vector<7x32x32x256xf32> to vector<7x1x1x256xf32>
    %squeeze3A_703 = vector.shape_cast %slice3A_702 : vector<7x1x1x256xf32> to vector<7x256xf32>
    %slice3A_704 = vector.extract_strided_slice %reshape3A_572 {offsets = [0, 17, 17, 0], sizes = [7, 1, 1, 256], strides = [1, 1, 1, 1]} : vector<7x32x32x256xf32> to vector<7x1x1x256xf32>
    %squeeze3A_705 = vector.shape_cast %slice3A_704 : vector<7x1x1x256xf32> to vector<7x256xf32>
    %slice3A_706 = vector.extract_strided_slice %reshape3A_572 {offsets = [0, 18, 18, 0], sizes = [7, 1, 1, 256], strides = [1, 1, 1, 1]} : vector<7x32x32x256xf32> to vector<7x1x1x256xf32>
    %squeeze3A_707 = vector.shape_cast %slice3A_706 : vector<7x1x1x256xf32> to vector<7x256xf32>
    %slice3A_708 = vector.extract_strided_slice %reshape3A_572 {offsets = [0, 19, 19, 0], sizes = [7, 1, 1, 256], strides = [1, 1, 1, 1]} : vector<7x32x32x256xf32> to vector<7x1x1x256xf32>
    %squeeze3A_709 = vector.shape_cast %slice3A_708 : vector<7x1x1x256xf32> to vector<7x256xf32>
    %slice3A_710 = vector.extract_strided_slice %reshape3A_572 {offsets = [0, 20, 20, 0], sizes = [7, 1, 1, 256], strides = [1, 1, 1, 1]} : vector<7x32x32x256xf32> to vector<7x1x1x256xf32>
    %squeeze3A_711 = vector.shape_cast %slice3A_710 : vector<7x1x1x256xf32> to vector<7x256xf32>
    %slice3A_712 = vector.extract_strided_slice %reshape3A_572 {offsets = [0, 21, 21, 0], sizes = [7, 1, 1, 256], strides = [1, 1, 1, 1]} : vector<7x32x32x256xf32> to vector<7x1x1x256xf32>
    %squeeze3A_713 = vector.shape_cast %slice3A_712 : vector<7x1x1x256xf32> to vector<7x256xf32>
    %slice3A_714 = vector.extract_strided_slice %reshape3A_572 {offsets = [0, 22, 22, 0], sizes = [7, 1, 1, 256], strides = [1, 1, 1, 1]} : vector<7x32x32x256xf32> to vector<7x1x1x256xf32>
    %squeeze3A_715 = vector.shape_cast %slice3A_714 : vector<7x1x1x256xf32> to vector<7x256xf32>
    %slice3A_716 = vector.extract_strided_slice %reshape3A_572 {offsets = [0, 23, 23, 0], sizes = [7, 1, 1, 256], strides = [1, 1, 1, 1]} : vector<7x32x32x256xf32> to vector<7x1x1x256xf32>
    %squeeze3A_717 = vector.shape_cast %slice3A_716 : vector<7x1x1x256xf32> to vector<7x256xf32>
    %slice3A_718 = vector.extract_strided_slice %reshape3A_572 {offsets = [0, 24, 24, 0], sizes = [7, 1, 1, 256], strides = [1, 1, 1, 1]} : vector<7x32x32x256xf32> to vector<7x1x1x256xf32>
    %squeeze3A_719 = vector.shape_cast %slice3A_718 : vector<7x1x1x256xf32> to vector<7x256xf32>
    %slice3A_720 = vector.extract_strided_slice %reshape3A_572 {offsets = [0, 25, 25, 0], sizes = [7, 1, 1, 256], strides = [1, 1, 1, 1]} : vector<7x32x32x256xf32> to vector<7x1x1x256xf32>
    %squeeze3A_721 = vector.shape_cast %slice3A_720 : vector<7x1x1x256xf32> to vector<7x256xf32>
    %slice3A_722 = vector.extract_strided_slice %reshape3A_572 {offsets = [0, 26, 26, 0], sizes = [7, 1, 1, 256], strides = [1, 1, 1, 1]} : vector<7x32x32x256xf32> to vector<7x1x1x256xf32>
    %squeeze3A_723 = vector.shape_cast %slice3A_722 : vector<7x1x1x256xf32> to vector<7x256xf32>
    %slice3A_724 = vector.extract_strided_slice %reshape3A_572 {offsets = [0, 27, 27, 0], sizes = [7, 1, 1, 256], strides = [1, 1, 1, 1]} : vector<7x32x32x256xf32> to vector<7x1x1x256xf32>
    %squeeze3A_725 = vector.shape_cast %slice3A_724 : vector<7x1x1x256xf32> to vector<7x256xf32>
    %slice3A_726 = vector.extract_strided_slice %reshape3A_572 {offsets = [0, 28, 28, 0], sizes = [7, 1, 1, 256], strides = [1, 1, 1, 1]} : vector<7x32x32x256xf32> to vector<7x1x1x256xf32>
    %squeeze3A_727 = vector.shape_cast %slice3A_726 : vector<7x1x1x256xf32> to vector<7x256xf32>
    %slice3A_728 = vector.extract_strided_slice %reshape3A_572 {offsets = [0, 29, 29, 0], sizes = [7, 1, 1, 256], strides = [1, 1, 1, 1]} : vector<7x32x32x256xf32> to vector<7x1x1x256xf32>
    %squeeze3A_729 = vector.shape_cast %slice3A_728 : vector<7x1x1x256xf32> to vector<7x256xf32>
    %slice3A_730 = vector.extract_strided_slice %reshape3A_572 {offsets = [0, 30, 30, 0], sizes = [7, 1, 1, 256], strides = [1, 1, 1, 1]} : vector<7x32x32x256xf32> to vector<7x1x1x256xf32>
    %squeeze3A_731 = vector.shape_cast %slice3A_730 : vector<7x1x1x256xf32> to vector<7x256xf32>
    %slice3A_732 = vector.extract_strided_slice %reshape3A_572 {offsets = [0, 31, 31, 0], sizes = [7, 1, 1, 256], strides = [1, 1, 1, 1]} : vector<7x32x32x256xf32> to vector<7x1x1x256xf32>
    %squeeze3A_733 = vector.shape_cast %slice3A_732 : vector<7x1x1x256xf32> to vector<7x256xf32>
    %stack3A_734 = vector.shape_cast %squeeze3A_671 : vector<7x256xf32> to vector<7x1x256xf32>
    %stack3A_735 = vector.shape_cast %squeeze3A_673 : vector<7x256xf32> to vector<7x1x256xf32>
    %stack3A_736 = vector.shape_cast %squeeze3A_675 : vector<7x256xf32> to vector<7x1x256xf32>
    %stack3A_737 = vector.shape_cast %squeeze3A_677 : vector<7x256xf32> to vector<7x1x256xf32>
    %stack3A_738 = vector.shape_cast %squeeze3A_679 : vector<7x256xf32> to vector<7x1x256xf32>
    %stack3A_739 = vector.shape_cast %squeeze3A_681 : vector<7x256xf32> to vector<7x1x256xf32>
    %stack3A_740 = vector.shape_cast %squeeze3A_683 : vector<7x256xf32> to vector<7x1x256xf32>
    %stack3A_741 = vector.shape_cast %squeeze3A_685 : vector<7x256xf32> to vector<7x1x256xf32>
    %stack3A_742 = vector.shape_cast %squeeze3A_687 : vector<7x256xf32> to vector<7x1x256xf32>
    %stack3A_743 = vector.shape_cast %squeeze3A_689 : vector<7x256xf32> to vector<7x1x256xf32>
    %stack3A_744 = vector.shape_cast %squeeze3A_691 : vector<7x256xf32> to vector<7x1x256xf32>
    %stack3A_745 = vector.shape_cast %squeeze3A_693 : vector<7x256xf32> to vector<7x1x256xf32>
    %stack3A_746 = vector.shape_cast %squeeze3A_695 : vector<7x256xf32> to vector<7x1x256xf32>
    %stack3A_747 = vector.shape_cast %squeeze3A_697 : vector<7x256xf32> to vector<7x1x256xf32>
    %stack3A_748 = vector.shape_cast %squeeze3A_699 : vector<7x256xf32> to vector<7x1x256xf32>
    %stack3A_749 = vector.shape_cast %squeeze3A_701 : vector<7x256xf32> to vector<7x1x256xf32>
    %stack3A_750 = vector.shape_cast %squeeze3A_703 : vector<7x256xf32> to vector<7x1x256xf32>
    %stack3A_751 = vector.shape_cast %squeeze3A_705 : vector<7x256xf32> to vector<7x1x256xf32>
    %stack3A_752 = vector.shape_cast %squeeze3A_707 : vector<7x256xf32> to vector<7x1x256xf32>
    %stack3A_753 = vector.shape_cast %squeeze3A_709 : vector<7x256xf32> to vector<7x1x256xf32>
    %stack3A_754 = vector.shape_cast %squeeze3A_711 : vector<7x256xf32> to vector<7x1x256xf32>
    %stack3A_755 = vector.shape_cast %squeeze3A_713 : vector<7x256xf32> to vector<7x1x256xf32>
    %stack3A_756 = vector.shape_cast %squeeze3A_715 : vector<7x256xf32> to vector<7x1x256xf32>
    %stack3A_757 = vector.shape_cast %squeeze3A_717 : vector<7x256xf32> to vector<7x1x256xf32>
    %stack3A_758 = vector.shape_cast %squeeze3A_719 : vector<7x256xf32> to vector<7x1x256xf32>
    %stack3A_759 = vector.shape_cast %squeeze3A_721 : vector<7x256xf32> to vector<7x1x256xf32>
    %stack3A_760 = vector.shape_cast %squeeze3A_723 : vector<7x256xf32> to vector<7x1x256xf32>
    %stack3A_761 = vector.shape_cast %squeeze3A_725 : vector<7x256xf32> to vector<7x1x256xf32>
    %stack3A_762 = vector.shape_cast %squeeze3A_727 : vector<7x256xf32> to vector<7x1x256xf32>
    %stack3A_763 = vector.shape_cast %squeeze3A_729 : vector<7x256xf32> to vector<7x1x256xf32>
    %stack3A_764 = vector.shape_cast %squeeze3A_731 : vector<7x256xf32> to vector<7x1x256xf32>
    %stack3A_765 = vector.shape_cast %squeeze3A_733 : vector<7x256xf32> to vector<7x1x256xf32>
    %stack3A_766 = tpu.concatenate %stack3A_734, %stack3A_735, %stack3A_736, %stack3A_737, %stack3A_738, %stack3A_739, %stack3A_740, %stack3A_741, %stack3A_742, %stack3A_743, %stack3A_744, %stack3A_745, %stack3A_746, %stack3A_747, %stack3A_748, %stack3A_749, %stack3A_750, %stack3A_751, %stack3A_752, %stack3A_753, %stack3A_754, %stack3A_755, %stack3A_756, %stack3A_757, %stack3A_758, %stack3A_759, %stack3A_760, %stack3A_761, %stack3A_762, %stack3A_763, %stack3A_764, %stack3A_765 in 1 : vector<7x1x256xf32>, vector<7x1x256xf32>, vector<7x1x256xf32>, vector<7x1x256xf32>, vector<7x1x256xf32>, vector<7x1x256xf32>, vector<7x1x256xf32>, vector<7x1x256xf32>, vector<7x1x256xf32>, vector<7x1x256xf32>, vector<7x1x256xf32>, vector<7x1x256xf32>, vector<7x1x256xf32>, vector<7x1x256xf32>, vector<7x1x256xf32>, vector<7x1x256xf32>, vector<7x1x256xf32>, vector<7x1x256xf32>, vector<7x1x256xf32>, vector<7x1x256xf32>, vector<7x1x256xf32>, vector<7x1x256xf32>, vector<7x1x256xf32>, vector<7x1x256xf32>, vector<7x1x256xf32>, vector<7x1x256xf32>, vector<7x1x256xf32>, vector<7x1x256xf32>, vector<7x1x256xf32>, vector<7x1x256xf32>, vector<7x1x256xf32>, vector<7x1x256xf32> -> vector<7x32x256xf32>
    %concatenate3A = tpu.concatenate %stack3A_358, %stack3A_669, %stack3A_766 in 2 : vector<7x32x256xf32>, vector<7x32x256xf32>, vector<7x32x256xf32> -> vector<7x32x768xf32>
    %reshape3A_767 = vector.shape_cast %concatenate3A : vector<7x32x768xf32> to vector<224x768xf32>
    %convert_element_type3A_768 = arith.truncf %reshape3A_767 : vector<224x768xf32> to vector<224x768xbf16>
    %get3A_769 = arith.constant 0 : index
    %get3A_770 = arith.constant 0 : index
    %get3A_771 = vector.load %arg14[%get3A_769, %get3A_770] : memref<768x768xbf16, #tpu.memory_space<vmem>>, vector<768x768xbf16>
    %dot_general3A_772 = arith.constant dense<0.000000e+00> : vector<224x768xf32>
    %dot_general3A_773 = tpu.matmul %convert_element_type3A_768, %get3A_771, %dot_general3A_772 {dimension_numbers = #tpu.dot_dimension_numbers<[1], [0], [0], [1], [0, 0, 1, 1], [], []>, transpose_lhs_hint = false} : vector<224x768xbf16>, vector<768x768xbf16>, vector<224x768xf32> -> vector<224x768xf32>
    %get3A_774 = arith.constant 0 : index
    %get3A_775 = arith.constant 0 : index
    %get3A_776 = vector.load %arg15[%get3A_774, %get3A_775] : memref<1x768xf32, #tpu.memory_space<vmem>>, vector<1x768xf32>
    %add3A_777 = vector.broadcast %get3A_776 : vector<1x768xf32> to vector<224x768xf32>
    %add3A_778 = arith.addf %dot_general3A_773, %add3A_777 : vector<224x768xf32>
    %swap3A_779 = arith.constant 0 : index
    %swap3A_780 = arith.constant 0 : index
    %swap3A_781 = vector.load %arg21[%swap3A_779, %swap3A_780] : memref<224x768xf32, #tpu.memory_space<vmem>>, vector<224x768xf32>
    tpu.vector_store %arg21[%swap3A_779, %swap3A_780], %add3A_778 {strides = array<i32>} : memref<224x768xf32, #tpu.memory_space<vmem>>, vector<224x768xf32>,
    %get3A_782 = arith.constant 0 : index
    %get3A_783 = arith.constant 0 : index
    %get3A_784 = arith.constant 0 : index
    %get3A_785 = vector.load %arg3[%get3A_782, %get3A_783, %get3A_784] : memref<7x32x128xf32, #tpu.memory_space<vmem>>, vector<1x32x128xf32>
    %get3A_786 = vector.shape_cast %get3A_785 : vector<1x32x128xf32> to vector<32x128xf32>
    %get3A_787 = arith.constant 1 : index
    %get3A_788 = arith.constant 0 : index
    %get3A_789 = arith.constant 0 : index
    %get3A_790 = vector.load %arg3[%get3A_787, %get3A_788, %get3A_789] : memref<7x32x128xf32, #tpu.memory_space<vmem>>, vector<1x32x128xf32>
    %get3A_791 = vector.shape_cast %get3A_790 : vector<1x32x128xf32> to vector<32x128xf32>
    %get3A_792 = arith.constant 2 : index
    %get3A_793 = arith.constant 0 : index
    %get3A_794 = arith.constant 0 : index
    %get3A_795 = vector.load %arg3[%get3A_792, %get3A_793, %get3A_794] : memref<7x32x128xf32, #tpu.memory_space<vmem>>, vector<1x32x128xf32>
    %get3A_796 = vector.shape_cast %get3A_795 : vector<1x32x128xf32> to vector<32x128xf32>
    %get3A_797 = arith.constant 3 : index
    %get3A_798 = arith.constant 0 : index
    %get3A_799 = arith.constant 0 : index
    %get3A_800 = vector.load %arg3[%get3A_797, %get3A_798, %get3A_799] : memref<7x32x128xf32, #tpu.memory_space<vmem>>, vector<1x32x128xf32>
    %get3A_801 = vector.shape_cast %get3A_800 : vector<1x32x128xf32> to vector<32x128xf32>
    %get3A_802 = arith.constant 4 : index
    %get3A_803 = arith.constant 0 : index
    %get3A_804 = arith.constant 0 : index
    %get3A_805 = vector.load %arg3[%get3A_802, %get3A_803, %get3A_804] : memref<7x32x128xf32, #tpu.memory_space<vmem>>, vector<1x32x128xf32>
    %get3A_806 = vector.shape_cast %get3A_805 : vector<1x32x128xf32> to vector<32x128xf32>
    %get3A_807 = arith.constant 5 : index
    %get3A_808 = arith.constant 0 : index
    %get3A_809 = arith.constant 0 : index
    %get3A_810 = vector.load %arg3[%get3A_807, %get3A_808, %get3A_809] : memref<7x32x128xf32, #tpu.memory_space<vmem>>, vector<1x32x128xf32>
    %get3A_811 = vector.shape_cast %get3A_810 : vector<1x32x128xf32> to vector<32x128xf32>
    %get3A_812 = arith.constant 6 : index
    %get3A_813 = arith.constant 0 : index
    %get3A_814 = arith.constant 0 : index
    %get3A_815 = vector.load %arg3[%get3A_812, %get3A_813, %get3A_814] : memref<7x32x128xf32, #tpu.memory_space<vmem>>, vector<1x32x128xf32>
    %get3A_816 = vector.shape_cast %get3A_815 : vector<1x32x128xf32> to vector<32x128xf32>
    %stack3A_817 = vector.shape_cast %get3A_786 : vector<32x128xf32> to vector<1x32x128xf32>
    %stack3A_818 = vector.shape_cast %get3A_791 : vector<32x128xf32> to vector<1x32x128xf32>
    %stack3A_819 = vector.shape_cast %get3A_796 : vector<32x128xf32> to vector<1x32x128xf32>
    %stack3A_820 = vector.shape_cast %get3A_801 : vector<32x128xf32> to vector<1x32x128xf32>
    %stack3A_821 = vector.shape_cast %get3A_806 : vector<32x128xf32> to vector<1x32x128xf32>
    %stack3A_822 = vector.shape_cast %get3A_811 : vector<32x128xf32> to vector<1x32x128xf32>
    %stack3A_823 = vector.shape_cast %get3A_816 : vector<32x128xf32> to vector<1x32x128xf32>
    %stack3A_824 = tpu.concatenate %stack3A_817, %stack3A_818, %stack3A_819, %stack3A_820, %stack3A_821, %stack3A_822, %stack3A_823 in 0 : vector<1x32x128xf32>, vector<1x32x128xf32>, vector<1x32x128xf32>, vector<1x32x128xf32>, vector<1x32x128xf32>, vector<1x32x128xf32>, vector<1x32x128xf32> -> vector<7x32x128xf32>
    %get3A_825 = arith.constant 0 : index
    %get3A_826 = vector.load %arg16[%get3A_825] : memref<512xf32, #tpu.memory_space<vmem>>, vector<512xf32>
    %get3A_827 = arith.constant 0 : index
    %get3A_828 = vector.load %arg17[%get3A_827] : memref<256xf32, #tpu.memory_space<vmem>>, vector<256xf32>
    %get3A_829 = arith.constant 0 : index
    %get3A_830 = vector.load %arg18[%get3A_829] : memref<128xf32, #tpu.memory_space<vmem>>, vector<128xf32>
    %slice3A_831 = vector.extract_strided_slice %get3A_826 {offsets = [0], sizes = [256], strides = [1]} : vector<512xf32> to vector<256xf32>
    %broadcast_in_dim3A_832 = vector.shape_cast %slice3A_831 : vector<256xf32> to vector<1x1x256xf32>
    %mul3A_833 = vector.broadcast %broadcast_in_dim3A_832 : vector<1x1x256xf32> to vector<7x32x256xf32>
    %mul3A_834 = arith.mulf %stack3A_669, %mul3A_833 : vector<7x32x256xf32>
    %reduce_sum3A_835 = arith.constant dense<0.000000e+00> : vector<7x32xf32>
    %reduce_sum3A_836 = vector.multi_reduction <add>, %mul3A_834, %reduce_sum3A_835 [2] : vector<7x32x256xf32> to vector<7x32xf32>
    %slice3A_837 = vector.extract_strided_slice %get3A_826 {offsets = [256], sizes = [256], strides = [1]} : vector<512xf32> to vector<256xf32>
    %broadcast_in_dim3A_838 = vector.shape_cast %slice3A_837 : vector<256xf32> to vector<1x1x256xf32>
    %mul3A_839 = vector.broadcast %broadcast_in_dim3A_838 : vector<1x1x256xf32> to vector<7x32x256xf32>
    %mul3A_840 = arith.mulf %stack3A_766, %mul3A_839 : vector<7x32x256xf32>
    %reduce_sum3A_841 = arith.constant dense<0.000000e+00> : vector<7x32xf32>
    %reduce_sum3A_842 = vector.multi_reduction <add>, %mul3A_840, %reduce_sum3A_841 [2] : vector<7x32x256xf32> to vector<7x32xf32>
    %add3A_843 = arith.addf %reduce_sum3A_836, %reduce_sum3A_842 : vector<7x32xf32>
    %broadcast_in_dim3A_844 = vector.shape_cast %get3A_828 : vector<256xf32> to vector<1x1x256xf32>
    %mul3A_845 = vector.broadcast %broadcast_in_dim3A_844 : vector<1x1x256xf32> to vector<7x32x256xf32>
    %mul3A_846 = arith.mulf %stack3A_358, %mul3A_845 : vector<7x32x256xf32>
    %reduce_sum3A_847 = arith.constant dense<0.000000e+00> : vector<7x32xf32>
    %reduce_sum3A_848 = vector.multi_reduction <add>, %mul3A_846, %reduce_sum3A_847 [2] : vector<7x32x256xf32> to vector<7x32xf32>
    %add3A_849 = arith.addf %add3A_843, %reduce_sum3A_848 : vector<7x32xf32>
    %broadcast_in_dim3A_850 = vector.shape_cast %get3A_830 : vector<128xf32> to vector<1x1x128xf32>
    %mul3A_851 = vector.broadcast %broadcast_in_dim3A_850 : vector<1x1x128xf32> to vector<7x32x128xf32>
    %mul3A_852 = arith.mulf %stack3A_824, %mul3A_851 : vector<7x32x128xf32>
    %reduce_sum3A_853 = arith.constant dense<0.000000e+00> : vector<7x32xf32>
    %reduce_sum3A_854 = vector.multi_reduction <add>, %mul3A_852, %reduce_sum3A_853 [2] : vector<7x32x128xf32> to vector<7x32xf32>
    %add3A_855 = arith.addf %add3A_849, %reduce_sum3A_854 : vector<7x32xf32>
    %get3A_856 = arith.constant 0 : index
    %get3A_857 = arith.constant 0 : index
    %get3A_858 = vector.load %arg19[%get3A_856, %get3A_857] : memref<1x1xf32, #tpu.memory_space<vmem>>, vector<1x1xf32>
    %get3A_859 = vector.extract %get3A_858[0, 0] : f32 from vector<1x1xf32>
    %add3A_860 = vector.broadcast %get3A_859 : f32 to vector<7x32xf32>
    %add3A_861 = arith.addf %add3A_855, %add3A_860 : vector<7x32xf32>
    %logistic3A_862 = arith.negf %add3A_861 : vector<7x32xf32>
    %logistic3A_863 = math.exp %logistic3A_862 : vector<7x32xf32>
    %logistic3A_864 = arith.constant 1.000000e+00 : f32
    %logistic3A_865 = vector.broadcast %logistic3A_864 : f32 to vector<7x32xf32>
    %logistic3A_866 = arith.addf %logistic3A_865, %logistic3A_863 : vector<7x32xf32>
    %logistic3A_867 = arith.divf %logistic3A_865, %logistic3A_866 : vector<7x32xf32>
    %swap3A_868 = arith.constant 0 : index
    %swap3A_869 = arith.constant 0 : index
    %swap3A_870 = vector.load %arg22[%swap3A_868, %swap3A_869] : memref<7x32xf32, #tpu.memory_space<vmem>>, vector<7x32xf32>
    tpu.vector_store %arg22[%swap3A_868, %swap3A_869], %logistic3A_867 {strides = array<i32>} : memref<7x32xf32, #tpu.memory_space<vmem>>, vector<7x32xf32>,
    %sub3A_871 = arith.constant 1.000000e+00 : f32
    %sub3A_872 = vector.broadcast %sub3A_871 : f32 to vector<7x32xf32>
    %sub3A_873 = arith.subf %sub3A_872, %logistic3A_867 : vector<7x32xf32>
    %broadcast_in_dim3A_874 = vector.shape_cast %sub3A_873 : vector<7x32xf32> to vector<7x32x1xf32>
    %mul3A_875 = vector.broadcast %broadcast_in_dim3A_874 : vector<7x32x1xf32> to vector<7x32x400xf32>
    %mul3A_876 = arith.mulf %mul3A_875, %div3A_481 : vector<7x32x400xf32>
    %swap3A_877 = arith.constant 0 : index
    %swap3A_878 = arith.constant 0 : index
    %swap3A_879 = arith.constant 0 : index
    %swap3A_880 = vector.load %arg20[%swap3A_877, %swap3A_878, %swap3A_879] : memref<7x32x400xf32, #tpu.memory_space<vmem>>, vector<7x32x400xf32>
    tpu.vector_store %arg20[%swap3A_877, %swap3A_878, %swap3A_879], %mul3A_876 {strides = array<i32>} : memref<7x32x400xf32, #tpu.memory_space<vmem>>, vector<7x32x400xf32>,
    return
  }
  func.func @transform_0(%arg0: i32) -> (i32, i32, i32) {
    %c0_i32 = arith.constant 0 : i32
    %c0_i32_0 = arith.constant 0 : i32
    %c0_i32_1 = arith.constant 0 : i32
    %c0_i32_2 = arith.constant 0 : i32
    return %c0_i32, %c0_i32_0, %c0_i32_1 : i32, i32, i32
  }
  func.func @transform_1(%arg0: i32) -> (i32, i32, i32) {
    %c0_i32 = arith.constant 0 : i32
    %c0_i32_0 = arith.constant 0 : i32
    %c0_i32_1 = arith.constant 0 : i32
    %c0_i32_2 = arith.constant 0 : i32
    return %c0_i32, %c0_i32_0, %c0_i32_1 : i32, i32, i32
  }
  func.func @transform_2(%arg0: i32) -> (i32, i32, i32) {
    %c0_i32 = arith.constant 0 : i32
    %c0_i32_0 = arith.constant 0 : i32
    %c0_i32_1 = arith.constant 0 : i32
    %c0_i32_2 = arith.constant 0 : i32
    return %c0_i32, %c0_i32_0, %c0_i32_1 : i32, i32, i32
  }
  func.func @transform_3(%arg0: i32) -> (i32, i32) {
    %c0_i32 = arith.constant 0 : i32
    %c0_i32_0 = arith.constant 0 : i32
    %c0_i32_1 = arith.constant 0 : i32
    return %c0_i32, %c0_i32_0 : i32, i32
  }
  func.func @transform_4(%arg0: i32) -> (i32, i32) {
    %c0_i32 = arith.constant 0 : i32
    %c0_i32_0 = arith.constant 0 : i32
    %c0_i32_1 = arith.constant 0 : i32
    return %c0_i32, %c0_i32_0 : i32, i32
  }
  func.func @transform_5(%arg0: i32) -> (i32, i32) {
    %c0_i32 = arith.constant 0 : i32
    %c0_i32_0 = arith.constant 0 : i32
    %c0_i32_1 = arith.constant 0 : i32
    return %c0_i32, %c0_i32_0 : i32, i32
  }
  func.func @transform_6(%arg0: i32) -> (i32, i32) {
    %c0_i32 = arith.constant 0 : i32
    %c0_i32_0 = arith.constant 0 : i32
    %c0_i32_1 = arith.constant 0 : i32
    return %c0_i32, %c0_i32_0 : i32, i32
  }
  func.func @transform_7(%arg0: i32) -> (i32, i32) {
    %c0_i32 = arith.constant 0 : i32
    %c0_i32_0 = arith.constant 0 : i32
    %c0_i32_1 = arith.constant 0 : i32
    return %c0_i32, %c0_i32_0 : i32, i32
  }
  func.func @transform_8(%arg0: i32) -> (i32, i32) {
    %c0_i32 = arith.constant 0 : i32
    %c0_i32_0 = arith.constant 0 : i32
    %c0_i32_1 = arith.constant 0 : i32
    return %c0_i32, %c0_i32_0 : i32, i32
  }
  func.func @transform_9(%arg0: i32) -> (i32, i32) {
    %c0_i32 = arith.constant 0 : i32
    %c0_i32_0 = arith.constant 0 : i32
    %c0_i32_1 = arith.constant 0 : i32
    return %c0_i32, %c0_i32_0 : i32, i32
  }
  func.func @transform_10(%arg0: i32) -> (i32, i32) {
    %c0_i32 = arith.constant 0 : i32
    %c0_i32_0 = arith.constant 0 : i32
    %c0_i32_1 = arith.constant 0 : i32
    return %c0_i32, %c0_i32_0 : i32, i32
  }
  func.func @transform_11(%arg0: i32) -> (i32, i32) {
    %c0_i32 = arith.constant 0 : i32
    %c0_i32_0 = arith.constant 0 : i32
    %c0_i32_1 = arith.constant 0 : i32
    return %c0_i32, %c0_i32_0 : i32, i32
  }
  func.func @transform_12(%arg0: i32) -> (i32, i32) {
    %c0_i32 = arith.constant 0 : i32
    %c0_i32_0 = arith.constant 0 : i32
    %c0_i32_1 = arith.constant 0 : i32
    return %c0_i32, %c0_i32_0 : i32, i32
  }
  func.func @transform_13(%arg0: i32) -> (i32, i32) {
    %c0_i32 = arith.constant 0 : i32
    %c0_i32_0 = arith.constant 0 : i32
    %c0_i32_1 = arith.constant 0 : i32
    return %c0_i32, %c0_i32_0 : i32, i32
  }
  func.func @transform_14(%arg0: i32) -> (i32, i32) {
    %c0_i32 = arith.constant 0 : i32
    %c0_i32_0 = arith.constant 0 : i32
    %c0_i32_1 = arith.constant 0 : i32
    return %c0_i32, %c0_i32_0 : i32, i32
  }
  func.func @transform_15(%arg0: i32) -> i32 {
    %c0_i32 = arith.constant 0 : i32
    %c0_i32_0 = arith.constant 0 : i32
    return %c0_i32 : i32
  }
  func.func @transform_16(%arg0: i32) -> i32 {
    %c0_i32 = arith.constant 0 : i32
    %c0_i32_0 = arith.constant 0 : i32
    return %c0_i32 : i32
  }
  func.func @transform_17(%arg0: i32) -> i32 {
    %c0_i32 = arith.constant 0 : i32
    %c0_i32_0 = arith.constant 0 : i32
    return %c0_i32 : i32
  }
  func.func @transform_18(%arg0: i32) -> (i32, i32) {
    %c0_i32 = arith.constant 0 : i32
    %c0_i32_0 = arith.constant 0 : i32
    %c0_i32_1 = arith.constant 0 : i32
    return %c0_i32, %c0_i32_0 : i32, i32
  }
  func.func @transform_19(%arg0: i32) -> (i32, i32, i32) {
    %c0_i32 = arith.constant 0 : i32
    %c0_i32_0 = arith.constant 0 : i32
    %c0_i32_1 = arith.constant 0 : i32
    %c0_i32_2 = arith.constant 0 : i32
    return %c0_i32, %c0_i32_0, %c0_i32_1 : i32, i32, i32
  }
  func.func @transform_20(%arg0: i32) -> (i32, i32) {
    %c0_i32 = arith.constant 0 : i32
    %c0_i32_0 = arith.constant 0 : i32
    %c0_i32_1 = arith.constant 0 : i32
    return %c0_i32, %c0_i32_0 : i32, i32
  }
  func.func @transform_21(%arg0: i32) -> (i32, i32) {
    %c0_i32 = arith.constant 0 : i32
    %c0_i32_0 = arith.constant 0 : i32
    %c0_i32_1 = arith.constant 0 : i32
    return %c0_i32, %c0_i32_0 : i32, i32
  }
  func.func @transform_22(%arg0: i32) -> (i32, i32) {
    %c0_i32 = arith.constant 0 : i32
    %c0_i32_0 = arith.constant 0 : i32
    %c0_i32_1 = arith.constant 0 : i32
    return %c0_i32, %c0_i32_0 : i32, i32
  }
}

module attributes {stable_mosaic.version = 14 : i64} {
  func.func @_logits_body(%arg0: i32, %arg1: memref<224x768xf32, #tpu.memory_space<vmem>>, %arg2: memref<4096x768xf32, #tpu.memory_space<vmem>>, %arg3: memref<4096xf32, #tpu.memory_space<vmem>>, %arg4: memref<224x4096xbf16, #tpu.memory_space<vmem>>, %arg5: memref<224x1xf32, #tpu.memory_space<vmem>>, %arg6: memref<224x1xf32, #tpu.memory_space<vmem>>, %arg7: memref<224x1xf32, #tpu.memory_space<vmem>>, %arg8: memref<224x1xf32, #tpu.memory_space<vmem>>) attributes {dimension_semantics = [#tpu.dimension_semantics<arbitrary>], iteration_bounds = array<i64: 25>, scalar_prefetch = 0 : i64, scratch_operands = 2 : i64, tpu.core_type = #tpu.core_type<tc>, window_params = [{pipeline_mode = #tpu.pipeline_mode<synchronous>, transform_indices = @transform_0, window_bounds = array<i64: 224, 768>}, {transform_indices = @transform_1, window_bounds = array<i64: 4096, 768>}, {transform_indices = @transform_2, window_bounds = array<i64: 4096>}, {transform_indices = @transform_3, window_bounds = array<i64: 224, 4096>}, {pipeline_mode = #tpu.pipeline_mode<synchronous>, transform_indices = @transform_4, window_bounds = array<i64: 224, 1>}, {pipeline_mode = #tpu.pipeline_mode<synchronous>, transform_indices = @transform_5, window_bounds = array<i64: 224, 1>}]} {
    %eq3A = arith.constant 0 : i32
    %eq3A_0 = arith.cmpi eq, %arg0, %eq3A : i32
    %convert_element_type3A = arith.extui %eq3A_0 : i1 to i32
    %cond3A = arith.constant 0 : i32
    %cond3A_1 = arith.cmpi ne, %convert_element_type3A, %cond3A : i32
    scf.if %cond3A_1 {
      %broadcast_in_dim3A_53 = arith.constant -1.000000e+30 : f32
      %broadcast_in_dim3A_54 = vector.broadcast %broadcast_in_dim3A_53 : f32 to vector<224x1xf32>
      %swap3A_55 = arith.constant 0 : index
      %swap3A_56 = arith.constant 0 : index
      %swap3A_57 = vector.load %arg7[%swap3A_55, %swap3A_56] : memref<224x1xf32, #tpu.memory_space<vmem>>, vector<224x1xf32>
      tpu.vector_store %arg7[%swap3A_55, %swap3A_56], %broadcast_in_dim3A_54 {strides = array<i32>} : memref<224x1xf32, #tpu.memory_space<vmem>>, vector<224x1xf32>,
      %broadcast_in_dim3A_58 = arith.constant 0.000000e+00 : f32
      %broadcast_in_dim3A_59 = vector.broadcast %broadcast_in_dim3A_58 : f32 to vector<224x1xf32>
      %swap3A_60 = arith.constant 0 : index
      %swap3A_61 = arith.constant 0 : index
      %swap3A_62 = vector.load %arg8[%swap3A_60, %swap3A_61] : memref<224x1xf32, #tpu.memory_space<vmem>>, vector<224x1xf32>
      tpu.vector_store %arg8[%swap3A_60, %swap3A_61], %broadcast_in_dim3A_59 {strides = array<i32>} : memref<224x1xf32, #tpu.memory_space<vmem>>, vector<224x1xf32>,
    } else {
    }
    %get3A = arith.constant 0 : index
    %get3A_2 = arith.constant 0 : index
    %get3A_3 = vector.load %arg1[%get3A, %get3A_2] : memref<224x768xf32, #tpu.memory_space<vmem>>, vector<224x768xf32>
    %get3A_4 = arith.constant 0 : index
    %get3A_5 = arith.constant 0 : index
    %get3A_6 = vector.load %arg2[%get3A_4, %get3A_5] : memref<4096x768xf32, #tpu.memory_space<vmem>>, vector<4096x768xf32>
    %dot_general3A = arith.constant dense<0.000000e+00> : vector<224x4096xf32>
    %dot_general3A_7 = tpu.matmul %get3A_3, %get3A_6, %dot_general3A {dimension_numbers = #tpu.dot_dimension_numbers<[1], [1], [0], [0], [0, 0, 1, 0], [], []>, transpose_lhs_hint = false} : vector<224x768xf32>, vector<4096x768xf32>, vector<224x4096xf32> -> vector<224x4096xf32>
    %get3A_8 = arith.constant 0 : index
    %get3A_9 = vector.load %arg3[%get3A_8] : memref<4096xf32, #tpu.memory_space<vmem>>, vector<4096xf32>
    %broadcast_in_dim3A = vector.shape_cast %get3A_9 : vector<4096xf32> to vector<1x4096xf32>
    %add3A = vector.broadcast %broadcast_in_dim3A : vector<1x4096xf32> to vector<224x4096xf32>
    %add3A_10 = arith.addf %dot_general3A_7, %add3A : vector<224x4096xf32>
    %convert_element_type3A_11 = arith.truncf %add3A_10 : vector<224x4096xf32> to vector<224x4096xbf16>
    %swap3A = arith.constant 0 : index
    %swap3A_12 = arith.constant 0 : index
    %swap3A_13 = vector.load %arg4[%swap3A, %swap3A_12] : memref<224x4096xbf16, #tpu.memory_space<vmem>>, vector<224x4096xbf16>
    tpu.vector_store %arg4[%swap3A, %swap3A_12], %convert_element_type3A_11 {strides = array<i32>} : memref<224x4096xbf16, #tpu.memory_space<vmem>>, vector<224x4096xbf16>,
    %iota3A = tpu.iota {dimensions = array<i32: 1>} : vector<224x4096xi32>
    %mul3A = arith.constant 4096 : i32
    %mul3A_14 = arith.muli %arg0, %mul3A : i32
    %add3A_15 = vector.broadcast %mul3A_14 : i32 to vector<224x4096xi32>
    %add3A_16 = arith.addi %iota3A, %add3A_15 : vector<224x4096xi32>
    %lt3A = arith.constant 100000 : i32
    %lt3A_17 = vector.broadcast %lt3A : i32 to vector<224x4096xi32>
    %lt3A_18 = arith.cmpi slt, %add3A_16, %lt3A_17 : vector<224x4096xi32>
    %jit3A = arith.constant -1.000000e+30 : f32
    %broadcast_in_dim3A_19 = vector.broadcast %jit3A : f32 to vector<224x4096xf32>
    %select_n3A = arith.select %lt3A_18, %add3A_10, %broadcast_in_dim3A_19 : vector<224x4096xi1>, vector<224x4096xf32>
    %reduce_max3A = arith.constant dense<0xFF800000> : vector<224xf32>
    %reduce_max3A_20 = vector.multi_reduction <maximumf>, %select_n3A, %reduce_max3A [1] : vector<224x4096xf32> to vector<224xf32>
    %broadcast_in_dim3A_21 = vector.shape_cast %reduce_max3A_20 : vector<224xf32> to vector<224x1xf32>
    %get3A_22 = arith.constant 0 : index
    %get3A_23 = arith.constant 0 : index
    %get3A_24 = vector.load %arg7[%get3A_22, %get3A_23] : memref<224x1xf32, #tpu.memory_space<vmem>>, vector<224x1xf32>
    %max3A = arith.maximumf %get3A_24, %broadcast_in_dim3A_21 : vector<224x1xf32>
    %get3A_25 = arith.constant 0 : index
    %get3A_26 = arith.constant 0 : index
    %get3A_27 = vector.load %arg8[%get3A_25, %get3A_26] : memref<224x1xf32, #tpu.memory_space<vmem>>, vector<224x1xf32>
    %get3A_28 = arith.constant 0 : index
    %get3A_29 = arith.constant 0 : index
    %get3A_30 = vector.load %arg7[%get3A_28, %get3A_29] : memref<224x1xf32, #tpu.memory_space<vmem>>, vector<224x1xf32>
    %sub3A = arith.subf %get3A_30, %max3A : vector<224x1xf32>
    %exp3A = math.exp %sub3A : vector<224x1xf32>
    %mul3A_31 = arith.mulf %get3A_27, %exp3A : vector<224x1xf32>
    %sub3A_32 = vector.broadcast %max3A : vector<224x1xf32> to vector<224x4096xf32>
    %sub3A_33 = arith.subf %select_n3A, %sub3A_32 : vector<224x4096xf32>
    %exp3A_34 = math.exp %sub3A_33 : vector<224x4096xf32>
    %reduce_sum3A = arith.constant dense<0.000000e+00> : vector<224xf32>
    %reduce_sum3A_35 = vector.multi_reduction <add>, %exp3A_34, %reduce_sum3A [1] : vector<224x4096xf32> to vector<224xf32>
    %broadcast_in_dim3A_36 = vector.shape_cast %reduce_sum3A_35 : vector<224xf32> to vector<224x1xf32>
    %add3A_37 = arith.addf %mul3A_31, %broadcast_in_dim3A_36 : vector<224x1xf32>
    %swap3A_38 = arith.constant 0 : index
    %swap3A_39 = arith.constant 0 : index
    %swap3A_40 = vector.load %arg8[%swap3A_38, %swap3A_39] : memref<224x1xf32, #tpu.memory_space<vmem>>, vector<224x1xf32>
    tpu.vector_store %arg8[%swap3A_38, %swap3A_39], %add3A_37 {strides = array<i32>} : memref<224x1xf32, #tpu.memory_space<vmem>>, vector<224x1xf32>,
    %swap3A_41 = arith.constant 0 : index
    %swap3A_42 = arith.constant 0 : index
    %swap3A_43 = vector.load %arg7[%swap3A_41, %swap3A_42] : memref<224x1xf32, #tpu.memory_space<vmem>>, vector<224x1xf32>
    tpu.vector_store %arg7[%swap3A_41, %swap3A_42], %max3A {strides = array<i32>} : memref<224x1xf32, #tpu.memory_space<vmem>>, vector<224x1xf32>,
    %swap3A_44 = arith.constant 0 : index
    %swap3A_45 = arith.constant 0 : index
    %swap3A_46 = vector.load %arg5[%swap3A_44, %swap3A_45] : memref<224x1xf32, #tpu.memory_space<vmem>>, vector<224x1xf32>
    tpu.vector_store %arg5[%swap3A_44, %swap3A_45], %max3A {strides = array<i32>} : memref<224x1xf32, #tpu.memory_space<vmem>>, vector<224x1xf32>,
    %get3A_47 = arith.constant 0 : index
    %get3A_48 = arith.constant 0 : index
    %get3A_49 = vector.load %arg8[%get3A_47, %get3A_48] : memref<224x1xf32, #tpu.memory_space<vmem>>, vector<224x1xf32>
    %swap3A_50 = arith.constant 0 : index
    %swap3A_51 = arith.constant 0 : index
    %swap3A_52 = vector.load %arg6[%swap3A_50, %swap3A_51] : memref<224x1xf32, #tpu.memory_space<vmem>>, vector<224x1xf32>
    tpu.vector_store %arg6[%swap3A_50, %swap3A_51], %get3A_49 {strides = array<i32>} : memref<224x1xf32, #tpu.memory_space<vmem>>, vector<224x1xf32>,
    return
  }
  func.func @transform_0(%arg0: i32) -> (i32, i32) {
    %c0_i32 = arith.constant 0 : i32
    %c0_i32_0 = arith.constant 0 : i32
    %c0_i32_1 = arith.constant 0 : i32
    return %c0_i32, %c0_i32_0 : i32, i32
  }
  func.func @transform_1(%arg0: i32) -> (i32, i32) {
    %c0_i32 = arith.constant 0 : i32
    %c0_i32_0 = arith.constant 0 : i32
    return %arg0, %c0_i32 : i32, i32
  }
  func.func @transform_2(%arg0: i32) -> i32 {
    %c0_i32 = arith.constant 0 : i32
    return %arg0 : i32
  }
  func.func @transform_3(%arg0: i32) -> (i32, i32) {
    %c0_i32 = arith.constant 0 : i32
    %c0_i32_0 = arith.constant 0 : i32
    return %c0_i32, %arg0 : i32, i32
  }
  func.func @transform_4(%arg0: i32) -> (i32, i32) {
    %c0_i32 = arith.constant 0 : i32
    %c0_i32_0 = arith.constant 0 : i32
    %c0_i32_1 = arith.constant 0 : i32
    return %c0_i32, %c0_i32_0 : i32, i32
  }
  func.func @transform_5(%arg0: i32) -> (i32, i32) {
    %c0_i32 = arith.constant 0 : i32
    %c0_i32_0 = arith.constant 0 : i32
    %c0_i32_1 = arith.constant 0 : i32
    return %c0_i32, %c0_i32_0 : i32, i32
  }
}

module attributes {stable_mosaic.version = 14 : i64} {
  func.func @_combine_body(%arg0: i32, %arg1: memref<224x4096xbf16, #tpu.memory_space<vmem>>, %arg2: memref<224x4096xf32, #tpu.memory_space<vmem>>, %arg3: memref<224x1xf32, #tpu.memory_space<vmem>>, %arg4: memref<224x1xf32, #tpu.memory_space<vmem>>, %arg5: memref<224x1xf32, #tpu.memory_space<vmem>>, %arg6: memref<224x4096xf32, #tpu.memory_space<vmem>>) attributes {dimension_semantics = [#tpu.dimension_semantics<arbitrary>], iteration_bounds = array<i64: 25>, scalar_prefetch = 0 : i64, scratch_operands = 0 : i64, tpu.core_type = #tpu.core_type<tc>, window_params = [{transform_indices = @transform_0, window_bounds = array<i64: 224, 4096>}, {transform_indices = @transform_1, window_bounds = array<i64: 224, 4096>}, {pipeline_mode = #tpu.pipeline_mode<synchronous>, transform_indices = @transform_2, window_bounds = array<i64: 224, 1>}, {pipeline_mode = #tpu.pipeline_mode<synchronous>, transform_indices = @transform_3, window_bounds = array<i64: 224, 1>}, {pipeline_mode = #tpu.pipeline_mode<synchronous>, transform_indices = @transform_4, window_bounds = array<i64: 224, 1>}, {transform_indices = @transform_5, window_bounds = array<i64: 224, 4096>}]} {
    %get3A = arith.constant 0 : index
    %get3A_0 = arith.constant 0 : index
    %get3A_1 = vector.load %arg1[%get3A, %get3A_0] : memref<224x4096xbf16, #tpu.memory_space<vmem>>, vector<224x4096xbf16>
    %convert_element_type3A = arith.extf %get3A_1 : vector<224x4096xbf16> to vector<224x4096xf32>
    %get3A_2 = arith.constant 0 : index
    %get3A_3 = arith.constant 0 : index
    %get3A_4 = vector.load %arg3[%get3A_2, %get3A_3] : memref<224x1xf32, #tpu.memory_space<vmem>>, vector<224x1xf32>
    %sub3A = vector.broadcast %get3A_4 : vector<224x1xf32> to vector<224x4096xf32>
    %sub3A_5 = arith.subf %convert_element_type3A, %sub3A : vector<224x4096xf32>
    %exp3A = math.exp %sub3A_5 : vector<224x4096xf32>
    %get3A_6 = arith.constant 0 : index
    %get3A_7 = arith.constant 0 : index
    %get3A_8 = vector.load %arg4[%get3A_6, %get3A_7] : memref<224x1xf32, #tpu.memory_space<vmem>>, vector<224x1xf32>
    %div3A = vector.broadcast %get3A_8 : vector<224x1xf32> to vector<224x4096xf32>
    %div3A_9 = arith.divf %exp3A, %div3A : vector<224x4096xf32>
    %get3A_10 = arith.constant 0 : index
    %get3A_11 = arith.constant 0 : index
    %get3A_12 = vector.load %arg5[%get3A_10, %get3A_11] : memref<224x1xf32, #tpu.memory_space<vmem>>, vector<224x1xf32>
    %mul3A = vector.broadcast %get3A_12 : vector<224x1xf32> to vector<224x4096xf32>
    %mul3A_13 = arith.mulf %mul3A, %div3A_9 : vector<224x4096xf32>
    %get3A_14 = arith.constant 0 : index
    %get3A_15 = arith.constant 0 : index
    %get3A_16 = vector.load %arg2[%get3A_14, %get3A_15] : memref<224x4096xf32, #tpu.memory_space<vmem>>, vector<224x4096xf32>
    %add3A = arith.addf %mul3A_13, %get3A_16 : vector<224x4096xf32>
    %add3A_17 = arith.constant 9.99999974E-6 : f32
    %add3A_18 = vector.broadcast %add3A_17 : f32 to vector<224x4096xf32>
    %add3A_19 = arith.addf %add3A, %add3A_18 : vector<224x4096xf32>
    %swap3A = arith.constant 0 : index
    %swap3A_20 = arith.constant 0 : index
    %swap3A_21 = vector.load %arg6[%swap3A, %swap3A_20] : memref<224x4096xf32, #tpu.memory_space<vmem>>, vector<224x4096xf32>
    tpu.vector_store %arg6[%swap3A, %swap3A_20], %add3A_19 {strides = array<i32>} : memref<224x4096xf32, #tpu.memory_space<vmem>>, vector<224x4096xf32>,
    return
  }
  func.func @transform_0(%arg0: i32) -> (i32, i32) {
    %c0_i32 = arith.constant 0 : i32
    %c0_i32_0 = arith.constant 0 : i32
    return %c0_i32, %arg0 : i32, i32
  }
  func.func @transform_1(%arg0: i32) -> (i32, i32) {
    %c0_i32 = arith.constant 0 : i32
    %c0_i32_0 = arith.constant 0 : i32
    return %c0_i32, %arg0 : i32, i32
  }
  func.func @transform_2(%arg0: i32) -> (i32, i32) {
    %c0_i32 = arith.constant 0 : i32
    %c0_i32_0 = arith.constant 0 : i32
    %c0_i32_1 = arith.constant 0 : i32
    return %c0_i32, %c0_i32_0 : i32, i32
  }
  func.func @transform_3(%arg0: i32) -> (i32, i32) {
    %c0_i32 = arith.constant 0 : i32
    %c0_i32_0 = arith.constant 0 : i32
    %c0_i32_1 = arith.constant 0 : i32
    return %c0_i32, %c0_i32_0 : i32, i32
  }
  func.func @transform_4(%arg0: i32) -> (i32, i32) {
    %c0_i32 = arith.constant 0 : i32
    %c0_i32_0 = arith.constant 0 : i32
    %c0_i32_1 = arith.constant 0 : i32
    return %c0_i32, %c0_i32_0 : i32, i32
  }
  func.func @transform_5(%arg0: i32) -> (i32, i32) {
    %c0_i32 = arith.constant 0 : i32
    %c0_i32_0 = arith.constant 0 : i32
    return %c0_i32, %arg0 : i32, i32
  }
}

</mosaic_0001>

<sc_bundles>
// kernel: kernel.11.cloned.1.call-start
scs
__scs_entry_jumppad:
0x0: {  	(pc) =	sbr.rel $0x88, $3  }
0x1: {  	(tag) =	ssettag $0x0;
	lr =	simm.s32 $0x1  }
0x2: {  	[smem:$0x3F82] =	sst lr;
	_ =	strace $0xD0000000  }
0x3: {  	_ = 	snop  }
0x4: {  	_ = 	snop  }
0x5: {  	_ = 	snop  }
0x6: {  	_ = 	snop  }
0x7: {  	_ = 	snop  }
__scs_overlays_trampoline_lowered:
0x8: {  	[smem:$0x3F91] =	sst s0  }
0x9: {  	[smem:$0x3F92] =	sst s1  }
0xa: {  	[smem:$0x3F93] =	sst s2  }
0xb: {  	[smem:$0x3F94] =	sst s3  }
0xc: {  	[smem:$0x3F95] =	sst s4  }
0xd: {  	[smem:$0x3F96] =	sst s5  }
0xe: {  	[smem:$0x3F97] =	sst s6  }
0xf: {  	[smem:$0x3F98] =	sst s7  }
0x10: {  	[smem:$0x3F99] =	sst s8  }
0x11: {  	[smem:$0x3F9A] =	sst s9;
	s0 =	simm.s32 @!p0 $0x0  }
0x12: {  	s1 =	sld [smem:$0x3F80];
	s0 =	simm.s32 @p0 $0x1  }
0x13: {  	[smem:$0x3F9B] =	sst s0;
	s0 =	simm.s32 @!p1 $0x0  }
0x14: {  	s2 =	sld [smem:$0x3F7F];
	s0 =	simm.s32 @p1 $0x1  }
0x15: {  	[smem:$0x3F9C] =	sst s0;
	s0 =	simm.s32 @!p2 $0x0  }
0x16: {  	s3 =	sld [smem:$0x3FDB];
	s0 =	simm.s32 @p2 $0x1  }
0x17: {  	s4 =	simm.s32 $0x1BF5;
	[smem:$0x3F9E] =	sst s0  }
0x18: {  	s0 =	sld [smem:$0x3F81];
	_ =	swait.ge [sflag:s4], $0x0  }
0x19: {  	s7 =	sld [smem:$0x3F82]  }
0x1a: {  	s8 =	sadd.s32 $0xFFFFE003, lr  }
0x1b: {  	s9 =	sadd.s32 $0xFFFFFEF7, lr;
	s5 =	simm.s32 $0xFFFFFFFF;
	p2 =	slt.u32 s8, $0xFFFFF086  }
0x1c: {  	p1 =	slt.u32 s9, $0xF7A;
	s5 =	simm.s32 @!p2 $0x0  }
0x1d: {  	s5 =	simm.s32 @p1 $0x1;
	p0 =	seq.s32 s7, s2  }
0x1e: {  	s7 =	smul.u32 @!p0 $0xF7A, s2;
	p2 =	seq.s32 @!p0 s5, $0x0  }
0x1f: {  	s9 =	smul.u32 $0xF7A, s1;
	s8 =	simm.s32 @!p0 $0x1BF5;
	p2 =	por !p2, p0  }
0x20: {  	[sflag:s8] =	ssyncset.s32 @!p0 $0xFFFFF086;
	s6 =	sadd.s32 @!p0 s3, s7;
	s7 =	simm.s32 @!p0 $0x108  }
0x21: {  	s3 =	sadd.s32 s3, s9;
	s6 =	sadd.s32 @!p0 $0x88, s6;
	s7 =	simm.s32 @p2 $0x1082  }
0x22: {  	[simem:s7], [sflag:s8] =	dma.local @!p0 [hbm:s6], $0xF7A  }
0x23: {  	s9 =	sor.u32 $0xD0000000, s2;
	s6 =	simm.s32 $0x108;
	_ =	swait.ge @!p0 [sflag:s8], $0x0  }
0x24: {  	s3 =	sadd.s32 $0x88, s3;
	s6 =	simm.s32 @!p1 $0x1082;
	[sflag:s4] =	ssyncset.s32 $0xFFFFF086  }
0x25: {  	[simem:s6], [sflag:s4] =	dma.local [hbm:s3], $0xF7A  }
0x26: {  	[smem:$0x3F82] =	sst s1;
	(tag) =	ssettag s2;
	_ =	strace s9  }
0x27: {  	s1 =	sld [smem:$0x3F92]  }
0x28: {  	s2 =	sld [smem:$0x3F93]  }
0x29: {  	s4 =	sld [smem:$0x3F95]  }
0x2a: {  	p0 =	seq.s32 s5, $0x0;
	s5 =	sld [smem:$0x3F96]  }
0x2b: {  	s6 =	sld [smem:$0x3F97]  }
0x2c: {  	s7 =	sld [smem:$0x3F98]  }
0x2d: {  	s3 =	simm.s32 $0x108;
	s8 =	sld [smem:$0x3F99]  }
0x2e: {  	s3 =	simm.s32 @!p0 $0x1082;
	s9 =	sld [smem:$0x3F9A]  }
0x2f: {  	lr =	sadd.s32 s0, s3;
	s0 =	sld [smem:$0x3F91]  }
0x30: {  	s3 =	sld [smem:$0x3F94]  }
0x31: {  	[smem:$0x3F9D] =	sst s10  }
0x32: {  	s10 =	sld [smem:$0x3F9B];
	_ =	sdelay $0x3  }
0x33: {  	p0 =	seq.s32 s10, $0x1;
	s10 =	sld [smem:$0x3F9D];
	_ =	sdelay $0x3  }
0x34: {  	[smem:$0x3F9D] =	sst s10  }
0x35: {  	s10 =	sld [smem:$0x3F9C];
	_ =	sdelay $0x3  }
0x36: {  	p1 =	seq.s32 s10, $0x1;
	s10 =	sld [smem:$0x3F9D];
	_ =	sdelay $0x3  }
0x37: {  	[smem:$0x3F9D] =	sst s10  }
0x38: {  	s10 =	sld [smem:$0x3F9E]  }
0x39: {  	_ = 	snop;
	(pc) =	sbr.ind lr, $3  }
0x3a: {  	_ = 	snop  }
0x3b: {  	_ = 	snop  }
0x3c: {  	p2 =	seq.s32 s10, $0x1;
	s10 =	sld [smem:$0x3F9D]  }
0x3d: {  	_ =	shalt  }
0x3e: {  	_ =	shalt  }
0x3f: {  	_ =	shalt  }
0x40: {  	_ =	shalt  }
0x41: {  	_ =	shalt  }
0x42: {  	_ =	shalt  }
0x43: {  	_ =	shalt  }
0x44: {  	_ =	shalt  }
0x45: {  	_ =	shalt  }
0x46: {  	_ =	shalt  }
0x47: {  	_ =	shalt  }
0x48: {  	_ =	shalt  }
0x49: {  	_ =	shalt  }
0x4a: {  	_ =	shalt  }
0x4b: {  	_ =	shalt  }
0x4c: {  	_ =	shalt  }
0x4d: {  	_ =	shalt  }
0x4e: {  	_ =	shalt  }
0x4f: {  	_ =	shalt  }
0x50: {  	_ =	shalt  }
0x51: {  	_ =	shalt  }
0x52: {  	_ =	shalt  }
0x53: {  	_ =	shalt  }
0x54: {  	_ =	shalt  }
0x55: {  	_ =	shalt  }
0x56: {  	_ =	shalt  }
0x57: {  	_ =	shalt  }
0x58: {  	_ =	shalt  }
0x59: {  	_ =	shalt  }
0x5a: {  	_ =	shalt  }
0x5b: {  	_ =	shalt  }
0x5c: {  	_ =	shalt  }
0x5d: {  	_ =	shalt  }
0x5e: {  	_ =	shalt  }
0x5f: {  	_ =	shalt  }
0x60: {  	_ =	shalt  }
0x61: {  	_ =	shalt  }
0x62: {  	_ =	shalt  }
0x63: {  	_ =	shalt  }
0x64: {  	_ =	shalt  }
0x65: {  	_ =	shalt  }
0x66: {  	_ =	shalt  }
0x67: {  	_ =	shalt  }
0x68: {  	_ =	shalt  }
0x69: {  	_ =	shalt  }
0x6a: {  	_ =	shalt  }
0x6b: {  	_ =	shalt  }
0x6c: {  	_ =	shalt  }
0x6d: {  	_ =	shalt  }
0x6e: {  	_ =	shalt  }
0x6f: {  	_ =	shalt  }
0x70: {  	_ =	shalt  }
0x71: {  	_ =	shalt  }
0x72: {  	_ =	shalt  }
0x73: {  	_ =	shalt  }
0x74: {  	_ =	shalt  }
0x75: {  	_ =	shalt  }
0x76: {  	_ =	shalt  }
0x77: {  	_ =	shalt  }
0x78: {  	_ =	shalt  }
0x79: {  	_ =	shalt  }
0x7a: {  	_ =	shalt  }
0x7b: {  	_ =	shalt  }
0x7c: {  	_ =	shalt  }
0x7d: {  	_ =	shalt  }
0x7e: {  	_ =	shalt  }
0x7f: {  	_ =	shalt  }
0x80: {  	_ =	shalt  }
0x81: {  	_ =	shalt  }
0x82: {  	_ =	shalt  }
0x83: {  	_ =	shalt  }
0x84: {  	_ =	shalt  }
0x85: {  	_ =	shalt  }
0x86: {  	_ =	shalt  }
0x87: {  	_ =	shalt  }
.Lfunc_end0:
.L_simem_size_0:
called_computation.1_lowered:
.L_overlay_start_0:
0x88: {  	s2 =	sld [smem:$0x3FD9]  }
0x89: {  	s3 =	sld [smem:$0x3FFE];
	_ =	sdelay $0x1  }
0x8a: {  	s1 =	srdreg.scid  }
0x8b: {  	s0 =	sand.u32 $0x1, s1  }
0x8c: {  	s14 =	sshll.u32 s0, $0xA;
	s2 =	sadd.s32 s3, s2  }
0x8d: {  	s2 =	sadd.s32 s2, s14  }
0x8e: {  	[smem:$0x3FA9] =	sst s2  }
0x8f: {  	_ = 	snop  }
0x90: {  	s2 =	sld [smem:$0x3FD0];
	_ =	sdelay $0x2  }
0x91: {  	s4 =	simm.s32 $0xA;
	s5 =	simm.s32 $0x10;
	s15 =	sld [smem:$0x3FC9]  }
0x92: {  	[smem:s5], [sflag:s4] =	dma.local [hbm:s2], $0x1  }
0x93: {  	_ =	swait.eq [sflag:s4], $0x1  }
0x94: {  	[sflag:s4] =	ssyncset.done $0x0  }
0x95: {  	[sflag:s4] =	ssyncadd.s32 $0xFFFFFFFF  }
0x96: {  	s16 =	sld [smem:$0x10];
	(tm) =	ssettm $0x1  }
0x97: {  	s17 =	sld [smem:$0x3FFB];
	_ =	sdelay $0x3  }
0x98: {  	_ =	strace s17  }
0x99: {  	s4 =	sld [smem:$0x3FFC];
	_ =	sdelay $0x3  }
0x9a: {  	_ =	strace s4  }
0x9b: {  	s4 =	sld [smem:$0x3FFD];
	_ =	sdelay $0x3  }
0x9c: {  	_ =	strace s4  }
0x9d: {  	_ =	strace $0x8FFFFFFF  }
0x9e: {  	s18 =	sld [smem:$0x3FDB];
	_ =	sdelay $0x1  }
0x9f: {  	s19 =	simm.s32 $_scs_section_size  }
0xa0: {  	s6 =	simm.s32 $_size__tile_overlayer_lowered;
	s7 =	simm.s32 $_tile_overlayer_lowered  }
0xa1: {  	s22 =	simm.s32 $0x1BFF;
	s21 =	sshll.u32 s7, $0x1;
	s4 =	sadd.s32 s19, s18  }
0xa2: {  	s8 =	simm.s32 $0x0;
	s20 =	sshll.u32 s6, $0x1;
	s6 =	sadd.s32 s21, s4  }
0xa3: {  	[timem:s8], [sflag:s22] =	dma.local [hbm:s6], s20  }
0xa4: {  	_ =	swait.ge [sflag:s22], s20  }
0xa5: {  	s5 =	ssub.s32 $0x0, s20;
	[sflag:s22] =	ssyncset.done $0x0  }
0xa6: {  	[sflag:s22] =	ssyncadd.s32 s5;
	_ =	sdelay $0x1  }
0xa7: {  	s23 =	simm.s32 $0x1B8B  }
0xa8: {  	_ =	swait.ge [sflag:s23], $0x1  }
0xa9: {  	[sflag:s23] =	ssyncset.done $0x0  }
0xaa: {  	s25 =	simm.s32 $0x1B8E;
	s24 =	sld [smem:$0x3FFE];
	[sflag:s23] =	ssyncadd.s32 $0xFFFFFFFF  }
0xab: {  	s26 =	simm.s32 $execute0_lowered;
	[smem:$0x3FD2] =	sst s25  }
0xac: {  	s6 =	sshll.u32 s26, $0x1;
	_ =	strace $0x80000049;
	[dreg:$0x1] =	wrdreg $0xFFFFFFFF  }
0xad: {  	s28 =	simm.s32 $_size_execute0_lowered;
	s4 =	sadd.s32 s4, s6;
	[dreg:$0x0] =	wrdreg $0x0  }
0xae: {  	s6 =	sshll.u32 s28, $0x1;
	[dreg:$0x2] =	wrdreg s4  }
0xaf: {  	[dreg:$0x3] =	wrdreg s6  }
0xb0: {  	[dreg:$0x4] =	wrdreg $0xC0  }
0xb1: {  	_ =	task [dreg:s8], $0x5FFFF  }
0xb2: {  	[dreg:$0x1] =	wrdreg $0xFFFFFFFF  }
0xb3: {  	[dreg:$0x0] =	wrdreg $0x60  }
0xb4: {  	[dreg:$0x2] =	wrdreg s15  }
0xb5: {  	[dreg:$0x3] =	wrdreg s16  }
0xb6: {  	[dreg:$0x4] =	wrdreg s24  }
0xb7: {  	[dreg:$0x5] =	wrdreg $0x9  }
0xb8: {  	_ =	task.clear_ibuf [dreg:s8], $0x6FFFF;
	_ =	strace $0x90000049  }
0xb9: {  	s29 =	simm.s32 $0x9;
	_ =	strace $0x8000004B  }
0xba: {  	_ =	swait.ge [sflag:s29], $0x1  }
0xbb: {  	[sflag:s29] =	ssyncadd.s32 $0xFFFFFFFF  }
0xbc: {  	_ =	strace $0x9000004B  }
0xbd: {  	_ =	sfence  }
0xbe: {  	s30 =	sld [smem:$0x0];
	_ =	sdelay $0x2  }
0xbf: {  	s31 =	sshll.u32 s1, $0xD;
	s1 =	sshrl.u32 s1, $0x2  }
0xc0: {  	s3 =	sand.u32 $0x4000, s31;
	s1 =	sadd.s32 s1, s30  }
0xc1: {  	s0 =	sor.u32 s3, s0;
	s1 =	sshll.u32 s1, $0x11  }
0xc2: {  	s0 =	sor.u32 s1, s0  }
0xc3: {  	s0 =	sadd.s32 $0x8F2B, s0  }
0xc4: {  	[sflag:s0] =	ssyncadd.remote.s32 $0x1  }
0xc5: {  	_ =	sfence.sel $0xFFFF  }
0xc6: {  	[dreg:$0x0] =	wrdreg $0xFFFFFFFF;
	(pc) =	sbr.abs _section_cstart, $3  }
0xc7: {  	[dreg:$0x1] =	wrdreg $0xFFFFFFFF  }
0xc8: {  	_ =	task.clear_ibuf [dreg:s8], $0x2FFFF;
	_ =	strace $0x9FFFFFFF  }
0xc9: {  	(tm) =	ssettm $0x7FFFFFFF  }
tec
execute0_lowered:
.L_overlay_start_1:
0x0: {  	(tag) =	ssettag $0x1  }
0x1: {  	s3 =	rddreg [dreg:$0x0]  }
0x2: {  	s16 =	rddreg [dreg:$0x1]  }
0x3: {  	s4 =	rddreg [dreg:$0x2]  }
0x4: {  	s0 =	rddreg [dreg:$0x3]  }
0x5: {  	s2 =	simm.s32 $0x0;
	s5 =	srdreg.scid;
	s1 =	stileid.u32  }
0x6: {  	[smem:$0x7FF] =	sst s2;
	s5 =	sand.u32 $0x1, s5;
	s6 =	sshll.u32 s1, $0x8  }
0x7: {  	s13 =	sshrl.u32 s1, $0x2;
	s17 =	sadd.s32 $0x4400, s4;
	s7 =	sshll.u32 s5, $0x7  }
0x8: {  	s6 =	sand.u32 $0x300, s6;
	_ =	strace $0x8000004A;
	s30 =	sshll.u32 s13, $0xC  }
0x9: {  	s31 =	ssub.s32 $0x2, s5;
	s8 =	smul.u32 $0xC3800, s13;
	s9 =	sor.u32 $0x4, s13  }
0xa: {  	s14 =	sor.u32 $0x8, s13;
	s20 =	sor.u32 $0xC, s13;
	s22 =	sor.u32 $0x10, s13  }
0xb: {  	s24 =	sor.u32 $0x14, s13;
	s15 =	sor.u32 s7, s6;
	s7 =	sshrl.u32 s31, $0x1  }
0xc: {  	s11 =	sshll.u32 s9, $0xC;
	s6 =	sor.u32 s30, s15;
	s18 =	ssub.s32 s31, s7  }
0xd: {  	s10 =	sor.u32 s8, s15;
	s7 =	sor.u32 s15, s11;
	s8 =	smul.u32 $0xC3800, s9  }
0xe: {  	s9 =	sshll.u32 s14, $0xC;
	s11 =	sshll.u32 s20, $0xC;
	s5 =	sshrl.u32 s6, $0x3  }
0xf: {  	s12 =	sshrl.u32 s7, $0x3;
	s9 =	sor.u32 s15, s9;
	s11 =	sor.u32 s15, s11  }
0x10: {  	s18 =	smax.u32 s18, $0x1;
	s3 =	sadd.s32 s3, s5;
	s4 =	sadd.s32 s16, s5  }
0x11: {  	s5 =	sshrl.u32 s10, $0x3;
	s6 =	sadd.s32 s16, s12;
	s10 =	smul.u32 $0xC3800, s14  }
0x12: {  	s8 =	sor.u32 s15, s8;
	s19 =	sshrl.u32 s9, $0x3;
	s12 =	smul.u32 $0xC3800, s20  }
0x13: {  	s21 =	sshrl.u32 s11, $0x3;
	s14 =	sshll.u32 s22, $0xC;
	s20 =	sshll.u32 s24, $0xC  }
0x14: {  	s5 =	sadd.s32 s17, s5;
	s8 =	sshrl.u32 s8, $0x3;
	s14 =	sor.u32 s15, s14  }
0x15: {  	s20 =	sor.u32 s15, s20;
	s7 =	sadd.s32 s17, s8;
	s8 =	sadd.s32 s16, s19  }
0x16: {  	s10 =	sor.u32 s15, s10;
	s12 =	sor.u32 s15, s12;
	s19 =	smul.u32 $0xC3800, s22  }
0x17: {  	s23 =	sshrl.u32 s14, $0x3;
	s22 =	sor.u32 $0x18, s13;
	s26 =	sshrl.u32 s20, $0x3  }
0x18: {  	s10 =	sshrl.u32 s10, $0x3;
	s12 =	sshrl.u32 s12, $0x3;
	s28 =	smul.u32 $0xC3800, s22  }
0x19: {  	s14 =	sadd.s32 s16, s26;
	s29 =	sshll.u32 s22, $0xC;
	s22 =	simm.s32 $0x200  }
0x1a: {  	s9 =	sadd.s32 s17, s10;
	s10 =	sadd.s32 s16, s21;
	s11 =	sadd.s32 s17, s12  }
0x1b: {  	s12 =	sadd.s32 s16, s23;
	s19 =	sor.u32 s15, s19;
	s21 =	smul.u32 $0xC3800, s24  }
0x1c: {  	s20 =	sor.u32 s15, s29;
	s23 =	simm.s32 $0x0;
	s25 =	sshrl.u32 s19, $0x3  }
0x1d: {  	s20 =	sshrl.u32 s20, $0x3;
	s19 =	simm.s32 $0x80;
	s13 =	sadd.s32 s17, s25  }
0x1e: {  	s21 =	sor.u32 s15, s21;
	s15 =	sor.u32 s15, s28;
	s16 =	sadd.s32 s16, s20  }
0x1f: {  	s20 =	simm.s32 $0x400;
	s30 =	sshrl.u32 s21, $0x3;
	s31 =	sshrl.u32 s15, $0x3  }
0x20: {  	v0 =	vimm.f32 $0.0e+00;
	s21 =	simm.s32 $0x1;
	s15 =	sadd.s32 s17, s30;
	s17 =	sadd.s32 s17, s31  }
.LBB2_1:
0x21: {  	[tilespmem:s2], [sflag:$0x1] =	stream.strided.gather [hbm4b:s3+s19], $0x200, s20, s19, $0x38;
	[tilespmem:$0x18B00] =	vst v63  }
0x22: {  	_ =	swait.ge [sflag:s21], $0x200  }
0x23: {  	[sflag:s21] =	ssyncset.done $0x0  }
0x24: {  	s24 =	simm.s32 $0x40;
	s25 =	simm.s32 $0x0;
	[sflag:s21] =	ssyncadd.s32 $0xFFFFFE00  }
.LBB2_2:
0x25: {  	p0 =	sne.s32 s24, $0x61A40;
	[tilespmem:s25+$0x400] =	vst v0;
	s25 =	smov.u32 s24;
	s24 =	sadd.s32 $0x40, s24  }
.Ltmp0:
0x26: {  	(pc) =	sbr.rel @p0 .LBB2_2-.Ltmp0, $2  }
0x27: {  	_ =	sdelay $0x2  }
0x28: {  	s25 =	sshra.s32 s25, $0x2  }
0x29: {  	[tilespmem:s25+$0x400] =	vst v0  }
0x2a: {  	[tilespmem:s22], [sflag:$0x1] =	stream.strided.gather [hbm4b:s4+s19], $0x200, s20, s19, $0x38;
	[tilespmem:$0x18B00] =	vst v63  }
0x2b: {  	_ =	swait.ge [sflag:s21], $0x200  }
0x2c: {  	[sflag:s21] =	ssyncset.done $0x0  }
0x2d: {  	s25 =	simm.s32 $0x0;
	s24 =	simm.s32 $0x40;
	[sflag:s21] =	ssyncadd.s32 $0xFFFFFE00  }
.LBB2_4:
0x2e: {  	p0 =	sne.s32 s24, $0x600;
	v1 =	vld [tilespmem:s25+$0x0];
	_ =	sdelay $0x2  }
0x2f: {  	v2 =	vld [tilespmem:s25+$0x200]  }
.Ltmp1:
0x30: {  	(pc) =	sbr.rel @p0 .LBB2_4-.Ltmp1, $2  }
0x31: {  	_ =	sdelay $0x2  }
0x32: {  	s25 =	sshra.s32 s24, $0x2;
	s24 =	sadd.s32 $0x40, s24;
	[tilespmem:v1+s20+$0x0] =	vst.idx.add.f32.msk $0xffff, v2  }
0x33: {  	v1 =	vld [tilespmem:s25+$0x0];
	_ =	sdelay $0x2  }
0x34: {  	v2 =	vld [tilespmem:s25+$0x200];
	_ =	sdelay $0x4  }
0x35: {  	[tilespmem:v1+s20+$0x0] =	vst.idx.add.f32.msk $0xffff, v2  }
0x36: {  	[hbm4b:s5+s19] =	stream.strided.scatter [tilespmem:s20], [sflag:$0x1], $0x18700, s20, s19, $0x38;
	[tilespmem:$0x18B00] =	vst v63  }
0x37: {  	_ =	swait.ge [sflag:s21], $0x18700  }
0x38: {  	[sflag:s21] =	ssyncset.done $0x0  }
0x39: {  	[sflag:s21] =	ssyncadd.s32 $0xFFFE7900  }
0x3a: {  	v1 =	vld [tilespmem:$0x0];
	_ =	sdelay $0x7  }
0x3b: {  	[tilespmem:v1+s20+$0x0] =	vst.idx.msk $0xffff, v0  }
0x3c: {  	v1 =	vld [tilespmem:$0x10];
	_ =	sdelay $0x7  }
0x3d: {  	[tilespmem:v1+s20+$0x0] =	vst.idx.msk $0xffff, v0  }
0x3e: {  	v1 =	vld [tilespmem:$0x20];
	_ =	sdelay $0x7  }
0x3f: {  	[tilespmem:v1+s20+$0x0] =	vst.idx.msk $0xffff, v0  }
0x40: {  	v1 =	vld [tilespmem:$0x30];
	_ =	sdelay $0x7  }
0x41: {  	[tilespmem:v1+s20+$0x0] =	vst.idx.msk $0xffff, v0  }
0x42: {  	v1 =	vld [tilespmem:$0x40];
	_ =	sdelay $0x7  }
0x43: {  	[tilespmem:v1+s20+$0x0] =	vst.idx.msk $0xffff, v0  }
0x44: {  	v1 =	vld [tilespmem:$0x50];
	_ =	sdelay $0x7  }
0x45: {  	[tilespmem:v1+s20+$0x0] =	vst.idx.msk $0xffff, v0  }
0x46: {  	v1 =	vld [tilespmem:$0x60];
	_ =	sdelay $0x7  }
0x47: {  	[tilespmem:v1+s20+$0x0] =	vst.idx.msk $0xffff, v0  }
0x48: {  	v1 =	vld [tilespmem:$0x70];
	_ =	sdelay $0x7  }
0x49: {  	[tilespmem:v1+s20+$0x0] =	vst.idx.msk $0xffff, v0  }
0x4a: {  	v1 =	vld [tilespmem:$0x80];
	_ =	sdelay $0x7  }
0x4b: {  	[tilespmem:v1+s20+$0x0] =	vst.idx.msk $0xffff, v0  }
0x4c: {  	v1 =	vld [tilespmem:$0x90];
	_ =	sdelay $0x7  }
0x4d: {  	[tilespmem:v1+s20+$0x0] =	vst.idx.msk $0xffff, v0  }
0x4e: {  	v1 =	vld [tilespmem:$0xA0];
	_ =	sdelay $0x7  }
0x4f: {  	[tilespmem:v1+s20+$0x0] =	vst.idx.msk $0xffff, v0  }
0x50: {  	v1 =	vld [tilespmem:$0xB0];
	_ =	sdelay $0x7  }
0x51: {  	[tilespmem:v1+s20+$0x0] =	vst.idx.msk $0xffff, v0  }
0x52: {  	v1 =	vld [tilespmem:$0xC0];
	_ =	sdelay $0x7  }
0x53: {  	[tilespmem:v1+s20+$0x0] =	vst.idx.msk $0xffff, v0  }
0x54: {  	v1 =	vld [tilespmem:$0xD0];
	_ =	sdelay $0x7  }
0x55: {  	[tilespmem:v1+s20+$0x0] =	vst.idx.msk $0xffff, v0  }
0x56: {  	v1 =	vld [tilespmem:$0xE0];
	_ =	sdelay $0x7  }
0x57: {  	[tilespmem:v1+s20+$0x0] =	vst.idx.msk $0xffff, v0  }
0x58: {  	v1 =	vld [tilespmem:$0xF0];
	_ =	sdelay $0x7  }
0x59: {  	[tilespmem:v1+s20+$0x0] =	vst.idx.msk $0xffff, v0  }
0x5a: {  	v1 =	vld [tilespmem:$0x100];
	_ =	sdelay $0x7  }
0x5b: {  	[tilespmem:v1+s20+$0x0] =	vst.idx.msk $0xffff, v0  }
0x5c: {  	v1 =	vld [tilespmem:$0x110];
	_ =	sdelay $0x7  }
0x5d: {  	[tilespmem:v1+s20+$0x0] =	vst.idx.msk $0xffff, v0  }
0x5e: {  	v1 =	vld [tilespmem:$0x120];
	_ =	sdelay $0x7  }
0x5f: {  	[tilespmem:v1+s20+$0x0] =	vst.idx.msk $0xffff, v0  }
0x60: {  	v1 =	vld [tilespmem:$0x130];
	_ =	sdelay $0x7  }
0x61: {  	[tilespmem:v1+s20+$0x0] =	vst.idx.msk $0xffff, v0  }
0x62: {  	v1 =	vld [tilespmem:$0x140];
	_ =	sdelay $0x7  }
0x63: {  	[tilespmem:v1+s20+$0x0] =	vst.idx.msk $0xffff, v0  }
0x64: {  	v1 =	vld [tilespmem:$0x150];
	_ =	sdelay $0x7  }
0x65: {  	[tilespmem:v1+s20+$0x0] =	vst.idx.msk $0xffff, v0  }
0x66: {  	v1 =	vld [tilespmem:$0x160];
	_ =	sdelay $0x7  }
0x67: {  	[tilespmem:v1+s20+$0x0] =	vst.idx.msk $0xffff, v0  }
0x68: {  	v1 =	vld [tilespmem:$0x170];
	_ =	sdelay $0x7  }
0x69: {  	[tilespmem:v1+s20+$0x0] =	vst.idx.msk $0xffff, v0  }
0x6a: {  	v1 =	vld [tilespmem:$0x180];
	_ =	sdelay $0x7  }
0x6b: {  	[tilespmem:v1+s20+$0x0] =	vst.idx.msk $0xffff, v0  }
0x6c: {  	[tilespmem:s22], [sflag:$0x1] =	stream.strided.gather [hbm4b:s6+s19], $0x200, s20, s19, $0x38;
	[tilespmem:$0x18B00] =	vst v63  }
0x6d: {  	_ =	swait.ge [sflag:s21], $0x200  }
0x6e: {  	[sflag:s21] =	ssyncset.done $0x0  }
0x6f: {  	s25 =	simm.s32 $0x0;
	s24 =	simm.s32 $0x40;
	[sflag:s21] =	ssyncadd.s32 $0xFFFFFE00  }
.LBB2_6:
0x70: {  	p0 =	sne.s32 s24, $0x600;
	v1 =	vld [tilespmem:s25+$0x0];
	_ =	sdelay $0x2  }
0x71: {  	v2 =	vld [tilespmem:s25+$0x200]  }
.Ltmp2:
0x72: {  	(pc) =	sbr.rel @p0 .LBB2_6-.Ltmp2, $2  }
0x73: {  	_ =	sdelay $0x2  }
0x74: {  	s25 =	sshra.s32 s24, $0x2;
	s24 =	sadd.s32 $0x40, s24;
	[tilespmem:v1+s20+$0x0] =	vst.idx.add.f32.msk $0xffff, v2  }
0x75: {  	v1 =	vld [tilespmem:s25+$0x0];
	_ =	sdelay $0x2  }
0x76: {  	v2 =	vld [tilespmem:s25+$0x200];
	_ =	sdelay $0x4  }
0x77: {  	[tilespmem:v1+s20+$0x0] =	vst.idx.add.f32.msk $0xffff, v2  }
0x78: {  	[hbm4b:s7+s19] =	stream.strided.scatter [tilespmem:s20], [sflag:$0x1], $0x18700, s20, s19, $0x38;
	[tilespmem:$0x18B00] =	vst v63  }
0x79: {  	_ =	swait.ge [sflag:s21], $0x18700  }
0x7a: {  	[sflag:s21] =	ssyncset.done $0x0  }
0x7b: {  	[sflag:s21] =	ssyncadd.s32 $0xFFFE7900  }
0x7c: {  	v1 =	vld [tilespmem:$0x0];
	_ =	sdelay $0x7  }
0x7d: {  	[tilespmem:v1+s20+$0x0] =	vst.idx.msk $0xffff, v0  }
0x7e: {  	v1 =	vld [tilespmem:$0x10];
	_ =	sdelay $0x7  }
0x7f: {  	[tilespmem:v1+s20+$0x0] =	vst.idx.msk $0xffff, v0  }
0x80: {  	v1 =	vld [tilespmem:$0x20];
	_ =	sdelay $0x7  }
0x81: {  	[tilespmem:v1+s20+$0x0] =	vst.idx.msk $0xffff, v0  }
0x82: {  	v1 =	vld [tilespmem:$0x30];
	_ =	sdelay $0x7  }
0x83: {  	[tilespmem:v1+s20+$0x0] =	vst.idx.msk $0xffff, v0  }
0x84: {  	v1 =	vld [tilespmem:$0x40];
	_ =	sdelay $0x7  }
0x85: {  	[tilespmem:v1+s20+$0x0] =	vst.idx.msk $0xffff, v0  }
0x86: {  	v1 =	vld [tilespmem:$0x50];
	_ =	sdelay $0x7  }
0x87: {  	[tilespmem:v1+s20+$0x0] =	vst.idx.msk $0xffff, v0  }
0x88: {  	v1 =	vld [tilespmem:$0x60];
	_ =	sdelay $0x7  }
0x89: {  	[tilespmem:v1+s20+$0x0] =	vst.idx.msk $0xffff, v0  }
0x8a: {  	v1 =	vld [tilespmem:$0x70];
	_ =	sdelay $0x7  }
0x8b: {  	[tilespmem:v1+s20+$0x0] =	vst.idx.msk $0xffff, v0  }
0x8c: {  	v1 =	vld [tilespmem:$0x80];
	_ =	sdelay $0x7  }
0x8d: {  	[tilespmem:v1+s20+$0x0] =	vst.idx.msk $0xffff, v0  }
0x8e: {  	v1 =	vld [tilespmem:$0x90];
	_ =	sdelay $0x7  }
0x8f: {  	[tilespmem:v1+s20+$0x0] =	vst.idx.msk $0xffff, v0  }
0x90: {  	v1 =	vld [tilespmem:$0xA0];
	_ =	sdelay $0x7  }
0x91: {  	[tilespmem:v1+s20+$0x0] =	vst.idx.msk $0xffff, v0  }
0x92: {  	v1 =	vld [tilespmem:$0xB0];
	_ =	sdelay $0x7  }
0x93: {  	[tilespmem:v1+s20+$0x0] =	vst.idx.msk $0xffff, v0  }
0x94: {  	v1 =	vld [tilespmem:$0xC0];
	_ =	sdelay $0x7  }
0x95: {  	[tilespmem:v1+s20+$0x0] =	vst.idx.msk $0xffff, v0  }
0x96: {  	v1 =	vld [tilespmem:$0xD0];
	_ =	sdelay $0x7  }
0x97: {  	[tilespmem:v1+s20+$0x0] =	vst.idx.msk $0xffff, v0  }
0x98: {  	v1 =	vld [tilespmem:$0xE0];
	_ =	sdelay $0x7  }
0x99: {  	[tilespmem:v1+s20+$0x0] =	vst.idx.msk $0xffff, v0  }
0x9a: {  	v1 =	vld [tilespmem:$0xF0];
	_ =	sdelay $0x7  }
0x9b: {  	[tilespmem:v1+s20+$0x0] =	vst.idx.msk $0xffff, v0  }
0x9c: {  	v1 =	vld [tilespmem:$0x100];
	_ =	sdelay $0x7  }
0x9d: {  	[tilespmem:v1+s20+$0x0] =	vst.idx.msk $0xffff, v0  }
0x9e: {  	v1 =	vld [tilespmem:$0x110];
	_ =	sdelay $0x7  }
0x9f: {  	[tilespmem:v1+s20+$0x0] =	vst.idx.msk $0xffff, v0  }
0xa0: {  	v1 =	vld [tilespmem:$0x120];
	_ =	sdelay $0x7  }
0xa1: {  	[tilespmem:v1+s20+$0x0] =	vst.idx.msk $0xffff, v0  }
0xa2: {  	v1 =	vld [tilespmem:$0x130];
	_ =	sdelay $0x7  }
0xa3: {  	[tilespmem:v1+s20+$0x0] =	vst.idx.msk $0xffff, v0  }
0xa4: {  	v1 =	vld [tilespmem:$0x140];
	_ =	sdelay $0x7  }
0xa5: {  	[tilespmem:v1+s20+$0x0] =	vst.idx.msk $0xffff, v0  }
0xa6: {  	v1 =	vld [tilespmem:$0x150];
	_ =	sdelay $0x7  }
0xa7: {  	[tilespmem:v1+s20+$0x0] =	vst.idx.msk $0xffff, v0  }
0xa8: {  	v1 =	vld [tilespmem:$0x160];
	_ =	sdelay $0x7  }
0xa9: {  	[tilespmem:v1+s20+$0x0] =	vst.idx.msk $0xffff, v0  }
0xaa: {  	v1 =	vld [tilespmem:$0x170];
	_ =	sdelay $0x7  }
0xab: {  	[tilespmem:v1+s20+$0x0] =	vst.idx.msk $0xffff, v0  }
0xac: {  	v1 =	vld [tilespmem:$0x180];
	_ =	sdelay $0x7  }
0xad: {  	[tilespmem:v1+s20+$0x0] =	vst.idx.msk $0xffff, v0  }
0xae: {  	[tilespmem:s22], [sflag:$0x1] =	stream.strided.gather [hbm4b:s8+s19], $0x200, s20, s19, $0x38;
	[tilespmem:$0x18B00] =	vst v63  }
0xaf: {  	_ =	swait.ge [sflag:s21], $0x200  }
0xb0: {  	[sflag:s21] =	ssyncset.done $0x0  }
0xb1: {  	s25 =	simm.s32 $0x0;
	s24 =	simm.s32 $0x40;
	[sflag:s21] =	ssyncadd.s32 $0xFFFFFE00  }
.LBB2_8:
0xb2: {  	p0 =	sne.s32 s24, $0x600;
	v1 =	vld [tilespmem:s25+$0x0];
	_ =	sdelay $0x2  }
0xb3: {  	v2 =	vld [tilespmem:s25+$0x200]  }
.Ltmp3:
0xb4: {  	(pc) =	sbr.rel @p0 .LBB2_8-.Ltmp3, $2  }
0xb5: {  	_ =	sdelay $0x2  }
0xb6: {  	s25 =	sshra.s32 s24, $0x2;
	s24 =	sadd.s32 $0x40, s24;
	[tilespmem:v1+s20+$0x0] =	vst.idx.add.f32.msk $0xffff, v2  }
0xb7: {  	v1 =	vld [tilespmem:s25+$0x0];
	_ =	sdelay $0x2  }
0xb8: {  	v2 =	vld [tilespmem:s25+$0x200];
	_ =	sdelay $0x4  }
0xb9: {  	[tilespmem:v1+s20+$0x0] =	vst.idx.add.f32.msk $0xffff, v2  }
0xba: {  	[hbm4b:s9+s19] =	stream.strided.scatter [tilespmem:s20], [sflag:$0x1], $0x18700, s20, s19, $0x38;
	[tilespmem:$0x18B00] =	vst v63  }
0xbb: {  	_ =	swait.ge [sflag:s21], $0x18700  }
0xbc: {  	[sflag:s21] =	ssyncset.done $0x0  }
0xbd: {  	[sflag:s21] =	ssyncadd.s32 $0xFFFE7900  }
0xbe: {  	v1 =	vld [tilespmem:$0x0];
	_ =	sdelay $0x7  }
0xbf: {  	[tilespmem:v1+s20+$0x0] =	vst.idx.msk $0xffff, v0  }
0xc0: {  	v1 =	vld [tilespmem:$0x10];
	_ =	sdelay $0x7  }
0xc1: {  	[tilespmem:v1+s20+$0x0] =	vst.idx.msk $0xffff, v0  }
0xc2: {  	v1 =	vld [tilespmem:$0x20];
	_ =	sdelay $0x7  }
0xc3: {  	[tilespmem:v1+s20+$0x0] =	vst.idx.msk $0xffff, v0  }
0xc4: {  	v1 =	vld [tilespmem:$0x30];
	_ =	sdelay $0x7  }
0xc5: {  	[tilespmem:v1+s20+$0x0] =	vst.idx.msk $0xffff, v0  }
0xc6: {  	v1 =	vld [tilespmem:$0x40];
	_ =	sdelay $0x7  }
0xc7: {  	[tilespmem:v1+s20+$0x0] =	vst.idx.msk $0xffff, v0  }
0xc8: {  	v1 =	vld [tilespmem:$0x50];
	_ =	sdelay $0x7  }
0xc9: {  	[tilespmem:v1+s20+$0x0] =	vst.idx.msk $0xffff, v0  }
0xca: {  	v1 =	vld [tilespmem:$0x60];
	_ =	sdelay $0x7  }
0xcb: {  	[tilespmem:v1+s20+$0x0] =	vst.idx.msk $0xffff, v0  }
0xcc: {  	v1 =	vld [tilespmem:$0x70];
	_ =	sdelay $0x7  }
0xcd: {  	[tilespmem:v1+s20+$0x0] =	vst.idx.msk $0xffff, v0  }
0xce: {  	v1 =	vld [tilespmem:$0x80];
	_ =	sdelay $0x7  }
0xcf: {  	[tilespmem:v1+s20+$0x0] =	vst.idx.msk $0xffff, v0  }
0xd0: {  	v1 =	vld [tilespmem:$0x90];
	_ =	sdelay $0x7  }
0xd1: {  	[tilespmem:v1+s20+$0x0] =	vst.idx.msk $0xffff, v0  }
0xd2: {  	v1 =	vld [tilespmem:$0xA0];
	_ =	sdelay $0x7  }
0xd3: {  	[tilespmem:v1+s20+$0x0] =	vst.idx.msk $0xffff, v0  }
0xd4: {  	v1 =	vld [tilespmem:$0xB0];
	_ =	sdelay $0x7  }
0xd5: {  	[tilespmem:v1+s20+$0x0] =	vst.idx.msk $0xffff, v0  }
0xd6: {  	v1 =	vld [tilespmem:$0xC0];
	_ =	sdelay $0x7  }
0xd7: {  	[tilespmem:v1+s20+$0x0] =	vst.idx.msk $0xffff, v0  }
0xd8: {  	v1 =	vld [tilespmem:$0xD0];
	_ =	sdelay $0x7  }
0xd9: {  	[tilespmem:v1+s20+$0x0] =	vst.idx.msk $0xffff, v0  }
0xda: {  	v1 =	vld [tilespmem:$0xE0];
	_ =	sdelay $0x7  }
0xdb: {  	[tilespmem:v1+s20+$0x0] =	vst.idx.msk $0xffff, v0  }
0xdc: {  	v1 =	vld [tilespmem:$0xF0];
	_ =	sdelay $0x7  }
0xdd: {  	[tilespmem:v1+s20+$0x0] =	vst.idx.msk $0xffff, v0  }
0xde: {  	v1 =	vld [tilespmem:$0x100];
	_ =	sdelay $0x7  }
0xdf: {  	[tilespmem:v1+s20+$0x0] =	vst.idx.msk $0xffff, v0  }
0xe0: {  	v1 =	vld [tilespmem:$0x110];
	_ =	sdelay $0x7  }
0xe1: {  	[tilespmem:v1+s20+$0x0] =	vst.idx.msk $0xffff, v0  }
0xe2: {  	v1 =	vld [tilespmem:$0x120];
	_ =	sdelay $0x7  }
0xe3: {  	[tilespmem:v1+s20+$0x0] =	vst.idx.msk $0xffff, v0  }
0xe4: {  	v1 =	vld [tilespmem:$0x130];
	_ =	sdelay $0x7  }
0xe5: {  	[tilespmem:v1+s20+$0x0] =	vst.idx.msk $0xffff, v0  }
0xe6: {  	v1 =	vld [tilespmem:$0x140];
	_ =	sdelay $0x7  }
0xe7: {  	[tilespmem:v1+s20+$0x0] =	vst.idx.msk $0xffff, v0  }
0xe8: {  	v1 =	vld [tilespmem:$0x150];
	_ =	sdelay $0x7  }
0xe9: {  	[tilespmem:v1+s20+$0x0] =	vst.idx.msk $0xffff, v0  }
0xea: {  	v1 =	vld [tilespmem:$0x160];
	_ =	sdelay $0x7  }
0xeb: {  	[tilespmem:v1+s20+$0x0] =	vst.idx.msk $0xffff, v0  }
0xec: {  	v1 =	vld [tilespmem:$0x170];
	_ =	sdelay $0x7  }
0xed: {  	[tilespmem:v1+s20+$0x0] =	vst.idx.msk $0xffff, v0  }
0xee: {  	v1 =	vld [tilespmem:$0x180];
	_ =	sdelay $0x7  }
0xef: {  	[tilespmem:v1+s20+$0x0] =	vst.idx.msk $0xffff, v0  }
0xf0: {  	[tilespmem:s22], [sflag:$0x1] =	stream.strided.gather [hbm4b:s10+s19], $0x200, s20, s19, $0x38;
	[tilespmem:$0x18B00] =	vst v63  }
0xf1: {  	_ =	swait.ge [sflag:s21], $0x200  }
0xf2: {  	[sflag:s21] =	ssyncset.done $0x0  }
0xf3: {  	s25 =	simm.s32 $0x0;
	s24 =	simm.s32 $0x40;
	[sflag:s21] =	ssyncadd.s32 $0xFFFFFE00  }
.LBB2_10:
0xf4: {  	p0 =	sne.s32 s24, $0x600;
	v1 =	vld [tilespmem:s25+$0x0];
	_ =	sdelay $0x2  }
0xf5: {  	v2 =	vld [tilespmem:s25+$0x200]  }
.Ltmp4:
0xf6: {  	(pc) =	sbr.rel @p0 .LBB2_10-.Ltmp4, $2  }
0xf7: {  	_ =	sdelay $0x2  }
0xf8: {  	s25 =	sshra.s32 s24, $0x2;
	s24 =	sadd.s32 $0x40, s24;
	[tilespmem:v1+s20+$0x0] =	vst.idx.add.f32.msk $0xffff, v2  }
0xf9: {  	v1 =	vld [tilespmem:s25+$0x0];
	_ =	sdelay $0x2  }
0xfa: {  	v2 =	vld [tilespmem:s25+$0x200];
	_ =	sdelay $0x4  }
0xfb: {  	[tilespmem:v1+s20+$0x0] =	vst.idx.add.f32.msk $0xffff, v2  }
0xfc: {  	[hbm4b:s11+s19] =	stream.strided.scatter [tilespmem:s20], [sflag:$0x1], $0x18700, s20, s19, $0x38;
	[tilespmem:$0x18B00] =	vst v63  }
0xfd: {  	_ =	swait.ge [sflag:s21], $0x18700  }
0xfe: {  	[sflag:s21] =	ssyncset.done $0x0  }
0xff: {  	[sflag:s21] =	ssyncadd.s32 $0xFFFE7900  }
0x100: {  	v1 =	vld [tilespmem:$0x0];
	_ =	sdelay $0x7  }
0x101: {  	[tilespmem:v1+s20+$0x0] =	vst.idx.msk $0xffff, v0  }
0x102: {  	v1 =	vld [tilespmem:$0x10];
	_ =	sdelay $0x7  }
0x103: {  	[tilespmem:v1+s20+$0x0] =	vst.idx.msk $0xffff, v0  }
0x104: {  	v1 =	vld [tilespmem:$0x20];
	_ =	sdelay $0x7  }
0x105: {  	[tilespmem:v1+s20+$0x0] =	vst.idx.msk $0xffff, v0  }
0x106: {  	v1 =	vld [tilespmem:$0x30];
	_ =	sdelay $0x7  }
0x107: {  	[tilespmem:v1+s20+$0x0] =	vst.idx.msk $0xffff, v0  }
0x108: {  	v1 =	vld [tilespmem:$0x40];
	_ =	sdelay $0x7  }
0x109: {  	[tilespmem:v1+s20+$0x0] =	vst.idx.msk $0xffff, v0  }
0x10a: {  	v1 =	vld [tilespmem:$0x50];
	_ =	sdelay $0x7  }
0x10b: {  	[tilespmem:v1+s20+$0x0] =	vst.idx.msk $0xffff, v0  }
0x10c: {  	v1 =	vld [tilespmem:$0x60];
	_ =	sdelay $0x7  }
0x10d: {  	[tilespmem:v1+s20+$0x0] =	vst.idx.msk $0xffff, v0  }
0x10e: {  	v1 =	vld [tilespmem:$0x70];
	_ =	sdelay $0x7  }
0x10f: {  	[tilespmem:v1+s20+$0x0] =	vst.idx.msk $0xffff, v0  }
0x110: {  	v1 =	vld [tilespmem:$0x80];
	_ =	sdelay $0x7  }
0x111: {  	[tilespmem:v1+s20+$0x0] =	vst.idx.msk $0xffff, v0  }
0x112: {  	v1 =	vld [tilespmem:$0x90];
	_ =	sdelay $0x7  }
0x113: {  	[tilespmem:v1+s20+$0x0] =	vst.idx.msk $0xffff, v0  }
0x114: {  	v1 =	vld [tilespmem:$0xA0];
	_ =	sdelay $0x7  }
0x115: {  	[tilespmem:v1+s20+$0x0] =	vst.idx.msk $0xffff, v0  }
0x116: {  	v1 =	vld [tilespmem:$0xB0];
	_ =	sdelay $0x7  }
0x117: {  	[tilespmem:v1+s20+$0x0] =	vst.idx.msk $0xffff, v0  }
0x118: {  	v1 =	vld [tilespmem:$0xC0];
	_ =	sdelay $0x7  }
0x119: {  	[tilespmem:v1+s20+$0x0] =	vst.idx.msk $0xffff, v0  }
0x11a: {  	v1 =	vld [tilespmem:$0xD0];
	_ =	sdelay $0x7  }
0x11b: {  	[tilespmem:v1+s20+$0x0] =	vst.idx.msk $0xffff, v0  }
0x11c: {  	v1 =	vld [tilespmem:$0xE0];
	_ =	sdelay $0x7  }
0x11d: {  	[tilespmem:v1+s20+$0x0] =	vst.idx.msk $0xffff, v0  }
0x11e: {  	v1 =	vld [tilespmem:$0xF0];
	_ =	sdelay $0x7  }
0x11f: {  	[tilespmem:v1+s20+$0x0] =	vst.idx.msk $0xffff, v0  }
0x120: {  	v1 =	vld [tilespmem:$0x100];
	_ =	sdelay $0x7  }
0x121: {  	[tilespmem:v1+s20+$0x0] =	vst.idx.msk $0xffff, v0  }
0x122: {  	v1 =	vld [tilespmem:$0x110];
	_ =	sdelay $0x7  }
0x123: {  	[tilespmem:v1+s20+$0x0] =	vst.idx.msk $0xffff, v0  }
0x124: {  	v1 =	vld [tilespmem:$0x120];
	_ =	sdelay $0x7  }
0x125: {  	[tilespmem:v1+s20+$0x0] =	vst.idx.msk $0xffff, v0  }
0x126: {  	v1 =	vld [tilespmem:$0x130];
	_ =	sdelay $0x7  }
0x127: {  	[tilespmem:v1+s20+$0x0] =	vst.idx.msk $0xffff, v0  }
0x128: {  	v1 =	vld [tilespmem:$0x140];
	_ =	sdelay $0x7  }
0x129: {  	[tilespmem:v1+s20+$0x0] =	vst.idx.msk $0xffff, v0  }
0x12a: {  	v1 =	vld [tilespmem:$0x150];
	_ =	sdelay $0x7  }
0x12b: {  	[tilespmem:v1+s20+$0x0] =	vst.idx.msk $0xffff, v0  }
0x12c: {  	v1 =	vld [tilespmem:$0x160];
	_ =	sdelay $0x7  }
0x12d: {  	[tilespmem:v1+s20+$0x0] =	vst.idx.msk $0xffff, v0  }
0x12e: {  	v1 =	vld [tilespmem:$0x170];
	_ =	sdelay $0x7  }
0x12f: {  	[tilespmem:v1+s20+$0x0] =	vst.idx.msk $0xffff, v0  }
0x130: {  	v1 =	vld [tilespmem:$0x180];
	_ =	sdelay $0x7  }
0x131: {  	[tilespmem:v1+s20+$0x0] =	vst.idx.msk $0xffff, v0  }
0x132: {  	[tilespmem:s22], [sflag:$0x1] =	stream.strided.gather [hbm4b:s12+s19], $0x200, s20, s19, $0x38;
	[tilespmem:$0x18B00] =	vst v63  }
0x133: {  	_ =	swait.ge [sflag:s21], $0x200  }
0x134: {  	[sflag:s21] =	ssyncset.done $0x0  }
0x135: {  	s25 =	simm.s32 $0x0;
	s24 =	simm.s32 $0x40;
	[sflag:s21] =	ssyncadd.s32 $0xFFFFFE00  }
.LBB2_12:
0x136: {  	p0 =	sne.s32 s24, $0x600;
	v1 =	vld [tilespmem:s25+$0x0];
	_ =	sdelay $0x2  }
0x137: {  	v2 =	vld [tilespmem:s25+$0x200]  }
.Ltmp5:
0x138: {  	(pc) =	sbr.rel @p0 .LBB2_12-.Ltmp5, $2  }
0x139: {  	_ =	sdelay $0x2  }
0x13a: {  	s25 =	sshra.s32 s24, $0x2;
	s24 =	sadd.s32 $0x40, s24;
	[tilespmem:v1+s20+$0x0] =	vst.idx.add.f32.msk $0xffff, v2  }
0x13b: {  	v1 =	vld [tilespmem:s25+$0x0];
	_ =	sdelay $0x2  }
0x13c: {  	v2 =	vld [tilespmem:s25+$0x200];
	_ =	sdelay $0x4  }
0x13d: {  	[tilespmem:v1+s20+$0x0] =	vst.idx.add.f32.msk $0xffff, v2  }
0x13e: {  	[hbm4b:s13+s19] =	stream.strided.scatter [tilespmem:s20], [sflag:$0x1], $0x18700, s20, s19, $0x38;
	[tilespmem:$0x18B00] =	vst v63  }
0x13f: {  	_ =	swait.ge [sflag:s21], $0x18700  }
0x140: {  	[sflag:s21] =	ssyncset.done $0x0  }
0x141: {  	[sflag:s21] =	ssyncadd.s32 $0xFFFE7900  }
0x142: {  	v1 =	vld [tilespmem:$0x0];
	_ =	sdelay $0x7  }
0x143: {  	[tilespmem:v1+s20+$0x0] =	vst.idx.msk $0xffff, v0  }
0x144: {  	v1 =	vld [tilespmem:$0x10];
	_ =	sdelay $0x7  }
0x145: {  	[tilespmem:v1+s20+$0x0] =	vst.idx.msk $0xffff, v0  }
0x146: {  	v1 =	vld [tilespmem:$0x20];
	_ =	sdelay $0x7  }
0x147: {  	[tilespmem:v1+s20+$0x0] =	vst.idx.msk $0xffff, v0  }
0x148: {  	v1 =	vld [tilespmem:$0x30];
	_ =	sdelay $0x7  }
0x149: {  	[tilespmem:v1+s20+$0x0] =	vst.idx.msk $0xffff, v0  }
0x14a: {  	v1 =	vld [tilespmem:$0x40];
	_ =	sdelay $0x7  }
0x14b: {  	[tilespmem:v1+s20+$0x0] =	vst.idx.msk $0xffff, v0  }
0x14c: {  	v1 =	vld [tilespmem:$0x50];
	_ =	sdelay $0x7  }
0x14d: {  	[tilespmem:v1+s20+$0x0] =	vst.idx.msk $0xffff, v0  }
0x14e: {  	v1 =	vld [tilespmem:$0x60];
	_ =	sdelay $0x7  }
0x14f: {  	[tilespmem:v1+s20+$0x0] =	vst.idx.msk $0xffff, v0  }
0x150: {  	v1 =	vld [tilespmem:$0x70];
	_ =	sdelay $0x7  }
0x151: {  	[tilespmem:v1+s20+$0x0] =	vst.idx.msk $0xffff, v0  }
0x152: {  	v1 =	vld [tilespmem:$0x80];
	_ =	sdelay $0x7  }
0x153: {  	[tilespmem:v1+s20+$0x0] =	vst.idx.msk $0xffff, v0  }
0x154: {  	v1 =	vld [tilespmem:$0x90];
	_ =	sdelay $0x7  }
0x155: {  	[tilespmem:v1+s20+$0x0] =	vst.idx.msk $0xffff, v0  }
0x156: {  	v1 =	vld [tilespmem:$0xA0];
	_ =	sdelay $0x7  }
0x157: {  	[tilespmem:v1+s20+$0x0] =	vst.idx.msk $0xffff, v0  }
0x158: {  	v1 =	vld [tilespmem:$0xB0];
	_ =	sdelay $0x7  }
0x159: {  	[tilespmem:v1+s20+$0x0] =	vst.idx.msk $0xffff, v0  }
0x15a: {  	v1 =	vld [tilespmem:$0xC0];
	_ =	sdelay $0x7  }
0x15b: {  	[tilespmem:v1+s20+$0x0] =	vst.idx.msk $0xffff, v0  }
0x15c: {  	v1 =	vld [tilespmem:$0xD0];
	_ =	sdelay $0x7  }
0x15d: {  	[tilespmem:v1+s20+$0x0] =	vst.idx.msk $0xffff, v0  }
0x15e: {  	v1 =	vld [tilespmem:$0xE0];
	_ =	sdelay $0x7  }
0x15f: {  	[tilespmem:v1+s20+$0x0] =	vst.idx.msk $0xffff, v0  }
0x160: {  	v1 =	vld [tilespmem:$0xF0];
	_ =	sdelay $0x7  }
0x161: {  	[tilespmem:v1+s20+$0x0] =	vst.idx.msk $0xffff, v0  }
0x162: {  	v1 =	vld [tilespmem:$0x100];
	_ =	sdelay $0x7  }
0x163: {  	[tilespmem:v1+s20+$0x0] =	vst.idx.msk $0xffff, v0  }
0x164: {  	v1 =	vld [tilespmem:$0x110];
	_ =	sdelay $0x7  }
0x165: {  	[tilespmem:v1+s20+$0x0] =	vst.idx.msk $0xffff, v0  }
0x166: {  	v1 =	vld [tilespmem:$0x120];
	_ =	sdelay $0x7  }
0x167: {  	[tilespmem:v1+s20+$0x0] =	vst.idx.msk $0xffff, v0  }
0x168: {  	v1 =	vld [tilespmem:$0x130];
	_ =	sdelay $0x7  }
0x169: {  	[tilespmem:v1+s20+$0x0] =	vst.idx.msk $0xffff, v0  }
0x16a: {  	v1 =	vld [tilespmem:$0x140];
	_ =	sdelay $0x7  }
0x16b: {  	[tilespmem:v1+s20+$0x0] =	vst.idx.msk $0xffff, v0  }
0x16c: {  	v1 =	vld [tilespmem:$0x150];
	_ =	sdelay $0x7  }
0x16d: {  	[tilespmem:v1+s20+$0x0] =	vst.idx.msk $0xffff, v0  }
0x16e: {  	v1 =	vld [tilespmem:$0x160];
	_ =	sdelay $0x7  }
0x16f: {  	[tilespmem:v1+s20+$0x0] =	vst.idx.msk $0xffff, v0  }
0x170: {  	v1 =	vld [tilespmem:$0x170];
	_ =	sdelay $0x7  }
0x171: {  	[tilespmem:v1+s20+$0x0] =	vst.idx.msk $0xffff, v0  }
0x172: {  	v1 =	vld [tilespmem:$0x180];
	_ =	sdelay $0x7  }
0x173: {  	[tilespmem:v1+s20+$0x0] =	vst.idx.msk $0xffff, v0  }
0x174: {  	[tilespmem:s22], [sflag:$0x1] =	stream.strided.gather [hbm4b:s14+s19], $0x200, s20, s19, $0x38;
	[tilespmem:$0x18B00] =	vst v63  }
0x175: {  	_ =	swait.ge [sflag:s21], $0x200  }
0x176: {  	[sflag:s21] =	ssyncset.done $0x0  }
0x177: {  	s25 =	simm.s32 $0x0;
	s24 =	simm.s32 $0x40;
	[sflag:s21] =	ssyncadd.s32 $0xFFFFFE00  }
.LBB2_14:
0x178: {  	p0 =	sne.s32 s24, $0x600;
	v1 =	vld [tilespmem:s25+$0x0];
	_ =	sdelay $0x2  }
0x179: {  	v2 =	vld [tilespmem:s25+$0x200]  }
.Ltmp6:
0x17a: {  	(pc) =	sbr.rel @p0 .LBB2_14-.Ltmp6, $2  }
0x17b: {  	_ =	sdelay $0x2  }
0x17c: {  	s25 =	sshra.s32 s24, $0x2;
	s24 =	sadd.s32 $0x40, s24;
	[tilespmem:v1+s20+$0x0] =	vst.idx.add.f32.msk $0xffff, v2  }
0x17d: {  	v1 =	vld [tilespmem:s25+$0x0];
	_ =	sdelay $0x2  }
0x17e: {  	v2 =	vld [tilespmem:s25+$0x200];
	_ =	sdelay $0x4  }
0x17f: {  	[tilespmem:v1+s20+$0x0] =	vst.idx.add.f32.msk $0xffff, v2  }
0x180: {  	[hbm4b:s15+s19] =	stream.strided.scatter [tilespmem:s20], [sflag:$0x1], $0x18700, s20, s19, $0x38;
	[tilespmem:$0x18B00] =	vst v63  }
0x181: {  	_ =	swait.ge [sflag:s21], $0x18700  }
0x182: {  	[sflag:s21] =	ssyncset.done $0x0  }
0x183: {  	[sflag:s21] =	ssyncadd.s32 $0xFFFE7900  }
0x184: {  	v1 =	vld [tilespmem:$0x0];
	_ =	sdelay $0x7  }
0x185: {  	[tilespmem:v1+s20+$0x0] =	vst.idx.msk $0xffff, v0  }
0x186: {  	v1 =	vld [tilespmem:$0x10];
	_ =	sdelay $0x7  }
0x187: {  	[tilespmem:v1+s20+$0x0] =	vst.idx.msk $0xffff, v0  }
0x188: {  	v1 =	vld [tilespmem:$0x20];
	_ =	sdelay $0x7  }
0x189: {  	[tilespmem:v1+s20+$0x0] =	vst.idx.msk $0xffff, v0  }
0x18a: {  	v1 =	vld [tilespmem:$0x30];
	_ =	sdelay $0x7  }
0x18b: {  	[tilespmem:v1+s20+$0x0] =	vst.idx.msk $0xffff, v0  }
0x18c: {  	v1 =	vld [tilespmem:$0x40];
	_ =	sdelay $0x7  }
0x18d: {  	[tilespmem:v1+s20+$0x0] =	vst.idx.msk $0xffff, v0  }
0x18e: {  	v1 =	vld [tilespmem:$0x50];
	_ =	sdelay $0x7  }
0x18f: {  	[tilespmem:v1+s20+$0x0] =	vst.idx.msk $0xffff, v0  }
0x190: {  	v1 =	vld [tilespmem:$0x60];
	_ =	sdelay $0x7  }
0x191: {  	[tilespmem:v1+s20+$0x0] =	vst.idx.msk $0xffff, v0  }
0x192: {  	v1 =	vld [tilespmem:$0x70];
	_ =	sdelay $0x7  }
0x193: {  	[tilespmem:v1+s20+$0x0] =	vst.idx.msk $0xffff, v0  }
0x194: {  	v1 =	vld [tilespmem:$0x80];
	_ =	sdelay $0x7  }
0x195: {  	[tilespmem:v1+s20+$0x0] =	vst.idx.msk $0xffff, v0  }
0x196: {  	v1 =	vld [tilespmem:$0x90];
	_ =	sdelay $0x7  }
0x197: {  	[tilespmem:v1+s20+$0x0] =	vst.idx.msk $0xffff, v0  }
0x198: {  	v1 =	vld [tilespmem:$0xA0];
	_ =	sdelay $0x7  }
0x199: {  	[tilespmem:v1+s20+$0x0] =	vst.idx.msk $0xffff, v0  }
0x19a: {  	v1 =	vld [tilespmem:$0xB0];
	_ =	sdelay $0x7  }
0x19b: {  	[tilespmem:v1+s20+$0x0] =	vst.idx.msk $0xffff, v0  }
0x19c: {  	v1 =	vld [tilespmem:$0xC0];
	_ =	sdelay $0x7  }
0x19d: {  	[tilespmem:v1+s20+$0x0] =	vst.idx.msk $0xffff, v0  }
0x19e: {  	v1 =	vld [tilespmem:$0xD0];
	_ =	sdelay $0x7  }
0x19f: {  	[tilespmem:v1+s20+$0x0] =	vst.idx.msk $0xffff, v0  }
0x1a0: {  	v1 =	vld [tilespmem:$0xE0];
	_ =	sdelay $0x7  }
0x1a1: {  	[tilespmem:v1+s20+$0x0] =	vst.idx.msk $0xffff, v0  }
0x1a2: {  	v1 =	vld [tilespmem:$0xF0];
	_ =	sdelay $0x7  }
0x1a3: {  	[tilespmem:v1+s20+$0x0] =	vst.idx.msk $0xffff, v0  }
0x1a4: {  	v1 =	vld [tilespmem:$0x100];
	_ =	sdelay $0x7  }
0x1a5: {  	[tilespmem:v1+s20+$0x0] =	vst.idx.msk $0xffff, v0  }
0x1a6: {  	v1 =	vld [tilespmem:$0x110];
	_ =	sdelay $0x7  }
0x1a7: {  	[tilespmem:v1+s20+$0x0] =	vst.idx.msk $0xffff, v0  }
0x1a8: {  	v1 =	vld [tilespmem:$0x120];
	_ =	sdelay $0x7  }
0x1a9: {  	[tilespmem:v1+s20+$0x0] =	vst.idx.msk $0xffff, v0  }
0x1aa: {  	v1 =	vld [tilespmem:$0x130];
	_ =	sdelay $0x7  }
0x1ab: {  	[tilespmem:v1+s20+$0x0] =	vst.idx.msk $0xffff, v0  }
0x1ac: {  	v1 =	vld [tilespmem:$0x140];
	_ =	sdelay $0x7  }
0x1ad: {  	[tilespmem:v1+s20+$0x0] =	vst.idx.msk $0xffff, v0  }
0x1ae: {  	v1 =	vld [tilespmem:$0x150];
	_ =	sdelay $0x7  }
0x1af: {  	[tilespmem:v1+s20+$0x0] =	vst.idx.msk $0xffff, v0  }
0x1b0: {  	v1 =	vld [tilespmem:$0x160];
	_ =	sdelay $0x7  }
0x1b1: {  	[tilespmem:v1+s20+$0x0] =	vst.idx.msk $0xffff, v0  }
0x1b2: {  	v1 =	vld [tilespmem:$0x170];
	_ =	sdelay $0x7  }
0x1b3: {  	[tilespmem:v1+s20+$0x0] =	vst.idx.msk $0xffff, v0  }
0x1b4: {  	v1 =	vld [tilespmem:$0x180];
	_ =	sdelay $0x7  }
0x1b5: {  	[tilespmem:v1+s20+$0x0] =	vst.idx.msk $0xffff, v0  }
0x1b6: {  	[tilespmem:s22], [sflag:$0x1] =	stream.strided.gather [hbm4b:s16+s19], $0x200, s20, s19, $0x38;
	[tilespmem:$0x18B00] =	vst v63  }
0x1b7: {  	_ =	swait.ge [sflag:s21], $0x200  }
0x1b8: {  	[sflag:s21] =	ssyncset.done $0x0  }
0x1b9: {  	s25 =	simm.s32 $0x0;
	s24 =	simm.s32 $0x40;
	[sflag:s21] =	ssyncadd.s32 $0xFFFFFE00  }
.LBB2_16:
0x1ba: {  	p0 =	sne.s32 s24, $0x600;
	v1 =	vld [tilespmem:s25+$0x0];
	_ =	sdelay $0x2  }
0x1bb: {  	v2 =	vld [tilespmem:s25+$0x200]  }
.Ltmp7:
0x1bc: {  	(pc) =	sbr.rel @p0 .LBB2_16-.Ltmp7, $2  }
0x1bd: {  	_ =	sdelay $0x2  }
0x1be: {  	s25 =	sshra.s32 s24, $0x2;
	s24 =	sadd.s32 $0x40, s24;
	[tilespmem:v1+s20+$0x0] =	vst.idx.add.f32.msk $0xffff, v2  }
0x1bf: {  	v1 =	vld [tilespmem:s25+$0x0];
	_ =	sdelay $0x2  }
0x1c0: {  	v2 =	vld [tilespmem:s25+$0x200];
	_ =	sdelay $0x2  }
0x1c1: {  	s23 =	sadd.s32 $0x1, s23  }
0x1c2: {  	p0 =	sne.s32 s23, s18  }
.Ltmp8:
0x1c3: {  	[tilespmem:v1+s20+$0x0] =	vst.idx.add.f32.msk $0xffff, v2;
	(pc) =	sbr.rel @p0 .LBB2_1-.Ltmp8, $4  }
0x1c4: {  	[hbm4b:s17+s19] =	stream.strided.scatter [tilespmem:s20], [sflag:$0x1], $0x18700, s20, s19, $0x38;
	[tilespmem:$0x18B00] =	vst v63  }
0x1c5: {  	_ =	swait.ge [sflag:s21], $0x18700  }
0x1c6: {  	[sflag:s21] =	ssyncset.done $0x0  }
0x1c7: {  	[sflag:s21] =	ssyncadd.s32 $0xFFFE7900  }
0x1c8: {  	_ =	sfence.sel $0x180000  }
0x1c9: {  	[bflag:$0x0] =	sbarrier.arrive $0xFFFF  }
0x1ca: {  	p0 =	sne.s32 s1, $0x0;
	_ =	strace $0x9000004A  }
0x1cb: {  	s0 =	sadd.s32 @!p0 $0x100000, s0;
	[bflag:$0x2] =	sbarrier.arrive $0xFFFF  }
0x1cc: {  	[sflag:s0] =	ssyncadd.tile.s32 @!p0 $0x1;
	_ =	shalt  }
.Lfunc_end2:
_tile_overlayer_lowered:
.L_overlay_start_2:
0x1cd: {  	(tag) =	ssettag $0x2  }
0x1ce: {  	s0 =	rddreg [dreg:$0x0];
	s2 =	stileid.u32  }
0x1cf: {  	s1 =	rddreg [dreg:$0x1];
	p0 =	sne.s32 s2, $0x0  }
0x1d0: {  	s3 =	rddreg [dreg:$0x2];
	[bflag:$0x3] =	sbarrier.arrive $0xFFFF;
	s2 =	simm.s32 @!p0 $0x1C01  }
0x1d1: {  	[timem:s3], [sflag:s2] =	dma.local @!p0 [hbm:s0], s1  }
0x1d2: {  	s0 =	simm.s32 @!p0 $0x1  }
0x1d3: {  	_ =	swait.ge @!p0 [sflag:s0], s1  }
0x1d4: {  	s1 =	ssub.s32 @!p0 $0x0, s1;
	[sflag:s0] =	ssyncset.done @!p0 $0x0  }
0x1d5: {  	[sflag:s0] =	ssyncadd.s32 @!p0 s1  }
0x1d6: {  	[bflag:$0x3] =	sbarrier.arrive $0xFFFF  }
0x1d7: {  	_ =	shalt  }

// kernel: kernel.8.cloned.1.call-start
scs
__scs_entry_jumppad:
0x0: {  	(pc) =	sbr.rel $0x88, $3  }
0x1: {  	(tag) =	ssettag $0x0;
	lr =	simm.s32 $0x1  }
0x2: {  	[smem:$0x3F82] =	sst lr;
	_ =	strace $0xD0000000  }
0x3: {  	_ = 	snop  }
0x4: {  	_ = 	snop  }
0x5: {  	_ = 	snop  }
0x6: {  	_ = 	snop  }
0x7: {  	_ = 	snop  }
__scs_overlays_trampoline_lowered:
0x8: {  	[smem:$0x3F91] =	sst s0  }
0x9: {  	[smem:$0x3F92] =	sst s1  }
0xa: {  	[smem:$0x3F93] =	sst s2  }
0xb: {  	[smem:$0x3F94] =	sst s3  }
0xc: {  	[smem:$0x3F95] =	sst s4  }
0xd: {  	[smem:$0x3F96] =	sst s5  }
0xe: {  	[smem:$0x3F97] =	sst s6  }
0xf: {  	[smem:$0x3F98] =	sst s7  }
0x10: {  	[smem:$0x3F99] =	sst s8  }
0x11: {  	[smem:$0x3F9A] =	sst s9;
	s0 =	simm.s32 @!p0 $0x0  }
0x12: {  	s1 =	sld [smem:$0x3F80];
	s0 =	simm.s32 @p0 $0x1  }
0x13: {  	[smem:$0x3F9B] =	sst s0;
	s0 =	simm.s32 @!p1 $0x0  }
0x14: {  	s2 =	sld [smem:$0x3F7F];
	s0 =	simm.s32 @p1 $0x1  }
0x15: {  	[smem:$0x3F9C] =	sst s0;
	s0 =	simm.s32 @!p2 $0x0  }
0x16: {  	s3 =	sld [smem:$0x3FDB];
	s0 =	simm.s32 @p2 $0x1  }
0x17: {  	s4 =	simm.s32 $0x1BF5;
	[smem:$0x3F9E] =	sst s0  }
0x18: {  	s0 =	sld [smem:$0x3F81];
	_ =	swait.ge [sflag:s4], $0x0  }
0x19: {  	s7 =	sld [smem:$0x3F82]  }
0x1a: {  	s8 =	sadd.s32 $0xFFFFE003, lr  }
0x1b: {  	s9 =	sadd.s32 $0xFFFFFEF7, lr;
	s5 =	simm.s32 $0xFFFFFFFF;
	p2 =	slt.u32 s8, $0xFFFFF086  }
0x1c: {  	p1 =	slt.u32 s9, $0xF7A;
	s5 =	simm.s32 @!p2 $0x0  }
0x1d: {  	s5 =	simm.s32 @p1 $0x1;
	p0 =	seq.s32 s7, s2  }
0x1e: {  	s7 =	smul.u32 @!p0 $0xF7A, s2;
	p2 =	seq.s32 @!p0 s5, $0x0  }
0x1f: {  	s9 =	smul.u32 $0xF7A, s1;
	s8 =	simm.s32 @!p0 $0x1BF5;
	p2 =	por !p2, p0  }
0x20: {  	[sflag:s8] =	ssyncset.s32 @!p0 $0xFFFFF086;
	s6 =	sadd.s32 @!p0 s3, s7;
	s7 =	simm.s32 @!p0 $0x108  }
0x21: {  	s3 =	sadd.s32 s3, s9;
	s6 =	sadd.s32 @!p0 $0x88, s6;
	s7 =	simm.s32 @p2 $0x1082  }
0x22: {  	[simem:s7], [sflag:s8] =	dma.local @!p0 [hbm:s6], $0xF7A  }
0x23: {  	s9 =	sor.u32 $0xD0000000, s2;
	s6 =	simm.s32 $0x108;
	_ =	swait.ge @!p0 [sflag:s8], $0x0  }
0x24: {  	s3 =	sadd.s32 $0x88, s3;
	s6 =	simm.s32 @!p1 $0x1082;
	[sflag:s4] =	ssyncset.s32 $0xFFFFF086  }
0x25: {  	[simem:s6], [sflag:s4] =	dma.local [hbm:s3], $0xF7A  }
0x26: {  	[smem:$0x3F82] =	sst s1;
	(tag) =	ssettag s2;
	_ =	strace s9  }
0x27: {  	s1 =	sld [smem:$0x3F92]  }
0x28: {  	s2 =	sld [smem:$0x3F93]  }
0x29: {  	s4 =	sld [smem:$0x3F95]  }
0x2a: {  	p0 =	seq.s32 s5, $0x0;
	s5 =	sld [smem:$0x3F96]  }
0x2b: {  	s6 =	sld [smem:$0x3F97]  }
0x2c: {  	s7 =	sld [smem:$0x3F98]  }
0x2d: {  	s3 =	simm.s32 $0x108;
	s8 =	sld [smem:$0x3F99]  }
0x2e: {  	s3 =	simm.s32 @!p0 $0x1082;
	s9 =	sld [smem:$0x3F9A]  }
0x2f: {  	lr =	sadd.s32 s0, s3;
	s0 =	sld [smem:$0x3F91]  }
0x30: {  	s3 =	sld [smem:$0x3F94]  }
0x31: {  	[smem:$0x3F9D] =	sst s10  }
0x32: {  	s10 =	sld [smem:$0x3F9B];
	_ =	sdelay $0x3  }
0x33: {  	p0 =	seq.s32 s10, $0x1;
	s10 =	sld [smem:$0x3F9D];
	_ =	sdelay $0x3  }
0x34: {  	[smem:$0x3F9D] =	sst s10  }
0x35: {  	s10 =	sld [smem:$0x3F9C];
	_ =	sdelay $0x3  }
0x36: {  	p1 =	seq.s32 s10, $0x1;
	s10 =	sld [smem:$0x3F9D];
	_ =	sdelay $0x3  }
0x37: {  	[smem:$0x3F9D] =	sst s10  }
0x38: {  	s10 =	sld [smem:$0x3F9E]  }
0x39: {  	_ = 	snop;
	(pc) =	sbr.ind lr, $3  }
0x3a: {  	_ = 	snop  }
0x3b: {  	_ = 	snop  }
0x3c: {  	p2 =	seq.s32 s10, $0x1;
	s10 =	sld [smem:$0x3F9D]  }
0x3d: {  	_ =	shalt  }
0x3e: {  	_ =	shalt  }
0x3f: {  	_ =	shalt  }
0x40: {  	_ =	shalt  }
0x41: {  	_ =	shalt  }
0x42: {  	_ =	shalt  }
0x43: {  	_ =	shalt  }
0x44: {  	_ =	shalt  }
0x45: {  	_ =	shalt  }
0x46: {  	_ =	shalt  }
0x47: {  	_ =	shalt  }
0x48: {  	_ =	shalt  }
0x49: {  	_ =	shalt  }
0x4a: {  	_ =	shalt  }
0x4b: {  	_ =	shalt  }
0x4c: {  	_ =	shalt  }
0x4d: {  	_ =	shalt  }
0x4e: {  	_ =	shalt  }
0x4f: {  	_ =	shalt  }
0x50: {  	_ =	shalt  }
0x51: {  	_ =	shalt  }
0x52: {  	_ =	shalt  }
0x53: {  	_ =	shalt  }
0x54: {  	_ =	shalt  }
0x55: {  	_ =	shalt  }
0x56: {  	_ =	shalt  }
0x57: {  	_ =	shalt  }
0x58: {  	_ =	shalt  }
0x59: {  	_ =	shalt  }
0x5a: {  	_ =	shalt  }
0x5b: {  	_ =	shalt  }
0x5c: {  	_ =	shalt  }
0x5d: {  	_ =	shalt  }
0x5e: {  	_ =	shalt  }
0x5f: {  	_ =	shalt  }
0x60: {  	_ =	shalt  }
0x61: {  	_ =	shalt  }
0x62: {  	_ =	shalt  }
0x63: {  	_ =	shalt  }
0x64: {  	_ =	shalt  }
0x65: {  	_ =	shalt  }
0x66: {  	_ =	shalt  }
0x67: {  	_ =	shalt  }
0x68: {  	_ =	shalt  }
0x69: {  	_ =	shalt  }
0x6a: {  	_ =	shalt  }
0x6b: {  	_ =	shalt  }
0x6c: {  	_ =	shalt  }
0x6d: {  	_ =	shalt  }
0x6e: {  	_ =	shalt  }
0x6f: {  	_ =	shalt  }
0x70: {  	_ =	shalt  }
0x71: {  	_ =	shalt  }
0x72: {  	_ =	shalt  }
0x73: {  	_ =	shalt  }
0x74: {  	_ =	shalt  }
0x75: {  	_ =	shalt  }
0x76: {  	_ =	shalt  }
0x77: {  	_ =	shalt  }
0x78: {  	_ =	shalt  }
0x79: {  	_ =	shalt  }
0x7a: {  	_ =	shalt  }
0x7b: {  	_ =	shalt  }
0x7c: {  	_ =	shalt  }
0x7d: {  	_ =	shalt  }
0x7e: {  	_ =	shalt  }
0x7f: {  	_ =	shalt  }
0x80: {  	_ =	shalt  }
0x81: {  	_ =	shalt  }
0x82: {  	_ =	shalt  }
0x83: {  	_ =	shalt  }
0x84: {  	_ =	shalt  }
0x85: {  	_ =	shalt  }
0x86: {  	_ =	shalt  }
0x87: {  	_ =	shalt  }
.Lfunc_end0:
.L_simem_size_0:
called_computation_lowered:
.L_overlay_start_0:
0x88: {  	s2 =	sld [smem:$0x3FD9]  }
0x89: {  	s3 =	sld [smem:$0x3FFE];
	_ =	sdelay $0x1  }
0x8a: {  	s1 =	srdreg.scid  }
0x8b: {  	s0 =	sand.u32 $0x1, s1  }
0x8c: {  	s14 =	sshll.u32 s0, $0xA;
	s2 =	sadd.s32 s3, s2  }
0x8d: {  	s2 =	sadd.s32 s2, s14  }
0x8e: {  	[smem:$0x3FA9] =	sst s2  }
0x8f: {  	_ = 	snop  }
0x90: {  	s2 =	sld [smem:$0x3FD0];
	_ =	sdelay $0x2  }
0x91: {  	s4 =	simm.s32 $0xA;
	s5 =	simm.s32 $0x10;
	s15 =	sld [smem:$0x3FBB]  }
0x92: {  	[smem:s5], [sflag:s4] =	dma.local [hbm:s2], $0x1  }
0x93: {  	_ =	swait.eq [sflag:s4], $0x1  }
0x94: {  	[sflag:s4] =	ssyncset.done $0x0  }
0x95: {  	[sflag:s4] =	ssyncadd.s32 $0xFFFFFFFF  }
0x96: {  	s16 =	sld [smem:$0x10];
	(tm) =	ssettm $0x1  }
0x97: {  	s17 =	sld [smem:$0x3FFB];
	_ =	sdelay $0x3  }
0x98: {  	_ =	strace s17  }
0x99: {  	s4 =	sld [smem:$0x3FFC];
	_ =	sdelay $0x3  }
0x9a: {  	_ =	strace s4  }
0x9b: {  	s4 =	sld [smem:$0x3FFD];
	_ =	sdelay $0x3  }
0x9c: {  	_ =	strace s4  }
0x9d: {  	_ =	strace $0x8FFFFFFF  }
0x9e: {  	s18 =	sld [smem:$0x3FDB];
	_ =	sdelay $0x1  }
0x9f: {  	s19 =	simm.s32 $_scs_section_size  }
0xa0: {  	s6 =	simm.s32 $_size__tile_overlayer_lowered;
	s7 =	simm.s32 $_tile_overlayer_lowered  }
0xa1: {  	s22 =	simm.s32 $0x1BFF;
	s21 =	sshll.u32 s7, $0x1;
	s4 =	sadd.s32 s19, s18  }
0xa2: {  	s8 =	simm.s32 $0x0;
	s20 =	sshll.u32 s6, $0x1;
	s6 =	sadd.s32 s21, s4  }
0xa3: {  	[timem:s8], [sflag:s22] =	dma.local [hbm:s6], s20  }
0xa4: {  	_ =	swait.ge [sflag:s22], s20  }
0xa5: {  	s5 =	ssub.s32 $0x0, s20;
	[sflag:s22] =	ssyncset.done $0x0  }
0xa6: {  	[sflag:s22] =	ssyncadd.s32 s5;
	_ =	sdelay $0x1  }
0xa7: {  	s23 =	simm.s32 $0x1B8B  }
0xa8: {  	_ =	swait.ge [sflag:s23], $0x1  }
0xa9: {  	[sflag:s23] =	ssyncset.done $0x0  }
0xaa: {  	s25 =	simm.s32 $0x1B8E;
	s24 =	sld [smem:$0x3FFE];
	[sflag:s23] =	ssyncadd.s32 $0xFFFFFFFF  }
0xab: {  	s26 =	simm.s32 $execute0_lowered;
	[smem:$0x3FD2] =	sst s25  }
0xac: {  	s6 =	sshll.u32 s26, $0x1;
	_ =	strace $0x80000046;
	[dreg:$0x1] =	wrdreg $0xFFFFFFFF  }
0xad: {  	s28 =	simm.s32 $_size_execute0_lowered;
	s4 =	sadd.s32 s4, s6;
	[dreg:$0x0] =	wrdreg $0x0  }
0xae: {  	s6 =	sshll.u32 s28, $0x1;
	[dreg:$0x2] =	wrdreg s4  }
0xaf: {  	[dreg:$0x3] =	wrdreg s6  }
0xb0: {  	[dreg:$0x4] =	wrdreg $0xC0  }
0xb1: {  	_ =	task [dreg:s8], $0x5FFFF  }
0xb2: {  	[dreg:$0x1] =	wrdreg $0xFFFFFFFF  }
0xb3: {  	[dreg:$0x0] =	wrdreg $0x60  }
0xb4: {  	[dreg:$0x2] =	wrdreg s15  }
0xb5: {  	[dreg:$0x3] =	wrdreg s24  }
0xb6: {  	[dreg:$0x4] =	wrdreg s16  }
0xb7: {  	[dreg:$0x5] =	wrdreg $0x9  }
0xb8: {  	_ =	task.clear_ibuf [dreg:s8], $0x6FFFF;
	_ =	strace $0x90000046  }
0xb9: {  	s29 =	simm.s32 $0x9;
	_ =	strace $0x80000048  }
0xba: {  	_ =	swait.ge [sflag:s29], $0x1  }
0xbb: {  	[sflag:s29] =	ssyncadd.s32 $0xFFFFFFFF  }
0xbc: {  	_ =	strace $0x90000048  }
0xbd: {  	_ =	sfence  }
0xbe: {  	s30 =	sld [smem:$0x0];
	_ =	sdelay $0x2  }
0xbf: {  	s31 =	sshll.u32 s1, $0xD;
	s1 =	sshrl.u32 s1, $0x2  }
0xc0: {  	s3 =	sand.u32 $0x4000, s31;
	s1 =	sadd.s32 s1, s30  }
0xc1: {  	s0 =	sor.u32 s3, s0;
	s1 =	sshll.u32 s1, $0x11  }
0xc2: {  	s0 =	sor.u32 s1, s0  }
0xc3: {  	s0 =	sadd.s32 $0x8F2B, s0  }
0xc4: {  	[sflag:s0] =	ssyncadd.remote.s32 $0x1  }
0xc5: {  	_ =	sfence.sel $0xFFFF  }
0xc6: {  	[dreg:$0x0] =	wrdreg $0xFFFFFFFF;
	(pc) =	sbr.abs _section_cstart, $3  }
0xc7: {  	[dreg:$0x1] =	wrdreg $0xFFFFFFFF  }
0xc8: {  	_ =	task.clear_ibuf [dreg:s8], $0x2FFFF;
	_ =	strace $0x9FFFFFFF  }
0xc9: {  	(tm) =	ssettm $0x7FFFFFFF  }
tec
execute0_lowered:
.L_overlay_start_1:
0x0: {  	(tag) =	ssettag $0x1  }
0x1: {  	s1 =	srdreg.scid;
	s0 =	stileid.u32  }
0x2: {  	s2 =	rddreg [dreg:$0x0];
	s6 =	sand.u32 $0x1, s1;
	s30 =	sshll.u32 s0, $0x1  }
0x3: {  	s4 =	rddreg [dreg:$0x1];
	s9 =	sor.u32 s6, s30  }
0x4: {  	s10 =	rddreg [dreg:$0x2];
	s3 =	simm.s32 $0x0;
	s5 =	smul.u32 $0x33, s9  }
0x5: {  	[smem:$0x7FF] =	sst s3  }
0x6: {  	s1 =	rddreg [dreg:$0x3];
	_ =	strace $0x80000047;
	s4 =	sadd.s32 s5, s4  }
0x7: {  	s11 =	ssub.s32 $0x2, s6;
	s5 =	sadd.s32 $0x4400, s4;
	s4 =	simm.s32 $0x2  }
0x8: {  	[tilespmem:s3], [sflag:$0x2] =	stream.linear.gather [hbm4b:s5+s3], $0x198, $0x38;
	[tilespmem:$0xCE00] =	vst v63  }
0x9: {  	s7 =	simm.s32 $0x200;
	s12 =	sshrl.u32 s11, $0x1;
	_ =	swait.ge [sflag:s4], $0x198  }
0xa: {  	s8 =	simm.s32 $0x1;
	s11 =	ssub.s32 s11, s12;
	[sflag:s4] =	ssyncset.done $0x0  }
0xb: {  	s6 =	simm.s32 $0x198;
	s31 =	smax.u32 s11, $0x1;
	[sflag:s4] =	ssyncadd.s32 $0xFFFFFE68  }
0xc: {  	[tilespmem:s7], [sflag:$0x1] =	stream.indirect.gather [hbm4b:s2+s6], $0x80, s3, s6, $0xb8;
	[tilespmem:$0xCE00] =	vst v63  }
0xd: {  	s9 =	smul.u32 $0x1980, s9;
	p0 =	sne.s32 s31, $0x1;
	_ =	swait.ge [sflag:s8], $0xCC00  }
.Ltmp0:
0xe: {  	[sflag:s8] =	ssyncset.done $0x0;
	(pc) =	sbr.rel @!p0 .LBB2_2-.Ltmp0, $4  }
0xf: {  	s9 =	sadd.s32 s10, s9;
	[sflag:s8] =	ssyncadd.s32 $0xFFFF3400  }
0x10: {  	[hbm4b:s9+s3] =	stream.linear.scatter [tilespmem:s7], [sflag:$0x2], $0xCC00, $0x38;
	[tilespmem:$0xCE00] =	vst v63  }
0x11: {  	_ =	swait.ge [sflag:s4], $0xCC00  }
0x12: {  	s10 =	sadd.s32 $0xFFFFFFFF, s31;
	[sflag:s4] =	ssyncset.done $0x0  }
.LBB2_1:
0x13: {  	p0 =	sne.s32 s10, $0x1;
	s10 =	sadd.s32 $0xFFFFFFFF, s10;
	[sflag:s4] =	ssyncadd.s32 $0xFFFF3400  }
0x14: {  	[tilespmem:s3], [sflag:$0x2] =	stream.linear.gather [hbm4b:s5+s3], $0x198, $0x38;
	[tilespmem:$0xCE00] =	vst v63  }
0x15: {  	_ =	swait.ge [sflag:s4], $0x198  }
0x16: {  	[sflag:s4] =	ssyncset.done $0x0  }
0x17: {  	[sflag:s4] =	ssyncadd.s32 $0xFFFFFE68  }
0x18: {  	[tilespmem:s7], [sflag:$0x1] =	stream.indirect.gather [hbm4b:s2+s6], $0x80, s3, s6, $0xb8;
	[tilespmem:$0xCE00] =	vst v63  }
0x19: {  	_ =	swait.ge [sflag:s8], $0xCC00  }
.Ltmp1:
0x1a: {  	[sflag:s8] =	ssyncset.done $0x0;
	(pc) =	sbr.rel @p0 .LBB2_1-.Ltmp1, $4  }
0x1b: {  	[sflag:s8] =	ssyncadd.s32 $0xFFFF3400  }
0x1c: {  	[hbm4b:s9+s3] =	stream.linear.scatter [tilespmem:s7], [sflag:$0x2], $0xCC00, $0x38;
	[tilespmem:$0xCE00] =	vst v63  }
0x1d: {  	_ =	swait.ge [sflag:s4], $0xCC00  }
0x1e: {  	[sflag:s4] =	ssyncset.done $0x0  }
.LBB2_2:
0x1f: {  	[sflag:s4] =	ssyncadd.s32 $0xFFFF3400  }
0x20: {  	_ =	sfence.sel $0x180000  }
0x21: {  	[bflag:$0x0] =	sbarrier.arrive $0xFFFF  }
0x22: {  	p0 =	sne.s32 s0, $0x0;
	_ =	strace $0x90000047  }
0x23: {  	s0 =	sadd.s32 @!p0 $0x100000, s1;
	[bflag:$0x2] =	sbarrier.arrive $0xFFFF  }
0x24: {  	[sflag:s0] =	ssyncadd.tile.s32 @!p0 $0x1;
	_ =	shalt  }
.Lfunc_end2:
_tile_overlayer_lowered:
.L_overlay_start_2:
0x25: {  	(tag) =	ssettag $0x2  }
0x26: {  	s0 =	rddreg [dreg:$0x0];
	s2 =	stileid.u32  }
0x27: {  	s1 =	rddreg [dreg:$0x1];
	p0 =	sne.s32 s2, $0x0  }
0x28: {  	s3 =	rddreg [dreg:$0x2];
	[bflag:$0x3] =	sbarrier.arrive $0xFFFF;
	s2 =	simm.s32 @!p0 $0x1C02  }
0x29: {  	[timem:s3], [sflag:s2] =	dma.local @!p0 [hbm:s0], s1  }
0x2a: {  	s0 =	simm.s32 @!p0 $0x2  }
0x2b: {  	_ =	swait.ge @!p0 [sflag:s0], s1  }
0x2c: {  	s1 =	ssub.s32 @!p0 $0x0, s1;
	[sflag:s0] =	ssyncset.done @!p0 $0x0  }
0x2d: {  	[sflag:s0] =	ssyncadd.s32 @!p0 s1  }
0x2e: {  	[bflag:$0x3] =	sbarrier.arrive $0xFFFF  }
0x2f: {  	_ =	shalt  }

</sc_bundles>
